<compile_context>
chip_gen: v7x
topology: tpu7x:2x2x1
jax: 0.10.2.dev20260603
libtpu: 0.0.44.dev20260713+nightly
codegen_flags: <defaults>
</compile_context>

<pallas_src>
import functools

import jax
import jax.numpy as jnp
from jax import lax
from jax.experimental import pallas as pl
from jax.experimental.pallas import tpu as pltpu
from jax.experimental.pallas import tpu_sc as plsc

BATCH = 2
SEQ = 4096
D = 768
ROWS = BATCH * SEQ
CH = 16
NW = 32
CPW = ROWS // (CH * NW)
NSTRUCT = 4
NBUF = 6
LANES = 16
CGROUPS = D // LANES


@functools.partial(
    pl.kernel,
    out_type=jax.ShapeDtypeStruct((ROWS, D), jnp.float32),
    mesh=plsc.VectorSubcoreMesh(core_axis_name="c", subcore_axis_name="s"),
    scratch_types=[
        pltpu.VMEM((CPW * CH,), jnp.int32),
        pltpu.VMEM((NSTRUCT, CH), jnp.int32),
    ] + [pltpu.VMEM((CH, D), jnp.float32)] * (NBUF + 1)
      + [pltpu.SemaphoreType.DMA] * (2 * NBUF + 1),
)
def _embed(pos_hbm, lab_hbm, lf_hbm, st_hbm, out_hbm,
           idx_v, sidx_v, *bufs_and_sems):
    rows = bufs_and_sems[:NBUF]
    srows_v = bufs_and_sems[NBUF]
    gsem = bufs_and_sems[NBUF + 1:2 * NBUF + 1]
    wsem = bufs_and_sems[2 * NBUF + 1:3 * NBUF + 1]
    ssem = bufs_and_sems[3 * NBUF + 1]

    wid = lax.axis_index("s") * 2 + lax.axis_index("c")

    def base(j):
        return pl.multiple_of((wid + NW * j) * CH, CH)

    g = [None] * NBUF
    pltpu.sync_copy(pos_hbm.at[pl.ds(base(0), CH)], idx_v.at[pl.ds(0, CH)])
    g[0] = pltpu.async_copy(lf_hbm.at[idx_v.at[pl.ds(0, CH)]], rows[0], gsem[0])
    pltpu.sync_copy(lab_hbm.at[pl.ds(base(0), CH)], sidx_v.at[0])
    sg = pltpu.async_copy(st_hbm.at[sidx_v.at[0]], srows_v, ssem)
    for j in range(1, CPW):
        pltpu.sync_copy(pos_hbm.at[pl.ds(base(j), CH)],
                        idx_v.at[pl.ds(j * CH, CH)])
    for b in range(1, NSTRUCT):
        pltpu.sync_copy(lab_hbm.at[pl.ds(base(b), CH)], sidx_v.at[b])

    for j in range(1, NBUF - 1):
        g[j] = pltpu.async_copy(lf_hbm.at[idx_v.at[pl.ds(j * CH, CH)]],
                                rows[j], gsem[j])

    w = [None] * NBUF
    for j in range(CPW):
        b = j % NBUF
        if j + NBUF - 1 < CPW:
            nb = (j + NBUF - 1) % NBUF
            if w[nb] is not None:
                w[nb].wait()
            g[nb] = pltpu.async_copy(
                lf_hbm.at[idx_v.at[pl.ds((j + NBUF - 1) * CH, CH)]],
                rows[nb], gsem[nb])
        g[b].wait()
        if j < NSTRUCT:
            sg.wait()

            def add_row(r, carry):
                for c in range(CGROUPS):
                    sl = pl.ds(c * LANES, LANES)
                    plsc.addupdate(rows[b].at[r, sl], srows_v[r, sl])
                return carry

            lax.fori_loop(0, CH, add_row, 0)
            if j + 1 < NSTRUCT:
                sg = pltpu.async_copy(st_hbm.at[sidx_v.at[j + 1]],
                                      srows_v, ssem)
        w[b] = pltpu.async_copy(rows[b], out_hbm.at[pl.ds(base(j), CH)],
                                wsem[b])
    for b in range(NBUF):
        w[(CPW - 1 - b) % NBUF].wait()


def kernel(positions, node_types_labels, longformer_table, struct_table):
    pos = positions.reshape(-1).astype(jnp.int32)
    lab = node_types_labels.reshape(-1).astype(jnp.int32)
    out = _embed(pos, lab, longformer_table, struct_table)
    return out.reshape(BATCH, SEQ, D)

# --- scband reference (transcript-rebuilt; emitter-appended) ---
"""Pipeline reference for scband-longformer-absolute-structural-position-embedding-30039001268616 (READ-ONLY COPY).

The authoritative reference and input builder live on the scoring server;
editing this copy changes nothing except your own understanding.
"""

import jax, jax.numpy as jnp
import numpy as np

BATCH = 2
SEQ_LEN = 4096
STRUCT_LEN = 2048
D_MODEL = 768
NUM_LF_POS = 4098
NUM_STRUCT = 31
INIT_STD = 0.02


def setup_inputs(seed: int = 0) -> dict:
    key = jax.random.key(seed)
    k1, k2, k3, k4 = jax.random.split(key, 4)
    positions = jax.random.randint(k1, (BATCH, SEQ_LEN), 0, NUM_LF_POS, dtype=jnp.int64 if jax.config.jax_enable_x64 else jnp.int32)
    node_types_labels = jax.random.randint(k2, (BATCH, STRUCT_LEN), 0, NUM_STRUCT, dtype=jnp.int64 if jax.config.jax_enable_x64 else jnp.int32)
    longformer_table = jax.random.normal(k3, (NUM_LF_POS, D_MODEL), dtype=jnp.float32)
    struct_table = jax.random.normal(k4, (NUM_STRUCT, D_MODEL), dtype=jnp.float32) * INIT_STD
    return {
        "positions": positions,
        "node_types_labels": node_types_labels,
        "longformer_table": longformer_table,
        "struct_table": struct_table,
    }


def reference(positions, node_types_labels, longformer_table, struct_table):
    # pos_embeddings = self.longformer_pos_embedding(positions)
    pos_embeddings = jnp.take(longformer_table, positions, axis=0)
    # struct_pos_embeddings = self.structural_position_embeddings(struct_position_ids)
    struct_pos_embeddings = jnp.take(struct_table, node_types_labels, axis=0)
    # padded_struct_pos_embeddings = torch.zeros_like(pos_embeddings)
    # padded_struct_pos_embeddings[0, :struct_pos_embeddings.shape[1]] = struct_pos_embeddings[0]
    padded = jnp.zeros_like(pos_embeddings)
    padded = padded.at[0, : struct_pos_embeddings.shape[1]].set(struct_pos_embeddings[0])
    # mixed_pos_embeddings = pos_embeddings + padded_struct_pos_embeddings
    mixed_pos_embeddings = pos_embeddings + padded
    return mixed_pos_embeddings

if __name__ == "__main__":
    import jax
    _d = setup_inputs()
    print(jax.jit(kernel)(*tuple(_d.values())))

</pallas_src>

<mosaic_0001>
#map = affine_map<(d0, d1) -> (0)>
#map1 = affine_map<(d0, d1) -> (0, 0)>
module attributes {stable_mosaic.version = 14 : i64} {
  func.func @_embed(%arg0: i32, %arg1: i32, %arg2: memref<8192xi32, #tpu.memory_space<hbm>>, %arg3: memref<4096xi32, #tpu.memory_space<hbm>>, %arg4: memref<4098x768xf32, #tpu.memory_space<hbm>>, %arg5: memref<31x768xf32, #tpu.memory_space<hbm>>, %arg6: memref<8192x768xf32, #tpu.memory_space<hbm>>, %arg7: memref<256xi32, #tpu.memory_space<vmem>>, %arg8: memref<4x16xi32, #tpu.memory_space<vmem>>, %arg9: memref<16x768xf32, #tpu.memory_space<vmem>>, %arg10: memref<16x768xf32, #tpu.memory_space<vmem>>, %arg11: memref<16x768xf32, #tpu.memory_space<vmem>>, %arg12: memref<16x768xf32, #tpu.memory_space<vmem>>, %arg13: memref<16x768xf32, #tpu.memory_space<vmem>>, %arg14: memref<16x768xf32, #tpu.memory_space<vmem>>, %arg15: memref<16x768xf32, #tpu.memory_space<vmem>>, %arg16: memref<!tpu.dma_semaphore, #tpu.memory_space<semaphore_mem>>, %arg17: memref<!tpu.dma_semaphore, #tpu.memory_space<semaphore_mem>>, %arg18: memref<!tpu.dma_semaphore, #tpu.memory_space<semaphore_mem>>, %arg19: memref<!tpu.dma_semaphore, #tpu.memory_space<semaphore_mem>>, %arg20: memref<!tpu.dma_semaphore, #tpu.memory_space<semaphore_mem>>, %arg21: memref<!tpu.dma_semaphore, #tpu.memory_space<semaphore_mem>>, %arg22: memref<!tpu.dma_semaphore, #tpu.memory_space<semaphore_mem>>, %arg23: memref<!tpu.dma_semaphore, #tpu.memory_space<semaphore_mem>>, %arg24: memref<!tpu.dma_semaphore, #tpu.memory_space<semaphore_mem>>, %arg25: memref<!tpu.dma_semaphore, #tpu.memory_space<semaphore_mem>>, %arg26: memref<!tpu.dma_semaphore, #tpu.memory_space<semaphore_mem>>, %arg27: memref<!tpu.dma_semaphore, #tpu.memory_space<semaphore_mem>>, %arg28: memref<!tpu.dma_semaphore, #tpu.memory_space<semaphore_mem>>) attributes {dimension_semantics = [#tpu.dimension_semantics<core_parallel>, #tpu.dimension_semantics<subcore_parallel>], iteration_bounds = array<i64: 2, 16>, scalar_prefetch = 0 : i64, scratch_operands = 22 : i64, tpu.core_type = #tpu.core_type<sc_vector_subcore>, window_params = [{transform_indices = #map}, {transform_indices = #map}, {transform_indices = #map1}, {transform_indices = #map1}, {transform_indices = #map1}]} {
    %mul3A = arith.constant 2 : i32
    %mul3A_0 = arith.muli %arg1, %mul3A : i32
    %add3A = arith.addi %mul3A_0, %arg0 : i32
    %add3A_1 = arith.constant 0 : i32
    %add3A_2 = arith.addi %add3A, %add3A_1 : i32
    %mul3A_3 = arith.constant 16 : i32
    %mul3A_4 = arith.muli %add3A_2, %mul3A_3 : i32
    %multiple_of3A = tpu.assume_multiple %mul3A_4, 16 : i32
    "tpu.region"() ({
      %run_scoped3A_548 = tpu.sem_alloc : memref<!tpu.dma_semaphore, #tpu.memory_space<semaphore_mem>>
      %dma_start3A_549 = arith.constant 0 : i32
      %dma_start3A_550 = tpu.memref_slice %arg7[%dma_start3A_549] : memref<256xi32, #tpu.memory_space<vmem>> -> memref<16xi32, #tpu.memory_space<vmem>>
      %dma_start3A_551 = tpu.memref_slice %arg2[%multiple_of3A] : memref<8192xi32, #tpu.memory_space<hbm>> -> memref<16xi32, #tpu.memory_space<hbm>>
      %dma_start3A_552 = arith.constant 0 : i32
      %dma_start3A_553 = tpu.memref_slice %arg7[%dma_start3A_552] : memref<256xi32, #tpu.memory_space<vmem>> -> memref<16xi32, #tpu.memory_space<vmem>>
      %dma_start3A_554 = tpu.memref_slice %arg2[%multiple_of3A] : memref<8192xi32, #tpu.memory_space<hbm>> -> memref<16xi32, #tpu.memory_space<hbm>>
      tpu.enqueue_dma source(%dma_start3A_554 : memref<16xi32, #tpu.memory_space<hbm>>) target(%dma_start3A_553 : memref<16xi32, #tpu.memory_space<vmem>>) target_semaphore(%run_scoped3A_548 : memref<!tpu.dma_semaphore, #tpu.memory_space<semaphore_mem>>)
      %dma_wait3A_555 = arith.constant 0 : i32
      %dma_wait3A_556 = tpu.memref_slice %arg7[%dma_wait3A_555] : memref<256xi32, #tpu.memory_space<vmem>> -> memref<16xi32, #tpu.memory_space<vmem>>
      %dma_wait3A_557 = tpu.memref_slice %arg2[%multiple_of3A] : memref<8192xi32, #tpu.memory_space<hbm>> -> memref<16xi32, #tpu.memory_space<hbm>>
      %dma_wait3A_558 = arith.constant 0 : i32
      %dma_wait3A_559 = tpu.memref_slice %arg7[%dma_wait3A_558] : memref<256xi32, #tpu.memory_space<vmem>> -> memref<16xi32, #tpu.memory_space<vmem>>
      %dma_wait3A_560 = tpu.memref_slice %arg2[%multiple_of3A] : memref<8192xi32, #tpu.memory_space<hbm>> -> memref<16xi32, #tpu.memory_space<hbm>>
      tpu.wait_dma2 semaphore(%run_scoped3A_548 : memref<!tpu.dma_semaphore, #tpu.memory_space<semaphore_mem>>) src(%dma_wait3A_560 : memref<16xi32, #tpu.memory_space<hbm>>) dst(%dma_wait3A_559 : memref<16xi32, #tpu.memory_space<vmem>>)
      tpu.yield
    }) : () -> ()
    %dma_start3A = arith.constant 0 : i32
    %dma_start3A_5 = tpu.memref_slice %arg7[%dma_start3A] : memref<256xi32, #tpu.memory_space<vmem>> -> memref<16xi32, #tpu.memory_space<vmem>>
    %dma_start3A_6 = arith.constant 0 : i32
    %dma_start3A_7 = arith.constant 0 : i32
    %dma_start3A_8 = tpu.memref_slice %arg4[%dma_start3A_6, %dma_start3A_7] : memref<4098x768xf32, #tpu.memory_space<hbm>> -> memref<4098x768xf32, #tpu.memory_space<hbm>>
    tpu.enqueue_indirect_dma source(%dma_start3A_8 : memref<4098x768xf32, #tpu.memory_space<hbm>>) target(%arg9 : memref<16x768xf32, #tpu.memory_space<vmem>>) offsets(%dma_start3A_5 : memref<16xi32, #tpu.memory_space<vmem>>) semaphore(%arg16 : memref<!tpu.dma_semaphore, #tpu.memory_space<semaphore_mem>>)
    %add3A_9 = arith.constant 0 : i32
    %add3A_10 = arith.addi %add3A, %add3A_9 : i32
    %mul3A_11 = arith.constant 16 : i32
    %mul3A_12 = arith.muli %add3A_10, %mul3A_11 : i32
    %multiple_of3A_13 = tpu.assume_multiple %mul3A_12, 16 : i32
    %run_scoped3A = arith.constant 0 : i32
    "tpu.region"() ({
      %run_scoped3A_548 = tpu.sem_alloc : memref<!tpu.dma_semaphore, #tpu.memory_space<semaphore_mem>>
      %dma_start3A_549 = arith.constant 0 : i32
      %dma_start3A_550 = tpu.memref_slice %arg8[%run_scoped3A, %dma_start3A_549] : memref<4x16xi32, #tpu.memory_space<vmem>> -> memref<1x16xi32, #tpu.memory_space<vmem>>
      %dma_start3A_551 = tpu.memref_squeeze %dma_start3A_550 : memref<1x16xi32, #tpu.memory_space<vmem>> -> memref<16xi32, #tpu.memory_space<vmem>>
      %dma_start3A_552 = tpu.memref_slice %arg3[%multiple_of3A_13] : memref<4096xi32, #tpu.memory_space<hbm>> -> memref<16xi32, #tpu.memory_space<hbm>>
      %dma_start3A_553 = arith.constant 0 : i32
      %dma_start3A_554 = tpu.memref_slice %arg8[%run_scoped3A, %dma_start3A_553] : memref<4x16xi32, #tpu.memory_space<vmem>> -> memref<1x16xi32, #tpu.memory_space<vmem>>
      %dma_start3A_555 = tpu.memref_squeeze %dma_start3A_554 : memref<1x16xi32, #tpu.memory_space<vmem>> -> memref<16xi32, #tpu.memory_space<vmem>>
      %dma_start3A_556 = tpu.memref_slice %arg3[%multiple_of3A_13] : memref<4096xi32, #tpu.memory_space<hbm>> -> memref<16xi32, #tpu.memory_space<hbm>>
      tpu.enqueue_dma source(%dma_start3A_556 : memref<16xi32, #tpu.memory_space<hbm>>) target(%dma_start3A_555 : memref<16xi32, #tpu.memory_space<vmem>>) target_semaphore(%run_scoped3A_548 : memref<!tpu.dma_semaphore, #tpu.memory_space<semaphore_mem>>)
      %dma_wait3A_557 = arith.constant 0 : i32
      %dma_wait3A_558 = tpu.memref_slice %arg8[%run_scoped3A, %dma_wait3A_557] : memref<4x16xi32, #tpu.memory_space<vmem>> -> memref<1x16xi32, #tpu.memory_space<vmem>>
      %dma_wait3A_559 = tpu.memref_squeeze %dma_wait3A_558 : memref<1x16xi32, #tpu.memory_space<vmem>> -> memref<16xi32, #tpu.memory_space<vmem>>
      %dma_wait3A_560 = tpu.memref_slice %arg3[%multiple_of3A_13] : memref<4096xi32, #tpu.memory_space<hbm>> -> memref<16xi32, #tpu.memory_space<hbm>>
      %dma_wait3A_561 = arith.constant 0 : i32
      %dma_wait3A_562 = tpu.memref_slice %arg8[%run_scoped3A, %dma_wait3A_561] : memref<4x16xi32, #tpu.memory_space<vmem>> -> memref<1x16xi32, #tpu.memory_space<vmem>>
      %dma_wait3A_563 = tpu.memref_squeeze %dma_wait3A_562 : memref<1x16xi32, #tpu.memory_space<vmem>> -> memref<16xi32, #tpu.memory_space<vmem>>
      %dma_wait3A_564 = tpu.memref_slice %arg3[%multiple_of3A_13] : memref<4096xi32, #tpu.memory_space<hbm>> -> memref<16xi32, #tpu.memory_space<hbm>>
      tpu.wait_dma2 semaphore(%run_scoped3A_548 : memref<!tpu.dma_semaphore, #tpu.memory_space<semaphore_mem>>) src(%dma_wait3A_564 : memref<16xi32, #tpu.memory_space<hbm>>) dst(%dma_wait3A_563 : memref<16xi32, #tpu.memory_space<vmem>>)
      tpu.yield
    }) : () -> ()
    %dma_start3A_14 = arith.constant 0 : i32
    %dma_start3A_15 = arith.constant 0 : i32
    %dma_start3A_16 = tpu.memref_slice %arg8[%dma_start3A_14, %dma_start3A_15] : memref<4x16xi32, #tpu.memory_space<vmem>> -> memref<1x16xi32, #tpu.memory_space<vmem>>
    %dma_start3A_17 = tpu.memref_squeeze %dma_start3A_16 : memref<1x16xi32, #tpu.memory_space<vmem>> -> memref<16xi32, #tpu.memory_space<vmem>>
    %dma_start3A_18 = arith.constant 0 : i32
    %dma_start3A_19 = arith.constant 0 : i32
    %dma_start3A_20 = tpu.memref_slice %arg5[%dma_start3A_18, %dma_start3A_19] : memref<31x768xf32, #tpu.memory_space<hbm>> -> memref<31x768xf32, #tpu.memory_space<hbm>>
    tpu.enqueue_indirect_dma source(%dma_start3A_20 : memref<31x768xf32, #tpu.memory_space<hbm>>) target(%arg15 : memref<16x768xf32, #tpu.memory_space<vmem>>) offsets(%dma_start3A_17 : memref<16xi32, #tpu.memory_space<vmem>>) semaphore(%arg28 : memref<!tpu.dma_semaphore, #tpu.memory_space<semaphore_mem>>)
    %add3A_21 = arith.constant 32 : i32
    %add3A_22 = arith.addi %add3A, %add3A_21 : i32
    %mul3A_23 = arith.constant 16 : i32
    %mul3A_24 = arith.muli %add3A_22, %mul3A_23 : i32
    %multiple_of3A_25 = tpu.assume_multiple %mul3A_24, 16 : i32
    "tpu.region"() ({
      %run_scoped3A_548 = tpu.sem_alloc : memref<!tpu.dma_semaphore, #tpu.memory_space<semaphore_mem>>
      %dma_start3A_549 = arith.constant 16 : i32
      %dma_start3A_550 = tpu.memref_slice %arg7[%dma_start3A_549] : memref<256xi32, #tpu.memory_space<vmem>> -> memref<16xi32, #tpu.memory_space<vmem>>
      %dma_start3A_551 = tpu.memref_slice %arg2[%multiple_of3A_25] : memref<8192xi32, #tpu.memory_space<hbm>> -> memref<16xi32, #tpu.memory_space<hbm>>
      %dma_start3A_552 = arith.constant 16 : i32
      %dma_start3A_553 = tpu.memref_slice %arg7[%dma_start3A_552] : memref<256xi32, #tpu.memory_space<vmem>> -> memref<16xi32, #tpu.memory_space<vmem>>
      %dma_start3A_554 = tpu.memref_slice %arg2[%multiple_of3A_25] : memref<8192xi32, #tpu.memory_space<hbm>> -> memref<16xi32, #tpu.memory_space<hbm>>
      tpu.enqueue_dma source(%dma_start3A_554 : memref<16xi32, #tpu.memory_space<hbm>>) target(%dma_start3A_553 : memref<16xi32, #tpu.memory_space<vmem>>) target_semaphore(%run_scoped3A_548 : memref<!tpu.dma_semaphore, #tpu.memory_space<semaphore_mem>>)
      %dma_wait3A_555 = arith.constant 16 : i32
      %dma_wait3A_556 = tpu.memref_slice %arg7[%dma_wait3A_555] : memref<256xi32, #tpu.memory_space<vmem>> -> memref<16xi32, #tpu.memory_space<vmem>>
      %dma_wait3A_557 = tpu.memref_slice %arg2[%multiple_of3A_25] : memref<8192xi32, #tpu.memory_space<hbm>> -> memref<16xi32, #tpu.memory_space<hbm>>
      %dma_wait3A_558 = arith.constant 16 : i32
      %dma_wait3A_559 = tpu.memref_slice %arg7[%dma_wait3A_558] : memref<256xi32, #tpu.memory_space<vmem>> -> memref<16xi32, #tpu.memory_space<vmem>>
      %dma_wait3A_560 = tpu.memref_slice %arg2[%multiple_of3A_25] : memref<8192xi32, #tpu.memory_space<hbm>> -> memref<16xi32, #tpu.memory_space<hbm>>
      tpu.wait_dma2 semaphore(%run_scoped3A_548 : memref<!tpu.dma_semaphore, #tpu.memory_space<semaphore_mem>>) src(%dma_wait3A_560 : memref<16xi32, #tpu.memory_space<hbm>>) dst(%dma_wait3A_559 : memref<16xi32, #tpu.memory_space<vmem>>)
      tpu.yield
    }) : () -> ()
    %add3A_26 = arith.constant 64 : i32
    %add3A_27 = arith.addi %add3A, %add3A_26 : i32
    %mul3A_28 = arith.constant 16 : i32
    %mul3A_29 = arith.muli %add3A_27, %mul3A_28 : i32
    %multiple_of3A_30 = tpu.assume_multiple %mul3A_29, 16 : i32
    "tpu.region"() ({
      %run_scoped3A_548 = tpu.sem_alloc : memref<!tpu.dma_semaphore, #tpu.memory_space<semaphore_mem>>
      %dma_start3A_549 = arith.constant 32 : i32
      %dma_start3A_550 = tpu.memref_slice %arg7[%dma_start3A_549] : memref<256xi32, #tpu.memory_space<vmem>> -> memref<16xi32, #tpu.memory_space<vmem>>
      %dma_start3A_551 = tpu.memref_slice %arg2[%multiple_of3A_30] : memref<8192xi32, #tpu.memory_space<hbm>> -> memref<16xi32, #tpu.memory_space<hbm>>
      %dma_start3A_552 = arith.constant 32 : i32
      %dma_start3A_553 = tpu.memref_slice %arg7[%dma_start3A_552] : memref<256xi32, #tpu.memory_space<vmem>> -> memref<16xi32, #tpu.memory_space<vmem>>
      %dma_start3A_554 = tpu.memref_slice %arg2[%multiple_of3A_30] : memref<8192xi32, #tpu.memory_space<hbm>> -> memref<16xi32, #tpu.memory_space<hbm>>
      tpu.enqueue_dma source(%dma_start3A_554 : memref<16xi32, #tpu.memory_space<hbm>>) target(%dma_start3A_553 : memref<16xi32, #tpu.memory_space<vmem>>) target_semaphore(%run_scoped3A_548 : memref<!tpu.dma_semaphore, #tpu.memory_space<semaphore_mem>>)
      %dma_wait3A_555 = arith.constant 32 : i32
      %dma_wait3A_556 = tpu.memref_slice %arg7[%dma_wait3A_555] : memref<256xi32, #tpu.memory_space<vmem>> -> memref<16xi32, #tpu.memory_space<vmem>>
      %dma_wait3A_557 = tpu.memref_slice %arg2[%multiple_of3A_30] : memref<8192xi32, #tpu.memory_space<hbm>> -> memref<16xi32, #tpu.memory_space<hbm>>
      %dma_wait3A_558 = arith.constant 32 : i32
      %dma_wait3A_559 = tpu.memref_slice %arg7[%dma_wait3A_558] : memref<256xi32, #tpu.memory_space<vmem>> -> memref<16xi32, #tpu.memory_space<vmem>>
      %dma_wait3A_560 = tpu.memref_slice %arg2[%multiple_of3A_30] : memref<8192xi32, #tpu.memory_space<hbm>> -> memref<16xi32, #tpu.memory_space<hbm>>
      tpu.wait_dma2 semaphore(%run_scoped3A_548 : memref<!tpu.dma_semaphore, #tpu.memory_space<semaphore_mem>>) src(%dma_wait3A_560 : memref<16xi32, #tpu.memory_space<hbm>>) dst(%dma_wait3A_559 : memref<16xi32, #tpu.memory_space<vmem>>)
      tpu.yield
    }) : () -> ()
    %add3A_31 = arith.constant 96 : i32
    %add3A_32 = arith.addi %add3A, %add3A_31 : i32
    %mul3A_33 = arith.constant 16 : i32
    %mul3A_34 = arith.muli %add3A_32, %mul3A_33 : i32
    %multiple_of3A_35 = tpu.assume_multiple %mul3A_34, 16 : i32
    "tpu.region"() ({
      %run_scoped3A_548 = tpu.sem_alloc : memref<!tpu.dma_semaphore, #tpu.memory_space<semaphore_mem>>
      %dma_start3A_549 = arith.constant 48 : i32
      %dma_start3A_550 = tpu.memref_slice %arg7[%dma_start3A_549] : memref<256xi32, #tpu.memory_space<vmem>> -> memref<16xi32, #tpu.memory_space<vmem>>
      %dma_start3A_551 = tpu.memref_slice %arg2[%multiple_of3A_35] : memref<8192xi32, #tpu.memory_space<hbm>> -> memref<16xi32, #tpu.memory_space<hbm>>
      %dma_start3A_552 = arith.constant 48 : i32
      %dma_start3A_553 = tpu.memref_slice %arg7[%dma_start3A_552] : memref<256xi32, #tpu.memory_space<vmem>> -> memref<16xi32, #tpu.memory_space<vmem>>
      %dma_start3A_554 = tpu.memref_slice %arg2[%multiple_of3A_35] : memref<8192xi32, #tpu.memory_space<hbm>> -> memref<16xi32, #tpu.memory_space<hbm>>
      tpu.enqueue_dma source(%dma_start3A_554 : memref<16xi32, #tpu.memory_space<hbm>>) target(%dma_start3A_553 : memref<16xi32, #tpu.memory_space<vmem>>) target_semaphore(%run_scoped3A_548 : memref<!tpu.dma_semaphore, #tpu.memory_space<semaphore_mem>>)
      %dma_wait3A_555 = arith.constant 48 : i32
      %dma_wait3A_556 = tpu.memref_slice %arg7[%dma_wait3A_555] : memref<256xi32, #tpu.memory_space<vmem>> -> memref<16xi32, #tpu.memory_space<vmem>>
      %dma_wait3A_557 = tpu.memref_slice %arg2[%multiple_of3A_35] : memref<8192xi32, #tpu.memory_space<hbm>> -> memref<16xi32, #tpu.memory_space<hbm>>
      %dma_wait3A_558 = arith.constant 48 : i32
      %dma_wait3A_559 = tpu.memref_slice %arg7[%dma_wait3A_558] : memref<256xi32, #tpu.memory_space<vmem>> -> memref<16xi32, #tpu.memory_space<vmem>>
      %dma_wait3A_560 = tpu.memref_slice %arg2[%multiple_of3A_35] : memref<8192xi32, #tpu.memory_space<hbm>> -> memref<16xi32, #tpu.memory_space<hbm>>
      tpu.wait_dma2 semaphore(%run_scoped3A_548 : memref<!tpu.dma_semaphore, #tpu.memory_space<semaphore_mem>>) src(%dma_wait3A_560 : memref<16xi32, #tpu.memory_space<hbm>>) dst(%dma_wait3A_559 : memref<16xi32, #tpu.memory_space<vmem>>)
      tpu.yield
    }) : () -> ()
    %add3A_36 = arith.constant 128 : i32
    %add3A_37 = arith.addi %add3A, %add3A_36 : i32
    %mul3A_38 = arith.constant 16 : i32
    %mul3A_39 = arith.muli %add3A_37, %mul3A_38 : i32
    %multiple_of3A_40 = tpu.assume_multiple %mul3A_39, 16 : i32
    "tpu.region"() ({
      %run_scoped3A_548 = tpu.sem_alloc : memref<!tpu.dma_semaphore, #tpu.memory_space<semaphore_mem>>
      %dma_start3A_549 = arith.constant 64 : i32
      %dma_start3A_550 = tpu.memref_slice %arg7[%dma_start3A_549] : memref<256xi32, #tpu.memory_space<vmem>> -> memref<16xi32, #tpu.memory_space<vmem>>
      %dma_start3A_551 = tpu.memref_slice %arg2[%multiple_of3A_40] : memref<8192xi32, #tpu.memory_space<hbm>> -> memref<16xi32, #tpu.memory_space<hbm>>
      %dma_start3A_552 = arith.constant 64 : i32
      %dma_start3A_553 = tpu.memref_slice %arg7[%dma_start3A_552] : memref<256xi32, #tpu.memory_space<vmem>> -> memref<16xi32, #tpu.memory_space<vmem>>
      %dma_start3A_554 = tpu.memref_slice %arg2[%multiple_of3A_40] : memref<8192xi32, #tpu.memory_space<hbm>> -> memref<16xi32, #tpu.memory_space<hbm>>
      tpu.enqueue_dma source(%dma_start3A_554 : memref<16xi32, #tpu.memory_space<hbm>>) target(%dma_start3A_553 : memref<16xi32, #tpu.memory_space<vmem>>) target_semaphore(%run_scoped3A_548 : memref<!tpu.dma_semaphore, #tpu.memory_space<semaphore_mem>>)
      %dma_wait3A_555 = arith.constant 64 : i32
      %dma_wait3A_556 = tpu.memref_slice %arg7[%dma_wait3A_555] : memref<256xi32, #tpu.memory_space<vmem>> -> memref<16xi32, #tpu.memory_space<vmem>>
      %dma_wait3A_557 = tpu.memref_slice %arg2[%multiple_of3A_40] : memref<8192xi32, #tpu.memory_space<hbm>> -> memref<16xi32, #tpu.memory_space<hbm>>
      %dma_wait3A_558 = arith.constant 64 : i32
      %dma_wait3A_559 = tpu.memref_slice %arg7[%dma_wait3A_558] : memref<256xi32, #tpu.memory_space<vmem>> -> memref<16xi32, #tpu.memory_space<vmem>>
      %dma_wait3A_560 = tpu.memref_slice %arg2[%multiple_of3A_40] : memref<8192xi32, #tpu.memory_space<hbm>> -> memref<16xi32, #tpu.memory_space<hbm>>
      tpu.wait_dma2 semaphore(%run_scoped3A_548 : memref<!tpu.dma_semaphore, #tpu.memory_space<semaphore_mem>>) src(%dma_wait3A_560 : memref<16xi32, #tpu.memory_space<hbm>>) dst(%dma_wait3A_559 : memref<16xi32, #tpu.memory_space<vmem>>)
      tpu.yield
    }) : () -> ()
    %add3A_41 = arith.constant 160 : i32
    %add3A_42 = arith.addi %add3A, %add3A_41 : i32
    %mul3A_43 = arith.constant 16 : i32
    %mul3A_44 = arith.muli %add3A_42, %mul3A_43 : i32
    %multiple_of3A_45 = tpu.assume_multiple %mul3A_44, 16 : i32
    "tpu.region"() ({
      %run_scoped3A_548 = tpu.sem_alloc : memref<!tpu.dma_semaphore, #tpu.memory_space<semaphore_mem>>
      %dma_start3A_549 = arith.constant 80 : i32
      %dma_start3A_550 = tpu.memref_slice %arg7[%dma_start3A_549] : memref<256xi32, #tpu.memory_space<vmem>> -> memref<16xi32, #tpu.memory_space<vmem>>
      %dma_start3A_551 = tpu.memref_slice %arg2[%multiple_of3A_45] : memref<8192xi32, #tpu.memory_space<hbm>> -> memref<16xi32, #tpu.memory_space<hbm>>
      %dma_start3A_552 = arith.constant 80 : i32
      %dma_start3A_553 = tpu.memref_slice %arg7[%dma_start3A_552] : memref<256xi32, #tpu.memory_space<vmem>> -> memref<16xi32, #tpu.memory_space<vmem>>
      %dma_start3A_554 = tpu.memref_slice %arg2[%multiple_of3A_45] : memref<8192xi32, #tpu.memory_space<hbm>> -> memref<16xi32, #tpu.memory_space<hbm>>
      tpu.enqueue_dma source(%dma_start3A_554 : memref<16xi32, #tpu.memory_space<hbm>>) target(%dma_start3A_553 : memref<16xi32, #tpu.memory_space<vmem>>) target_semaphore(%run_scoped3A_548 : memref<!tpu.dma_semaphore, #tpu.memory_space<semaphore_mem>>)
      %dma_wait3A_555 = arith.constant 80 : i32
      %dma_wait3A_556 = tpu.memref_slice %arg7[%dma_wait3A_555] : memref<256xi32, #tpu.memory_space<vmem>> -> memref<16xi32, #tpu.memory_space<vmem>>
      %dma_wait3A_557 = tpu.memref_slice %arg2[%multiple_of3A_45] : memref<8192xi32, #tpu.memory_space<hbm>> -> memref<16xi32, #tpu.memory_space<hbm>>
      %dma_wait3A_558 = arith.constant 80 : i32
      %dma_wait3A_559 = tpu.memref_slice %arg7[%dma_wait3A_558] : memref<256xi32, #tpu.memory_space<vmem>> -> memref<16xi32, #tpu.memory_space<vmem>>
      %dma_wait3A_560 = tpu.memref_slice %arg2[%multiple_of3A_45] : memref<8192xi32, #tpu.memory_space<hbm>> -> memref<16xi32, #tpu.memory_space<hbm>>
      tpu.wait_dma2 semaphore(%run_scoped3A_548 : memref<!tpu.dma_semaphore, #tpu.memory_space<semaphore_mem>>) src(%dma_wait3A_560 : memref<16xi32, #tpu.memory_space<hbm>>) dst(%dma_wait3A_559 : memref<16xi32, #tpu.memory_space<vmem>>)
      tpu.yield
    }) : () -> ()
    %add3A_46 = arith.constant 192 : i32
    %add3A_47 = arith.addi %add3A, %add3A_46 : i32
    %mul3A_48 = arith.constant 16 : i32
    %mul3A_49 = arith.muli %add3A_47, %mul3A_48 : i32
    %multiple_of3A_50 = tpu.assume_multiple %mul3A_49, 16 : i32
    "tpu.region"() ({
      %run_scoped3A_548 = tpu.sem_alloc : memref<!tpu.dma_semaphore, #tpu.memory_space<semaphore_mem>>
      %dma_start3A_549 = arith.constant 96 : i32
      %dma_start3A_550 = tpu.memref_slice %arg7[%dma_start3A_549] : memref<256xi32, #tpu.memory_space<vmem>> -> memref<16xi32, #tpu.memory_space<vmem>>
      %dma_start3A_551 = tpu.memref_slice %arg2[%multiple_of3A_50] : memref<8192xi32, #tpu.memory_space<hbm>> -> memref<16xi32, #tpu.memory_space<hbm>>
      %dma_start3A_552 = arith.constant 96 : i32
      %dma_start3A_553 = tpu.memref_slice %arg7[%dma_start3A_552] : memref<256xi32, #tpu.memory_space<vmem>> -> memref<16xi32, #tpu.memory_space<vmem>>
      %dma_start3A_554 = tpu.memref_slice %arg2[%multiple_of3A_50] : memref<8192xi32, #tpu.memory_space<hbm>> -> memref<16xi32, #tpu.memory_space<hbm>>
      tpu.enqueue_dma source(%dma_start3A_554 : memref<16xi32, #tpu.memory_space<hbm>>) target(%dma_start3A_553 : memref<16xi32, #tpu.memory_space<vmem>>) target_semaphore(%run_scoped3A_548 : memref<!tpu.dma_semaphore, #tpu.memory_space<semaphore_mem>>)
      %dma_wait3A_555 = arith.constant 96 : i32
      %dma_wait3A_556 = tpu.memref_slice %arg7[%dma_wait3A_555] : memref<256xi32, #tpu.memory_space<vmem>> -> memref<16xi32, #tpu.memory_space<vmem>>
      %dma_wait3A_557 = tpu.memref_slice %arg2[%multiple_of3A_50] : memref<8192xi32, #tpu.memory_space<hbm>> -> memref<16xi32, #tpu.memory_space<hbm>>
      %dma_wait3A_558 = arith.constant 96 : i32
      %dma_wait3A_559 = tpu.memref_slice %arg7[%dma_wait3A_558] : memref<256xi32, #tpu.memory_space<vmem>> -> memref<16xi32, #tpu.memory_space<vmem>>
      %dma_wait3A_560 = tpu.memref_slice %arg2[%multiple_of3A_50] : memref<8192xi32, #tpu.memory_space<hbm>> -> memref<16xi32, #tpu.memory_space<hbm>>
      tpu.wait_dma2 semaphore(%run_scoped3A_548 : memref<!tpu.dma_semaphore, #tpu.memory_space<semaphore_mem>>) src(%dma_wait3A_560 : memref<16xi32, #tpu.memory_space<hbm>>) dst(%dma_wait3A_559 : memref<16xi32, #tpu.memory_space<vmem>>)
      tpu.yield
    }) : () -> ()
    %add3A_51 = arith.constant 224 : i32
    %add3A_52 = arith.addi %add3A, %add3A_51 : i32
    %mul3A_53 = arith.constant 16 : i32
    %mul3A_54 = arith.muli %add3A_52, %mul3A_53 : i32
    %multiple_of3A_55 = tpu.assume_multiple %mul3A_54, 16 : i32
    "tpu.region"() ({
      %run_scoped3A_548 = tpu.sem_alloc : memref<!tpu.dma_semaphore, #tpu.memory_space<semaphore_mem>>
      %dma_start3A_549 = arith.constant 112 : i32
      %dma_start3A_550 = tpu.memref_slice %arg7[%dma_start3A_549] : memref<256xi32, #tpu.memory_space<vmem>> -> memref<16xi32, #tpu.memory_space<vmem>>
      %dma_start3A_551 = tpu.memref_slice %arg2[%multiple_of3A_55] : memref<8192xi32, #tpu.memory_space<hbm>> -> memref<16xi32, #tpu.memory_space<hbm>>
      %dma_start3A_552 = arith.constant 112 : i32
      %dma_start3A_553 = tpu.memref_slice %arg7[%dma_start3A_552] : memref<256xi32, #tpu.memory_space<vmem>> -> memref<16xi32, #tpu.memory_space<vmem>>
      %dma_start3A_554 = tpu.memref_slice %arg2[%multiple_of3A_55] : memref<8192xi32, #tpu.memory_space<hbm>> -> memref<16xi32, #tpu.memory_space<hbm>>
      tpu.enqueue_dma source(%dma_start3A_554 : memref<16xi32, #tpu.memory_space<hbm>>) target(%dma_start3A_553 : memref<16xi32, #tpu.memory_space<vmem>>) target_semaphore(%run_scoped3A_548 : memref<!tpu.dma_semaphore, #tpu.memory_space<semaphore_mem>>)
      %dma_wait3A_555 = arith.constant 112 : i32
      %dma_wait3A_556 = tpu.memref_slice %arg7[%dma_wait3A_555] : memref<256xi32, #tpu.memory_space<vmem>> -> memref<16xi32, #tpu.memory_space<vmem>>
      %dma_wait3A_557 = tpu.memref_slice %arg2[%multiple_of3A_55] : memref<8192xi32, #tpu.memory_space<hbm>> -> memref<16xi32, #tpu.memory_space<hbm>>
      %dma_wait3A_558 = arith.constant 112 : i32
      %dma_wait3A_559 = tpu.memref_slice %arg7[%dma_wait3A_558] : memref<256xi32, #tpu.memory_space<vmem>> -> memref<16xi32, #tpu.memory_space<vmem>>
      %dma_wait3A_560 = tpu.memref_slice %arg2[%multiple_of3A_55] : memref<8192xi32, #tpu.memory_space<hbm>> -> memref<16xi32, #tpu.memory_space<hbm>>
      tpu.wait_dma2 semaphore(%run_scoped3A_548 : memref<!tpu.dma_semaphore, #tpu.memory_space<semaphore_mem>>) src(%dma_wait3A_560 : memref<16xi32, #tpu.memory_space<hbm>>) dst(%dma_wait3A_559 : memref<16xi32, #tpu.memory_space<vmem>>)
      tpu.yield
    }) : () -> ()
    %add3A_56 = arith.constant 256 : i32
    %add3A_57 = arith.addi %add3A, %add3A_56 : i32
    %mul3A_58 = arith.constant 16 : i32
    %mul3A_59 = arith.muli %add3A_57, %mul3A_58 : i32
    %multiple_of3A_60 = tpu.assume_multiple %mul3A_59, 16 : i32
    "tpu.region"() ({
      %run_scoped3A_548 = tpu.sem_alloc : memref<!tpu.dma_semaphore, #tpu.memory_space<semaphore_mem>>
      %dma_start3A_549 = arith.constant 128 : i32
      %dma_start3A_550 = tpu.memref_slice %arg7[%dma_start3A_549] : memref<256xi32, #tpu.memory_space<vmem>> -> memref<16xi32, #tpu.memory_space<vmem>>
      %dma_start3A_551 = tpu.memref_slice %arg2[%multiple_of3A_60] : memref<8192xi32, #tpu.memory_space<hbm>> -> memref<16xi32, #tpu.memory_space<hbm>>
      %dma_start3A_552 = arith.constant 128 : i32
      %dma_start3A_553 = tpu.memref_slice %arg7[%dma_start3A_552] : memref<256xi32, #tpu.memory_space<vmem>> -> memref<16xi32, #tpu.memory_space<vmem>>
      %dma_start3A_554 = tpu.memref_slice %arg2[%multiple_of3A_60] : memref<8192xi32, #tpu.memory_space<hbm>> -> memref<16xi32, #tpu.memory_space<hbm>>
      tpu.enqueue_dma source(%dma_start3A_554 : memref<16xi32, #tpu.memory_space<hbm>>) target(%dma_start3A_553 : memref<16xi32, #tpu.memory_space<vmem>>) target_semaphore(%run_scoped3A_548 : memref<!tpu.dma_semaphore, #tpu.memory_space<semaphore_mem>>)
      %dma_wait3A_555 = arith.constant 128 : i32
      %dma_wait3A_556 = tpu.memref_slice %arg7[%dma_wait3A_555] : memref<256xi32, #tpu.memory_space<vmem>> -> memref<16xi32, #tpu.memory_space<vmem>>
      %dma_wait3A_557 = tpu.memref_slice %arg2[%multiple_of3A_60] : memref<8192xi32, #tpu.memory_space<hbm>> -> memref<16xi32, #tpu.memory_space<hbm>>
      %dma_wait3A_558 = arith.constant 128 : i32
      %dma_wait3A_559 = tpu.memref_slice %arg7[%dma_wait3A_558] : memref<256xi32, #tpu.memory_space<vmem>> -> memref<16xi32, #tpu.memory_space<vmem>>
      %dma_wait3A_560 = tpu.memref_slice %arg2[%multiple_of3A_60] : memref<8192xi32, #tpu.memory_space<hbm>> -> memref<16xi32, #tpu.memory_space<hbm>>
      tpu.wait_dma2 semaphore(%run_scoped3A_548 : memref<!tpu.dma_semaphore, #tpu.memory_space<semaphore_mem>>) src(%dma_wait3A_560 : memref<16xi32, #tpu.memory_space<hbm>>) dst(%dma_wait3A_559 : memref<16xi32, #tpu.memory_space<vmem>>)
      tpu.yield
    }) : () -> ()
    %add3A_61 = arith.constant 288 : i32
    %add3A_62 = arith.addi %add3A, %add3A_61 : i32
    %mul3A_63 = arith.constant 16 : i32
    %mul3A_64 = arith.muli %add3A_62, %mul3A_63 : i32
    %multiple_of3A_65 = tpu.assume_multiple %mul3A_64, 16 : i32
    "tpu.region"() ({
      %run_scoped3A_548 = tpu.sem_alloc : memref<!tpu.dma_semaphore, #tpu.memory_space<semaphore_mem>>
      %dma_start3A_549 = arith.constant 144 : i32
      %dma_start3A_550 = tpu.memref_slice %arg7[%dma_start3A_549] : memref<256xi32, #tpu.memory_space<vmem>> -> memref<16xi32, #tpu.memory_space<vmem>>
      %dma_start3A_551 = tpu.memref_slice %arg2[%multiple_of3A_65] : memref<8192xi32, #tpu.memory_space<hbm>> -> memref<16xi32, #tpu.memory_space<hbm>>
      %dma_start3A_552 = arith.constant 144 : i32
      %dma_start3A_553 = tpu.memref_slice %arg7[%dma_start3A_552] : memref<256xi32, #tpu.memory_space<vmem>> -> memref<16xi32, #tpu.memory_space<vmem>>
      %dma_start3A_554 = tpu.memref_slice %arg2[%multiple_of3A_65] : memref<8192xi32, #tpu.memory_space<hbm>> -> memref<16xi32, #tpu.memory_space<hbm>>
      tpu.enqueue_dma source(%dma_start3A_554 : memref<16xi32, #tpu.memory_space<hbm>>) target(%dma_start3A_553 : memref<16xi32, #tpu.memory_space<vmem>>) target_semaphore(%run_scoped3A_548 : memref<!tpu.dma_semaphore, #tpu.memory_space<semaphore_mem>>)
      %dma_wait3A_555 = arith.constant 144 : i32
      %dma_wait3A_556 = tpu.memref_slice %arg7[%dma_wait3A_555] : memref<256xi32, #tpu.memory_space<vmem>> -> memref<16xi32, #tpu.memory_space<vmem>>
      %dma_wait3A_557 = tpu.memref_slice %arg2[%multiple_of3A_65] : memref<8192xi32, #tpu.memory_space<hbm>> -> memref<16xi32, #tpu.memory_space<hbm>>
      %dma_wait3A_558 = arith.constant 144 : i32
      %dma_wait3A_559 = tpu.memref_slice %arg7[%dma_wait3A_558] : memref<256xi32, #tpu.memory_space<vmem>> -> memref<16xi32, #tpu.memory_space<vmem>>
      %dma_wait3A_560 = tpu.memref_slice %arg2[%multiple_of3A_65] : memref<8192xi32, #tpu.memory_space<hbm>> -> memref<16xi32, #tpu.memory_space<hbm>>
      tpu.wait_dma2 semaphore(%run_scoped3A_548 : memref<!tpu.dma_semaphore, #tpu.memory_space<semaphore_mem>>) src(%dma_wait3A_560 : memref<16xi32, #tpu.memory_space<hbm>>) dst(%dma_wait3A_559 : memref<16xi32, #tpu.memory_space<vmem>>)
      tpu.yield
    }) : () -> ()
    %add3A_66 = arith.constant 320 : i32
    %add3A_67 = arith.addi %add3A, %add3A_66 : i32
    %mul3A_68 = arith.constant 16 : i32
    %mul3A_69 = arith.muli %add3A_67, %mul3A_68 : i32
    %multiple_of3A_70 = tpu.assume_multiple %mul3A_69, 16 : i32
    "tpu.region"() ({
      %run_scoped3A_548 = tpu.sem_alloc : memref<!tpu.dma_semaphore, #tpu.memory_space<semaphore_mem>>
      %dma_start3A_549 = arith.constant 160 : i32
      %dma_start3A_550 = tpu.memref_slice %arg7[%dma_start3A_549] : memref<256xi32, #tpu.memory_space<vmem>> -> memref<16xi32, #tpu.memory_space<vmem>>
      %dma_start3A_551 = tpu.memref_slice %arg2[%multiple_of3A_70] : memref<8192xi32, #tpu.memory_space<hbm>> -> memref<16xi32, #tpu.memory_space<hbm>>
      %dma_start3A_552 = arith.constant 160 : i32
      %dma_start3A_553 = tpu.memref_slice %arg7[%dma_start3A_552] : memref<256xi32, #tpu.memory_space<vmem>> -> memref<16xi32, #tpu.memory_space<vmem>>
      %dma_start3A_554 = tpu.memref_slice %arg2[%multiple_of3A_70] : memref<8192xi32, #tpu.memory_space<hbm>> -> memref<16xi32, #tpu.memory_space<hbm>>
      tpu.enqueue_dma source(%dma_start3A_554 : memref<16xi32, #tpu.memory_space<hbm>>) target(%dma_start3A_553 : memref<16xi32, #tpu.memory_space<vmem>>) target_semaphore(%run_scoped3A_548 : memref<!tpu.dma_semaphore, #tpu.memory_space<semaphore_mem>>)
      %dma_wait3A_555 = arith.constant 160 : i32
      %dma_wait3A_556 = tpu.memref_slice %arg7[%dma_wait3A_555] : memref<256xi32, #tpu.memory_space<vmem>> -> memref<16xi32, #tpu.memory_space<vmem>>
      %dma_wait3A_557 = tpu.memref_slice %arg2[%multiple_of3A_70] : memref<8192xi32, #tpu.memory_space<hbm>> -> memref<16xi32, #tpu.memory_space<hbm>>
      %dma_wait3A_558 = arith.constant 160 : i32
      %dma_wait3A_559 = tpu.memref_slice %arg7[%dma_wait3A_558] : memref<256xi32, #tpu.memory_space<vmem>> -> memref<16xi32, #tpu.memory_space<vmem>>
      %dma_wait3A_560 = tpu.memref_slice %arg2[%multiple_of3A_70] : memref<8192xi32, #tpu.memory_space<hbm>> -> memref<16xi32, #tpu.memory_space<hbm>>
      tpu.wait_dma2 semaphore(%run_scoped3A_548 : memref<!tpu.dma_semaphore, #tpu.memory_space<semaphore_mem>>) src(%dma_wait3A_560 : memref<16xi32, #tpu.memory_space<hbm>>) dst(%dma_wait3A_559 : memref<16xi32, #tpu.memory_space<vmem>>)
      tpu.yield
    }) : () -> ()
    %add3A_71 = arith.constant 352 : i32
    %add3A_72 = arith.addi %add3A, %add3A_71 : i32
    %mul3A_73 = arith.constant 16 : i32
    %mul3A_74 = arith.muli %add3A_72, %mul3A_73 : i32
    %multiple_of3A_75 = tpu.assume_multiple %mul3A_74, 16 : i32
    "tpu.region"() ({
      %run_scoped3A_548 = tpu.sem_alloc : memref<!tpu.dma_semaphore, #tpu.memory_space<semaphore_mem>>
      %dma_start3A_549 = arith.constant 176 : i32
      %dma_start3A_550 = tpu.memref_slice %arg7[%dma_start3A_549] : memref<256xi32, #tpu.memory_space<vmem>> -> memref<16xi32, #tpu.memory_space<vmem>>
      %dma_start3A_551 = tpu.memref_slice %arg2[%multiple_of3A_75] : memref<8192xi32, #tpu.memory_space<hbm>> -> memref<16xi32, #tpu.memory_space<hbm>>
      %dma_start3A_552 = arith.constant 176 : i32
      %dma_start3A_553 = tpu.memref_slice %arg7[%dma_start3A_552] : memref<256xi32, #tpu.memory_space<vmem>> -> memref<16xi32, #tpu.memory_space<vmem>>
      %dma_start3A_554 = tpu.memref_slice %arg2[%multiple_of3A_75] : memref<8192xi32, #tpu.memory_space<hbm>> -> memref<16xi32, #tpu.memory_space<hbm>>
      tpu.enqueue_dma source(%dma_start3A_554 : memref<16xi32, #tpu.memory_space<hbm>>) target(%dma_start3A_553 : memref<16xi32, #tpu.memory_space<vmem>>) target_semaphore(%run_scoped3A_548 : memref<!tpu.dma_semaphore, #tpu.memory_space<semaphore_mem>>)
      %dma_wait3A_555 = arith.constant 176 : i32
      %dma_wait3A_556 = tpu.memref_slice %arg7[%dma_wait3A_555] : memref<256xi32, #tpu.memory_space<vmem>> -> memref<16xi32, #tpu.memory_space<vmem>>
      %dma_wait3A_557 = tpu.memref_slice %arg2[%multiple_of3A_75] : memref<8192xi32, #tpu.memory_space<hbm>> -> memref<16xi32, #tpu.memory_space<hbm>>
      %dma_wait3A_558 = arith.constant 176 : i32
      %dma_wait3A_559 = tpu.memref_slice %arg7[%dma_wait3A_558] : memref<256xi32, #tpu.memory_space<vmem>> -> memref<16xi32, #tpu.memory_space<vmem>>
      %dma_wait3A_560 = tpu.memref_slice %arg2[%multiple_of3A_75] : memref<8192xi32, #tpu.memory_space<hbm>> -> memref<16xi32, #tpu.memory_space<hbm>>
      tpu.wait_dma2 semaphore(%run_scoped3A_548 : memref<!tpu.dma_semaphore, #tpu.memory_space<semaphore_mem>>) src(%dma_wait3A_560 : memref<16xi32, #tpu.memory_space<hbm>>) dst(%dma_wait3A_559 : memref<16xi32, #tpu.memory_space<vmem>>)
      tpu.yield
    }) : () -> ()
    %add3A_76 = arith.constant 384 : i32
    %add3A_77 = arith.addi %add3A, %add3A_76 : i32
    %mul3A_78 = arith.constant 16 : i32
    %mul3A_79 = arith.muli %add3A_77, %mul3A_78 : i32
    %multiple_of3A_80 = tpu.assume_multiple %mul3A_79, 16 : i32
    "tpu.region"() ({
      %run_scoped3A_548 = tpu.sem_alloc : memref<!tpu.dma_semaphore, #tpu.memory_space<semaphore_mem>>
      %dma_start3A_549 = arith.constant 192 : i32
      %dma_start3A_550 = tpu.memref_slice %arg7[%dma_start3A_549] : memref<256xi32, #tpu.memory_space<vmem>> -> memref<16xi32, #tpu.memory_space<vmem>>
      %dma_start3A_551 = tpu.memref_slice %arg2[%multiple_of3A_80] : memref<8192xi32, #tpu.memory_space<hbm>> -> memref<16xi32, #tpu.memory_space<hbm>>
      %dma_start3A_552 = arith.constant 192 : i32
      %dma_start3A_553 = tpu.memref_slice %arg7[%dma_start3A_552] : memref<256xi32, #tpu.memory_space<vmem>> -> memref<16xi32, #tpu.memory_space<vmem>>
      %dma_start3A_554 = tpu.memref_slice %arg2[%multiple_of3A_80] : memref<8192xi32, #tpu.memory_space<hbm>> -> memref<16xi32, #tpu.memory_space<hbm>>
      tpu.enqueue_dma source(%dma_start3A_554 : memref<16xi32, #tpu.memory_space<hbm>>) target(%dma_start3A_553 : memref<16xi32, #tpu.memory_space<vmem>>) target_semaphore(%run_scoped3A_548 : memref<!tpu.dma_semaphore, #tpu.memory_space<semaphore_mem>>)
      %dma_wait3A_555 = arith.constant 192 : i32
      %dma_wait3A_556 = tpu.memref_slice %arg7[%dma_wait3A_555] : memref<256xi32, #tpu.memory_space<vmem>> -> memref<16xi32, #tpu.memory_space<vmem>>
      %dma_wait3A_557 = tpu.memref_slice %arg2[%multiple_of3A_80] : memref<8192xi32, #tpu.memory_space<hbm>> -> memref<16xi32, #tpu.memory_space<hbm>>
      %dma_wait3A_558 = arith.constant 192 : i32
      %dma_wait3A_559 = tpu.memref_slice %arg7[%dma_wait3A_558] : memref<256xi32, #tpu.memory_space<vmem>> -> memref<16xi32, #tpu.memory_space<vmem>>
      %dma_wait3A_560 = tpu.memref_slice %arg2[%multiple_of3A_80] : memref<8192xi32, #tpu.memory_space<hbm>> -> memref<16xi32, #tpu.memory_space<hbm>>
      tpu.wait_dma2 semaphore(%run_scoped3A_548 : memref<!tpu.dma_semaphore, #tpu.memory_space<semaphore_mem>>) src(%dma_wait3A_560 : memref<16xi32, #tpu.memory_space<hbm>>) dst(%dma_wait3A_559 : memref<16xi32, #tpu.memory_space<vmem>>)
      tpu.yield
    }) : () -> ()
    %add3A_81 = arith.constant 416 : i32
    %add3A_82 = arith.addi %add3A, %add3A_81 : i32
    %mul3A_83 = arith.constant 16 : i32
    %mul3A_84 = arith.muli %add3A_82, %mul3A_83 : i32
    %multiple_of3A_85 = tpu.assume_multiple %mul3A_84, 16 : i32
    "tpu.region"() ({
      %run_scoped3A_548 = tpu.sem_alloc : memref<!tpu.dma_semaphore, #tpu.memory_space<semaphore_mem>>
      %dma_start3A_549 = arith.constant 208 : i32
      %dma_start3A_550 = tpu.memref_slice %arg7[%dma_start3A_549] : memref<256xi32, #tpu.memory_space<vmem>> -> memref<16xi32, #tpu.memory_space<vmem>>
      %dma_start3A_551 = tpu.memref_slice %arg2[%multiple_of3A_85] : memref<8192xi32, #tpu.memory_space<hbm>> -> memref<16xi32, #tpu.memory_space<hbm>>
      %dma_start3A_552 = arith.constant 208 : i32
      %dma_start3A_553 = tpu.memref_slice %arg7[%dma_start3A_552] : memref<256xi32, #tpu.memory_space<vmem>> -> memref<16xi32, #tpu.memory_space<vmem>>
      %dma_start3A_554 = tpu.memref_slice %arg2[%multiple_of3A_85] : memref<8192xi32, #tpu.memory_space<hbm>> -> memref<16xi32, #tpu.memory_space<hbm>>
      tpu.enqueue_dma source(%dma_start3A_554 : memref<16xi32, #tpu.memory_space<hbm>>) target(%dma_start3A_553 : memref<16xi32, #tpu.memory_space<vmem>>) target_semaphore(%run_scoped3A_548 : memref<!tpu.dma_semaphore, #tpu.memory_space<semaphore_mem>>)
      %dma_wait3A_555 = arith.constant 208 : i32
      %dma_wait3A_556 = tpu.memref_slice %arg7[%dma_wait3A_555] : memref<256xi32, #tpu.memory_space<vmem>> -> memref<16xi32, #tpu.memory_space<vmem>>
      %dma_wait3A_557 = tpu.memref_slice %arg2[%multiple_of3A_85] : memref<8192xi32, #tpu.memory_space<hbm>> -> memref<16xi32, #tpu.memory_space<hbm>>
      %dma_wait3A_558 = arith.constant 208 : i32
      %dma_wait3A_559 = tpu.memref_slice %arg7[%dma_wait3A_558] : memref<256xi32, #tpu.memory_space<vmem>> -> memref<16xi32, #tpu.memory_space<vmem>>
      %dma_wait3A_560 = tpu.memref_slice %arg2[%multiple_of3A_85] : memref<8192xi32, #tpu.memory_space<hbm>> -> memref<16xi32, #tpu.memory_space<hbm>>
      tpu.wait_dma2 semaphore(%run_scoped3A_548 : memref<!tpu.dma_semaphore, #tpu.memory_space<semaphore_mem>>) src(%dma_wait3A_560 : memref<16xi32, #tpu.memory_space<hbm>>) dst(%dma_wait3A_559 : memref<16xi32, #tpu.memory_space<vmem>>)
      tpu.yield
    }) : () -> ()
    %add3A_86 = arith.constant 448 : i32
    %add3A_87 = arith.addi %add3A, %add3A_86 : i32
    %mul3A_88 = arith.constant 16 : i32
    %mul3A_89 = arith.muli %add3A_87, %mul3A_88 : i32
    %multiple_of3A_90 = tpu.assume_multiple %mul3A_89, 16 : i32
    "tpu.region"() ({
      %run_scoped3A_548 = tpu.sem_alloc : memref<!tpu.dma_semaphore, #tpu.memory_space<semaphore_mem>>
      %dma_start3A_549 = arith.constant 224 : i32
      %dma_start3A_550 = tpu.memref_slice %arg7[%dma_start3A_549] : memref<256xi32, #tpu.memory_space<vmem>> -> memref<16xi32, #tpu.memory_space<vmem>>
      %dma_start3A_551 = tpu.memref_slice %arg2[%multiple_of3A_90] : memref<8192xi32, #tpu.memory_space<hbm>> -> memref<16xi32, #tpu.memory_space<hbm>>
      %dma_start3A_552 = arith.constant 224 : i32
      %dma_start3A_553 = tpu.memref_slice %arg7[%dma_start3A_552] : memref<256xi32, #tpu.memory_space<vmem>> -> memref<16xi32, #tpu.memory_space<vmem>>
      %dma_start3A_554 = tpu.memref_slice %arg2[%multiple_of3A_90] : memref<8192xi32, #tpu.memory_space<hbm>> -> memref<16xi32, #tpu.memory_space<hbm>>
      tpu.enqueue_dma source(%dma_start3A_554 : memref<16xi32, #tpu.memory_space<hbm>>) target(%dma_start3A_553 : memref<16xi32, #tpu.memory_space<vmem>>) target_semaphore(%run_scoped3A_548 : memref<!tpu.dma_semaphore, #tpu.memory_space<semaphore_mem>>)
      %dma_wait3A_555 = arith.constant 224 : i32
      %dma_wait3A_556 = tpu.memref_slice %arg7[%dma_wait3A_555] : memref<256xi32, #tpu.memory_space<vmem>> -> memref<16xi32, #tpu.memory_space<vmem>>
      %dma_wait3A_557 = tpu.memref_slice %arg2[%multiple_of3A_90] : memref<8192xi32, #tpu.memory_space<hbm>> -> memref<16xi32, #tpu.memory_space<hbm>>
      %dma_wait3A_558 = arith.constant 224 : i32
      %dma_wait3A_559 = tpu.memref_slice %arg7[%dma_wait3A_558] : memref<256xi32, #tpu.memory_space<vmem>> -> memref<16xi32, #tpu.memory_space<vmem>>
      %dma_wait3A_560 = tpu.memref_slice %arg2[%multiple_of3A_90] : memref<8192xi32, #tpu.memory_space<hbm>> -> memref<16xi32, #tpu.memory_space<hbm>>
      tpu.wait_dma2 semaphore(%run_scoped3A_548 : memref<!tpu.dma_semaphore, #tpu.memory_space<semaphore_mem>>) src(%dma_wait3A_560 : memref<16xi32, #tpu.memory_space<hbm>>) dst(%dma_wait3A_559 : memref<16xi32, #tpu.memory_space<vmem>>)
      tpu.yield
    }) : () -> ()
    %add3A_91 = arith.constant 480 : i32
    %add3A_92 = arith.addi %add3A, %add3A_91 : i32
    %mul3A_93 = arith.constant 16 : i32
    %mul3A_94 = arith.muli %add3A_92, %mul3A_93 : i32
    %multiple_of3A_95 = tpu.assume_multiple %mul3A_94, 16 : i32
    "tpu.region"() ({
      %run_scoped3A_548 = tpu.sem_alloc : memref<!tpu.dma_semaphore, #tpu.memory_space<semaphore_mem>>
      %dma_start3A_549 = arith.constant 240 : i32
      %dma_start3A_550 = tpu.memref_slice %arg7[%dma_start3A_549] : memref<256xi32, #tpu.memory_space<vmem>> -> memref<16xi32, #tpu.memory_space<vmem>>
      %dma_start3A_551 = tpu.memref_slice %arg2[%multiple_of3A_95] : memref<8192xi32, #tpu.memory_space<hbm>> -> memref<16xi32, #tpu.memory_space<hbm>>
      %dma_start3A_552 = arith.constant 240 : i32
      %dma_start3A_553 = tpu.memref_slice %arg7[%dma_start3A_552] : memref<256xi32, #tpu.memory_space<vmem>> -> memref<16xi32, #tpu.memory_space<vmem>>
      %dma_start3A_554 = tpu.memref_slice %arg2[%multiple_of3A_95] : memref<8192xi32, #tpu.memory_space<hbm>> -> memref<16xi32, #tpu.memory_space<hbm>>
      tpu.enqueue_dma source(%dma_start3A_554 : memref<16xi32, #tpu.memory_space<hbm>>) target(%dma_start3A_553 : memref<16xi32, #tpu.memory_space<vmem>>) target_semaphore(%run_scoped3A_548 : memref<!tpu.dma_semaphore, #tpu.memory_space<semaphore_mem>>)
      %dma_wait3A_555 = arith.constant 240 : i32
      %dma_wait3A_556 = tpu.memref_slice %arg7[%dma_wait3A_555] : memref<256xi32, #tpu.memory_space<vmem>> -> memref<16xi32, #tpu.memory_space<vmem>>
      %dma_wait3A_557 = tpu.memref_slice %arg2[%multiple_of3A_95] : memref<8192xi32, #tpu.memory_space<hbm>> -> memref<16xi32, #tpu.memory_space<hbm>>
      %dma_wait3A_558 = arith.constant 240 : i32
      %dma_wait3A_559 = tpu.memref_slice %arg7[%dma_wait3A_558] : memref<256xi32, #tpu.memory_space<vmem>> -> memref<16xi32, #tpu.memory_space<vmem>>
      %dma_wait3A_560 = tpu.memref_slice %arg2[%multiple_of3A_95] : memref<8192xi32, #tpu.memory_space<hbm>> -> memref<16xi32, #tpu.memory_space<hbm>>
      tpu.wait_dma2 semaphore(%run_scoped3A_548 : memref<!tpu.dma_semaphore, #tpu.memory_space<semaphore_mem>>) src(%dma_wait3A_560 : memref<16xi32, #tpu.memory_space<hbm>>) dst(%dma_wait3A_559 : memref<16xi32, #tpu.memory_space<vmem>>)
      tpu.yield
    }) : () -> ()
    %add3A_96 = arith.constant 32 : i32
    %add3A_97 = arith.addi %add3A, %add3A_96 : i32
    %mul3A_98 = arith.constant 16 : i32
    %mul3A_99 = arith.muli %add3A_97, %mul3A_98 : i32
    %multiple_of3A_100 = tpu.assume_multiple %mul3A_99, 16 : i32
    %run_scoped3A_101 = arith.constant 1 : i32
    "tpu.region"() ({
      %run_scoped3A_548 = tpu.sem_alloc : memref<!tpu.dma_semaphore, #tpu.memory_space<semaphore_mem>>
      %dma_start3A_549 = arith.constant 0 : i32
      %dma_start3A_550 = tpu.memref_slice %arg8[%run_scoped3A_101, %dma_start3A_549] : memref<4x16xi32, #tpu.memory_space<vmem>> -> memref<1x16xi32, #tpu.memory_space<vmem>>
      %dma_start3A_551 = tpu.memref_squeeze %dma_start3A_550 : memref<1x16xi32, #tpu.memory_space<vmem>> -> memref<16xi32, #tpu.memory_space<vmem>>
      %dma_start3A_552 = tpu.memref_slice %arg3[%multiple_of3A_100] : memref<4096xi32, #tpu.memory_space<hbm>> -> memref<16xi32, #tpu.memory_space<hbm>>
      %dma_start3A_553 = arith.constant 0 : i32
      %dma_start3A_554 = tpu.memref_slice %arg8[%run_scoped3A_101, %dma_start3A_553] : memref<4x16xi32, #tpu.memory_space<vmem>> -> memref<1x16xi32, #tpu.memory_space<vmem>>
      %dma_start3A_555 = tpu.memref_squeeze %dma_start3A_554 : memref<1x16xi32, #tpu.memory_space<vmem>> -> memref<16xi32, #tpu.memory_space<vmem>>
      %dma_start3A_556 = tpu.memref_slice %arg3[%multiple_of3A_100] : memref<4096xi32, #tpu.memory_space<hbm>> -> memref<16xi32, #tpu.memory_space<hbm>>
      tpu.enqueue_dma source(%dma_start3A_556 : memref<16xi32, #tpu.memory_space<hbm>>) target(%dma_start3A_555 : memref<16xi32, #tpu.memory_space<vmem>>) target_semaphore(%run_scoped3A_548 : memref<!tpu.dma_semaphore, #tpu.memory_space<semaphore_mem>>)
      %dma_wait3A_557 = arith.constant 0 : i32
      %dma_wait3A_558 = tpu.memref_slice %arg8[%run_scoped3A_101, %dma_wait3A_557] : memref<4x16xi32, #tpu.memory_space<vmem>> -> memref<1x16xi32, #tpu.memory_space<vmem>>
      %dma_wait3A_559 = tpu.memref_squeeze %dma_wait3A_558 : memref<1x16xi32, #tpu.memory_space<vmem>> -> memref<16xi32, #tpu.memory_space<vmem>>
      %dma_wait3A_560 = tpu.memref_slice %arg3[%multiple_of3A_100] : memref<4096xi32, #tpu.memory_space<hbm>> -> memref<16xi32, #tpu.memory_space<hbm>>
      %dma_wait3A_561 = arith.constant 0 : i32
      %dma_wait3A_562 = tpu.memref_slice %arg8[%run_scoped3A_101, %dma_wait3A_561] : memref<4x16xi32, #tpu.memory_space<vmem>> -> memref<1x16xi32, #tpu.memory_space<vmem>>
      %dma_wait3A_563 = tpu.memref_squeeze %dma_wait3A_562 : memref<1x16xi32, #tpu.memory_space<vmem>> -> memref<16xi32, #tpu.memory_space<vmem>>
      %dma_wait3A_564 = tpu.memref_slice %arg3[%multiple_of3A_100] : memref<4096xi32, #tpu.memory_space<hbm>> -> memref<16xi32, #tpu.memory_space<hbm>>
      tpu.wait_dma2 semaphore(%run_scoped3A_548 : memref<!tpu.dma_semaphore, #tpu.memory_space<semaphore_mem>>) src(%dma_wait3A_564 : memref<16xi32, #tpu.memory_space<hbm>>) dst(%dma_wait3A_563 : memref<16xi32, #tpu.memory_space<vmem>>)
      tpu.yield
    }) : () -> ()
    %add3A_102 = arith.constant 64 : i32
    %add3A_103 = arith.addi %add3A, %add3A_102 : i32
    %mul3A_104 = arith.constant 16 : i32
    %mul3A_105 = arith.muli %add3A_103, %mul3A_104 : i32
    %multiple_of3A_106 = tpu.assume_multiple %mul3A_105, 16 : i32
    %run_scoped3A_107 = arith.constant 2 : i32
    "tpu.region"() ({
      %run_scoped3A_548 = tpu.sem_alloc : memref<!tpu.dma_semaphore, #tpu.memory_space<semaphore_mem>>
      %dma_start3A_549 = arith.constant 0 : i32
      %dma_start3A_550 = tpu.memref_slice %arg8[%run_scoped3A_107, %dma_start3A_549] : memref<4x16xi32, #tpu.memory_space<vmem>> -> memref<1x16xi32, #tpu.memory_space<vmem>>
      %dma_start3A_551 = tpu.memref_squeeze %dma_start3A_550 : memref<1x16xi32, #tpu.memory_space<vmem>> -> memref<16xi32, #tpu.memory_space<vmem>>
      %dma_start3A_552 = tpu.memref_slice %arg3[%multiple_of3A_106] : memref<4096xi32, #tpu.memory_space<hbm>> -> memref<16xi32, #tpu.memory_space<hbm>>
      %dma_start3A_553 = arith.constant 0 : i32
      %dma_start3A_554 = tpu.memref_slice %arg8[%run_scoped3A_107, %dma_start3A_553] : memref<4x16xi32, #tpu.memory_space<vmem>> -> memref<1x16xi32, #tpu.memory_space<vmem>>
      %dma_start3A_555 = tpu.memref_squeeze %dma_start3A_554 : memref<1x16xi32, #tpu.memory_space<vmem>> -> memref<16xi32, #tpu.memory_space<vmem>>
      %dma_start3A_556 = tpu.memref_slice %arg3[%multiple_of3A_106] : memref<4096xi32, #tpu.memory_space<hbm>> -> memref<16xi32, #tpu.memory_space<hbm>>
      tpu.enqueue_dma source(%dma_start3A_556 : memref<16xi32, #tpu.memory_space<hbm>>) target(%dma_start3A_555 : memref<16xi32, #tpu.memory_space<vmem>>) target_semaphore(%run_scoped3A_548 : memref<!tpu.dma_semaphore, #tpu.memory_space<semaphore_mem>>)
      %dma_wait3A_557 = arith.constant 0 : i32
      %dma_wait3A_558 = tpu.memref_slice %arg8[%run_scoped3A_107, %dma_wait3A_557] : memref<4x16xi32, #tpu.memory_space<vmem>> -> memref<1x16xi32, #tpu.memory_space<vmem>>
      %dma_wait3A_559 = tpu.memref_squeeze %dma_wait3A_558 : memref<1x16xi32, #tpu.memory_space<vmem>> -> memref<16xi32, #tpu.memory_space<vmem>>
      %dma_wait3A_560 = tpu.memref_slice %arg3[%multiple_of3A_106] : memref<4096xi32, #tpu.memory_space<hbm>> -> memref<16xi32, #tpu.memory_space<hbm>>
      %dma_wait3A_561 = arith.constant 0 : i32
      %dma_wait3A_562 = tpu.memref_slice %arg8[%run_scoped3A_107, %dma_wait3A_561] : memref<4x16xi32, #tpu.memory_space<vmem>> -> memref<1x16xi32, #tpu.memory_space<vmem>>
      %dma_wait3A_563 = tpu.memref_squeeze %dma_wait3A_562 : memref<1x16xi32, #tpu.memory_space<vmem>> -> memref<16xi32, #tpu.memory_space<vmem>>
      %dma_wait3A_564 = tpu.memref_slice %arg3[%multiple_of3A_106] : memref<4096xi32, #tpu.memory_space<hbm>> -> memref<16xi32, #tpu.memory_space<hbm>>
      tpu.wait_dma2 semaphore(%run_scoped3A_548 : memref<!tpu.dma_semaphore, #tpu.memory_space<semaphore_mem>>) src(%dma_wait3A_564 : memref<16xi32, #tpu.memory_space<hbm>>) dst(%dma_wait3A_563 : memref<16xi32, #tpu.memory_space<vmem>>)
      tpu.yield
    }) : () -> ()
    %add3A_108 = arith.constant 96 : i32
    %add3A_109 = arith.addi %add3A, %add3A_108 : i32
    %mul3A_110 = arith.constant 16 : i32
    %mul3A_111 = arith.muli %add3A_109, %mul3A_110 : i32
    %multiple_of3A_112 = tpu.assume_multiple %mul3A_111, 16 : i32
    %run_scoped3A_113 = arith.constant 3 : i32
    "tpu.region"() ({
      %run_scoped3A_548 = tpu.sem_alloc : memref<!tpu.dma_semaphore, #tpu.memory_space<semaphore_mem>>
      %dma_start3A_549 = arith.constant 0 : i32
      %dma_start3A_550 = tpu.memref_slice %arg8[%run_scoped3A_113, %dma_start3A_549] : memref<4x16xi32, #tpu.memory_space<vmem>> -> memref<1x16xi32, #tpu.memory_space<vmem>>
      %dma_start3A_551 = tpu.memref_squeeze %dma_start3A_550 : memref<1x16xi32, #tpu.memory_space<vmem>> -> memref<16xi32, #tpu.memory_space<vmem>>
      %dma_start3A_552 = tpu.memref_slice %arg3[%multiple_of3A_112] : memref<4096xi32, #tpu.memory_space<hbm>> -> memref<16xi32, #tpu.memory_space<hbm>>
      %dma_start3A_553 = arith.constant 0 : i32
      %dma_start3A_554 = tpu.memref_slice %arg8[%run_scoped3A_113, %dma_start3A_553] : memref<4x16xi32, #tpu.memory_space<vmem>> -> memref<1x16xi32, #tpu.memory_space<vmem>>
      %dma_start3A_555 = tpu.memref_squeeze %dma_start3A_554 : memref<1x16xi32, #tpu.memory_space<vmem>> -> memref<16xi32, #tpu.memory_space<vmem>>
      %dma_start3A_556 = tpu.memref_slice %arg3[%multiple_of3A_112] : memref<4096xi32, #tpu.memory_space<hbm>> -> memref<16xi32, #tpu.memory_space<hbm>>
      tpu.enqueue_dma source(%dma_start3A_556 : memref<16xi32, #tpu.memory_space<hbm>>) target(%dma_start3A_555 : memref<16xi32, #tpu.memory_space<vmem>>) target_semaphore(%run_scoped3A_548 : memref<!tpu.dma_semaphore, #tpu.memory_space<semaphore_mem>>)
      %dma_wait3A_557 = arith.constant 0 : i32
      %dma_wait3A_558 = tpu.memref_slice %arg8[%run_scoped3A_113, %dma_wait3A_557] : memref<4x16xi32, #tpu.memory_space<vmem>> -> memref<1x16xi32, #tpu.memory_space<vmem>>
      %dma_wait3A_559 = tpu.memref_squeeze %dma_wait3A_558 : memref<1x16xi32, #tpu.memory_space<vmem>> -> memref<16xi32, #tpu.memory_space<vmem>>
      %dma_wait3A_560 = tpu.memref_slice %arg3[%multiple_of3A_112] : memref<4096xi32, #tpu.memory_space<hbm>> -> memref<16xi32, #tpu.memory_space<hbm>>
      %dma_wait3A_561 = arith.constant 0 : i32
      %dma_wait3A_562 = tpu.memref_slice %arg8[%run_scoped3A_113, %dma_wait3A_561] : memref<4x16xi32, #tpu.memory_space<vmem>> -> memref<1x16xi32, #tpu.memory_space<vmem>>
      %dma_wait3A_563 = tpu.memref_squeeze %dma_wait3A_562 : memref<1x16xi32, #tpu.memory_space<vmem>> -> memref<16xi32, #tpu.memory_space<vmem>>
      %dma_wait3A_564 = tpu.memref_slice %arg3[%multiple_of3A_112] : memref<4096xi32, #tpu.memory_space<hbm>> -> memref<16xi32, #tpu.memory_space<hbm>>
      tpu.wait_dma2 semaphore(%run_scoped3A_548 : memref<!tpu.dma_semaphore, #tpu.memory_space<semaphore_mem>>) src(%dma_wait3A_564 : memref<16xi32, #tpu.memory_space<hbm>>) dst(%dma_wait3A_563 : memref<16xi32, #tpu.memory_space<vmem>>)
      tpu.yield
    }) : () -> ()
    %dma_start3A_114 = arith.constant 16 : i32
    %dma_start3A_115 = tpu.memref_slice %arg7[%dma_start3A_114] : memref<256xi32, #tpu.memory_space<vmem>> -> memref<16xi32, #tpu.memory_space<vmem>>
    %dma_start3A_116 = arith.constant 0 : i32
    %dma_start3A_117 = arith.constant 0 : i32
    %dma_start3A_118 = tpu.memref_slice %arg4[%dma_start3A_116, %dma_start3A_117] : memref<4098x768xf32, #tpu.memory_space<hbm>> -> memref<4098x768xf32, #tpu.memory_space<hbm>>
    tpu.enqueue_indirect_dma source(%dma_start3A_118 : memref<4098x768xf32, #tpu.memory_space<hbm>>) target(%arg10 : memref<16x768xf32, #tpu.memory_space<vmem>>) offsets(%dma_start3A_115 : memref<16xi32, #tpu.memory_space<vmem>>) semaphore(%arg17 : memref<!tpu.dma_semaphore, #tpu.memory_space<semaphore_mem>>)
    %dma_start3A_119 = arith.constant 32 : i32
    %dma_start3A_120 = tpu.memref_slice %arg7[%dma_start3A_119] : memref<256xi32, #tpu.memory_space<vmem>> -> memref<16xi32, #tpu.memory_space<vmem>>
    %dma_start3A_121 = arith.constant 0 : i32
    %dma_start3A_122 = arith.constant 0 : i32
    %dma_start3A_123 = tpu.memref_slice %arg4[%dma_start3A_121, %dma_start3A_122] : memref<4098x768xf32, #tpu.memory_space<hbm>> -> memref<4098x768xf32, #tpu.memory_space<hbm>>
    tpu.enqueue_indirect_dma source(%dma_start3A_123 : memref<4098x768xf32, #tpu.memory_space<hbm>>) target(%arg11 : memref<16x768xf32, #tpu.memory_space<vmem>>) offsets(%dma_start3A_120 : memref<16xi32, #tpu.memory_space<vmem>>) semaphore(%arg18 : memref<!tpu.dma_semaphore, #tpu.memory_space<semaphore_mem>>)
    %dma_start3A_124 = arith.constant 48 : i32
    %dma_start3A_125 = tpu.memref_slice %arg7[%dma_start3A_124] : memref<256xi32, #tpu.memory_space<vmem>> -> memref<16xi32, #tpu.memory_space<vmem>>
    %dma_start3A_126 = arith.constant 0 : i32
    %dma_start3A_127 = arith.constant 0 : i32
    %dma_start3A_128 = tpu.memref_slice %arg4[%dma_start3A_126, %dma_start3A_127] : memref<4098x768xf32, #tpu.memory_space<hbm>> -> memref<4098x768xf32, #tpu.memory_space<hbm>>
    tpu.enqueue_indirect_dma source(%dma_start3A_128 : memref<4098x768xf32, #tpu.memory_space<hbm>>) target(%arg12 : memref<16x768xf32, #tpu.memory_space<vmem>>) offsets(%dma_start3A_125 : memref<16xi32, #tpu.memory_space<vmem>>) semaphore(%arg19 : memref<!tpu.dma_semaphore, #tpu.memory_space<semaphore_mem>>)
    %dma_start3A_129 = arith.constant 64 : i32
    %dma_start3A_130 = tpu.memref_slice %arg7[%dma_start3A_129] : memref<256xi32, #tpu.memory_space<vmem>> -> memref<16xi32, #tpu.memory_space<vmem>>
    %dma_start3A_131 = arith.constant 0 : i32
    %dma_start3A_132 = arith.constant 0 : i32
    %dma_start3A_133 = tpu.memref_slice %arg4[%dma_start3A_131, %dma_start3A_132] : memref<4098x768xf32, #tpu.memory_space<hbm>> -> memref<4098x768xf32, #tpu.memory_space<hbm>>
    tpu.enqueue_indirect_dma source(%dma_start3A_133 : memref<4098x768xf32, #tpu.memory_space<hbm>>) target(%arg13 : memref<16x768xf32, #tpu.memory_space<vmem>>) offsets(%dma_start3A_130 : memref<16xi32, #tpu.memory_space<vmem>>) semaphore(%arg20 : memref<!tpu.dma_semaphore, #tpu.memory_space<semaphore_mem>>)
    %dma_start3A_134 = arith.constant 80 : i32
    %dma_start3A_135 = tpu.memref_slice %arg7[%dma_start3A_134] : memref<256xi32, #tpu.memory_space<vmem>> -> memref<16xi32, #tpu.memory_space<vmem>>
    %dma_start3A_136 = arith.constant 0 : i32
    %dma_start3A_137 = arith.constant 0 : i32
    %dma_start3A_138 = tpu.memref_slice %arg4[%dma_start3A_136, %dma_start3A_137] : memref<4098x768xf32, #tpu.memory_space<hbm>> -> memref<4098x768xf32, #tpu.memory_space<hbm>>
    tpu.enqueue_indirect_dma source(%dma_start3A_138 : memref<4098x768xf32, #tpu.memory_space<hbm>>) target(%arg14 : memref<16x768xf32, #tpu.memory_space<vmem>>) offsets(%dma_start3A_135 : memref<16xi32, #tpu.memory_space<vmem>>) semaphore(%arg21 : memref<!tpu.dma_semaphore, #tpu.memory_space<semaphore_mem>>)
    %dma_wait3A = arith.constant 0 : i32
    %dma_wait3A_139 = tpu.memref_slice %arg7[%dma_wait3A] : memref<256xi32, #tpu.memory_space<vmem>> -> memref<16xi32, #tpu.memory_space<vmem>>
    %dma_wait3A_140 = arith.constant 0 : i32
    %dma_wait3A_141 = arith.constant 0 : i32
    %dma_wait3A_142 = tpu.memref_slice %arg4[%dma_wait3A_140, %dma_wait3A_141] : memref<4098x768xf32, #tpu.memory_space<hbm>> -> memref<4098x768xf32, #tpu.memory_space<hbm>>
    tpu.wait_indirect_dma semaphore(%arg16 : memref<!tpu.dma_semaphore, #tpu.memory_space<semaphore_mem>>) src(%dma_wait3A_142 : memref<4098x768xf32, #tpu.memory_space<hbm>>) dst(%arg9 : memref<16x768xf32, #tpu.memory_space<vmem>>)
    %dma_wait3A_143 = arith.constant 0 : i32
    %dma_wait3A_144 = arith.constant 0 : i32
    %dma_wait3A_145 = tpu.memref_slice %arg8[%dma_wait3A_143, %dma_wait3A_144] : memref<4x16xi32, #tpu.memory_space<vmem>> -> memref<1x16xi32, #tpu.memory_space<vmem>>
    %dma_wait3A_146 = tpu.memref_squeeze %dma_wait3A_145 : memref<1x16xi32, #tpu.memory_space<vmem>> -> memref<16xi32, #tpu.memory_space<vmem>>
    %dma_wait3A_147 = arith.constant 0 : i32
    %dma_wait3A_148 = arith.constant 0 : i32
    %dma_wait3A_149 = tpu.memref_slice %arg5[%dma_wait3A_147, %dma_wait3A_148] : memref<31x768xf32, #tpu.memory_space<hbm>> -> memref<31x768xf32, #tpu.memory_space<hbm>>
    tpu.wait_indirect_dma semaphore(%arg28 : memref<!tpu.dma_semaphore, #tpu.memory_space<semaphore_mem>>) src(%dma_wait3A_149 : memref<31x768xf32, #tpu.memory_space<hbm>>) dst(%arg15 : memref<16x768xf32, #tpu.memory_space<vmem>>)
    %scan3A = arith.constant 0 : i32
    %scan3A_150 = arith.constant 0 : i32
    %scan3A_151 = arith.constant 16 : i32
    %scan3A_152 = arith.addi %scan3A_150, %scan3A_151 : i32
    %scan3A_153 = arith.constant 1 : i32
    scf.for %scan3A_548 = %scan3A_150 to %scan3A_152 step %scan3A_153  : i32 {
      %get3A = arith.index_cast %scan3A_548 : i32 to index
      %get3A_549 = arith.constant 0 : index
      %get3A_550 = tpu.vector_load %arg15[%get3A, %get3A_549] {strides = array<i32>} : memref<16x768xf32, #tpu.memory_space<vmem>>, vector<1x16xf32>,
      %get3A_551 = vector.shape_cast %get3A_550 : vector<1x16xf32> to vector<16xf32>
      %swap3A = arith.index_cast %scan3A_548 : i32 to index
      %swap3A_552 = arith.constant 0 : index
      %swap3A_553 = tpu.vector_load %arg9[%swap3A, %swap3A_552] {strides = array<i32>} : memref<16x768xf32, #tpu.memory_space<vmem>>, vector<1x16xf32>,
      %swap3A_554 = vector.shape_cast %swap3A_553 : vector<1x16xf32> to vector<16xf32>
      %swap3A_555 = vector.shape_cast %get3A_551 : vector<16xf32> to vector<1x16xf32>
      tpu.vector_store %arg9[%swap3A, %swap3A_552], %swap3A_555 {add = true, strides = array<i32>} : memref<16x768xf32, #tpu.memory_space<vmem>>, vector<1x16xf32>,
      %get3A_556 = arith.index_cast %scan3A_548 : i32 to index
      %get3A_557 = arith.constant 16 : index
      %get3A_558 = tpu.vector_load %arg15[%get3A_556, %get3A_557] {strides = array<i32>} : memref<16x768xf32, #tpu.memory_space<vmem>>, vector<1x16xf32>,
      %get3A_559 = vector.shape_cast %get3A_558 : vector<1x16xf32> to vector<16xf32>
      %swap3A_560 = arith.index_cast %scan3A_548 : i32 to index
      %swap3A_561 = arith.constant 16 : index
      %swap3A_562 = tpu.vector_load %arg9[%swap3A_560, %swap3A_561] {strides = array<i32>} : memref<16x768xf32, #tpu.memory_space<vmem>>, vector<1x16xf32>,
      %swap3A_563 = vector.shape_cast %swap3A_562 : vector<1x16xf32> to vector<16xf32>
      %swap3A_564 = vector.shape_cast %get3A_559 : vector<16xf32> to vector<1x16xf32>
      tpu.vector_store %arg9[%swap3A_560, %swap3A_561], %swap3A_564 {add = true, strides = array<i32>} : memref<16x768xf32, #tpu.memory_space<vmem>>, vector<1x16xf32>,
      %get3A_565 = arith.index_cast %scan3A_548 : i32 to index
      %get3A_566 = arith.constant 32 : index
      %get3A_567 = tpu.vector_load %arg15[%get3A_565, %get3A_566] {strides = array<i32>} : memref<16x768xf32, #tpu.memory_space<vmem>>, vector<1x16xf32>,
      %get3A_568 = vector.shape_cast %get3A_567 : vector<1x16xf32> to vector<16xf32>
      %swap3A_569 = arith.index_cast %scan3A_548 : i32 to index
      %swap3A_570 = arith.constant 32 : index
      %swap3A_571 = tpu.vector_load %arg9[%swap3A_569, %swap3A_570] {strides = array<i32>} : memref<16x768xf32, #tpu.memory_space<vmem>>, vector<1x16xf32>,
      %swap3A_572 = vector.shape_cast %swap3A_571 : vector<1x16xf32> to vector<16xf32>
      %swap3A_573 = vector.shape_cast %get3A_568 : vector<16xf32> to vector<1x16xf32>
      tpu.vector_store %arg9[%swap3A_569, %swap3A_570], %swap3A_573 {add = true, strides = array<i32>} : memref<16x768xf32, #tpu.memory_space<vmem>>, vector<1x16xf32>,
      %get3A_574 = arith.index_cast %scan3A_548 : i32 to index
      %get3A_575 = arith.constant 48 : index
      %get3A_576 = tpu.vector_load %arg15[%get3A_574, %get3A_575] {strides = array<i32>} : memref<16x768xf32, #tpu.memory_space<vmem>>, vector<1x16xf32>,
      %get3A_577 = vector.shape_cast %get3A_576 : vector<1x16xf32> to vector<16xf32>
      %swap3A_578 = arith.index_cast %scan3A_548 : i32 to index
      %swap3A_579 = arith.constant 48 : index
      %swap3A_580 = tpu.vector_load %arg9[%swap3A_578, %swap3A_579] {strides = array<i32>} : memref<16x768xf32, #tpu.memory_space<vmem>>, vector<1x16xf32>,
      %swap3A_581 = vector.shape_cast %swap3A_580 : vector<1x16xf32> to vector<16xf32>
      %swap3A_582 = vector.shape_cast %get3A_577 : vector<16xf32> to vector<1x16xf32>
      tpu.vector_store %arg9[%swap3A_578, %swap3A_579], %swap3A_582 {add = true, strides = array<i32>} : memref<16x768xf32, #tpu.memory_space<vmem>>, vector<1x16xf32>,
      %get3A_583 = arith.index_cast %scan3A_548 : i32 to index
      %get3A_584 = arith.constant 64 : index
      %get3A_585 = tpu.vector_load %arg15[%get3A_583, %get3A_584] {strides = array<i32>} : memref<16x768xf32, #tpu.memory_space<vmem>>, vector<1x16xf32>,
      %get3A_586 = vector.shape_cast %get3A_585 : vector<1x16xf32> to vector<16xf32>
      %swap3A_587 = arith.index_cast %scan3A_548 : i32 to index
      %swap3A_588 = arith.constant 64 : index
      %swap3A_589 = tpu.vector_load %arg9[%swap3A_587, %swap3A_588] {strides = array<i32>} : memref<16x768xf32, #tpu.memory_space<vmem>>, vector<1x16xf32>,
      %swap3A_590 = vector.shape_cast %swap3A_589 : vector<1x16xf32> to vector<16xf32>
      %swap3A_591 = vector.shape_cast %get3A_586 : vector<16xf32> to vector<1x16xf32>
      tpu.vector_store %arg9[%swap3A_587, %swap3A_588], %swap3A_591 {add = true, strides = array<i32>} : memref<16x768xf32, #tpu.memory_space<vmem>>, vector<1x16xf32>,
      %get3A_592 = arith.index_cast %scan3A_548 : i32 to index
      %get3A_593 = arith.constant 80 : index
      %get3A_594 = tpu.vector_load %arg15[%get3A_592, %get3A_593] {strides = array<i32>} : memref<16x768xf32, #tpu.memory_space<vmem>>, vector<1x16xf32>,
      %get3A_595 = vector.shape_cast %get3A_594 : vector<1x16xf32> to vector<16xf32>
      %swap3A_596 = arith.index_cast %scan3A_548 : i32 to index
      %swap3A_597 = arith.constant 80 : index
      %swap3A_598 = tpu.vector_load %arg9[%swap3A_596, %swap3A_597] {strides = array<i32>} : memref<16x768xf32, #tpu.memory_space<vmem>>, vector<1x16xf32>,
      %swap3A_599 = vector.shape_cast %swap3A_598 : vector<1x16xf32> to vector<16xf32>
      %swap3A_600 = vector.shape_cast %get3A_595 : vector<16xf32> to vector<1x16xf32>
      tpu.vector_store %arg9[%swap3A_596, %swap3A_597], %swap3A_600 {add = true, strides = array<i32>} : memref<16x768xf32, #tpu.memory_space<vmem>>, vector<1x16xf32>,
      %get3A_601 = arith.index_cast %scan3A_548 : i32 to index
      %get3A_602 = arith.constant 96 : index
      %get3A_603 = tpu.vector_load %arg15[%get3A_601, %get3A_602] {strides = array<i32>} : memref<16x768xf32, #tpu.memory_space<vmem>>, vector<1x16xf32>,
      %get3A_604 = vector.shape_cast %get3A_603 : vector<1x16xf32> to vector<16xf32>
      %swap3A_605 = arith.index_cast %scan3A_548 : i32 to index
      %swap3A_606 = arith.constant 96 : index
      %swap3A_607 = tpu.vector_load %arg9[%swap3A_605, %swap3A_606] {strides = array<i32>} : memref<16x768xf32, #tpu.memory_space<vmem>>, vector<1x16xf32>,
      %swap3A_608 = vector.shape_cast %swap3A_607 : vector<1x16xf32> to vector<16xf32>
      %swap3A_609 = vector.shape_cast %get3A_604 : vector<16xf32> to vector<1x16xf32>
      tpu.vector_store %arg9[%swap3A_605, %swap3A_606], %swap3A_609 {add = true, strides = array<i32>} : memref<16x768xf32, #tpu.memory_space<vmem>>, vector<1x16xf32>,
      %get3A_610 = arith.index_cast %scan3A_548 : i32 to index
      %get3A_611 = arith.constant 112 : index
      %get3A_612 = tpu.vector_load %arg15[%get3A_610, %get3A_611] {strides = array<i32>} : memref<16x768xf32, #tpu.memory_space<vmem>>, vector<1x16xf32>,
      %get3A_613 = vector.shape_cast %get3A_612 : vector<1x16xf32> to vector<16xf32>
      %swap3A_614 = arith.index_cast %scan3A_548 : i32 to index
      %swap3A_615 = arith.constant 112 : index
      %swap3A_616 = tpu.vector_load %arg9[%swap3A_614, %swap3A_615] {strides = array<i32>} : memref<16x768xf32, #tpu.memory_space<vmem>>, vector<1x16xf32>,
      %swap3A_617 = vector.shape_cast %swap3A_616 : vector<1x16xf32> to vector<16xf32>
      %swap3A_618 = vector.shape_cast %get3A_613 : vector<16xf32> to vector<1x16xf32>
      tpu.vector_store %arg9[%swap3A_614, %swap3A_615], %swap3A_618 {add = true, strides = array<i32>} : memref<16x768xf32, #tpu.memory_space<vmem>>, vector<1x16xf32>,
      %get3A_619 = arith.index_cast %scan3A_548 : i32 to index
      %get3A_620 = arith.constant 128 : index
      %get3A_621 = tpu.vector_load %arg15[%get3A_619, %get3A_620] {strides = array<i32>} : memref<16x768xf32, #tpu.memory_space<vmem>>, vector<1x16xf32>,
      %get3A_622 = vector.shape_cast %get3A_621 : vector<1x16xf32> to vector<16xf32>
      %swap3A_623 = arith.index_cast %scan3A_548 : i32 to index
      %swap3A_624 = arith.constant 128 : index
      %swap3A_625 = tpu.vector_load %arg9[%swap3A_623, %swap3A_624] {strides = array<i32>} : memref<16x768xf32, #tpu.memory_space<vmem>>, vector<1x16xf32>,
      %swap3A_626 = vector.shape_cast %swap3A_625 : vector<1x16xf32> to vector<16xf32>
      %swap3A_627 = vector.shape_cast %get3A_622 : vector<16xf32> to vector<1x16xf32>
      tpu.vector_store %arg9[%swap3A_623, %swap3A_624], %swap3A_627 {add = true, strides = array<i32>} : memref<16x768xf32, #tpu.memory_space<vmem>>, vector<1x16xf32>,
      %get3A_628 = arith.index_cast %scan3A_548 : i32 to index
      %get3A_629 = arith.constant 144 : index
      %get3A_630 = tpu.vector_load %arg15[%get3A_628, %get3A_629] {strides = array<i32>} : memref<16x768xf32, #tpu.memory_space<vmem>>, vector<1x16xf32>,
      %get3A_631 = vector.shape_cast %get3A_630 : vector<1x16xf32> to vector<16xf32>
      %swap3A_632 = arith.index_cast %scan3A_548 : i32 to index
      %swap3A_633 = arith.constant 144 : index
      %swap3A_634 = tpu.vector_load %arg9[%swap3A_632, %swap3A_633] {strides = array<i32>} : memref<16x768xf32, #tpu.memory_space<vmem>>, vector<1x16xf32>,
      %swap3A_635 = vector.shape_cast %swap3A_634 : vector<1x16xf32> to vector<16xf32>
      %swap3A_636 = vector.shape_cast %get3A_631 : vector<16xf32> to vector<1x16xf32>
      tpu.vector_store %arg9[%swap3A_632, %swap3A_633], %swap3A_636 {add = true, strides = array<i32>} : memref<16x768xf32, #tpu.memory_space<vmem>>, vector<1x16xf32>,
      %get3A_637 = arith.index_cast %scan3A_548 : i32 to index
      %get3A_638 = arith.constant 160 : index
      %get3A_639 = tpu.vector_load %arg15[%get3A_637, %get3A_638] {strides = array<i32>} : memref<16x768xf32, #tpu.memory_space<vmem>>, vector<1x16xf32>,
      %get3A_640 = vector.shape_cast %get3A_639 : vector<1x16xf32> to vector<16xf32>
      %swap3A_641 = arith.index_cast %scan3A_548 : i32 to index
      %swap3A_642 = arith.constant 160 : index
      %swap3A_643 = tpu.vector_load %arg9[%swap3A_641, %swap3A_642] {strides = array<i32>} : memref<16x768xf32, #tpu.memory_space<vmem>>, vector<1x16xf32>,
      %swap3A_644 = vector.shape_cast %swap3A_643 : vector<1x16xf32> to vector<16xf32>
      %swap3A_645 = vector.shape_cast %get3A_640 : vector<16xf32> to vector<1x16xf32>
      tpu.vector_store %arg9[%swap3A_641, %swap3A_642], %swap3A_645 {add = true, strides = array<i32>} : memref<16x768xf32, #tpu.memory_space<vmem>>, vector<1x16xf32>,
      %get3A_646 = arith.index_cast %scan3A_548 : i32 to index
      %get3A_647 = arith.constant 176 : index
      %get3A_648 = tpu.vector_load %arg15[%get3A_646, %get3A_647] {strides = array<i32>} : memref<16x768xf32, #tpu.memory_space<vmem>>, vector<1x16xf32>,
      %get3A_649 = vector.shape_cast %get3A_648 : vector<1x16xf32> to vector<16xf32>
      %swap3A_650 = arith.index_cast %scan3A_548 : i32 to index
      %swap3A_651 = arith.constant 176 : index
      %swap3A_652 = tpu.vector_load %arg9[%swap3A_650, %swap3A_651] {strides = array<i32>} : memref<16x768xf32, #tpu.memory_space<vmem>>, vector<1x16xf32>,
      %swap3A_653 = vector.shape_cast %swap3A_652 : vector<1x16xf32> to vector<16xf32>
      %swap3A_654 = vector.shape_cast %get3A_649 : vector<16xf32> to vector<1x16xf32>
      tpu.vector_store %arg9[%swap3A_650, %swap3A_651], %swap3A_654 {add = true, strides = array<i32>} : memref<16x768xf32, #tpu.memory_space<vmem>>, vector<1x16xf32>,
      %get3A_655 = arith.index_cast %scan3A_548 : i32 to index
      %get3A_656 = arith.constant 192 : index
      %get3A_657 = tpu.vector_load %arg15[%get3A_655, %get3A_656] {strides = array<i32>} : memref<16x768xf32, #tpu.memory_space<vmem>>, vector<1x16xf32>,
      %get3A_658 = vector.shape_cast %get3A_657 : vector<1x16xf32> to vector<16xf32>
      %swap3A_659 = arith.index_cast %scan3A_548 : i32 to index
      %swap3A_660 = arith.constant 192 : index
      %swap3A_661 = tpu.vector_load %arg9[%swap3A_659, %swap3A_660] {strides = array<i32>} : memref<16x768xf32, #tpu.memory_space<vmem>>, vector<1x16xf32>,
      %swap3A_662 = vector.shape_cast %swap3A_661 : vector<1x16xf32> to vector<16xf32>
      %swap3A_663 = vector.shape_cast %get3A_658 : vector<16xf32> to vector<1x16xf32>
      tpu.vector_store %arg9[%swap3A_659, %swap3A_660], %swap3A_663 {add = true, strides = array<i32>} : memref<16x768xf32, #tpu.memory_space<vmem>>, vector<1x16xf32>,
      %get3A_664 = arith.index_cast %scan3A_548 : i32 to index
      %get3A_665 = arith.constant 208 : index
      %get3A_666 = tpu.vector_load %arg15[%get3A_664, %get3A_665] {strides = array<i32>} : memref<16x768xf32, #tpu.memory_space<vmem>>, vector<1x16xf32>,
      %get3A_667 = vector.shape_cast %get3A_666 : vector<1x16xf32> to vector<16xf32>
      %swap3A_668 = arith.index_cast %scan3A_548 : i32 to index
      %swap3A_669 = arith.constant 208 : index
      %swap3A_670 = tpu.vector_load %arg9[%swap3A_668, %swap3A_669] {strides = array<i32>} : memref<16x768xf32, #tpu.memory_space<vmem>>, vector<1x16xf32>,
      %swap3A_671 = vector.shape_cast %swap3A_670 : vector<1x16xf32> to vector<16xf32>
      %swap3A_672 = vector.shape_cast %get3A_667 : vector<16xf32> to vector<1x16xf32>
      tpu.vector_store %arg9[%swap3A_668, %swap3A_669], %swap3A_672 {add = true, strides = array<i32>} : memref<16x768xf32, #tpu.memory_space<vmem>>, vector<1x16xf32>,
      %get3A_673 = arith.index_cast %scan3A_548 : i32 to index
      %get3A_674 = arith.constant 224 : index
      %get3A_675 = tpu.vector_load %arg15[%get3A_673, %get3A_674] {strides = array<i32>} : memref<16x768xf32, #tpu.memory_space<vmem>>, vector<1x16xf32>,
      %get3A_676 = vector.shape_cast %get3A_675 : vector<1x16xf32> to vector<16xf32>
      %swap3A_677 = arith.index_cast %scan3A_548 : i32 to index
      %swap3A_678 = arith.constant 224 : index
      %swap3A_679 = tpu.vector_load %arg9[%swap3A_677, %swap3A_678] {strides = array<i32>} : memref<16x768xf32, #tpu.memory_space<vmem>>, vector<1x16xf32>,
      %swap3A_680 = vector.shape_cast %swap3A_679 : vector<1x16xf32> to vector<16xf32>
      %swap3A_681 = vector.shape_cast %get3A_676 : vector<16xf32> to vector<1x16xf32>
      tpu.vector_store %arg9[%swap3A_677, %swap3A_678], %swap3A_681 {add = true, strides = array<i32>} : memref<16x768xf32, #tpu.memory_space<vmem>>, vector<1x16xf32>,
      %get3A_682 = arith.index_cast %scan3A_548 : i32 to index
      %get3A_683 = arith.constant 240 : index
      %get3A_684 = tpu.vector_load %arg15[%get3A_682, %get3A_683] {strides = array<i32>} : memref<16x768xf32, #tpu.memory_space<vmem>>, vector<1x16xf32>,
      %get3A_685 = vector.shape_cast %get3A_684 : vector<1x16xf32> to vector<16xf32>
      %swap3A_686 = arith.index_cast %scan3A_548 : i32 to index
      %swap3A_687 = arith.constant 240 : index
      %swap3A_688 = tpu.vector_load %arg9[%swap3A_686, %swap3A_687] {strides = array<i32>} : memref<16x768xf32, #tpu.memory_space<vmem>>, vector<1x16xf32>,
      %swap3A_689 = vector.shape_cast %swap3A_688 : vector<1x16xf32> to vector<16xf32>
      %swap3A_690 = vector.shape_cast %get3A_685 : vector<16xf32> to vector<1x16xf32>
      tpu.vector_store %arg9[%swap3A_686, %swap3A_687], %swap3A_690 {add = true, strides = array<i32>} : memref<16x768xf32, #tpu.memory_space<vmem>>, vector<1x16xf32>,
      %get3A_691 = arith.index_cast %scan3A_548 : i32 to index
      %get3A_692 = arith.constant 256 : index
      %get3A_693 = tpu.vector_load %arg15[%get3A_691, %get3A_692] {strides = array<i32>} : memref<16x768xf32, #tpu.memory_space<vmem>>, vector<1x16xf32>,
      %get3A_694 = vector.shape_cast %get3A_693 : vector<1x16xf32> to vector<16xf32>
      %swap3A_695 = arith.index_cast %scan3A_548 : i32 to index
      %swap3A_696 = arith.constant 256 : index
      %swap3A_697 = tpu.vector_load %arg9[%swap3A_695, %swap3A_696] {strides = array<i32>} : memref<16x768xf32, #tpu.memory_space<vmem>>, vector<1x16xf32>,
      %swap3A_698 = vector.shape_cast %swap3A_697 : vector<1x16xf32> to vector<16xf32>
      %swap3A_699 = vector.shape_cast %get3A_694 : vector<16xf32> to vector<1x16xf32>
      tpu.vector_store %arg9[%swap3A_695, %swap3A_696], %swap3A_699 {add = true, strides = array<i32>} : memref<16x768xf32, #tpu.memory_space<vmem>>, vector<1x16xf32>,
      %get3A_700 = arith.index_cast %scan3A_548 : i32 to index
      %get3A_701 = arith.constant 272 : index
      %get3A_702 = tpu.vector_load %arg15[%get3A_700, %get3A_701] {strides = array<i32>} : memref<16x768xf32, #tpu.memory_space<vmem>>, vector<1x16xf32>,
      %get3A_703 = vector.shape_cast %get3A_702 : vector<1x16xf32> to vector<16xf32>
      %swap3A_704 = arith.index_cast %scan3A_548 : i32 to index
      %swap3A_705 = arith.constant 272 : index
      %swap3A_706 = tpu.vector_load %arg9[%swap3A_704, %swap3A_705] {strides = array<i32>} : memref<16x768xf32, #tpu.memory_space<vmem>>, vector<1x16xf32>,
      %swap3A_707 = vector.shape_cast %swap3A_706 : vector<1x16xf32> to vector<16xf32>
      %swap3A_708 = vector.shape_cast %get3A_703 : vector<16xf32> to vector<1x16xf32>
      tpu.vector_store %arg9[%swap3A_704, %swap3A_705], %swap3A_708 {add = true, strides = array<i32>} : memref<16x768xf32, #tpu.memory_space<vmem>>, vector<1x16xf32>,
      %get3A_709 = arith.index_cast %scan3A_548 : i32 to index
      %get3A_710 = arith.constant 288 : index
      %get3A_711 = tpu.vector_load %arg15[%get3A_709, %get3A_710] {strides = array<i32>} : memref<16x768xf32, #tpu.memory_space<vmem>>, vector<1x16xf32>,
      %get3A_712 = vector.shape_cast %get3A_711 : vector<1x16xf32> to vector<16xf32>
      %swap3A_713 = arith.index_cast %scan3A_548 : i32 to index
      %swap3A_714 = arith.constant 288 : index
      %swap3A_715 = tpu.vector_load %arg9[%swap3A_713, %swap3A_714] {strides = array<i32>} : memref<16x768xf32, #tpu.memory_space<vmem>>, vector<1x16xf32>,
      %swap3A_716 = vector.shape_cast %swap3A_715 : vector<1x16xf32> to vector<16xf32>
      %swap3A_717 = vector.shape_cast %get3A_712 : vector<16xf32> to vector<1x16xf32>
      tpu.vector_store %arg9[%swap3A_713, %swap3A_714], %swap3A_717 {add = true, strides = array<i32>} : memref<16x768xf32, #tpu.memory_space<vmem>>, vector<1x16xf32>,
      %get3A_718 = arith.index_cast %scan3A_548 : i32 to index
      %get3A_719 = arith.constant 304 : index
      %get3A_720 = tpu.vector_load %arg15[%get3A_718, %get3A_719] {strides = array<i32>} : memref<16x768xf32, #tpu.memory_space<vmem>>, vector<1x16xf32>,
      %get3A_721 = vector.shape_cast %get3A_720 : vector<1x16xf32> to vector<16xf32>
      %swap3A_722 = arith.index_cast %scan3A_548 : i32 to index
      %swap3A_723 = arith.constant 304 : index
      %swap3A_724 = tpu.vector_load %arg9[%swap3A_722, %swap3A_723] {strides = array<i32>} : memref<16x768xf32, #tpu.memory_space<vmem>>, vector<1x16xf32>,
      %swap3A_725 = vector.shape_cast %swap3A_724 : vector<1x16xf32> to vector<16xf32>
      %swap3A_726 = vector.shape_cast %get3A_721 : vector<16xf32> to vector<1x16xf32>
      tpu.vector_store %arg9[%swap3A_722, %swap3A_723], %swap3A_726 {add = true, strides = array<i32>} : memref<16x768xf32, #tpu.memory_space<vmem>>, vector<1x16xf32>,
      %get3A_727 = arith.index_cast %scan3A_548 : i32 to index
      %get3A_728 = arith.constant 320 : index
      %get3A_729 = tpu.vector_load %arg15[%get3A_727, %get3A_728] {strides = array<i32>} : memref<16x768xf32, #tpu.memory_space<vmem>>, vector<1x16xf32>,
      %get3A_730 = vector.shape_cast %get3A_729 : vector<1x16xf32> to vector<16xf32>
      %swap3A_731 = arith.index_cast %scan3A_548 : i32 to index
      %swap3A_732 = arith.constant 320 : index
      %swap3A_733 = tpu.vector_load %arg9[%swap3A_731, %swap3A_732] {strides = array<i32>} : memref<16x768xf32, #tpu.memory_space<vmem>>, vector<1x16xf32>,
      %swap3A_734 = vector.shape_cast %swap3A_733 : vector<1x16xf32> to vector<16xf32>
      %swap3A_735 = vector.shape_cast %get3A_730 : vector<16xf32> to vector<1x16xf32>
      tpu.vector_store %arg9[%swap3A_731, %swap3A_732], %swap3A_735 {add = true, strides = array<i32>} : memref<16x768xf32, #tpu.memory_space<vmem>>, vector<1x16xf32>,
      %get3A_736 = arith.index_cast %scan3A_548 : i32 to index
      %get3A_737 = arith.constant 336 : index
      %get3A_738 = tpu.vector_load %arg15[%get3A_736, %get3A_737] {strides = array<i32>} : memref<16x768xf32, #tpu.memory_space<vmem>>, vector<1x16xf32>,
      %get3A_739 = vector.shape_cast %get3A_738 : vector<1x16xf32> to vector<16xf32>
      %swap3A_740 = arith.index_cast %scan3A_548 : i32 to index
      %swap3A_741 = arith.constant 336 : index
      %swap3A_742 = tpu.vector_load %arg9[%swap3A_740, %swap3A_741] {strides = array<i32>} : memref<16x768xf32, #tpu.memory_space<vmem>>, vector<1x16xf32>,
      %swap3A_743 = vector.shape_cast %swap3A_742 : vector<1x16xf32> to vector<16xf32>
      %swap3A_744 = vector.shape_cast %get3A_739 : vector<16xf32> to vector<1x16xf32>
      tpu.vector_store %arg9[%swap3A_740, %swap3A_741], %swap3A_744 {add = true, strides = array<i32>} : memref<16x768xf32, #tpu.memory_space<vmem>>, vector<1x16xf32>,
      %get3A_745 = arith.index_cast %scan3A_548 : i32 to index
      %get3A_746 = arith.constant 352 : index
      %get3A_747 = tpu.vector_load %arg15[%get3A_745, %get3A_746] {strides = array<i32>} : memref<16x768xf32, #tpu.memory_space<vmem>>, vector<1x16xf32>,
      %get3A_748 = vector.shape_cast %get3A_747 : vector<1x16xf32> to vector<16xf32>
      %swap3A_749 = arith.index_cast %scan3A_548 : i32 to index
      %swap3A_750 = arith.constant 352 : index
      %swap3A_751 = tpu.vector_load %arg9[%swap3A_749, %swap3A_750] {strides = array<i32>} : memref<16x768xf32, #tpu.memory_space<vmem>>, vector<1x16xf32>,
      %swap3A_752 = vector.shape_cast %swap3A_751 : vector<1x16xf32> to vector<16xf32>
      %swap3A_753 = vector.shape_cast %get3A_748 : vector<16xf32> to vector<1x16xf32>
      tpu.vector_store %arg9[%swap3A_749, %swap3A_750], %swap3A_753 {add = true, strides = array<i32>} : memref<16x768xf32, #tpu.memory_space<vmem>>, vector<1x16xf32>,
      %get3A_754 = arith.index_cast %scan3A_548 : i32 to index
      %get3A_755 = arith.constant 368 : index
      %get3A_756 = tpu.vector_load %arg15[%get3A_754, %get3A_755] {strides = array<i32>} : memref<16x768xf32, #tpu.memory_space<vmem>>, vector<1x16xf32>,
      %get3A_757 = vector.shape_cast %get3A_756 : vector<1x16xf32> to vector<16xf32>
      %swap3A_758 = arith.index_cast %scan3A_548 : i32 to index
      %swap3A_759 = arith.constant 368 : index
      %swap3A_760 = tpu.vector_load %arg9[%swap3A_758, %swap3A_759] {strides = array<i32>} : memref<16x768xf32, #tpu.memory_space<vmem>>, vector<1x16xf32>,
      %swap3A_761 = vector.shape_cast %swap3A_760 : vector<1x16xf32> to vector<16xf32>
      %swap3A_762 = vector.shape_cast %get3A_757 : vector<16xf32> to vector<1x16xf32>
      tpu.vector_store %arg9[%swap3A_758, %swap3A_759], %swap3A_762 {add = true, strides = array<i32>} : memref<16x768xf32, #tpu.memory_space<vmem>>, vector<1x16xf32>,
      %get3A_763 = arith.index_cast %scan3A_548 : i32 to index
      %get3A_764 = arith.constant 384 : index
      %get3A_765 = tpu.vector_load %arg15[%get3A_763, %get3A_764] {strides = array<i32>} : memref<16x768xf32, #tpu.memory_space<vmem>>, vector<1x16xf32>,
      %get3A_766 = vector.shape_cast %get3A_765 : vector<1x16xf32> to vector<16xf32>
      %swap3A_767 = arith.index_cast %scan3A_548 : i32 to index
      %swap3A_768 = arith.constant 384 : index
      %swap3A_769 = tpu.vector_load %arg9[%swap3A_767, %swap3A_768] {strides = array<i32>} : memref<16x768xf32, #tpu.memory_space<vmem>>, vector<1x16xf32>,
      %swap3A_770 = vector.shape_cast %swap3A_769 : vector<1x16xf32> to vector<16xf32>
      %swap3A_771 = vector.shape_cast %get3A_766 : vector<16xf32> to vector<1x16xf32>
      tpu.vector_store %arg9[%swap3A_767, %swap3A_768], %swap3A_771 {add = true, strides = array<i32>} : memref<16x768xf32, #tpu.memory_space<vmem>>, vector<1x16xf32>,
      %get3A_772 = arith.index_cast %scan3A_548 : i32 to index
      %get3A_773 = arith.constant 400 : index
      %get3A_774 = tpu.vector_load %arg15[%get3A_772, %get3A_773] {strides = array<i32>} : memref<16x768xf32, #tpu.memory_space<vmem>>, vector<1x16xf32>,
      %get3A_775 = vector.shape_cast %get3A_774 : vector<1x16xf32> to vector<16xf32>
      %swap3A_776 = arith.index_cast %scan3A_548 : i32 to index
      %swap3A_777 = arith.constant 400 : index
      %swap3A_778 = tpu.vector_load %arg9[%swap3A_776, %swap3A_777] {strides = array<i32>} : memref<16x768xf32, #tpu.memory_space<vmem>>, vector<1x16xf32>,
      %swap3A_779 = vector.shape_cast %swap3A_778 : vector<1x16xf32> to vector<16xf32>
      %swap3A_780 = vector.shape_cast %get3A_775 : vector<16xf32> to vector<1x16xf32>
      tpu.vector_store %arg9[%swap3A_776, %swap3A_777], %swap3A_780 {add = true, strides = array<i32>} : memref<16x768xf32, #tpu.memory_space<vmem>>, vector<1x16xf32>,
      %get3A_781 = arith.index_cast %scan3A_548 : i32 to index
      %get3A_782 = arith.constant 416 : index
      %get3A_783 = tpu.vector_load %arg15[%get3A_781, %get3A_782] {strides = array<i32>} : memref<16x768xf32, #tpu.memory_space<vmem>>, vector<1x16xf32>,
      %get3A_784 = vector.shape_cast %get3A_783 : vector<1x16xf32> to vector<16xf32>
      %swap3A_785 = arith.index_cast %scan3A_548 : i32 to index
      %swap3A_786 = arith.constant 416 : index
      %swap3A_787 = tpu.vector_load %arg9[%swap3A_785, %swap3A_786] {strides = array<i32>} : memref<16x768xf32, #tpu.memory_space<vmem>>, vector<1x16xf32>,
      %swap3A_788 = vector.shape_cast %swap3A_787 : vector<1x16xf32> to vector<16xf32>
      %swap3A_789 = vector.shape_cast %get3A_784 : vector<16xf32> to vector<1x16xf32>
      tpu.vector_store %arg9[%swap3A_785, %swap3A_786], %swap3A_789 {add = true, strides = array<i32>} : memref<16x768xf32, #tpu.memory_space<vmem>>, vector<1x16xf32>,
      %get3A_790 = arith.index_cast %scan3A_548 : i32 to index
      %get3A_791 = arith.constant 432 : index
      %get3A_792 = tpu.vector_load %arg15[%get3A_790, %get3A_791] {strides = array<i32>} : memref<16x768xf32, #tpu.memory_space<vmem>>, vector<1x16xf32>,
      %get3A_793 = vector.shape_cast %get3A_792 : vector<1x16xf32> to vector<16xf32>
      %swap3A_794 = arith.index_cast %scan3A_548 : i32 to index
      %swap3A_795 = arith.constant 432 : index
      %swap3A_796 = tpu.vector_load %arg9[%swap3A_794, %swap3A_795] {strides = array<i32>} : memref<16x768xf32, #tpu.memory_space<vmem>>, vector<1x16xf32>,
      %swap3A_797 = vector.shape_cast %swap3A_796 : vector<1x16xf32> to vector<16xf32>
      %swap3A_798 = vector.shape_cast %get3A_793 : vector<16xf32> to vector<1x16xf32>
      tpu.vector_store %arg9[%swap3A_794, %swap3A_795], %swap3A_798 {add = true, strides = array<i32>} : memref<16x768xf32, #tpu.memory_space<vmem>>, vector<1x16xf32>,
      %get3A_799 = arith.index_cast %scan3A_548 : i32 to index
      %get3A_800 = arith.constant 448 : index
      %get3A_801 = tpu.vector_load %arg15[%get3A_799, %get3A_800] {strides = array<i32>} : memref<16x768xf32, #tpu.memory_space<vmem>>, vector<1x16xf32>,
      %get3A_802 = vector.shape_cast %get3A_801 : vector<1x16xf32> to vector<16xf32>
      %swap3A_803 = arith.index_cast %scan3A_548 : i32 to index
      %swap3A_804 = arith.constant 448 : index
      %swap3A_805 = tpu.vector_load %arg9[%swap3A_803, %swap3A_804] {strides = array<i32>} : memref<16x768xf32, #tpu.memory_space<vmem>>, vector<1x16xf32>,
      %swap3A_806 = vector.shape_cast %swap3A_805 : vector<1x16xf32> to vector<16xf32>
      %swap3A_807 = vector.shape_cast %get3A_802 : vector<16xf32> to vector<1x16xf32>
      tpu.vector_store %arg9[%swap3A_803, %swap3A_804], %swap3A_807 {add = true, strides = array<i32>} : memref<16x768xf32, #tpu.memory_space<vmem>>, vector<1x16xf32>,
      %get3A_808 = arith.index_cast %scan3A_548 : i32 to index
      %get3A_809 = arith.constant 464 : index
      %get3A_810 = tpu.vector_load %arg15[%get3A_808, %get3A_809] {strides = array<i32>} : memref<16x768xf32, #tpu.memory_space<vmem>>, vector<1x16xf32>,
      %get3A_811 = vector.shape_cast %get3A_810 : vector<1x16xf32> to vector<16xf32>
      %swap3A_812 = arith.index_cast %scan3A_548 : i32 to index
      %swap3A_813 = arith.constant 464 : index
      %swap3A_814 = tpu.vector_load %arg9[%swap3A_812, %swap3A_813] {strides = array<i32>} : memref<16x768xf32, #tpu.memory_space<vmem>>, vector<1x16xf32>,
      %swap3A_815 = vector.shape_cast %swap3A_814 : vector<1x16xf32> to vector<16xf32>
      %swap3A_816 = vector.shape_cast %get3A_811 : vector<16xf32> to vector<1x16xf32>
      tpu.vector_store %arg9[%swap3A_812, %swap3A_813], %swap3A_816 {add = true, strides = array<i32>} : memref<16x768xf32, #tpu.memory_space<vmem>>, vector<1x16xf32>,
      %get3A_817 = arith.index_cast %scan3A_548 : i32 to index
      %get3A_818 = arith.constant 480 : index
      %get3A_819 = tpu.vector_load %arg15[%get3A_817, %get3A_818] {strides = array<i32>} : memref<16x768xf32, #tpu.memory_space<vmem>>, vector<1x16xf32>,
      %get3A_820 = vector.shape_cast %get3A_819 : vector<1x16xf32> to vector<16xf32>
      %swap3A_821 = arith.index_cast %scan3A_548 : i32 to index
      %swap3A_822 = arith.constant 480 : index
      %swap3A_823 = tpu.vector_load %arg9[%swap3A_821, %swap3A_822] {strides = array<i32>} : memref<16x768xf32, #tpu.memory_space<vmem>>, vector<1x16xf32>,
      %swap3A_824 = vector.shape_cast %swap3A_823 : vector<1x16xf32> to vector<16xf32>
      %swap3A_825 = vector.shape_cast %get3A_820 : vector<16xf32> to vector<1x16xf32>
      tpu.vector_store %arg9[%swap3A_821, %swap3A_822], %swap3A_825 {add = true, strides = array<i32>} : memref<16x768xf32, #tpu.memory_space<vmem>>, vector<1x16xf32>,
      %get3A_826 = arith.index_cast %scan3A_548 : i32 to index
      %get3A_827 = arith.constant 496 : index
      %get3A_828 = tpu.vector_load %arg15[%get3A_826, %get3A_827] {strides = array<i32>} : memref<16x768xf32, #tpu.memory_space<vmem>>, vector<1x16xf32>,
      %get3A_829 = vector.shape_cast %get3A_828 : vector<1x16xf32> to vector<16xf32>
      %swap3A_830 = arith.index_cast %scan3A_548 : i32 to index
      %swap3A_831 = arith.constant 496 : index
      %swap3A_832 = tpu.vector_load %arg9[%swap3A_830, %swap3A_831] {strides = array<i32>} : memref<16x768xf32, #tpu.memory_space<vmem>>, vector<1x16xf32>,
      %swap3A_833 = vector.shape_cast %swap3A_832 : vector<1x16xf32> to vector<16xf32>
      %swap3A_834 = vector.shape_cast %get3A_829 : vector<16xf32> to vector<1x16xf32>
      tpu.vector_store %arg9[%swap3A_830, %swap3A_831], %swap3A_834 {add = true, strides = array<i32>} : memref<16x768xf32, #tpu.memory_space<vmem>>, vector<1x16xf32>,
      %get3A_835 = arith.index_cast %scan3A_548 : i32 to index
      %get3A_836 = arith.constant 512 : index
      %get3A_837 = tpu.vector_load %arg15[%get3A_835, %get3A_836] {strides = array<i32>} : memref<16x768xf32, #tpu.memory_space<vmem>>, vector<1x16xf32>,
      %get3A_838 = vector.shape_cast %get3A_837 : vector<1x16xf32> to vector<16xf32>
      %swap3A_839 = arith.index_cast %scan3A_548 : i32 to index
      %swap3A_840 = arith.constant 512 : index
      %swap3A_841 = tpu.vector_load %arg9[%swap3A_839, %swap3A_840] {strides = array<i32>} : memref<16x768xf32, #tpu.memory_space<vmem>>, vector<1x16xf32>,
      %swap3A_842 = vector.shape_cast %swap3A_841 : vector<1x16xf32> to vector<16xf32>
      %swap3A_843 = vector.shape_cast %get3A_838 : vector<16xf32> to vector<1x16xf32>
      tpu.vector_store %arg9[%swap3A_839, %swap3A_840], %swap3A_843 {add = true, strides = array<i32>} : memref<16x768xf32, #tpu.memory_space<vmem>>, vector<1x16xf32>,
      %get3A_844 = arith.index_cast %scan3A_548 : i32 to index
      %get3A_845 = arith.constant 528 : index
      %get3A_846 = tpu.vector_load %arg15[%get3A_844, %get3A_845] {strides = array<i32>} : memref<16x768xf32, #tpu.memory_space<vmem>>, vector<1x16xf32>,
      %get3A_847 = vector.shape_cast %get3A_846 : vector<1x16xf32> to vector<16xf32>
      %swap3A_848 = arith.index_cast %scan3A_548 : i32 to index
      %swap3A_849 = arith.constant 528 : index
      %swap3A_850 = tpu.vector_load %arg9[%swap3A_848, %swap3A_849] {strides = array<i32>} : memref<16x768xf32, #tpu.memory_space<vmem>>, vector<1x16xf32>,
      %swap3A_851 = vector.shape_cast %swap3A_850 : vector<1x16xf32> to vector<16xf32>
      %swap3A_852 = vector.shape_cast %get3A_847 : vector<16xf32> to vector<1x16xf32>
      tpu.vector_store %arg9[%swap3A_848, %swap3A_849], %swap3A_852 {add = true, strides = array<i32>} : memref<16x768xf32, #tpu.memory_space<vmem>>, vector<1x16xf32>,
      %get3A_853 = arith.index_cast %scan3A_548 : i32 to index
      %get3A_854 = arith.constant 544 : index
      %get3A_855 = tpu.vector_load %arg15[%get3A_853, %get3A_854] {strides = array<i32>} : memref<16x768xf32, #tpu.memory_space<vmem>>, vector<1x16xf32>,
      %get3A_856 = vector.shape_cast %get3A_855 : vector<1x16xf32> to vector<16xf32>
      %swap3A_857 = arith.index_cast %scan3A_548 : i32 to index
      %swap3A_858 = arith.constant 544 : index
      %swap3A_859 = tpu.vector_load %arg9[%swap3A_857, %swap3A_858] {strides = array<i32>} : memref<16x768xf32, #tpu.memory_space<vmem>>, vector<1x16xf32>,
      %swap3A_860 = vector.shape_cast %swap3A_859 : vector<1x16xf32> to vector<16xf32>
      %swap3A_861 = vector.shape_cast %get3A_856 : vector<16xf32> to vector<1x16xf32>
      tpu.vector_store %arg9[%swap3A_857, %swap3A_858], %swap3A_861 {add = true, strides = array<i32>} : memref<16x768xf32, #tpu.memory_space<vmem>>, vector<1x16xf32>,
      %get3A_862 = arith.index_cast %scan3A_548 : i32 to index
      %get3A_863 = arith.constant 560 : index
      %get3A_864 = tpu.vector_load %arg15[%get3A_862, %get3A_863] {strides = array<i32>} : memref<16x768xf32, #tpu.memory_space<vmem>>, vector<1x16xf32>,
      %get3A_865 = vector.shape_cast %get3A_864 : vector<1x16xf32> to vector<16xf32>
      %swap3A_866 = arith.index_cast %scan3A_548 : i32 to index
      %swap3A_867 = arith.constant 560 : index
      %swap3A_868 = tpu.vector_load %arg9[%swap3A_866, %swap3A_867] {strides = array<i32>} : memref<16x768xf32, #tpu.memory_space<vmem>>, vector<1x16xf32>,
      %swap3A_869 = vector.shape_cast %swap3A_868 : vector<1x16xf32> to vector<16xf32>
      %swap3A_870 = vector.shape_cast %get3A_865 : vector<16xf32> to vector<1x16xf32>
      tpu.vector_store %arg9[%swap3A_866, %swap3A_867], %swap3A_870 {add = true, strides = array<i32>} : memref<16x768xf32, #tpu.memory_space<vmem>>, vector<1x16xf32>,
      %get3A_871 = arith.index_cast %scan3A_548 : i32 to index
      %get3A_872 = arith.constant 576 : index
      %get3A_873 = tpu.vector_load %arg15[%get3A_871, %get3A_872] {strides = array<i32>} : memref<16x768xf32, #tpu.memory_space<vmem>>, vector<1x16xf32>,
      %get3A_874 = vector.shape_cast %get3A_873 : vector<1x16xf32> to vector<16xf32>
      %swap3A_875 = arith.index_cast %scan3A_548 : i32 to index
      %swap3A_876 = arith.constant 576 : index
      %swap3A_877 = tpu.vector_load %arg9[%swap3A_875, %swap3A_876] {strides = array<i32>} : memref<16x768xf32, #tpu.memory_space<vmem>>, vector<1x16xf32>,
      %swap3A_878 = vector.shape_cast %swap3A_877 : vector<1x16xf32> to vector<16xf32>
      %swap3A_879 = vector.shape_cast %get3A_874 : vector<16xf32> to vector<1x16xf32>
      tpu.vector_store %arg9[%swap3A_875, %swap3A_876], %swap3A_879 {add = true, strides = array<i32>} : memref<16x768xf32, #tpu.memory_space<vmem>>, vector<1x16xf32>,
      %get3A_880 = arith.index_cast %scan3A_548 : i32 to index
      %get3A_881 = arith.constant 592 : index
      %get3A_882 = tpu.vector_load %arg15[%get3A_880, %get3A_881] {strides = array<i32>} : memref<16x768xf32, #tpu.memory_space<vmem>>, vector<1x16xf32>,
      %get3A_883 = vector.shape_cast %get3A_882 : vector<1x16xf32> to vector<16xf32>
      %swap3A_884 = arith.index_cast %scan3A_548 : i32 to index
      %swap3A_885 = arith.constant 592 : index
      %swap3A_886 = tpu.vector_load %arg9[%swap3A_884, %swap3A_885] {strides = array<i32>} : memref<16x768xf32, #tpu.memory_space<vmem>>, vector<1x16xf32>,
      %swap3A_887 = vector.shape_cast %swap3A_886 : vector<1x16xf32> to vector<16xf32>
      %swap3A_888 = vector.shape_cast %get3A_883 : vector<16xf32> to vector<1x16xf32>
      tpu.vector_store %arg9[%swap3A_884, %swap3A_885], %swap3A_888 {add = true, strides = array<i32>} : memref<16x768xf32, #tpu.memory_space<vmem>>, vector<1x16xf32>,
      %get3A_889 = arith.index_cast %scan3A_548 : i32 to index
      %get3A_890 = arith.constant 608 : index
      %get3A_891 = tpu.vector_load %arg15[%get3A_889, %get3A_890] {strides = array<i32>} : memref<16x768xf32, #tpu.memory_space<vmem>>, vector<1x16xf32>,
      %get3A_892 = vector.shape_cast %get3A_891 : vector<1x16xf32> to vector<16xf32>
      %swap3A_893 = arith.index_cast %scan3A_548 : i32 to index
      %swap3A_894 = arith.constant 608 : index
      %swap3A_895 = tpu.vector_load %arg9[%swap3A_893, %swap3A_894] {strides = array<i32>} : memref<16x768xf32, #tpu.memory_space<vmem>>, vector<1x16xf32>,
      %swap3A_896 = vector.shape_cast %swap3A_895 : vector<1x16xf32> to vector<16xf32>
      %swap3A_897 = vector.shape_cast %get3A_892 : vector<16xf32> to vector<1x16xf32>
      tpu.vector_store %arg9[%swap3A_893, %swap3A_894], %swap3A_897 {add = true, strides = array<i32>} : memref<16x768xf32, #tpu.memory_space<vmem>>, vector<1x16xf32>,
      %get3A_898 = arith.index_cast %scan3A_548 : i32 to index
      %get3A_899 = arith.constant 624 : index
      %get3A_900 = tpu.vector_load %arg15[%get3A_898, %get3A_899] {strides = array<i32>} : memref<16x768xf32, #tpu.memory_space<vmem>>, vector<1x16xf32>,
      %get3A_901 = vector.shape_cast %get3A_900 : vector<1x16xf32> to vector<16xf32>
      %swap3A_902 = arith.index_cast %scan3A_548 : i32 to index
      %swap3A_903 = arith.constant 624 : index
      %swap3A_904 = tpu.vector_load %arg9[%swap3A_902, %swap3A_903] {strides = array<i32>} : memref<16x768xf32, #tpu.memory_space<vmem>>, vector<1x16xf32>,
      %swap3A_905 = vector.shape_cast %swap3A_904 : vector<1x16xf32> to vector<16xf32>
      %swap3A_906 = vector.shape_cast %get3A_901 : vector<16xf32> to vector<1x16xf32>
      tpu.vector_store %arg9[%swap3A_902, %swap3A_903], %swap3A_906 {add = true, strides = array<i32>} : memref<16x768xf32, #tpu.memory_space<vmem>>, vector<1x16xf32>,
      %get3A_907 = arith.index_cast %scan3A_548 : i32 to index
      %get3A_908 = arith.constant 640 : index
      %get3A_909 = tpu.vector_load %arg15[%get3A_907, %get3A_908] {strides = array<i32>} : memref<16x768xf32, #tpu.memory_space<vmem>>, vector<1x16xf32>,
      %get3A_910 = vector.shape_cast %get3A_909 : vector<1x16xf32> to vector<16xf32>
      %swap3A_911 = arith.index_cast %scan3A_548 : i32 to index
      %swap3A_912 = arith.constant 640 : index
      %swap3A_913 = tpu.vector_load %arg9[%swap3A_911, %swap3A_912] {strides = array<i32>} : memref<16x768xf32, #tpu.memory_space<vmem>>, vector<1x16xf32>,
      %swap3A_914 = vector.shape_cast %swap3A_913 : vector<1x16xf32> to vector<16xf32>
      %swap3A_915 = vector.shape_cast %get3A_910 : vector<16xf32> to vector<1x16xf32>
      tpu.vector_store %arg9[%swap3A_911, %swap3A_912], %swap3A_915 {add = true, strides = array<i32>} : memref<16x768xf32, #tpu.memory_space<vmem>>, vector<1x16xf32>,
      %get3A_916 = arith.index_cast %scan3A_548 : i32 to index
      %get3A_917 = arith.constant 656 : index
      %get3A_918 = tpu.vector_load %arg15[%get3A_916, %get3A_917] {strides = array<i32>} : memref<16x768xf32, #tpu.memory_space<vmem>>, vector<1x16xf32>,
      %get3A_919 = vector.shape_cast %get3A_918 : vector<1x16xf32> to vector<16xf32>
      %swap3A_920 = arith.index_cast %scan3A_548 : i32 to index
      %swap3A_921 = arith.constant 656 : index
      %swap3A_922 = tpu.vector_load %arg9[%swap3A_920, %swap3A_921] {strides = array<i32>} : memref<16x768xf32, #tpu.memory_space<vmem>>, vector<1x16xf32>,
      %swap3A_923 = vector.shape_cast %swap3A_922 : vector<1x16xf32> to vector<16xf32>
      %swap3A_924 = vector.shape_cast %get3A_919 : vector<16xf32> to vector<1x16xf32>
      tpu.vector_store %arg9[%swap3A_920, %swap3A_921], %swap3A_924 {add = true, strides = array<i32>} : memref<16x768xf32, #tpu.memory_space<vmem>>, vector<1x16xf32>,
      %get3A_925 = arith.index_cast %scan3A_548 : i32 to index
      %get3A_926 = arith.constant 672 : index
      %get3A_927 = tpu.vector_load %arg15[%get3A_925, %get3A_926] {strides = array<i32>} : memref<16x768xf32, #tpu.memory_space<vmem>>, vector<1x16xf32>,
      %get3A_928 = vector.shape_cast %get3A_927 : vector<1x16xf32> to vector<16xf32>
      %swap3A_929 = arith.index_cast %scan3A_548 : i32 to index
      %swap3A_930 = arith.constant 672 : index
      %swap3A_931 = tpu.vector_load %arg9[%swap3A_929, %swap3A_930] {strides = array<i32>} : memref<16x768xf32, #tpu.memory_space<vmem>>, vector<1x16xf32>,
      %swap3A_932 = vector.shape_cast %swap3A_931 : vector<1x16xf32> to vector<16xf32>
      %swap3A_933 = vector.shape_cast %get3A_928 : vector<16xf32> to vector<1x16xf32>
      tpu.vector_store %arg9[%swap3A_929, %swap3A_930], %swap3A_933 {add = true, strides = array<i32>} : memref<16x768xf32, #tpu.memory_space<vmem>>, vector<1x16xf32>,
      %get3A_934 = arith.index_cast %scan3A_548 : i32 to index
      %get3A_935 = arith.constant 688 : index
      %get3A_936 = tpu.vector_load %arg15[%get3A_934, %get3A_935] {strides = array<i32>} : memref<16x768xf32, #tpu.memory_space<vmem>>, vector<1x16xf32>,
      %get3A_937 = vector.shape_cast %get3A_936 : vector<1x16xf32> to vector<16xf32>
      %swap3A_938 = arith.index_cast %scan3A_548 : i32 to index
      %swap3A_939 = arith.constant 688 : index
      %swap3A_940 = tpu.vector_load %arg9[%swap3A_938, %swap3A_939] {strides = array<i32>} : memref<16x768xf32, #tpu.memory_space<vmem>>, vector<1x16xf32>,
      %swap3A_941 = vector.shape_cast %swap3A_940 : vector<1x16xf32> to vector<16xf32>
      %swap3A_942 = vector.shape_cast %get3A_937 : vector<16xf32> to vector<1x16xf32>
      tpu.vector_store %arg9[%swap3A_938, %swap3A_939], %swap3A_942 {add = true, strides = array<i32>} : memref<16x768xf32, #tpu.memory_space<vmem>>, vector<1x16xf32>,
      %get3A_943 = arith.index_cast %scan3A_548 : i32 to index
      %get3A_944 = arith.constant 704 : index
      %get3A_945 = tpu.vector_load %arg15[%get3A_943, %get3A_944] {strides = array<i32>} : memref<16x768xf32, #tpu.memory_space<vmem>>, vector<1x16xf32>,
      %get3A_946 = vector.shape_cast %get3A_945 : vector<1x16xf32> to vector<16xf32>
      %swap3A_947 = arith.index_cast %scan3A_548 : i32 to index
      %swap3A_948 = arith.constant 704 : index
      %swap3A_949 = tpu.vector_load %arg9[%swap3A_947, %swap3A_948] {strides = array<i32>} : memref<16x768xf32, #tpu.memory_space<vmem>>, vector<1x16xf32>,
      %swap3A_950 = vector.shape_cast %swap3A_949 : vector<1x16xf32> to vector<16xf32>
      %swap3A_951 = vector.shape_cast %get3A_946 : vector<16xf32> to vector<1x16xf32>
      tpu.vector_store %arg9[%swap3A_947, %swap3A_948], %swap3A_951 {add = true, strides = array<i32>} : memref<16x768xf32, #tpu.memory_space<vmem>>, vector<1x16xf32>,
      %get3A_952 = arith.index_cast %scan3A_548 : i32 to index
      %get3A_953 = arith.constant 720 : index
      %get3A_954 = tpu.vector_load %arg15[%get3A_952, %get3A_953] {strides = array<i32>} : memref<16x768xf32, #tpu.memory_space<vmem>>, vector<1x16xf32>,
      %get3A_955 = vector.shape_cast %get3A_954 : vector<1x16xf32> to vector<16xf32>
      %swap3A_956 = arith.index_cast %scan3A_548 : i32 to index
      %swap3A_957 = arith.constant 720 : index
      %swap3A_958 = tpu.vector_load %arg9[%swap3A_956, %swap3A_957] {strides = array<i32>} : memref<16x768xf32, #tpu.memory_space<vmem>>, vector<1x16xf32>,
      %swap3A_959 = vector.shape_cast %swap3A_958 : vector<1x16xf32> to vector<16xf32>
      %swap3A_960 = vector.shape_cast %get3A_955 : vector<16xf32> to vector<1x16xf32>
      tpu.vector_store %arg9[%swap3A_956, %swap3A_957], %swap3A_960 {add = true, strides = array<i32>} : memref<16x768xf32, #tpu.memory_space<vmem>>, vector<1x16xf32>,
      %get3A_961 = arith.index_cast %scan3A_548 : i32 to index
      %get3A_962 = arith.constant 736 : index
      %get3A_963 = tpu.vector_load %arg15[%get3A_961, %get3A_962] {strides = array<i32>} : memref<16x768xf32, #tpu.memory_space<vmem>>, vector<1x16xf32>,
      %get3A_964 = vector.shape_cast %get3A_963 : vector<1x16xf32> to vector<16xf32>
      %swap3A_965 = arith.index_cast %scan3A_548 : i32 to index
      %swap3A_966 = arith.constant 736 : index
      %swap3A_967 = tpu.vector_load %arg9[%swap3A_965, %swap3A_966] {strides = array<i32>} : memref<16x768xf32, #tpu.memory_space<vmem>>, vector<1x16xf32>,
      %swap3A_968 = vector.shape_cast %swap3A_967 : vector<1x16xf32> to vector<16xf32>
      %swap3A_969 = vector.shape_cast %get3A_964 : vector<16xf32> to vector<1x16xf32>
      tpu.vector_store %arg9[%swap3A_965, %swap3A_966], %swap3A_969 {add = true, strides = array<i32>} : memref<16x768xf32, #tpu.memory_space<vmem>>, vector<1x16xf32>,
      %get3A_970 = arith.index_cast %scan3A_548 : i32 to index
      %get3A_971 = arith.constant 752 : index
      %get3A_972 = tpu.vector_load %arg15[%get3A_970, %get3A_971] {strides = array<i32>} : memref<16x768xf32, #tpu.memory_space<vmem>>, vector<1x16xf32>,
      %get3A_973 = vector.shape_cast %get3A_972 : vector<1x16xf32> to vector<16xf32>
      %swap3A_974 = arith.index_cast %scan3A_548 : i32 to index
      %swap3A_975 = arith.constant 752 : index
      %swap3A_976 = tpu.vector_load %arg9[%swap3A_974, %swap3A_975] {strides = array<i32>} : memref<16x768xf32, #tpu.memory_space<vmem>>, vector<1x16xf32>,
      %swap3A_977 = vector.shape_cast %swap3A_976 : vector<1x16xf32> to vector<16xf32>
      %swap3A_978 = vector.shape_cast %get3A_973 : vector<16xf32> to vector<1x16xf32>
      tpu.vector_store %arg9[%swap3A_974, %swap3A_975], %swap3A_978 {add = true, strides = array<i32>} : memref<16x768xf32, #tpu.memory_space<vmem>>, vector<1x16xf32>,
    }
    %scan3A_154 = arith.constant 16 : i32
    %dma_start3A_155 = arith.constant 1 : i32
    %dma_start3A_156 = arith.constant 0 : i32
    %dma_start3A_157 = tpu.memref_slice %arg8[%dma_start3A_155, %dma_start3A_156] : memref<4x16xi32, #tpu.memory_space<vmem>> -> memref<1x16xi32, #tpu.memory_space<vmem>>
    %dma_start3A_158 = tpu.memref_squeeze %dma_start3A_157 : memref<1x16xi32, #tpu.memory_space<vmem>> -> memref<16xi32, #tpu.memory_space<vmem>>
    %dma_start3A_159 = arith.constant 0 : i32
    %dma_start3A_160 = arith.constant 0 : i32
    %dma_start3A_161 = tpu.memref_slice %arg5[%dma_start3A_159, %dma_start3A_160] : memref<31x768xf32, #tpu.memory_space<hbm>> -> memref<31x768xf32, #tpu.memory_space<hbm>>
    tpu.enqueue_indirect_dma source(%dma_start3A_161 : memref<31x768xf32, #tpu.memory_space<hbm>>) target(%arg15 : memref<16x768xf32, #tpu.memory_space<vmem>>) offsets(%dma_start3A_158 : memref<16xi32, #tpu.memory_space<vmem>>) semaphore(%arg28 : memref<!tpu.dma_semaphore, #tpu.memory_space<semaphore_mem>>)
    %add3A_162 = arith.constant 0 : i32
    %add3A_163 = arith.addi %add3A, %add3A_162 : i32
    %mul3A_164 = arith.constant 16 : i32
    %mul3A_165 = arith.muli %add3A_163, %mul3A_164 : i32
    %multiple_of3A_166 = tpu.assume_multiple %mul3A_165, 16 : i32
    %dma_start3A_167 = arith.constant 0 : i32
    %dma_start3A_168 = tpu.memref_slice %arg6[%multiple_of3A_166, %dma_start3A_167] : memref<8192x768xf32, #tpu.memory_space<hbm>> -> memref<16x768xf32, #tpu.memory_space<hbm>>
    %dma_start3A_169 = arith.constant 0 : i32
    %dma_start3A_170 = tpu.memref_slice %arg6[%multiple_of3A_166, %dma_start3A_169] : memref<8192x768xf32, #tpu.memory_space<hbm>> -> memref<16x768xf32, #tpu.memory_space<hbm>>
    tpu.enqueue_dma source(%arg9 : memref<16x768xf32, #tpu.memory_space<vmem>>) target(%dma_start3A_170 : memref<16x768xf32, #tpu.memory_space<hbm>>) target_semaphore(%arg22 : memref<!tpu.dma_semaphore, #tpu.memory_space<semaphore_mem>>)
    %dma_wait3A_171 = arith.constant 0 : i32
    %dma_wait3A_172 = tpu.memref_slice %arg6[%multiple_of3A_166, %dma_wait3A_171] : memref<8192x768xf32, #tpu.memory_space<hbm>> -> memref<16x768xf32, #tpu.memory_space<hbm>>
    %dma_wait3A_173 = arith.constant 0 : i32
    %dma_wait3A_174 = tpu.memref_slice %arg6[%multiple_of3A_166, %dma_wait3A_173] : memref<8192x768xf32, #tpu.memory_space<hbm>> -> memref<16x768xf32, #tpu.memory_space<hbm>>
    tpu.wait_dma2 semaphore(%arg22 : memref<!tpu.dma_semaphore, #tpu.memory_space<semaphore_mem>>) src(%arg9 : memref<16x768xf32, #tpu.memory_space<vmem>>) dst(%dma_wait3A_174 : memref<16x768xf32, #tpu.memory_space<hbm>>)
    %dma_start3A_175 = arith.constant 96 : i32
    %dma_start3A_176 = tpu.memref_slice %arg7[%dma_start3A_175] : memref<256xi32, #tpu.memory_space<vmem>> -> memref<16xi32, #tpu.memory_space<vmem>>
    %dma_start3A_177 = arith.constant 0 : i32
    %dma_start3A_178 = arith.constant 0 : i32
    %dma_start3A_179 = tpu.memref_slice %arg4[%dma_start3A_177, %dma_start3A_178] : memref<4098x768xf32, #tpu.memory_space<hbm>> -> memref<4098x768xf32, #tpu.memory_space<hbm>>
    tpu.enqueue_indirect_dma source(%dma_start3A_179 : memref<4098x768xf32, #tpu.memory_space<hbm>>) target(%arg9 : memref<16x768xf32, #tpu.memory_space<vmem>>) offsets(%dma_start3A_176 : memref<16xi32, #tpu.memory_space<vmem>>) semaphore(%arg16 : memref<!tpu.dma_semaphore, #tpu.memory_space<semaphore_mem>>)
    %dma_wait3A_180 = arith.constant 16 : i32
    %dma_wait3A_181 = tpu.memref_slice %arg7[%dma_wait3A_180] : memref<256xi32, #tpu.memory_space<vmem>> -> memref<16xi32, #tpu.memory_space<vmem>>
    %dma_wait3A_182 = arith.constant 0 : i32
    %dma_wait3A_183 = arith.constant 0 : i32
    %dma_wait3A_184 = tpu.memref_slice %arg4[%dma_wait3A_182, %dma_wait3A_183] : memref<4098x768xf32, #tpu.memory_space<hbm>> -> memref<4098x768xf32, #tpu.memory_space<hbm>>
    tpu.wait_indirect_dma semaphore(%arg17 : memref<!tpu.dma_semaphore, #tpu.memory_space<semaphore_mem>>) src(%dma_wait3A_184 : memref<4098x768xf32, #tpu.memory_space<hbm>>) dst(%arg10 : memref<16x768xf32, #tpu.memory_space<vmem>>)
    %dma_wait3A_185 = arith.constant 1 : i32
    %dma_wait3A_186 = arith.constant 0 : i32
    %dma_wait3A_187 = tpu.memref_slice %arg8[%dma_wait3A_185, %dma_wait3A_186] : memref<4x16xi32, #tpu.memory_space<vmem>> -> memref<1x16xi32, #tpu.memory_space<vmem>>
    %dma_wait3A_188 = tpu.memref_squeeze %dma_wait3A_187 : memref<1x16xi32, #tpu.memory_space<vmem>> -> memref<16xi32, #tpu.memory_space<vmem>>
    %dma_wait3A_189 = arith.constant 0 : i32
    %dma_wait3A_190 = arith.constant 0 : i32
    %dma_wait3A_191 = tpu.memref_slice %arg5[%dma_wait3A_189, %dma_wait3A_190] : memref<31x768xf32, #tpu.memory_space<hbm>> -> memref<31x768xf32, #tpu.memory_space<hbm>>
    tpu.wait_indirect_dma semaphore(%arg28 : memref<!tpu.dma_semaphore, #tpu.memory_space<semaphore_mem>>) src(%dma_wait3A_191 : memref<31x768xf32, #tpu.memory_space<hbm>>) dst(%arg15 : memref<16x768xf32, #tpu.memory_space<vmem>>)
    %scan3A_192 = arith.constant 0 : i32
    %scan3A_193 = arith.constant 0 : i32
    %scan3A_194 = arith.constant 16 : i32
    %scan3A_195 = arith.addi %scan3A_193, %scan3A_194 : i32
    %scan3A_196 = arith.constant 1 : i32
    scf.for %scan3A_548 = %scan3A_193 to %scan3A_195 step %scan3A_196  : i32 {
      %get3A = arith.index_cast %scan3A_548 : i32 to index
      %get3A_549 = arith.constant 0 : index
      %get3A_550 = tpu.vector_load %arg15[%get3A, %get3A_549] {strides = array<i32>} : memref<16x768xf32, #tpu.memory_space<vmem>>, vector<1x16xf32>,
      %get3A_551 = vector.shape_cast %get3A_550 : vector<1x16xf32> to vector<16xf32>
      %swap3A = arith.index_cast %scan3A_548 : i32 to index
      %swap3A_552 = arith.constant 0 : index
      %swap3A_553 = tpu.vector_load %arg10[%swap3A, %swap3A_552] {strides = array<i32>} : memref<16x768xf32, #tpu.memory_space<vmem>>, vector<1x16xf32>,
      %swap3A_554 = vector.shape_cast %swap3A_553 : vector<1x16xf32> to vector<16xf32>
      %swap3A_555 = vector.shape_cast %get3A_551 : vector<16xf32> to vector<1x16xf32>
      tpu.vector_store %arg10[%swap3A, %swap3A_552], %swap3A_555 {add = true, strides = array<i32>} : memref<16x768xf32, #tpu.memory_space<vmem>>, vector<1x16xf32>,
      %get3A_556 = arith.index_cast %scan3A_548 : i32 to index
      %get3A_557 = arith.constant 16 : index
      %get3A_558 = tpu.vector_load %arg15[%get3A_556, %get3A_557] {strides = array<i32>} : memref<16x768xf32, #tpu.memory_space<vmem>>, vector<1x16xf32>,
      %get3A_559 = vector.shape_cast %get3A_558 : vector<1x16xf32> to vector<16xf32>
      %swap3A_560 = arith.index_cast %scan3A_548 : i32 to index
      %swap3A_561 = arith.constant 16 : index
      %swap3A_562 = tpu.vector_load %arg10[%swap3A_560, %swap3A_561] {strides = array<i32>} : memref<16x768xf32, #tpu.memory_space<vmem>>, vector<1x16xf32>,
      %swap3A_563 = vector.shape_cast %swap3A_562 : vector<1x16xf32> to vector<16xf32>
      %swap3A_564 = vector.shape_cast %get3A_559 : vector<16xf32> to vector<1x16xf32>
      tpu.vector_store %arg10[%swap3A_560, %swap3A_561], %swap3A_564 {add = true, strides = array<i32>} : memref<16x768xf32, #tpu.memory_space<vmem>>, vector<1x16xf32>,
      %get3A_565 = arith.index_cast %scan3A_548 : i32 to index
      %get3A_566 = arith.constant 32 : index
      %get3A_567 = tpu.vector_load %arg15[%get3A_565, %get3A_566] {strides = array<i32>} : memref<16x768xf32, #tpu.memory_space<vmem>>, vector<1x16xf32>,
      %get3A_568 = vector.shape_cast %get3A_567 : vector<1x16xf32> to vector<16xf32>
      %swap3A_569 = arith.index_cast %scan3A_548 : i32 to index
      %swap3A_570 = arith.constant 32 : index
      %swap3A_571 = tpu.vector_load %arg10[%swap3A_569, %swap3A_570] {strides = array<i32>} : memref<16x768xf32, #tpu.memory_space<vmem>>, vector<1x16xf32>,
      %swap3A_572 = vector.shape_cast %swap3A_571 : vector<1x16xf32> to vector<16xf32>
      %swap3A_573 = vector.shape_cast %get3A_568 : vector<16xf32> to vector<1x16xf32>
      tpu.vector_store %arg10[%swap3A_569, %swap3A_570], %swap3A_573 {add = true, strides = array<i32>} : memref<16x768xf32, #tpu.memory_space<vmem>>, vector<1x16xf32>,
      %get3A_574 = arith.index_cast %scan3A_548 : i32 to index
      %get3A_575 = arith.constant 48 : index
      %get3A_576 = tpu.vector_load %arg15[%get3A_574, %get3A_575] {strides = array<i32>} : memref<16x768xf32, #tpu.memory_space<vmem>>, vector<1x16xf32>,
      %get3A_577 = vector.shape_cast %get3A_576 : vector<1x16xf32> to vector<16xf32>
      %swap3A_578 = arith.index_cast %scan3A_548 : i32 to index
      %swap3A_579 = arith.constant 48 : index
      %swap3A_580 = tpu.vector_load %arg10[%swap3A_578, %swap3A_579] {strides = array<i32>} : memref<16x768xf32, #tpu.memory_space<vmem>>, vector<1x16xf32>,
      %swap3A_581 = vector.shape_cast %swap3A_580 : vector<1x16xf32> to vector<16xf32>
      %swap3A_582 = vector.shape_cast %get3A_577 : vector<16xf32> to vector<1x16xf32>
      tpu.vector_store %arg10[%swap3A_578, %swap3A_579], %swap3A_582 {add = true, strides = array<i32>} : memref<16x768xf32, #tpu.memory_space<vmem>>, vector<1x16xf32>,
      %get3A_583 = arith.index_cast %scan3A_548 : i32 to index
      %get3A_584 = arith.constant 64 : index
      %get3A_585 = tpu.vector_load %arg15[%get3A_583, %get3A_584] {strides = array<i32>} : memref<16x768xf32, #tpu.memory_space<vmem>>, vector<1x16xf32>,
      %get3A_586 = vector.shape_cast %get3A_585 : vector<1x16xf32> to vector<16xf32>
      %swap3A_587 = arith.index_cast %scan3A_548 : i32 to index
      %swap3A_588 = arith.constant 64 : index
      %swap3A_589 = tpu.vector_load %arg10[%swap3A_587, %swap3A_588] {strides = array<i32>} : memref<16x768xf32, #tpu.memory_space<vmem>>, vector<1x16xf32>,
      %swap3A_590 = vector.shape_cast %swap3A_589 : vector<1x16xf32> to vector<16xf32>
      %swap3A_591 = vector.shape_cast %get3A_586 : vector<16xf32> to vector<1x16xf32>
      tpu.vector_store %arg10[%swap3A_587, %swap3A_588], %swap3A_591 {add = true, strides = array<i32>} : memref<16x768xf32, #tpu.memory_space<vmem>>, vector<1x16xf32>,
      %get3A_592 = arith.index_cast %scan3A_548 : i32 to index
      %get3A_593 = arith.constant 80 : index
      %get3A_594 = tpu.vector_load %arg15[%get3A_592, %get3A_593] {strides = array<i32>} : memref<16x768xf32, #tpu.memory_space<vmem>>, vector<1x16xf32>,
      %get3A_595 = vector.shape_cast %get3A_594 : vector<1x16xf32> to vector<16xf32>
      %swap3A_596 = arith.index_cast %scan3A_548 : i32 to index
      %swap3A_597 = arith.constant 80 : index
      %swap3A_598 = tpu.vector_load %arg10[%swap3A_596, %swap3A_597] {strides = array<i32>} : memref<16x768xf32, #tpu.memory_space<vmem>>, vector<1x16xf32>,
      %swap3A_599 = vector.shape_cast %swap3A_598 : vector<1x16xf32> to vector<16xf32>
      %swap3A_600 = vector.shape_cast %get3A_595 : vector<16xf32> to vector<1x16xf32>
      tpu.vector_store %arg10[%swap3A_596, %swap3A_597], %swap3A_600 {add = true, strides = array<i32>} : memref<16x768xf32, #tpu.memory_space<vmem>>, vector<1x16xf32>,
      %get3A_601 = arith.index_cast %scan3A_548 : i32 to index
      %get3A_602 = arith.constant 96 : index
      %get3A_603 = tpu.vector_load %arg15[%get3A_601, %get3A_602] {strides = array<i32>} : memref<16x768xf32, #tpu.memory_space<vmem>>, vector<1x16xf32>,
      %get3A_604 = vector.shape_cast %get3A_603 : vector<1x16xf32> to vector<16xf32>
      %swap3A_605 = arith.index_cast %scan3A_548 : i32 to index
      %swap3A_606 = arith.constant 96 : index
      %swap3A_607 = tpu.vector_load %arg10[%swap3A_605, %swap3A_606] {strides = array<i32>} : memref<16x768xf32, #tpu.memory_space<vmem>>, vector<1x16xf32>,
      %swap3A_608 = vector.shape_cast %swap3A_607 : vector<1x16xf32> to vector<16xf32>
      %swap3A_609 = vector.shape_cast %get3A_604 : vector<16xf32> to vector<1x16xf32>
      tpu.vector_store %arg10[%swap3A_605, %swap3A_606], %swap3A_609 {add = true, strides = array<i32>} : memref<16x768xf32, #tpu.memory_space<vmem>>, vector<1x16xf32>,
      %get3A_610 = arith.index_cast %scan3A_548 : i32 to index
      %get3A_611 = arith.constant 112 : index
      %get3A_612 = tpu.vector_load %arg15[%get3A_610, %get3A_611] {strides = array<i32>} : memref<16x768xf32, #tpu.memory_space<vmem>>, vector<1x16xf32>,
      %get3A_613 = vector.shape_cast %get3A_612 : vector<1x16xf32> to vector<16xf32>
      %swap3A_614 = arith.index_cast %scan3A_548 : i32 to index
      %swap3A_615 = arith.constant 112 : index
      %swap3A_616 = tpu.vector_load %arg10[%swap3A_614, %swap3A_615] {strides = array<i32>} : memref<16x768xf32, #tpu.memory_space<vmem>>, vector<1x16xf32>,
      %swap3A_617 = vector.shape_cast %swap3A_616 : vector<1x16xf32> to vector<16xf32>
      %swap3A_618 = vector.shape_cast %get3A_613 : vector<16xf32> to vector<1x16xf32>
      tpu.vector_store %arg10[%swap3A_614, %swap3A_615], %swap3A_618 {add = true, strides = array<i32>} : memref<16x768xf32, #tpu.memory_space<vmem>>, vector<1x16xf32>,
      %get3A_619 = arith.index_cast %scan3A_548 : i32 to index
      %get3A_620 = arith.constant 128 : index
      %get3A_621 = tpu.vector_load %arg15[%get3A_619, %get3A_620] {strides = array<i32>} : memref<16x768xf32, #tpu.memory_space<vmem>>, vector<1x16xf32>,
      %get3A_622 = vector.shape_cast %get3A_621 : vector<1x16xf32> to vector<16xf32>
      %swap3A_623 = arith.index_cast %scan3A_548 : i32 to index
      %swap3A_624 = arith.constant 128 : index
      %swap3A_625 = tpu.vector_load %arg10[%swap3A_623, %swap3A_624] {strides = array<i32>} : memref<16x768xf32, #tpu.memory_space<vmem>>, vector<1x16xf32>,
      %swap3A_626 = vector.shape_cast %swap3A_625 : vector<1x16xf32> to vector<16xf32>
      %swap3A_627 = vector.shape_cast %get3A_622 : vector<16xf32> to vector<1x16xf32>
      tpu.vector_store %arg10[%swap3A_623, %swap3A_624], %swap3A_627 {add = true, strides = array<i32>} : memref<16x768xf32, #tpu.memory_space<vmem>>, vector<1x16xf32>,
      %get3A_628 = arith.index_cast %scan3A_548 : i32 to index
      %get3A_629 = arith.constant 144 : index
      %get3A_630 = tpu.vector_load %arg15[%get3A_628, %get3A_629] {strides = array<i32>} : memref<16x768xf32, #tpu.memory_space<vmem>>, vector<1x16xf32>,
      %get3A_631 = vector.shape_cast %get3A_630 : vector<1x16xf32> to vector<16xf32>
      %swap3A_632 = arith.index_cast %scan3A_548 : i32 to index
      %swap3A_633 = arith.constant 144 : index
      %swap3A_634 = tpu.vector_load %arg10[%swap3A_632, %swap3A_633] {strides = array<i32>} : memref<16x768xf32, #tpu.memory_space<vmem>>, vector<1x16xf32>,
      %swap3A_635 = vector.shape_cast %swap3A_634 : vector<1x16xf32> to vector<16xf32>
      %swap3A_636 = vector.shape_cast %get3A_631 : vector<16xf32> to vector<1x16xf32>
      tpu.vector_store %arg10[%swap3A_632, %swap3A_633], %swap3A_636 {add = true, strides = array<i32>} : memref<16x768xf32, #tpu.memory_space<vmem>>, vector<1x16xf32>,
      %get3A_637 = arith.index_cast %scan3A_548 : i32 to index
      %get3A_638 = arith.constant 160 : index
      %get3A_639 = tpu.vector_load %arg15[%get3A_637, %get3A_638] {strides = array<i32>} : memref<16x768xf32, #tpu.memory_space<vmem>>, vector<1x16xf32>,
      %get3A_640 = vector.shape_cast %get3A_639 : vector<1x16xf32> to vector<16xf32>
      %swap3A_641 = arith.index_cast %scan3A_548 : i32 to index
      %swap3A_642 = arith.constant 160 : index
      %swap3A_643 = tpu.vector_load %arg10[%swap3A_641, %swap3A_642] {strides = array<i32>} : memref<16x768xf32, #tpu.memory_space<vmem>>, vector<1x16xf32>,
      %swap3A_644 = vector.shape_cast %swap3A_643 : vector<1x16xf32> to vector<16xf32>
      %swap3A_645 = vector.shape_cast %get3A_640 : vector<16xf32> to vector<1x16xf32>
      tpu.vector_store %arg10[%swap3A_641, %swap3A_642], %swap3A_645 {add = true, strides = array<i32>} : memref<16x768xf32, #tpu.memory_space<vmem>>, vector<1x16xf32>,
      %get3A_646 = arith.index_cast %scan3A_548 : i32 to index
      %get3A_647 = arith.constant 176 : index
      %get3A_648 = tpu.vector_load %arg15[%get3A_646, %get3A_647] {strides = array<i32>} : memref<16x768xf32, #tpu.memory_space<vmem>>, vector<1x16xf32>,
      %get3A_649 = vector.shape_cast %get3A_648 : vector<1x16xf32> to vector<16xf32>
      %swap3A_650 = arith.index_cast %scan3A_548 : i32 to index
      %swap3A_651 = arith.constant 176 : index
      %swap3A_652 = tpu.vector_load %arg10[%swap3A_650, %swap3A_651] {strides = array<i32>} : memref<16x768xf32, #tpu.memory_space<vmem>>, vector<1x16xf32>,
      %swap3A_653 = vector.shape_cast %swap3A_652 : vector<1x16xf32> to vector<16xf32>
      %swap3A_654 = vector.shape_cast %get3A_649 : vector<16xf32> to vector<1x16xf32>
      tpu.vector_store %arg10[%swap3A_650, %swap3A_651], %swap3A_654 {add = true, strides = array<i32>} : memref<16x768xf32, #tpu.memory_space<vmem>>, vector<1x16xf32>,
      %get3A_655 = arith.index_cast %scan3A_548 : i32 to index
      %get3A_656 = arith.constant 192 : index
      %get3A_657 = tpu.vector_load %arg15[%get3A_655, %get3A_656] {strides = array<i32>} : memref<16x768xf32, #tpu.memory_space<vmem>>, vector<1x16xf32>,
      %get3A_658 = vector.shape_cast %get3A_657 : vector<1x16xf32> to vector<16xf32>
      %swap3A_659 = arith.index_cast %scan3A_548 : i32 to index
      %swap3A_660 = arith.constant 192 : index
      %swap3A_661 = tpu.vector_load %arg10[%swap3A_659, %swap3A_660] {strides = array<i32>} : memref<16x768xf32, #tpu.memory_space<vmem>>, vector<1x16xf32>,
      %swap3A_662 = vector.shape_cast %swap3A_661 : vector<1x16xf32> to vector<16xf32>
      %swap3A_663 = vector.shape_cast %get3A_658 : vector<16xf32> to vector<1x16xf32>
      tpu.vector_store %arg10[%swap3A_659, %swap3A_660], %swap3A_663 {add = true, strides = array<i32>} : memref<16x768xf32, #tpu.memory_space<vmem>>, vector<1x16xf32>,
      %get3A_664 = arith.index_cast %scan3A_548 : i32 to index
      %get3A_665 = arith.constant 208 : index
      %get3A_666 = tpu.vector_load %arg15[%get3A_664, %get3A_665] {strides = array<i32>} : memref<16x768xf32, #tpu.memory_space<vmem>>, vector<1x16xf32>,
      %get3A_667 = vector.shape_cast %get3A_666 : vector<1x16xf32> to vector<16xf32>
      %swap3A_668 = arith.index_cast %scan3A_548 : i32 to index
      %swap3A_669 = arith.constant 208 : index
      %swap3A_670 = tpu.vector_load %arg10[%swap3A_668, %swap3A_669] {strides = array<i32>} : memref<16x768xf32, #tpu.memory_space<vmem>>, vector<1x16xf32>,
      %swap3A_671 = vector.shape_cast %swap3A_670 : vector<1x16xf32> to vector<16xf32>
      %swap3A_672 = vector.shape_cast %get3A_667 : vector<16xf32> to vector<1x16xf32>
      tpu.vector_store %arg10[%swap3A_668, %swap3A_669], %swap3A_672 {add = true, strides = array<i32>} : memref<16x768xf32, #tpu.memory_space<vmem>>, vector<1x16xf32>,
      %get3A_673 = arith.index_cast %scan3A_548 : i32 to index
      %get3A_674 = arith.constant 224 : index
      %get3A_675 = tpu.vector_load %arg15[%get3A_673, %get3A_674] {strides = array<i32>} : memref<16x768xf32, #tpu.memory_space<vmem>>, vector<1x16xf32>,
      %get3A_676 = vector.shape_cast %get3A_675 : vector<1x16xf32> to vector<16xf32>
      %swap3A_677 = arith.index_cast %scan3A_548 : i32 to index
      %swap3A_678 = arith.constant 224 : index
      %swap3A_679 = tpu.vector_load %arg10[%swap3A_677, %swap3A_678] {strides = array<i32>} : memref<16x768xf32, #tpu.memory_space<vmem>>, vector<1x16xf32>,
      %swap3A_680 = vector.shape_cast %swap3A_679 : vector<1x16xf32> to vector<16xf32>
      %swap3A_681 = vector.shape_cast %get3A_676 : vector<16xf32> to vector<1x16xf32>
      tpu.vector_store %arg10[%swap3A_677, %swap3A_678], %swap3A_681 {add = true, strides = array<i32>} : memref<16x768xf32, #tpu.memory_space<vmem>>, vector<1x16xf32>,
      %get3A_682 = arith.index_cast %scan3A_548 : i32 to index
      %get3A_683 = arith.constant 240 : index
      %get3A_684 = tpu.vector_load %arg15[%get3A_682, %get3A_683] {strides = array<i32>} : memref<16x768xf32, #tpu.memory_space<vmem>>, vector<1x16xf32>,
      %get3A_685 = vector.shape_cast %get3A_684 : vector<1x16xf32> to vector<16xf32>
      %swap3A_686 = arith.index_cast %scan3A_548 : i32 to index
      %swap3A_687 = arith.constant 240 : index
      %swap3A_688 = tpu.vector_load %arg10[%swap3A_686, %swap3A_687] {strides = array<i32>} : memref<16x768xf32, #tpu.memory_space<vmem>>, vector<1x16xf32>,
      %swap3A_689 = vector.shape_cast %swap3A_688 : vector<1x16xf32> to vector<16xf32>
      %swap3A_690 = vector.shape_cast %get3A_685 : vector<16xf32> to vector<1x16xf32>
      tpu.vector_store %arg10[%swap3A_686, %swap3A_687], %swap3A_690 {add = true, strides = array<i32>} : memref<16x768xf32, #tpu.memory_space<vmem>>, vector<1x16xf32>,
      %get3A_691 = arith.index_cast %scan3A_548 : i32 to index
      %get3A_692 = arith.constant 256 : index
      %get3A_693 = tpu.vector_load %arg15[%get3A_691, %get3A_692] {strides = array<i32>} : memref<16x768xf32, #tpu.memory_space<vmem>>, vector<1x16xf32>,
      %get3A_694 = vector.shape_cast %get3A_693 : vector<1x16xf32> to vector<16xf32>
      %swap3A_695 = arith.index_cast %scan3A_548 : i32 to index
      %swap3A_696 = arith.constant 256 : index
      %swap3A_697 = tpu.vector_load %arg10[%swap3A_695, %swap3A_696] {strides = array<i32>} : memref<16x768xf32, #tpu.memory_space<vmem>>, vector<1x16xf32>,
      %swap3A_698 = vector.shape_cast %swap3A_697 : vector<1x16xf32> to vector<16xf32>
      %swap3A_699 = vector.shape_cast %get3A_694 : vector<16xf32> to vector<1x16xf32>
      tpu.vector_store %arg10[%swap3A_695, %swap3A_696], %swap3A_699 {add = true, strides = array<i32>} : memref<16x768xf32, #tpu.memory_space<vmem>>, vector<1x16xf32>,
      %get3A_700 = arith.index_cast %scan3A_548 : i32 to index
      %get3A_701 = arith.constant 272 : index
      %get3A_702 = tpu.vector_load %arg15[%get3A_700, %get3A_701] {strides = array<i32>} : memref<16x768xf32, #tpu.memory_space<vmem>>, vector<1x16xf32>,
      %get3A_703 = vector.shape_cast %get3A_702 : vector<1x16xf32> to vector<16xf32>
      %swap3A_704 = arith.index_cast %scan3A_548 : i32 to index
      %swap3A_705 = arith.constant 272 : index
      %swap3A_706 = tpu.vector_load %arg10[%swap3A_704, %swap3A_705] {strides = array<i32>} : memref<16x768xf32, #tpu.memory_space<vmem>>, vector<1x16xf32>,
      %swap3A_707 = vector.shape_cast %swap3A_706 : vector<1x16xf32> to vector<16xf32>
      %swap3A_708 = vector.shape_cast %get3A_703 : vector<16xf32> to vector<1x16xf32>
      tpu.vector_store %arg10[%swap3A_704, %swap3A_705], %swap3A_708 {add = true, strides = array<i32>} : memref<16x768xf32, #tpu.memory_space<vmem>>, vector<1x16xf32>,
      %get3A_709 = arith.index_cast %scan3A_548 : i32 to index
      %get3A_710 = arith.constant 288 : index
      %get3A_711 = tpu.vector_load %arg15[%get3A_709, %get3A_710] {strides = array<i32>} : memref<16x768xf32, #tpu.memory_space<vmem>>, vector<1x16xf32>,
      %get3A_712 = vector.shape_cast %get3A_711 : vector<1x16xf32> to vector<16xf32>
      %swap3A_713 = arith.index_cast %scan3A_548 : i32 to index
      %swap3A_714 = arith.constant 288 : index
      %swap3A_715 = tpu.vector_load %arg10[%swap3A_713, %swap3A_714] {strides = array<i32>} : memref<16x768xf32, #tpu.memory_space<vmem>>, vector<1x16xf32>,
      %swap3A_716 = vector.shape_cast %swap3A_715 : vector<1x16xf32> to vector<16xf32>
      %swap3A_717 = vector.shape_cast %get3A_712 : vector<16xf32> to vector<1x16xf32>
      tpu.vector_store %arg10[%swap3A_713, %swap3A_714], %swap3A_717 {add = true, strides = array<i32>} : memref<16x768xf32, #tpu.memory_space<vmem>>, vector<1x16xf32>,
      %get3A_718 = arith.index_cast %scan3A_548 : i32 to index
      %get3A_719 = arith.constant 304 : index
      %get3A_720 = tpu.vector_load %arg15[%get3A_718, %get3A_719] {strides = array<i32>} : memref<16x768xf32, #tpu.memory_space<vmem>>, vector<1x16xf32>,
      %get3A_721 = vector.shape_cast %get3A_720 : vector<1x16xf32> to vector<16xf32>
      %swap3A_722 = arith.index_cast %scan3A_548 : i32 to index
      %swap3A_723 = arith.constant 304 : index
      %swap3A_724 = tpu.vector_load %arg10[%swap3A_722, %swap3A_723] {strides = array<i32>} : memref<16x768xf32, #tpu.memory_space<vmem>>, vector<1x16xf32>,
      %swap3A_725 = vector.shape_cast %swap3A_724 : vector<1x16xf32> to vector<16xf32>
      %swap3A_726 = vector.shape_cast %get3A_721 : vector<16xf32> to vector<1x16xf32>
      tpu.vector_store %arg10[%swap3A_722, %swap3A_723], %swap3A_726 {add = true, strides = array<i32>} : memref<16x768xf32, #tpu.memory_space<vmem>>, vector<1x16xf32>,
      %get3A_727 = arith.index_cast %scan3A_548 : i32 to index
      %get3A_728 = arith.constant 320 : index
      %get3A_729 = tpu.vector_load %arg15[%get3A_727, %get3A_728] {strides = array<i32>} : memref<16x768xf32, #tpu.memory_space<vmem>>, vector<1x16xf32>,
      %get3A_730 = vector.shape_cast %get3A_729 : vector<1x16xf32> to vector<16xf32>
      %swap3A_731 = arith.index_cast %scan3A_548 : i32 to index
      %swap3A_732 = arith.constant 320 : index
      %swap3A_733 = tpu.vector_load %arg10[%swap3A_731, %swap3A_732] {strides = array<i32>} : memref<16x768xf32, #tpu.memory_space<vmem>>, vector<1x16xf32>,
      %swap3A_734 = vector.shape_cast %swap3A_733 : vector<1x16xf32> to vector<16xf32>
      %swap3A_735 = vector.shape_cast %get3A_730 : vector<16xf32> to vector<1x16xf32>
      tpu.vector_store %arg10[%swap3A_731, %swap3A_732], %swap3A_735 {add = true, strides = array<i32>} : memref<16x768xf32, #tpu.memory_space<vmem>>, vector<1x16xf32>,
      %get3A_736 = arith.index_cast %scan3A_548 : i32 to index
      %get3A_737 = arith.constant 336 : index
      %get3A_738 = tpu.vector_load %arg15[%get3A_736, %get3A_737] {strides = array<i32>} : memref<16x768xf32, #tpu.memory_space<vmem>>, vector<1x16xf32>,
      %get3A_739 = vector.shape_cast %get3A_738 : vector<1x16xf32> to vector<16xf32>
      %swap3A_740 = arith.index_cast %scan3A_548 : i32 to index
      %swap3A_741 = arith.constant 336 : index
      %swap3A_742 = tpu.vector_load %arg10[%swap3A_740, %swap3A_741] {strides = array<i32>} : memref<16x768xf32, #tpu.memory_space<vmem>>, vector<1x16xf32>,
      %swap3A_743 = vector.shape_cast %swap3A_742 : vector<1x16xf32> to vector<16xf32>
      %swap3A_744 = vector.shape_cast %get3A_739 : vector<16xf32> to vector<1x16xf32>
      tpu.vector_store %arg10[%swap3A_740, %swap3A_741], %swap3A_744 {add = true, strides = array<i32>} : memref<16x768xf32, #tpu.memory_space<vmem>>, vector<1x16xf32>,
      %get3A_745 = arith.index_cast %scan3A_548 : i32 to index
      %get3A_746 = arith.constant 352 : index
      %get3A_747 = tpu.vector_load %arg15[%get3A_745, %get3A_746] {strides = array<i32>} : memref<16x768xf32, #tpu.memory_space<vmem>>, vector<1x16xf32>,
      %get3A_748 = vector.shape_cast %get3A_747 : vector<1x16xf32> to vector<16xf32>
      %swap3A_749 = arith.index_cast %scan3A_548 : i32 to index
      %swap3A_750 = arith.constant 352 : index
      %swap3A_751 = tpu.vector_load %arg10[%swap3A_749, %swap3A_750] {strides = array<i32>} : memref<16x768xf32, #tpu.memory_space<vmem>>, vector<1x16xf32>,
      %swap3A_752 = vector.shape_cast %swap3A_751 : vector<1x16xf32> to vector<16xf32>
      %swap3A_753 = vector.shape_cast %get3A_748 : vector<16xf32> to vector<1x16xf32>
      tpu.vector_store %arg10[%swap3A_749, %swap3A_750], %swap3A_753 {add = true, strides = array<i32>} : memref<16x768xf32, #tpu.memory_space<vmem>>, vector<1x16xf32>,
      %get3A_754 = arith.index_cast %scan3A_548 : i32 to index
      %get3A_755 = arith.constant 368 : index
      %get3A_756 = tpu.vector_load %arg15[%get3A_754, %get3A_755] {strides = array<i32>} : memref<16x768xf32, #tpu.memory_space<vmem>>, vector<1x16xf32>,
      %get3A_757 = vector.shape_cast %get3A_756 : vector<1x16xf32> to vector<16xf32>
      %swap3A_758 = arith.index_cast %scan3A_548 : i32 to index
      %swap3A_759 = arith.constant 368 : index
      %swap3A_760 = tpu.vector_load %arg10[%swap3A_758, %swap3A_759] {strides = array<i32>} : memref<16x768xf32, #tpu.memory_space<vmem>>, vector<1x16xf32>,
      %swap3A_761 = vector.shape_cast %swap3A_760 : vector<1x16xf32> to vector<16xf32>
      %swap3A_762 = vector.shape_cast %get3A_757 : vector<16xf32> to vector<1x16xf32>
      tpu.vector_store %arg10[%swap3A_758, %swap3A_759], %swap3A_762 {add = true, strides = array<i32>} : memref<16x768xf32, #tpu.memory_space<vmem>>, vector<1x16xf32>,
      %get3A_763 = arith.index_cast %scan3A_548 : i32 to index
      %get3A_764 = arith.constant 384 : index
      %get3A_765 = tpu.vector_load %arg15[%get3A_763, %get3A_764] {strides = array<i32>} : memref<16x768xf32, #tpu.memory_space<vmem>>, vector<1x16xf32>,
      %get3A_766 = vector.shape_cast %get3A_765 : vector<1x16xf32> to vector<16xf32>
      %swap3A_767 = arith.index_cast %scan3A_548 : i32 to index
      %swap3A_768 = arith.constant 384 : index
      %swap3A_769 = tpu.vector_load %arg10[%swap3A_767, %swap3A_768] {strides = array<i32>} : memref<16x768xf32, #tpu.memory_space<vmem>>, vector<1x16xf32>,
      %swap3A_770 = vector.shape_cast %swap3A_769 : vector<1x16xf32> to vector<16xf32>
      %swap3A_771 = vector.shape_cast %get3A_766 : vector<16xf32> to vector<1x16xf32>
      tpu.vector_store %arg10[%swap3A_767, %swap3A_768], %swap3A_771 {add = true, strides = array<i32>} : memref<16x768xf32, #tpu.memory_space<vmem>>, vector<1x16xf32>,
      %get3A_772 = arith.index_cast %scan3A_548 : i32 to index
      %get3A_773 = arith.constant 400 : index
      %get3A_774 = tpu.vector_load %arg15[%get3A_772, %get3A_773] {strides = array<i32>} : memref<16x768xf32, #tpu.memory_space<vmem>>, vector<1x16xf32>,
      %get3A_775 = vector.shape_cast %get3A_774 : vector<1x16xf32> to vector<16xf32>
      %swap3A_776 = arith.index_cast %scan3A_548 : i32 to index
      %swap3A_777 = arith.constant 400 : index
      %swap3A_778 = tpu.vector_load %arg10[%swap3A_776, %swap3A_777] {strides = array<i32>} : memref<16x768xf32, #tpu.memory_space<vmem>>, vector<1x16xf32>,
      %swap3A_779 = vector.shape_cast %swap3A_778 : vector<1x16xf32> to vector<16xf32>
      %swap3A_780 = vector.shape_cast %get3A_775 : vector<16xf32> to vector<1x16xf32>
      tpu.vector_store %arg10[%swap3A_776, %swap3A_777], %swap3A_780 {add = true, strides = array<i32>} : memref<16x768xf32, #tpu.memory_space<vmem>>, vector<1x16xf32>,
      %get3A_781 = arith.index_cast %scan3A_548 : i32 to index
      %get3A_782 = arith.constant 416 : index
      %get3A_783 = tpu.vector_load %arg15[%get3A_781, %get3A_782] {strides = array<i32>} : memref<16x768xf32, #tpu.memory_space<vmem>>, vector<1x16xf32>,
      %get3A_784 = vector.shape_cast %get3A_783 : vector<1x16xf32> to vector<16xf32>
      %swap3A_785 = arith.index_cast %scan3A_548 : i32 to index
      %swap3A_786 = arith.constant 416 : index
      %swap3A_787 = tpu.vector_load %arg10[%swap3A_785, %swap3A_786] {strides = array<i32>} : memref<16x768xf32, #tpu.memory_space<vmem>>, vector<1x16xf32>,
      %swap3A_788 = vector.shape_cast %swap3A_787 : vector<1x16xf32> to vector<16xf32>
      %swap3A_789 = vector.shape_cast %get3A_784 : vector<16xf32> to vector<1x16xf32>
      tpu.vector_store %arg10[%swap3A_785, %swap3A_786], %swap3A_789 {add = true, strides = array<i32>} : memref<16x768xf32, #tpu.memory_space<vmem>>, vector<1x16xf32>,
      %get3A_790 = arith.index_cast %scan3A_548 : i32 to index
      %get3A_791 = arith.constant 432 : index
      %get3A_792 = tpu.vector_load %arg15[%get3A_790, %get3A_791] {strides = array<i32>} : memref<16x768xf32, #tpu.memory_space<vmem>>, vector<1x16xf32>,
      %get3A_793 = vector.shape_cast %get3A_792 : vector<1x16xf32> to vector<16xf32>
      %swap3A_794 = arith.index_cast %scan3A_548 : i32 to index
      %swap3A_795 = arith.constant 432 : index
      %swap3A_796 = tpu.vector_load %arg10[%swap3A_794, %swap3A_795] {strides = array<i32>} : memref<16x768xf32, #tpu.memory_space<vmem>>, vector<1x16xf32>,
      %swap3A_797 = vector.shape_cast %swap3A_796 : vector<1x16xf32> to vector<16xf32>
      %swap3A_798 = vector.shape_cast %get3A_793 : vector<16xf32> to vector<1x16xf32>
      tpu.vector_store %arg10[%swap3A_794, %swap3A_795], %swap3A_798 {add = true, strides = array<i32>} : memref<16x768xf32, #tpu.memory_space<vmem>>, vector<1x16xf32>,
      %get3A_799 = arith.index_cast %scan3A_548 : i32 to index
      %get3A_800 = arith.constant 448 : index
      %get3A_801 = tpu.vector_load %arg15[%get3A_799, %get3A_800] {strides = array<i32>} : memref<16x768xf32, #tpu.memory_space<vmem>>, vector<1x16xf32>,
      %get3A_802 = vector.shape_cast %get3A_801 : vector<1x16xf32> to vector<16xf32>
      %swap3A_803 = arith.index_cast %scan3A_548 : i32 to index
      %swap3A_804 = arith.constant 448 : index
      %swap3A_805 = tpu.vector_load %arg10[%swap3A_803, %swap3A_804] {strides = array<i32>} : memref<16x768xf32, #tpu.memory_space<vmem>>, vector<1x16xf32>,
      %swap3A_806 = vector.shape_cast %swap3A_805 : vector<1x16xf32> to vector<16xf32>
      %swap3A_807 = vector.shape_cast %get3A_802 : vector<16xf32> to vector<1x16xf32>
      tpu.vector_store %arg10[%swap3A_803, %swap3A_804], %swap3A_807 {add = true, strides = array<i32>} : memref<16x768xf32, #tpu.memory_space<vmem>>, vector<1x16xf32>,
      %get3A_808 = arith.index_cast %scan3A_548 : i32 to index
      %get3A_809 = arith.constant 464 : index
      %get3A_810 = tpu.vector_load %arg15[%get3A_808, %get3A_809] {strides = array<i32>} : memref<16x768xf32, #tpu.memory_space<vmem>>, vector<1x16xf32>,
      %get3A_811 = vector.shape_cast %get3A_810 : vector<1x16xf32> to vector<16xf32>
      %swap3A_812 = arith.index_cast %scan3A_548 : i32 to index
      %swap3A_813 = arith.constant 464 : index
      %swap3A_814 = tpu.vector_load %arg10[%swap3A_812, %swap3A_813] {strides = array<i32>} : memref<16x768xf32, #tpu.memory_space<vmem>>, vector<1x16xf32>,
      %swap3A_815 = vector.shape_cast %swap3A_814 : vector<1x16xf32> to vector<16xf32>
      %swap3A_816 = vector.shape_cast %get3A_811 : vector<16xf32> to vector<1x16xf32>
      tpu.vector_store %arg10[%swap3A_812, %swap3A_813], %swap3A_816 {add = true, strides = array<i32>} : memref<16x768xf32, #tpu.memory_space<vmem>>, vector<1x16xf32>,
      %get3A_817 = arith.index_cast %scan3A_548 : i32 to index
      %get3A_818 = arith.constant 480 : index
      %get3A_819 = tpu.vector_load %arg15[%get3A_817, %get3A_818] {strides = array<i32>} : memref<16x768xf32, #tpu.memory_space<vmem>>, vector<1x16xf32>,
      %get3A_820 = vector.shape_cast %get3A_819 : vector<1x16xf32> to vector<16xf32>
      %swap3A_821 = arith.index_cast %scan3A_548 : i32 to index
      %swap3A_822 = arith.constant 480 : index
      %swap3A_823 = tpu.vector_load %arg10[%swap3A_821, %swap3A_822] {strides = array<i32>} : memref<16x768xf32, #tpu.memory_space<vmem>>, vector<1x16xf32>,
      %swap3A_824 = vector.shape_cast %swap3A_823 : vector<1x16xf32> to vector<16xf32>
      %swap3A_825 = vector.shape_cast %get3A_820 : vector<16xf32> to vector<1x16xf32>
      tpu.vector_store %arg10[%swap3A_821, %swap3A_822], %swap3A_825 {add = true, strides = array<i32>} : memref<16x768xf32, #tpu.memory_space<vmem>>, vector<1x16xf32>,
      %get3A_826 = arith.index_cast %scan3A_548 : i32 to index
      %get3A_827 = arith.constant 496 : index
      %get3A_828 = tpu.vector_load %arg15[%get3A_826, %get3A_827] {strides = array<i32>} : memref<16x768xf32, #tpu.memory_space<vmem>>, vector<1x16xf32>,
      %get3A_829 = vector.shape_cast %get3A_828 : vector<1x16xf32> to vector<16xf32>
      %swap3A_830 = arith.index_cast %scan3A_548 : i32 to index
      %swap3A_831 = arith.constant 496 : index
      %swap3A_832 = tpu.vector_load %arg10[%swap3A_830, %swap3A_831] {strides = array<i32>} : memref<16x768xf32, #tpu.memory_space<vmem>>, vector<1x16xf32>,
      %swap3A_833 = vector.shape_cast %swap3A_832 : vector<1x16xf32> to vector<16xf32>
      %swap3A_834 = vector.shape_cast %get3A_829 : vector<16xf32> to vector<1x16xf32>
      tpu.vector_store %arg10[%swap3A_830, %swap3A_831], %swap3A_834 {add = true, strides = array<i32>} : memref<16x768xf32, #tpu.memory_space<vmem>>, vector<1x16xf32>,
      %get3A_835 = arith.index_cast %scan3A_548 : i32 to index
      %get3A_836 = arith.constant 512 : index
      %get3A_837 = tpu.vector_load %arg15[%get3A_835, %get3A_836] {strides = array<i32>} : memref<16x768xf32, #tpu.memory_space<vmem>>, vector<1x16xf32>,
      %get3A_838 = vector.shape_cast %get3A_837 : vector<1x16xf32> to vector<16xf32>
      %swap3A_839 = arith.index_cast %scan3A_548 : i32 to index
      %swap3A_840 = arith.constant 512 : index
      %swap3A_841 = tpu.vector_load %arg10[%swap3A_839, %swap3A_840] {strides = array<i32>} : memref<16x768xf32, #tpu.memory_space<vmem>>, vector<1x16xf32>,
      %swap3A_842 = vector.shape_cast %swap3A_841 : vector<1x16xf32> to vector<16xf32>
      %swap3A_843 = vector.shape_cast %get3A_838 : vector<16xf32> to vector<1x16xf32>
      tpu.vector_store %arg10[%swap3A_839, %swap3A_840], %swap3A_843 {add = true, strides = array<i32>} : memref<16x768xf32, #tpu.memory_space<vmem>>, vector<1x16xf32>,
      %get3A_844 = arith.index_cast %scan3A_548 : i32 to index
      %get3A_845 = arith.constant 528 : index
      %get3A_846 = tpu.vector_load %arg15[%get3A_844, %get3A_845] {strides = array<i32>} : memref<16x768xf32, #tpu.memory_space<vmem>>, vector<1x16xf32>,
      %get3A_847 = vector.shape_cast %get3A_846 : vector<1x16xf32> to vector<16xf32>
      %swap3A_848 = arith.index_cast %scan3A_548 : i32 to index
      %swap3A_849 = arith.constant 528 : index
      %swap3A_850 = tpu.vector_load %arg10[%swap3A_848, %swap3A_849] {strides = array<i32>} : memref<16x768xf32, #tpu.memory_space<vmem>>, vector<1x16xf32>,
      %swap3A_851 = vector.shape_cast %swap3A_850 : vector<1x16xf32> to vector<16xf32>
      %swap3A_852 = vector.shape_cast %get3A_847 : vector<16xf32> to vector<1x16xf32>
      tpu.vector_store %arg10[%swap3A_848, %swap3A_849], %swap3A_852 {add = true, strides = array<i32>} : memref<16x768xf32, #tpu.memory_space<vmem>>, vector<1x16xf32>,
      %get3A_853 = arith.index_cast %scan3A_548 : i32 to index
      %get3A_854 = arith.constant 544 : index
      %get3A_855 = tpu.vector_load %arg15[%get3A_853, %get3A_854] {strides = array<i32>} : memref<16x768xf32, #tpu.memory_space<vmem>>, vector<1x16xf32>,
      %get3A_856 = vector.shape_cast %get3A_855 : vector<1x16xf32> to vector<16xf32>
      %swap3A_857 = arith.index_cast %scan3A_548 : i32 to index
      %swap3A_858 = arith.constant 544 : index
      %swap3A_859 = tpu.vector_load %arg10[%swap3A_857, %swap3A_858] {strides = array<i32>} : memref<16x768xf32, #tpu.memory_space<vmem>>, vector<1x16xf32>,
      %swap3A_860 = vector.shape_cast %swap3A_859 : vector<1x16xf32> to vector<16xf32>
      %swap3A_861 = vector.shape_cast %get3A_856 : vector<16xf32> to vector<1x16xf32>
      tpu.vector_store %arg10[%swap3A_857, %swap3A_858], %swap3A_861 {add = true, strides = array<i32>} : memref<16x768xf32, #tpu.memory_space<vmem>>, vector<1x16xf32>,
      %get3A_862 = arith.index_cast %scan3A_548 : i32 to index
      %get3A_863 = arith.constant 560 : index
      %get3A_864 = tpu.vector_load %arg15[%get3A_862, %get3A_863] {strides = array<i32>} : memref<16x768xf32, #tpu.memory_space<vmem>>, vector<1x16xf32>,
      %get3A_865 = vector.shape_cast %get3A_864 : vector<1x16xf32> to vector<16xf32>
      %swap3A_866 = arith.index_cast %scan3A_548 : i32 to index
      %swap3A_867 = arith.constant 560 : index
      %swap3A_868 = tpu.vector_load %arg10[%swap3A_866, %swap3A_867] {strides = array<i32>} : memref<16x768xf32, #tpu.memory_space<vmem>>, vector<1x16xf32>,
      %swap3A_869 = vector.shape_cast %swap3A_868 : vector<1x16xf32> to vector<16xf32>
      %swap3A_870 = vector.shape_cast %get3A_865 : vector<16xf32> to vector<1x16xf32>
      tpu.vector_store %arg10[%swap3A_866, %swap3A_867], %swap3A_870 {add = true, strides = array<i32>} : memref<16x768xf32, #tpu.memory_space<vmem>>, vector<1x16xf32>,
      %get3A_871 = arith.index_cast %scan3A_548 : i32 to index
      %get3A_872 = arith.constant 576 : index
      %get3A_873 = tpu.vector_load %arg15[%get3A_871, %get3A_872] {strides = array<i32>} : memref<16x768xf32, #tpu.memory_space<vmem>>, vector<1x16xf32>,
      %get3A_874 = vector.shape_cast %get3A_873 : vector<1x16xf32> to vector<16xf32>
      %swap3A_875 = arith.index_cast %scan3A_548 : i32 to index
      %swap3A_876 = arith.constant 576 : index
      %swap3A_877 = tpu.vector_load %arg10[%swap3A_875, %swap3A_876] {strides = array<i32>} : memref<16x768xf32, #tpu.memory_space<vmem>>, vector<1x16xf32>,
      %swap3A_878 = vector.shape_cast %swap3A_877 : vector<1x16xf32> to vector<16xf32>
      %swap3A_879 = vector.shape_cast %get3A_874 : vector<16xf32> to vector<1x16xf32>
      tpu.vector_store %arg10[%swap3A_875, %swap3A_876], %swap3A_879 {add = true, strides = array<i32>} : memref<16x768xf32, #tpu.memory_space<vmem>>, vector<1x16xf32>,
      %get3A_880 = arith.index_cast %scan3A_548 : i32 to index
      %get3A_881 = arith.constant 592 : index
      %get3A_882 = tpu.vector_load %arg15[%get3A_880, %get3A_881] {strides = array<i32>} : memref<16x768xf32, #tpu.memory_space<vmem>>, vector<1x16xf32>,
      %get3A_883 = vector.shape_cast %get3A_882 : vector<1x16xf32> to vector<16xf32>
      %swap3A_884 = arith.index_cast %scan3A_548 : i32 to index
      %swap3A_885 = arith.constant 592 : index
      %swap3A_886 = tpu.vector_load %arg10[%swap3A_884, %swap3A_885] {strides = array<i32>} : memref<16x768xf32, #tpu.memory_space<vmem>>, vector<1x16xf32>,
      %swap3A_887 = vector.shape_cast %swap3A_886 : vector<1x16xf32> to vector<16xf32>
      %swap3A_888 = vector.shape_cast %get3A_883 : vector<16xf32> to vector<1x16xf32>
      tpu.vector_store %arg10[%swap3A_884, %swap3A_885], %swap3A_888 {add = true, strides = array<i32>} : memref<16x768xf32, #tpu.memory_space<vmem>>, vector<1x16xf32>,
      %get3A_889 = arith.index_cast %scan3A_548 : i32 to index
      %get3A_890 = arith.constant 608 : index
      %get3A_891 = tpu.vector_load %arg15[%get3A_889, %get3A_890] {strides = array<i32>} : memref<16x768xf32, #tpu.memory_space<vmem>>, vector<1x16xf32>,
      %get3A_892 = vector.shape_cast %get3A_891 : vector<1x16xf32> to vector<16xf32>
      %swap3A_893 = arith.index_cast %scan3A_548 : i32 to index
      %swap3A_894 = arith.constant 608 : index
      %swap3A_895 = tpu.vector_load %arg10[%swap3A_893, %swap3A_894] {strides = array<i32>} : memref<16x768xf32, #tpu.memory_space<vmem>>, vector<1x16xf32>,
      %swap3A_896 = vector.shape_cast %swap3A_895 : vector<1x16xf32> to vector<16xf32>
      %swap3A_897 = vector.shape_cast %get3A_892 : vector<16xf32> to vector<1x16xf32>
      tpu.vector_store %arg10[%swap3A_893, %swap3A_894], %swap3A_897 {add = true, strides = array<i32>} : memref<16x768xf32, #tpu.memory_space<vmem>>, vector<1x16xf32>,
      %get3A_898 = arith.index_cast %scan3A_548 : i32 to index
      %get3A_899 = arith.constant 624 : index
      %get3A_900 = tpu.vector_load %arg15[%get3A_898, %get3A_899] {strides = array<i32>} : memref<16x768xf32, #tpu.memory_space<vmem>>, vector<1x16xf32>,
      %get3A_901 = vector.shape_cast %get3A_900 : vector<1x16xf32> to vector<16xf32>
      %swap3A_902 = arith.index_cast %scan3A_548 : i32 to index
      %swap3A_903 = arith.constant 624 : index
      %swap3A_904 = tpu.vector_load %arg10[%swap3A_902, %swap3A_903] {strides = array<i32>} : memref<16x768xf32, #tpu.memory_space<vmem>>, vector<1x16xf32>,
      %swap3A_905 = vector.shape_cast %swap3A_904 : vector<1x16xf32> to vector<16xf32>
      %swap3A_906 = vector.shape_cast %get3A_901 : vector<16xf32> to vector<1x16xf32>
      tpu.vector_store %arg10[%swap3A_902, %swap3A_903], %swap3A_906 {add = true, strides = array<i32>} : memref<16x768xf32, #tpu.memory_space<vmem>>, vector<1x16xf32>,
      %get3A_907 = arith.index_cast %scan3A_548 : i32 to index
      %get3A_908 = arith.constant 640 : index
      %get3A_909 = tpu.vector_load %arg15[%get3A_907, %get3A_908] {strides = array<i32>} : memref<16x768xf32, #tpu.memory_space<vmem>>, vector<1x16xf32>,
      %get3A_910 = vector.shape_cast %get3A_909 : vector<1x16xf32> to vector<16xf32>
      %swap3A_911 = arith.index_cast %scan3A_548 : i32 to index
      %swap3A_912 = arith.constant 640 : index
      %swap3A_913 = tpu.vector_load %arg10[%swap3A_911, %swap3A_912] {strides = array<i32>} : memref<16x768xf32, #tpu.memory_space<vmem>>, vector<1x16xf32>,
      %swap3A_914 = vector.shape_cast %swap3A_913 : vector<1x16xf32> to vector<16xf32>
      %swap3A_915 = vector.shape_cast %get3A_910 : vector<16xf32> to vector<1x16xf32>
      tpu.vector_store %arg10[%swap3A_911, %swap3A_912], %swap3A_915 {add = true, strides = array<i32>} : memref<16x768xf32, #tpu.memory_space<vmem>>, vector<1x16xf32>,
      %get3A_916 = arith.index_cast %scan3A_548 : i32 to index
      %get3A_917 = arith.constant 656 : index
      %get3A_918 = tpu.vector_load %arg15[%get3A_916, %get3A_917] {strides = array<i32>} : memref<16x768xf32, #tpu.memory_space<vmem>>, vector<1x16xf32>,
      %get3A_919 = vector.shape_cast %get3A_918 : vector<1x16xf32> to vector<16xf32>
      %swap3A_920 = arith.index_cast %scan3A_548 : i32 to index
      %swap3A_921 = arith.constant 656 : index
      %swap3A_922 = tpu.vector_load %arg10[%swap3A_920, %swap3A_921] {strides = array<i32>} : memref<16x768xf32, #tpu.memory_space<vmem>>, vector<1x16xf32>,
      %swap3A_923 = vector.shape_cast %swap3A_922 : vector<1x16xf32> to vector<16xf32>
      %swap3A_924 = vector.shape_cast %get3A_919 : vector<16xf32> to vector<1x16xf32>
      tpu.vector_store %arg10[%swap3A_920, %swap3A_921], %swap3A_924 {add = true, strides = array<i32>} : memref<16x768xf32, #tpu.memory_space<vmem>>, vector<1x16xf32>,
      %get3A_925 = arith.index_cast %scan3A_548 : i32 to index
      %get3A_926 = arith.constant 672 : index
      %get3A_927 = tpu.vector_load %arg15[%get3A_925, %get3A_926] {strides = array<i32>} : memref<16x768xf32, #tpu.memory_space<vmem>>, vector<1x16xf32>,
      %get3A_928 = vector.shape_cast %get3A_927 : vector<1x16xf32> to vector<16xf32>
      %swap3A_929 = arith.index_cast %scan3A_548 : i32 to index
      %swap3A_930 = arith.constant 672 : index
      %swap3A_931 = tpu.vector_load %arg10[%swap3A_929, %swap3A_930] {strides = array<i32>} : memref<16x768xf32, #tpu.memory_space<vmem>>, vector<1x16xf32>,
      %swap3A_932 = vector.shape_cast %swap3A_931 : vector<1x16xf32> to vector<16xf32>
      %swap3A_933 = vector.shape_cast %get3A_928 : vector<16xf32> to vector<1x16xf32>
      tpu.vector_store %arg10[%swap3A_929, %swap3A_930], %swap3A_933 {add = true, strides = array<i32>} : memref<16x768xf32, #tpu.memory_space<vmem>>, vector<1x16xf32>,
      %get3A_934 = arith.index_cast %scan3A_548 : i32 to index
      %get3A_935 = arith.constant 688 : index
      %get3A_936 = tpu.vector_load %arg15[%get3A_934, %get3A_935] {strides = array<i32>} : memref<16x768xf32, #tpu.memory_space<vmem>>, vector<1x16xf32>,
      %get3A_937 = vector.shape_cast %get3A_936 : vector<1x16xf32> to vector<16xf32>
      %swap3A_938 = arith.index_cast %scan3A_548 : i32 to index
      %swap3A_939 = arith.constant 688 : index
      %swap3A_940 = tpu.vector_load %arg10[%swap3A_938, %swap3A_939] {strides = array<i32>} : memref<16x768xf32, #tpu.memory_space<vmem>>, vector<1x16xf32>,
      %swap3A_941 = vector.shape_cast %swap3A_940 : vector<1x16xf32> to vector<16xf32>
      %swap3A_942 = vector.shape_cast %get3A_937 : vector<16xf32> to vector<1x16xf32>
      tpu.vector_store %arg10[%swap3A_938, %swap3A_939], %swap3A_942 {add = true, strides = array<i32>} : memref<16x768xf32, #tpu.memory_space<vmem>>, vector<1x16xf32>,
      %get3A_943 = arith.index_cast %scan3A_548 : i32 to index
      %get3A_944 = arith.constant 704 : index
      %get3A_945 = tpu.vector_load %arg15[%get3A_943, %get3A_944] {strides = array<i32>} : memref<16x768xf32, #tpu.memory_space<vmem>>, vector<1x16xf32>,
      %get3A_946 = vector.shape_cast %get3A_945 : vector<1x16xf32> to vector<16xf32>
      %swap3A_947 = arith.index_cast %scan3A_548 : i32 to index
      %swap3A_948 = arith.constant 704 : index
      %swap3A_949 = tpu.vector_load %arg10[%swap3A_947, %swap3A_948] {strides = array<i32>} : memref<16x768xf32, #tpu.memory_space<vmem>>, vector<1x16xf32>,
      %swap3A_950 = vector.shape_cast %swap3A_949 : vector<1x16xf32> to vector<16xf32>
      %swap3A_951 = vector.shape_cast %get3A_946 : vector<16xf32> to vector<1x16xf32>
      tpu.vector_store %arg10[%swap3A_947, %swap3A_948], %swap3A_951 {add = true, strides = array<i32>} : memref<16x768xf32, #tpu.memory_space<vmem>>, vector<1x16xf32>,
      %get3A_952 = arith.index_cast %scan3A_548 : i32 to index
      %get3A_953 = arith.constant 720 : index
      %get3A_954 = tpu.vector_load %arg15[%get3A_952, %get3A_953] {strides = array<i32>} : memref<16x768xf32, #tpu.memory_space<vmem>>, vector<1x16xf32>,
      %get3A_955 = vector.shape_cast %get3A_954 : vector<1x16xf32> to vector<16xf32>
      %swap3A_956 = arith.index_cast %scan3A_548 : i32 to index
      %swap3A_957 = arith.constant 720 : index
      %swap3A_958 = tpu.vector_load %arg10[%swap3A_956, %swap3A_957] {strides = array<i32>} : memref<16x768xf32, #tpu.memory_space<vmem>>, vector<1x16xf32>,
      %swap3A_959 = vector.shape_cast %swap3A_958 : vector<1x16xf32> to vector<16xf32>
      %swap3A_960 = vector.shape_cast %get3A_955 : vector<16xf32> to vector<1x16xf32>
      tpu.vector_store %arg10[%swap3A_956, %swap3A_957], %swap3A_960 {add = true, strides = array<i32>} : memref<16x768xf32, #tpu.memory_space<vmem>>, vector<1x16xf32>,
      %get3A_961 = arith.index_cast %scan3A_548 : i32 to index
      %get3A_962 = arith.constant 736 : index
      %get3A_963 = tpu.vector_load %arg15[%get3A_961, %get3A_962] {strides = array<i32>} : memref<16x768xf32, #tpu.memory_space<vmem>>, vector<1x16xf32>,
      %get3A_964 = vector.shape_cast %get3A_963 : vector<1x16xf32> to vector<16xf32>
      %swap3A_965 = arith.index_cast %scan3A_548 : i32 to index
      %swap3A_966 = arith.constant 736 : index
      %swap3A_967 = tpu.vector_load %arg10[%swap3A_965, %swap3A_966] {strides = array<i32>} : memref<16x768xf32, #tpu.memory_space<vmem>>, vector<1x16xf32>,
      %swap3A_968 = vector.shape_cast %swap3A_967 : vector<1x16xf32> to vector<16xf32>
      %swap3A_969 = vector.shape_cast %get3A_964 : vector<16xf32> to vector<1x16xf32>
      tpu.vector_store %arg10[%swap3A_965, %swap3A_966], %swap3A_969 {add = true, strides = array<i32>} : memref<16x768xf32, #tpu.memory_space<vmem>>, vector<1x16xf32>,
      %get3A_970 = arith.index_cast %scan3A_548 : i32 to index
      %get3A_971 = arith.constant 752 : index
      %get3A_972 = tpu.vector_load %arg15[%get3A_970, %get3A_971] {strides = array<i32>} : memref<16x768xf32, #tpu.memory_space<vmem>>, vector<1x16xf32>,
      %get3A_973 = vector.shape_cast %get3A_972 : vector<1x16xf32> to vector<16xf32>
      %swap3A_974 = arith.index_cast %scan3A_548 : i32 to index
      %swap3A_975 = arith.constant 752 : index
      %swap3A_976 = tpu.vector_load %arg10[%swap3A_974, %swap3A_975] {strides = array<i32>} : memref<16x768xf32, #tpu.memory_space<vmem>>, vector<1x16xf32>,
      %swap3A_977 = vector.shape_cast %swap3A_976 : vector<1x16xf32> to vector<16xf32>
      %swap3A_978 = vector.shape_cast %get3A_973 : vector<16xf32> to vector<1x16xf32>
      tpu.vector_store %arg10[%swap3A_974, %swap3A_975], %swap3A_978 {add = true, strides = array<i32>} : memref<16x768xf32, #tpu.memory_space<vmem>>, vector<1x16xf32>,
    }
    %scan3A_197 = arith.constant 16 : i32
    %dma_start3A_198 = arith.constant 2 : i32
    %dma_start3A_199 = arith.constant 0 : i32
    %dma_start3A_200 = tpu.memref_slice %arg8[%dma_start3A_198, %dma_start3A_199] : memref<4x16xi32, #tpu.memory_space<vmem>> -> memref<1x16xi32, #tpu.memory_space<vmem>>
    %dma_start3A_201 = tpu.memref_squeeze %dma_start3A_200 : memref<1x16xi32, #tpu.memory_space<vmem>> -> memref<16xi32, #tpu.memory_space<vmem>>
    %dma_start3A_202 = arith.constant 0 : i32
    %dma_start3A_203 = arith.constant 0 : i32
    %dma_start3A_204 = tpu.memref_slice %arg5[%dma_start3A_202, %dma_start3A_203] : memref<31x768xf32, #tpu.memory_space<hbm>> -> memref<31x768xf32, #tpu.memory_space<hbm>>
    tpu.enqueue_indirect_dma source(%dma_start3A_204 : memref<31x768xf32, #tpu.memory_space<hbm>>) target(%arg15 : memref<16x768xf32, #tpu.memory_space<vmem>>) offsets(%dma_start3A_201 : memref<16xi32, #tpu.memory_space<vmem>>) semaphore(%arg28 : memref<!tpu.dma_semaphore, #tpu.memory_space<semaphore_mem>>)
    %add3A_205 = arith.constant 32 : i32
    %add3A_206 = arith.addi %add3A, %add3A_205 : i32
    %mul3A_207 = arith.constant 16 : i32
    %mul3A_208 = arith.muli %add3A_206, %mul3A_207 : i32
    %multiple_of3A_209 = tpu.assume_multiple %mul3A_208, 16 : i32
    %dma_start3A_210 = arith.constant 0 : i32
    %dma_start3A_211 = tpu.memref_slice %arg6[%multiple_of3A_209, %dma_start3A_210] : memref<8192x768xf32, #tpu.memory_space<hbm>> -> memref<16x768xf32, #tpu.memory_space<hbm>>
    %dma_start3A_212 = arith.constant 0 : i32
    %dma_start3A_213 = tpu.memref_slice %arg6[%multiple_of3A_209, %dma_start3A_212] : memref<8192x768xf32, #tpu.memory_space<hbm>> -> memref<16x768xf32, #tpu.memory_space<hbm>>
    tpu.enqueue_dma source(%arg10 : memref<16x768xf32, #tpu.memory_space<vmem>>) target(%dma_start3A_213 : memref<16x768xf32, #tpu.memory_space<hbm>>) target_semaphore(%arg23 : memref<!tpu.dma_semaphore, #tpu.memory_space<semaphore_mem>>)
    %dma_wait3A_214 = arith.constant 0 : i32
    %dma_wait3A_215 = tpu.memref_slice %arg6[%multiple_of3A_209, %dma_wait3A_214] : memref<8192x768xf32, #tpu.memory_space<hbm>> -> memref<16x768xf32, #tpu.memory_space<hbm>>
    %dma_wait3A_216 = arith.constant 0 : i32
    %dma_wait3A_217 = tpu.memref_slice %arg6[%multiple_of3A_209, %dma_wait3A_216] : memref<8192x768xf32, #tpu.memory_space<hbm>> -> memref<16x768xf32, #tpu.memory_space<hbm>>
    tpu.wait_dma2 semaphore(%arg23 : memref<!tpu.dma_semaphore, #tpu.memory_space<semaphore_mem>>) src(%arg10 : memref<16x768xf32, #tpu.memory_space<vmem>>) dst(%dma_wait3A_217 : memref<16x768xf32, #tpu.memory_space<hbm>>)
    %dma_start3A_218 = arith.constant 112 : i32
    %dma_start3A_219 = tpu.memref_slice %arg7[%dma_start3A_218] : memref<256xi32, #tpu.memory_space<vmem>> -> memref<16xi32, #tpu.memory_space<vmem>>
    %dma_start3A_220 = arith.constant 0 : i32
    %dma_start3A_221 = arith.constant 0 : i32
    %dma_start3A_222 = tpu.memref_slice %arg4[%dma_start3A_220, %dma_start3A_221] : memref<4098x768xf32, #tpu.memory_space<hbm>> -> memref<4098x768xf32, #tpu.memory_space<hbm>>
    tpu.enqueue_indirect_dma source(%dma_start3A_222 : memref<4098x768xf32, #tpu.memory_space<hbm>>) target(%arg10 : memref<16x768xf32, #tpu.memory_space<vmem>>) offsets(%dma_start3A_219 : memref<16xi32, #tpu.memory_space<vmem>>) semaphore(%arg17 : memref<!tpu.dma_semaphore, #tpu.memory_space<semaphore_mem>>)
    %dma_wait3A_223 = arith.constant 32 : i32
    %dma_wait3A_224 = tpu.memref_slice %arg7[%dma_wait3A_223] : memref<256xi32, #tpu.memory_space<vmem>> -> memref<16xi32, #tpu.memory_space<vmem>>
    %dma_wait3A_225 = arith.constant 0 : i32
    %dma_wait3A_226 = arith.constant 0 : i32
    %dma_wait3A_227 = tpu.memref_slice %arg4[%dma_wait3A_225, %dma_wait3A_226] : memref<4098x768xf32, #tpu.memory_space<hbm>> -> memref<4098x768xf32, #tpu.memory_space<hbm>>
    tpu.wait_indirect_dma semaphore(%arg18 : memref<!tpu.dma_semaphore, #tpu.memory_space<semaphore_mem>>) src(%dma_wait3A_227 : memref<4098x768xf32, #tpu.memory_space<hbm>>) dst(%arg11 : memref<16x768xf32, #tpu.memory_space<vmem>>)
    %dma_wait3A_228 = arith.constant 2 : i32
    %dma_wait3A_229 = arith.constant 0 : i32
    %dma_wait3A_230 = tpu.memref_slice %arg8[%dma_wait3A_228, %dma_wait3A_229] : memref<4x16xi32, #tpu.memory_space<vmem>> -> memref<1x16xi32, #tpu.memory_space<vmem>>
    %dma_wait3A_231 = tpu.memref_squeeze %dma_wait3A_230 : memref<1x16xi32, #tpu.memory_space<vmem>> -> memref<16xi32, #tpu.memory_space<vmem>>
    %dma_wait3A_232 = arith.constant 0 : i32
    %dma_wait3A_233 = arith.constant 0 : i32
    %dma_wait3A_234 = tpu.memref_slice %arg5[%dma_wait3A_232, %dma_wait3A_233] : memref<31x768xf32, #tpu.memory_space<hbm>> -> memref<31x768xf32, #tpu.memory_space<hbm>>
    tpu.wait_indirect_dma semaphore(%arg28 : memref<!tpu.dma_semaphore, #tpu.memory_space<semaphore_mem>>) src(%dma_wait3A_234 : memref<31x768xf32, #tpu.memory_space<hbm>>) dst(%arg15 : memref<16x768xf32, #tpu.memory_space<vmem>>)
    %scan3A_235 = arith.constant 0 : i32
    %scan3A_236 = arith.constant 0 : i32
    %scan3A_237 = arith.constant 16 : i32
    %scan3A_238 = arith.addi %scan3A_236, %scan3A_237 : i32
    %scan3A_239 = arith.constant 1 : i32
    scf.for %scan3A_548 = %scan3A_236 to %scan3A_238 step %scan3A_239  : i32 {
      %get3A = arith.index_cast %scan3A_548 : i32 to index
      %get3A_549 = arith.constant 0 : index
      %get3A_550 = tpu.vector_load %arg15[%get3A, %get3A_549] {strides = array<i32>} : memref<16x768xf32, #tpu.memory_space<vmem>>, vector<1x16xf32>,
      %get3A_551 = vector.shape_cast %get3A_550 : vector<1x16xf32> to vector<16xf32>
      %swap3A = arith.index_cast %scan3A_548 : i32 to index
      %swap3A_552 = arith.constant 0 : index
      %swap3A_553 = tpu.vector_load %arg11[%swap3A, %swap3A_552] {strides = array<i32>} : memref<16x768xf32, #tpu.memory_space<vmem>>, vector<1x16xf32>,
      %swap3A_554 = vector.shape_cast %swap3A_553 : vector<1x16xf32> to vector<16xf32>
      %swap3A_555 = vector.shape_cast %get3A_551 : vector<16xf32> to vector<1x16xf32>
      tpu.vector_store %arg11[%swap3A, %swap3A_552], %swap3A_555 {add = true, strides = array<i32>} : memref<16x768xf32, #tpu.memory_space<vmem>>, vector<1x16xf32>,
      %get3A_556 = arith.index_cast %scan3A_548 : i32 to index
      %get3A_557 = arith.constant 16 : index
      %get3A_558 = tpu.vector_load %arg15[%get3A_556, %get3A_557] {strides = array<i32>} : memref<16x768xf32, #tpu.memory_space<vmem>>, vector<1x16xf32>,
      %get3A_559 = vector.shape_cast %get3A_558 : vector<1x16xf32> to vector<16xf32>
      %swap3A_560 = arith.index_cast %scan3A_548 : i32 to index
      %swap3A_561 = arith.constant 16 : index
      %swap3A_562 = tpu.vector_load %arg11[%swap3A_560, %swap3A_561] {strides = array<i32>} : memref<16x768xf32, #tpu.memory_space<vmem>>, vector<1x16xf32>,
      %swap3A_563 = vector.shape_cast %swap3A_562 : vector<1x16xf32> to vector<16xf32>
      %swap3A_564 = vector.shape_cast %get3A_559 : vector<16xf32> to vector<1x16xf32>
      tpu.vector_store %arg11[%swap3A_560, %swap3A_561], %swap3A_564 {add = true, strides = array<i32>} : memref<16x768xf32, #tpu.memory_space<vmem>>, vector<1x16xf32>,
      %get3A_565 = arith.index_cast %scan3A_548 : i32 to index
      %get3A_566 = arith.constant 32 : index
      %get3A_567 = tpu.vector_load %arg15[%get3A_565, %get3A_566] {strides = array<i32>} : memref<16x768xf32, #tpu.memory_space<vmem>>, vector<1x16xf32>,
      %get3A_568 = vector.shape_cast %get3A_567 : vector<1x16xf32> to vector<16xf32>
      %swap3A_569 = arith.index_cast %scan3A_548 : i32 to index
      %swap3A_570 = arith.constant 32 : index
      %swap3A_571 = tpu.vector_load %arg11[%swap3A_569, %swap3A_570] {strides = array<i32>} : memref<16x768xf32, #tpu.memory_space<vmem>>, vector<1x16xf32>,
      %swap3A_572 = vector.shape_cast %swap3A_571 : vector<1x16xf32> to vector<16xf32>
      %swap3A_573 = vector.shape_cast %get3A_568 : vector<16xf32> to vector<1x16xf32>
      tpu.vector_store %arg11[%swap3A_569, %swap3A_570], %swap3A_573 {add = true, strides = array<i32>} : memref<16x768xf32, #tpu.memory_space<vmem>>, vector<1x16xf32>,
      %get3A_574 = arith.index_cast %scan3A_548 : i32 to index
      %get3A_575 = arith.constant 48 : index
      %get3A_576 = tpu.vector_load %arg15[%get3A_574, %get3A_575] {strides = array<i32>} : memref<16x768xf32, #tpu.memory_space<vmem>>, vector<1x16xf32>,
      %get3A_577 = vector.shape_cast %get3A_576 : vector<1x16xf32> to vector<16xf32>
      %swap3A_578 = arith.index_cast %scan3A_548 : i32 to index
      %swap3A_579 = arith.constant 48 : index
      %swap3A_580 = tpu.vector_load %arg11[%swap3A_578, %swap3A_579] {strides = array<i32>} : memref<16x768xf32, #tpu.memory_space<vmem>>, vector<1x16xf32>,
      %swap3A_581 = vector.shape_cast %swap3A_580 : vector<1x16xf32> to vector<16xf32>
      %swap3A_582 = vector.shape_cast %get3A_577 : vector<16xf32> to vector<1x16xf32>
      tpu.vector_store %arg11[%swap3A_578, %swap3A_579], %swap3A_582 {add = true, strides = array<i32>} : memref<16x768xf32, #tpu.memory_space<vmem>>, vector<1x16xf32>,
      %get3A_583 = arith.index_cast %scan3A_548 : i32 to index
      %get3A_584 = arith.constant 64 : index
      %get3A_585 = tpu.vector_load %arg15[%get3A_583, %get3A_584] {strides = array<i32>} : memref<16x768xf32, #tpu.memory_space<vmem>>, vector<1x16xf32>,
      %get3A_586 = vector.shape_cast %get3A_585 : vector<1x16xf32> to vector<16xf32>
      %swap3A_587 = arith.index_cast %scan3A_548 : i32 to index
      %swap3A_588 = arith.constant 64 : index
      %swap3A_589 = tpu.vector_load %arg11[%swap3A_587, %swap3A_588] {strides = array<i32>} : memref<16x768xf32, #tpu.memory_space<vmem>>, vector<1x16xf32>,
      %swap3A_590 = vector.shape_cast %swap3A_589 : vector<1x16xf32> to vector<16xf32>
      %swap3A_591 = vector.shape_cast %get3A_586 : vector<16xf32> to vector<1x16xf32>
      tpu.vector_store %arg11[%swap3A_587, %swap3A_588], %swap3A_591 {add = true, strides = array<i32>} : memref<16x768xf32, #tpu.memory_space<vmem>>, vector<1x16xf32>,
      %get3A_592 = arith.index_cast %scan3A_548 : i32 to index
      %get3A_593 = arith.constant 80 : index
      %get3A_594 = tpu.vector_load %arg15[%get3A_592, %get3A_593] {strides = array<i32>} : memref<16x768xf32, #tpu.memory_space<vmem>>, vector<1x16xf32>,
      %get3A_595 = vector.shape_cast %get3A_594 : vector<1x16xf32> to vector<16xf32>
      %swap3A_596 = arith.index_cast %scan3A_548 : i32 to index
      %swap3A_597 = arith.constant 80 : index
      %swap3A_598 = tpu.vector_load %arg11[%swap3A_596, %swap3A_597] {strides = array<i32>} : memref<16x768xf32, #tpu.memory_space<vmem>>, vector<1x16xf32>,
      %swap3A_599 = vector.shape_cast %swap3A_598 : vector<1x16xf32> to vector<16xf32>
      %swap3A_600 = vector.shape_cast %get3A_595 : vector<16xf32> to vector<1x16xf32>
      tpu.vector_store %arg11[%swap3A_596, %swap3A_597], %swap3A_600 {add = true, strides = array<i32>} : memref<16x768xf32, #tpu.memory_space<vmem>>, vector<1x16xf32>,
      %get3A_601 = arith.index_cast %scan3A_548 : i32 to index
      %get3A_602 = arith.constant 96 : index
      %get3A_603 = tpu.vector_load %arg15[%get3A_601, %get3A_602] {strides = array<i32>} : memref<16x768xf32, #tpu.memory_space<vmem>>, vector<1x16xf32>,
      %get3A_604 = vector.shape_cast %get3A_603 : vector<1x16xf32> to vector<16xf32>
      %swap3A_605 = arith.index_cast %scan3A_548 : i32 to index
      %swap3A_606 = arith.constant 96 : index
      %swap3A_607 = tpu.vector_load %arg11[%swap3A_605, %swap3A_606] {strides = array<i32>} : memref<16x768xf32, #tpu.memory_space<vmem>>, vector<1x16xf32>,
      %swap3A_608 = vector.shape_cast %swap3A_607 : vector<1x16xf32> to vector<16xf32>
      %swap3A_609 = vector.shape_cast %get3A_604 : vector<16xf32> to vector<1x16xf32>
      tpu.vector_store %arg11[%swap3A_605, %swap3A_606], %swap3A_609 {add = true, strides = array<i32>} : memref<16x768xf32, #tpu.memory_space<vmem>>, vector<1x16xf32>,
      %get3A_610 = arith.index_cast %scan3A_548 : i32 to index
      %get3A_611 = arith.constant 112 : index
      %get3A_612 = tpu.vector_load %arg15[%get3A_610, %get3A_611] {strides = array<i32>} : memref<16x768xf32, #tpu.memory_space<vmem>>, vector<1x16xf32>,
      %get3A_613 = vector.shape_cast %get3A_612 : vector<1x16xf32> to vector<16xf32>
      %swap3A_614 = arith.index_cast %scan3A_548 : i32 to index
      %swap3A_615 = arith.constant 112 : index
      %swap3A_616 = tpu.vector_load %arg11[%swap3A_614, %swap3A_615] {strides = array<i32>} : memref<16x768xf32, #tpu.memory_space<vmem>>, vector<1x16xf32>,
      %swap3A_617 = vector.shape_cast %swap3A_616 : vector<1x16xf32> to vector<16xf32>
      %swap3A_618 = vector.shape_cast %get3A_613 : vector<16xf32> to vector<1x16xf32>
      tpu.vector_store %arg11[%swap3A_614, %swap3A_615], %swap3A_618 {add = true, strides = array<i32>} : memref<16x768xf32, #tpu.memory_space<vmem>>, vector<1x16xf32>,
      %get3A_619 = arith.index_cast %scan3A_548 : i32 to index
      %get3A_620 = arith.constant 128 : index
      %get3A_621 = tpu.vector_load %arg15[%get3A_619, %get3A_620] {strides = array<i32>} : memref<16x768xf32, #tpu.memory_space<vmem>>, vector<1x16xf32>,
      %get3A_622 = vector.shape_cast %get3A_621 : vector<1x16xf32> to vector<16xf32>
      %swap3A_623 = arith.index_cast %scan3A_548 : i32 to index
      %swap3A_624 = arith.constant 128 : index
      %swap3A_625 = tpu.vector_load %arg11[%swap3A_623, %swap3A_624] {strides = array<i32>} : memref<16x768xf32, #tpu.memory_space<vmem>>, vector<1x16xf32>,
      %swap3A_626 = vector.shape_cast %swap3A_625 : vector<1x16xf32> to vector<16xf32>
      %swap3A_627 = vector.shape_cast %get3A_622 : vector<16xf32> to vector<1x16xf32>
      tpu.vector_store %arg11[%swap3A_623, %swap3A_624], %swap3A_627 {add = true, strides = array<i32>} : memref<16x768xf32, #tpu.memory_space<vmem>>, vector<1x16xf32>,
      %get3A_628 = arith.index_cast %scan3A_548 : i32 to index
      %get3A_629 = arith.constant 144 : index
      %get3A_630 = tpu.vector_load %arg15[%get3A_628, %get3A_629] {strides = array<i32>} : memref<16x768xf32, #tpu.memory_space<vmem>>, vector<1x16xf32>,
      %get3A_631 = vector.shape_cast %get3A_630 : vector<1x16xf32> to vector<16xf32>
      %swap3A_632 = arith.index_cast %scan3A_548 : i32 to index
      %swap3A_633 = arith.constant 144 : index
      %swap3A_634 = tpu.vector_load %arg11[%swap3A_632, %swap3A_633] {strides = array<i32>} : memref<16x768xf32, #tpu.memory_space<vmem>>, vector<1x16xf32>,
      %swap3A_635 = vector.shape_cast %swap3A_634 : vector<1x16xf32> to vector<16xf32>
      %swap3A_636 = vector.shape_cast %get3A_631 : vector<16xf32> to vector<1x16xf32>
      tpu.vector_store %arg11[%swap3A_632, %swap3A_633], %swap3A_636 {add = true, strides = array<i32>} : memref<16x768xf32, #tpu.memory_space<vmem>>, vector<1x16xf32>,
      %get3A_637 = arith.index_cast %scan3A_548 : i32 to index
      %get3A_638 = arith.constant 160 : index
      %get3A_639 = tpu.vector_load %arg15[%get3A_637, %get3A_638] {strides = array<i32>} : memref<16x768xf32, #tpu.memory_space<vmem>>, vector<1x16xf32>,
      %get3A_640 = vector.shape_cast %get3A_639 : vector<1x16xf32> to vector<16xf32>
      %swap3A_641 = arith.index_cast %scan3A_548 : i32 to index
      %swap3A_642 = arith.constant 160 : index
      %swap3A_643 = tpu.vector_load %arg11[%swap3A_641, %swap3A_642] {strides = array<i32>} : memref<16x768xf32, #tpu.memory_space<vmem>>, vector<1x16xf32>,
      %swap3A_644 = vector.shape_cast %swap3A_643 : vector<1x16xf32> to vector<16xf32>
      %swap3A_645 = vector.shape_cast %get3A_640 : vector<16xf32> to vector<1x16xf32>
      tpu.vector_store %arg11[%swap3A_641, %swap3A_642], %swap3A_645 {add = true, strides = array<i32>} : memref<16x768xf32, #tpu.memory_space<vmem>>, vector<1x16xf32>,
      %get3A_646 = arith.index_cast %scan3A_548 : i32 to index
      %get3A_647 = arith.constant 176 : index
      %get3A_648 = tpu.vector_load %arg15[%get3A_646, %get3A_647] {strides = array<i32>} : memref<16x768xf32, #tpu.memory_space<vmem>>, vector<1x16xf32>,
      %get3A_649 = vector.shape_cast %get3A_648 : vector<1x16xf32> to vector<16xf32>
      %swap3A_650 = arith.index_cast %scan3A_548 : i32 to index
      %swap3A_651 = arith.constant 176 : index
      %swap3A_652 = tpu.vector_load %arg11[%swap3A_650, %swap3A_651] {strides = array<i32>} : memref<16x768xf32, #tpu.memory_space<vmem>>, vector<1x16xf32>,
      %swap3A_653 = vector.shape_cast %swap3A_652 : vector<1x16xf32> to vector<16xf32>
      %swap3A_654 = vector.shape_cast %get3A_649 : vector<16xf32> to vector<1x16xf32>
      tpu.vector_store %arg11[%swap3A_650, %swap3A_651], %swap3A_654 {add = true, strides = array<i32>} : memref<16x768xf32, #tpu.memory_space<vmem>>, vector<1x16xf32>,
      %get3A_655 = arith.index_cast %scan3A_548 : i32 to index
      %get3A_656 = arith.constant 192 : index
      %get3A_657 = tpu.vector_load %arg15[%get3A_655, %get3A_656] {strides = array<i32>} : memref<16x768xf32, #tpu.memory_space<vmem>>, vector<1x16xf32>,
      %get3A_658 = vector.shape_cast %get3A_657 : vector<1x16xf32> to vector<16xf32>
      %swap3A_659 = arith.index_cast %scan3A_548 : i32 to index
      %swap3A_660 = arith.constant 192 : index
      %swap3A_661 = tpu.vector_load %arg11[%swap3A_659, %swap3A_660] {strides = array<i32>} : memref<16x768xf32, #tpu.memory_space<vmem>>, vector<1x16xf32>,
      %swap3A_662 = vector.shape_cast %swap3A_661 : vector<1x16xf32> to vector<16xf32>
      %swap3A_663 = vector.shape_cast %get3A_658 : vector<16xf32> to vector<1x16xf32>
      tpu.vector_store %arg11[%swap3A_659, %swap3A_660], %swap3A_663 {add = true, strides = array<i32>} : memref<16x768xf32, #tpu.memory_space<vmem>>, vector<1x16xf32>,
      %get3A_664 = arith.index_cast %scan3A_548 : i32 to index
      %get3A_665 = arith.constant 208 : index
      %get3A_666 = tpu.vector_load %arg15[%get3A_664, %get3A_665] {strides = array<i32>} : memref<16x768xf32, #tpu.memory_space<vmem>>, vector<1x16xf32>,
      %get3A_667 = vector.shape_cast %get3A_666 : vector<1x16xf32> to vector<16xf32>
      %swap3A_668 = arith.index_cast %scan3A_548 : i32 to index
      %swap3A_669 = arith.constant 208 : index
      %swap3A_670 = tpu.vector_load %arg11[%swap3A_668, %swap3A_669] {strides = array<i32>} : memref<16x768xf32, #tpu.memory_space<vmem>>, vector<1x16xf32>,
      %swap3A_671 = vector.shape_cast %swap3A_670 : vector<1x16xf32> to vector<16xf32>
      %swap3A_672 = vector.shape_cast %get3A_667 : vector<16xf32> to vector<1x16xf32>
      tpu.vector_store %arg11[%swap3A_668, %swap3A_669], %swap3A_672 {add = true, strides = array<i32>} : memref<16x768xf32, #tpu.memory_space<vmem>>, vector<1x16xf32>,
      %get3A_673 = arith.index_cast %scan3A_548 : i32 to index
      %get3A_674 = arith.constant 224 : index
      %get3A_675 = tpu.vector_load %arg15[%get3A_673, %get3A_674] {strides = array<i32>} : memref<16x768xf32, #tpu.memory_space<vmem>>, vector<1x16xf32>,
      %get3A_676 = vector.shape_cast %get3A_675 : vector<1x16xf32> to vector<16xf32>
      %swap3A_677 = arith.index_cast %scan3A_548 : i32 to index
      %swap3A_678 = arith.constant 224 : index
      %swap3A_679 = tpu.vector_load %arg11[%swap3A_677, %swap3A_678] {strides = array<i32>} : memref<16x768xf32, #tpu.memory_space<vmem>>, vector<1x16xf32>,
      %swap3A_680 = vector.shape_cast %swap3A_679 : vector<1x16xf32> to vector<16xf32>
      %swap3A_681 = vector.shape_cast %get3A_676 : vector<16xf32> to vector<1x16xf32>
      tpu.vector_store %arg11[%swap3A_677, %swap3A_678], %swap3A_681 {add = true, strides = array<i32>} : memref<16x768xf32, #tpu.memory_space<vmem>>, vector<1x16xf32>,
      %get3A_682 = arith.index_cast %scan3A_548 : i32 to index
      %get3A_683 = arith.constant 240 : index
      %get3A_684 = tpu.vector_load %arg15[%get3A_682, %get3A_683] {strides = array<i32>} : memref<16x768xf32, #tpu.memory_space<vmem>>, vector<1x16xf32>,
      %get3A_685 = vector.shape_cast %get3A_684 : vector<1x16xf32> to vector<16xf32>
      %swap3A_686 = arith.index_cast %scan3A_548 : i32 to index
      %swap3A_687 = arith.constant 240 : index
      %swap3A_688 = tpu.vector_load %arg11[%swap3A_686, %swap3A_687] {strides = array<i32>} : memref<16x768xf32, #tpu.memory_space<vmem>>, vector<1x16xf32>,
      %swap3A_689 = vector.shape_cast %swap3A_688 : vector<1x16xf32> to vector<16xf32>
      %swap3A_690 = vector.shape_cast %get3A_685 : vector<16xf32> to vector<1x16xf32>
      tpu.vector_store %arg11[%swap3A_686, %swap3A_687], %swap3A_690 {add = true, strides = array<i32>} : memref<16x768xf32, #tpu.memory_space<vmem>>, vector<1x16xf32>,
      %get3A_691 = arith.index_cast %scan3A_548 : i32 to index
      %get3A_692 = arith.constant 256 : index
      %get3A_693 = tpu.vector_load %arg15[%get3A_691, %get3A_692] {strides = array<i32>} : memref<16x768xf32, #tpu.memory_space<vmem>>, vector<1x16xf32>,
      %get3A_694 = vector.shape_cast %get3A_693 : vector<1x16xf32> to vector<16xf32>
      %swap3A_695 = arith.index_cast %scan3A_548 : i32 to index
      %swap3A_696 = arith.constant 256 : index
      %swap3A_697 = tpu.vector_load %arg11[%swap3A_695, %swap3A_696] {strides = array<i32>} : memref<16x768xf32, #tpu.memory_space<vmem>>, vector<1x16xf32>,
      %swap3A_698 = vector.shape_cast %swap3A_697 : vector<1x16xf32> to vector<16xf32>
      %swap3A_699 = vector.shape_cast %get3A_694 : vector<16xf32> to vector<1x16xf32>
      tpu.vector_store %arg11[%swap3A_695, %swap3A_696], %swap3A_699 {add = true, strides = array<i32>} : memref<16x768xf32, #tpu.memory_space<vmem>>, vector<1x16xf32>,
      %get3A_700 = arith.index_cast %scan3A_548 : i32 to index
      %get3A_701 = arith.constant 272 : index
      %get3A_702 = tpu.vector_load %arg15[%get3A_700, %get3A_701] {strides = array<i32>} : memref<16x768xf32, #tpu.memory_space<vmem>>, vector<1x16xf32>,
      %get3A_703 = vector.shape_cast %get3A_702 : vector<1x16xf32> to vector<16xf32>
      %swap3A_704 = arith.index_cast %scan3A_548 : i32 to index
      %swap3A_705 = arith.constant 272 : index
      %swap3A_706 = tpu.vector_load %arg11[%swap3A_704, %swap3A_705] {strides = array<i32>} : memref<16x768xf32, #tpu.memory_space<vmem>>, vector<1x16xf32>,
      %swap3A_707 = vector.shape_cast %swap3A_706 : vector<1x16xf32> to vector<16xf32>
      %swap3A_708 = vector.shape_cast %get3A_703 : vector<16xf32> to vector<1x16xf32>
      tpu.vector_store %arg11[%swap3A_704, %swap3A_705], %swap3A_708 {add = true, strides = array<i32>} : memref<16x768xf32, #tpu.memory_space<vmem>>, vector<1x16xf32>,
      %get3A_709 = arith.index_cast %scan3A_548 : i32 to index
      %get3A_710 = arith.constant 288 : index
      %get3A_711 = tpu.vector_load %arg15[%get3A_709, %get3A_710] {strides = array<i32>} : memref<16x768xf32, #tpu.memory_space<vmem>>, vector<1x16xf32>,
      %get3A_712 = vector.shape_cast %get3A_711 : vector<1x16xf32> to vector<16xf32>
      %swap3A_713 = arith.index_cast %scan3A_548 : i32 to index
      %swap3A_714 = arith.constant 288 : index
      %swap3A_715 = tpu.vector_load %arg11[%swap3A_713, %swap3A_714] {strides = array<i32>} : memref<16x768xf32, #tpu.memory_space<vmem>>, vector<1x16xf32>,
      %swap3A_716 = vector.shape_cast %swap3A_715 : vector<1x16xf32> to vector<16xf32>
      %swap3A_717 = vector.shape_cast %get3A_712 : vector<16xf32> to vector<1x16xf32>
      tpu.vector_store %arg11[%swap3A_713, %swap3A_714], %swap3A_717 {add = true, strides = array<i32>} : memref<16x768xf32, #tpu.memory_space<vmem>>, vector<1x16xf32>,
      %get3A_718 = arith.index_cast %scan3A_548 : i32 to index
      %get3A_719 = arith.constant 304 : index
      %get3A_720 = tpu.vector_load %arg15[%get3A_718, %get3A_719] {strides = array<i32>} : memref<16x768xf32, #tpu.memory_space<vmem>>, vector<1x16xf32>,
      %get3A_721 = vector.shape_cast %get3A_720 : vector<1x16xf32> to vector<16xf32>
      %swap3A_722 = arith.index_cast %scan3A_548 : i32 to index
      %swap3A_723 = arith.constant 304 : index
      %swap3A_724 = tpu.vector_load %arg11[%swap3A_722, %swap3A_723] {strides = array<i32>} : memref<16x768xf32, #tpu.memory_space<vmem>>, vector<1x16xf32>,
      %swap3A_725 = vector.shape_cast %swap3A_724 : vector<1x16xf32> to vector<16xf32>
      %swap3A_726 = vector.shape_cast %get3A_721 : vector<16xf32> to vector<1x16xf32>
      tpu.vector_store %arg11[%swap3A_722, %swap3A_723], %swap3A_726 {add = true, strides = array<i32>} : memref<16x768xf32, #tpu.memory_space<vmem>>, vector<1x16xf32>,
      %get3A_727 = arith.index_cast %scan3A_548 : i32 to index
      %get3A_728 = arith.constant 320 : index
      %get3A_729 = tpu.vector_load %arg15[%get3A_727, %get3A_728] {strides = array<i32>} : memref<16x768xf32, #tpu.memory_space<vmem>>, vector<1x16xf32>,
      %get3A_730 = vector.shape_cast %get3A_729 : vector<1x16xf32> to vector<16xf32>
      %swap3A_731 = arith.index_cast %scan3A_548 : i32 to index
      %swap3A_732 = arith.constant 320 : index
      %swap3A_733 = tpu.vector_load %arg11[%swap3A_731, %swap3A_732] {strides = array<i32>} : memref<16x768xf32, #tpu.memory_space<vmem>>, vector<1x16xf32>,
      %swap3A_734 = vector.shape_cast %swap3A_733 : vector<1x16xf32> to vector<16xf32>
      %swap3A_735 = vector.shape_cast %get3A_730 : vector<16xf32> to vector<1x16xf32>
      tpu.vector_store %arg11[%swap3A_731, %swap3A_732], %swap3A_735 {add = true, strides = array<i32>} : memref<16x768xf32, #tpu.memory_space<vmem>>, vector<1x16xf32>,
      %get3A_736 = arith.index_cast %scan3A_548 : i32 to index
      %get3A_737 = arith.constant 336 : index
      %get3A_738 = tpu.vector_load %arg15[%get3A_736, %get3A_737] {strides = array<i32>} : memref<16x768xf32, #tpu.memory_space<vmem>>, vector<1x16xf32>,
      %get3A_739 = vector.shape_cast %get3A_738 : vector<1x16xf32> to vector<16xf32>
      %swap3A_740 = arith.index_cast %scan3A_548 : i32 to index
      %swap3A_741 = arith.constant 336 : index
      %swap3A_742 = tpu.vector_load %arg11[%swap3A_740, %swap3A_741] {strides = array<i32>} : memref<16x768xf32, #tpu.memory_space<vmem>>, vector<1x16xf32>,
      %swap3A_743 = vector.shape_cast %swap3A_742 : vector<1x16xf32> to vector<16xf32>
      %swap3A_744 = vector.shape_cast %get3A_739 : vector<16xf32> to vector<1x16xf32>
      tpu.vector_store %arg11[%swap3A_740, %swap3A_741], %swap3A_744 {add = true, strides = array<i32>} : memref<16x768xf32, #tpu.memory_space<vmem>>, vector<1x16xf32>,
      %get3A_745 = arith.index_cast %scan3A_548 : i32 to index
      %get3A_746 = arith.constant 352 : index
      %get3A_747 = tpu.vector_load %arg15[%get3A_745, %get3A_746] {strides = array<i32>} : memref<16x768xf32, #tpu.memory_space<vmem>>, vector<1x16xf32>,
      %get3A_748 = vector.shape_cast %get3A_747 : vector<1x16xf32> to vector<16xf32>
      %swap3A_749 = arith.index_cast %scan3A_548 : i32 to index
      %swap3A_750 = arith.constant 352 : index
      %swap3A_751 = tpu.vector_load %arg11[%swap3A_749, %swap3A_750] {strides = array<i32>} : memref<16x768xf32, #tpu.memory_space<vmem>>, vector<1x16xf32>,
      %swap3A_752 = vector.shape_cast %swap3A_751 : vector<1x16xf32> to vector<16xf32>
      %swap3A_753 = vector.shape_cast %get3A_748 : vector<16xf32> to vector<1x16xf32>
      tpu.vector_store %arg11[%swap3A_749, %swap3A_750], %swap3A_753 {add = true, strides = array<i32>} : memref<16x768xf32, #tpu.memory_space<vmem>>, vector<1x16xf32>,
      %get3A_754 = arith.index_cast %scan3A_548 : i32 to index
      %get3A_755 = arith.constant 368 : index
      %get3A_756 = tpu.vector_load %arg15[%get3A_754, %get3A_755] {strides = array<i32>} : memref<16x768xf32, #tpu.memory_space<vmem>>, vector<1x16xf32>,
      %get3A_757 = vector.shape_cast %get3A_756 : vector<1x16xf32> to vector<16xf32>
      %swap3A_758 = arith.index_cast %scan3A_548 : i32 to index
      %swap3A_759 = arith.constant 368 : index
      %swap3A_760 = tpu.vector_load %arg11[%swap3A_758, %swap3A_759] {strides = array<i32>} : memref<16x768xf32, #tpu.memory_space<vmem>>, vector<1x16xf32>,
      %swap3A_761 = vector.shape_cast %swap3A_760 : vector<1x16xf32> to vector<16xf32>
      %swap3A_762 = vector.shape_cast %get3A_757 : vector<16xf32> to vector<1x16xf32>
      tpu.vector_store %arg11[%swap3A_758, %swap3A_759], %swap3A_762 {add = true, strides = array<i32>} : memref<16x768xf32, #tpu.memory_space<vmem>>, vector<1x16xf32>,
      %get3A_763 = arith.index_cast %scan3A_548 : i32 to index
      %get3A_764 = arith.constant 384 : index
      %get3A_765 = tpu.vector_load %arg15[%get3A_763, %get3A_764] {strides = array<i32>} : memref<16x768xf32, #tpu.memory_space<vmem>>, vector<1x16xf32>,
      %get3A_766 = vector.shape_cast %get3A_765 : vector<1x16xf32> to vector<16xf32>
      %swap3A_767 = arith.index_cast %scan3A_548 : i32 to index
      %swap3A_768 = arith.constant 384 : index
      %swap3A_769 = tpu.vector_load %arg11[%swap3A_767, %swap3A_768] {strides = array<i32>} : memref<16x768xf32, #tpu.memory_space<vmem>>, vector<1x16xf32>,
      %swap3A_770 = vector.shape_cast %swap3A_769 : vector<1x16xf32> to vector<16xf32>
      %swap3A_771 = vector.shape_cast %get3A_766 : vector<16xf32> to vector<1x16xf32>
      tpu.vector_store %arg11[%swap3A_767, %swap3A_768], %swap3A_771 {add = true, strides = array<i32>} : memref<16x768xf32, #tpu.memory_space<vmem>>, vector<1x16xf32>,
      %get3A_772 = arith.index_cast %scan3A_548 : i32 to index
      %get3A_773 = arith.constant 400 : index
      %get3A_774 = tpu.vector_load %arg15[%get3A_772, %get3A_773] {strides = array<i32>} : memref<16x768xf32, #tpu.memory_space<vmem>>, vector<1x16xf32>,
      %get3A_775 = vector.shape_cast %get3A_774 : vector<1x16xf32> to vector<16xf32>
      %swap3A_776 = arith.index_cast %scan3A_548 : i32 to index
      %swap3A_777 = arith.constant 400 : index
      %swap3A_778 = tpu.vector_load %arg11[%swap3A_776, %swap3A_777] {strides = array<i32>} : memref<16x768xf32, #tpu.memory_space<vmem>>, vector<1x16xf32>,
      %swap3A_779 = vector.shape_cast %swap3A_778 : vector<1x16xf32> to vector<16xf32>
      %swap3A_780 = vector.shape_cast %get3A_775 : vector<16xf32> to vector<1x16xf32>
      tpu.vector_store %arg11[%swap3A_776, %swap3A_777], %swap3A_780 {add = true, strides = array<i32>} : memref<16x768xf32, #tpu.memory_space<vmem>>, vector<1x16xf32>,
      %get3A_781 = arith.index_cast %scan3A_548 : i32 to index
      %get3A_782 = arith.constant 416 : index
      %get3A_783 = tpu.vector_load %arg15[%get3A_781, %get3A_782] {strides = array<i32>} : memref<16x768xf32, #tpu.memory_space<vmem>>, vector<1x16xf32>,
      %get3A_784 = vector.shape_cast %get3A_783 : vector<1x16xf32> to vector<16xf32>
      %swap3A_785 = arith.index_cast %scan3A_548 : i32 to index
      %swap3A_786 = arith.constant 416 : index
      %swap3A_787 = tpu.vector_load %arg11[%swap3A_785, %swap3A_786] {strides = array<i32>} : memref<16x768xf32, #tpu.memory_space<vmem>>, vector<1x16xf32>,
      %swap3A_788 = vector.shape_cast %swap3A_787 : vector<1x16xf32> to vector<16xf32>
      %swap3A_789 = vector.shape_cast %get3A_784 : vector<16xf32> to vector<1x16xf32>
      tpu.vector_store %arg11[%swap3A_785, %swap3A_786], %swap3A_789 {add = true, strides = array<i32>} : memref<16x768xf32, #tpu.memory_space<vmem>>, vector<1x16xf32>,
      %get3A_790 = arith.index_cast %scan3A_548 : i32 to index
      %get3A_791 = arith.constant 432 : index
      %get3A_792 = tpu.vector_load %arg15[%get3A_790, %get3A_791] {strides = array<i32>} : memref<16x768xf32, #tpu.memory_space<vmem>>, vector<1x16xf32>,
      %get3A_793 = vector.shape_cast %get3A_792 : vector<1x16xf32> to vector<16xf32>
      %swap3A_794 = arith.index_cast %scan3A_548 : i32 to index
      %swap3A_795 = arith.constant 432 : index
      %swap3A_796 = tpu.vector_load %arg11[%swap3A_794, %swap3A_795] {strides = array<i32>} : memref<16x768xf32, #tpu.memory_space<vmem>>, vector<1x16xf32>,
      %swap3A_797 = vector.shape_cast %swap3A_796 : vector<1x16xf32> to vector<16xf32>
      %swap3A_798 = vector.shape_cast %get3A_793 : vector<16xf32> to vector<1x16xf32>
      tpu.vector_store %arg11[%swap3A_794, %swap3A_795], %swap3A_798 {add = true, strides = array<i32>} : memref<16x768xf32, #tpu.memory_space<vmem>>, vector<1x16xf32>,
      %get3A_799 = arith.index_cast %scan3A_548 : i32 to index
      %get3A_800 = arith.constant 448 : index
      %get3A_801 = tpu.vector_load %arg15[%get3A_799, %get3A_800] {strides = array<i32>} : memref<16x768xf32, #tpu.memory_space<vmem>>, vector<1x16xf32>,
      %get3A_802 = vector.shape_cast %get3A_801 : vector<1x16xf32> to vector<16xf32>
      %swap3A_803 = arith.index_cast %scan3A_548 : i32 to index
      %swap3A_804 = arith.constant 448 : index
      %swap3A_805 = tpu.vector_load %arg11[%swap3A_803, %swap3A_804] {strides = array<i32>} : memref<16x768xf32, #tpu.memory_space<vmem>>, vector<1x16xf32>,
      %swap3A_806 = vector.shape_cast %swap3A_805 : vector<1x16xf32> to vector<16xf32>
      %swap3A_807 = vector.shape_cast %get3A_802 : vector<16xf32> to vector<1x16xf32>
      tpu.vector_store %arg11[%swap3A_803, %swap3A_804], %swap3A_807 {add = true, strides = array<i32>} : memref<16x768xf32, #tpu.memory_space<vmem>>, vector<1x16xf32>,
      %get3A_808 = arith.index_cast %scan3A_548 : i32 to index
      %get3A_809 = arith.constant 464 : index
      %get3A_810 = tpu.vector_load %arg15[%get3A_808, %get3A_809] {strides = array<i32>} : memref<16x768xf32, #tpu.memory_space<vmem>>, vector<1x16xf32>,
      %get3A_811 = vector.shape_cast %get3A_810 : vector<1x16xf32> to vector<16xf32>
      %swap3A_812 = arith.index_cast %scan3A_548 : i32 to index
      %swap3A_813 = arith.constant 464 : index
      %swap3A_814 = tpu.vector_load %arg11[%swap3A_812, %swap3A_813] {strides = array<i32>} : memref<16x768xf32, #tpu.memory_space<vmem>>, vector<1x16xf32>,
      %swap3A_815 = vector.shape_cast %swap3A_814 : vector<1x16xf32> to vector<16xf32>
      %swap3A_816 = vector.shape_cast %get3A_811 : vector<16xf32> to vector<1x16xf32>
      tpu.vector_store %arg11[%swap3A_812, %swap3A_813], %swap3A_816 {add = true, strides = array<i32>} : memref<16x768xf32, #tpu.memory_space<vmem>>, vector<1x16xf32>,
      %get3A_817 = arith.index_cast %scan3A_548 : i32 to index
      %get3A_818 = arith.constant 480 : index
      %get3A_819 = tpu.vector_load %arg15[%get3A_817, %get3A_818] {strides = array<i32>} : memref<16x768xf32, #tpu.memory_space<vmem>>, vector<1x16xf32>,
      %get3A_820 = vector.shape_cast %get3A_819 : vector<1x16xf32> to vector<16xf32>
      %swap3A_821 = arith.index_cast %scan3A_548 : i32 to index
      %swap3A_822 = arith.constant 480 : index
      %swap3A_823 = tpu.vector_load %arg11[%swap3A_821, %swap3A_822] {strides = array<i32>} : memref<16x768xf32, #tpu.memory_space<vmem>>, vector<1x16xf32>,
      %swap3A_824 = vector.shape_cast %swap3A_823 : vector<1x16xf32> to vector<16xf32>
      %swap3A_825 = vector.shape_cast %get3A_820 : vector<16xf32> to vector<1x16xf32>
      tpu.vector_store %arg11[%swap3A_821, %swap3A_822], %swap3A_825 {add = true, strides = array<i32>} : memref<16x768xf32, #tpu.memory_space<vmem>>, vector<1x16xf32>,
      %get3A_826 = arith.index_cast %scan3A_548 : i32 to index
      %get3A_827 = arith.constant 496 : index
      %get3A_828 = tpu.vector_load %arg15[%get3A_826, %get3A_827] {strides = array<i32>} : memref<16x768xf32, #tpu.memory_space<vmem>>, vector<1x16xf32>,
      %get3A_829 = vector.shape_cast %get3A_828 : vector<1x16xf32> to vector<16xf32>
      %swap3A_830 = arith.index_cast %scan3A_548 : i32 to index
      %swap3A_831 = arith.constant 496 : index
      %swap3A_832 = tpu.vector_load %arg11[%swap3A_830, %swap3A_831] {strides = array<i32>} : memref<16x768xf32, #tpu.memory_space<vmem>>, vector<1x16xf32>,
      %swap3A_833 = vector.shape_cast %swap3A_832 : vector<1x16xf32> to vector<16xf32>
      %swap3A_834 = vector.shape_cast %get3A_829 : vector<16xf32> to vector<1x16xf32>
      tpu.vector_store %arg11[%swap3A_830, %swap3A_831], %swap3A_834 {add = true, strides = array<i32>} : memref<16x768xf32, #tpu.memory_space<vmem>>, vector<1x16xf32>,
      %get3A_835 = arith.index_cast %scan3A_548 : i32 to index
      %get3A_836 = arith.constant 512 : index
      %get3A_837 = tpu.vector_load %arg15[%get3A_835, %get3A_836] {strides = array<i32>} : memref<16x768xf32, #tpu.memory_space<vmem>>, vector<1x16xf32>,
      %get3A_838 = vector.shape_cast %get3A_837 : vector<1x16xf32> to vector<16xf32>
      %swap3A_839 = arith.index_cast %scan3A_548 : i32 to index
      %swap3A_840 = arith.constant 512 : index
      %swap3A_841 = tpu.vector_load %arg11[%swap3A_839, %swap3A_840] {strides = array<i32>} : memref<16x768xf32, #tpu.memory_space<vmem>>, vector<1x16xf32>,
      %swap3A_842 = vector.shape_cast %swap3A_841 : vector<1x16xf32> to vector<16xf32>
      %swap3A_843 = vector.shape_cast %get3A_838 : vector<16xf32> to vector<1x16xf32>
      tpu.vector_store %arg11[%swap3A_839, %swap3A_840], %swap3A_843 {add = true, strides = array<i32>} : memref<16x768xf32, #tpu.memory_space<vmem>>, vector<1x16xf32>,
      %get3A_844 = arith.index_cast %scan3A_548 : i32 to index
      %get3A_845 = arith.constant 528 : index
      %get3A_846 = tpu.vector_load %arg15[%get3A_844, %get3A_845] {strides = array<i32>} : memref<16x768xf32, #tpu.memory_space<vmem>>, vector<1x16xf32>,
      %get3A_847 = vector.shape_cast %get3A_846 : vector<1x16xf32> to vector<16xf32>
      %swap3A_848 = arith.index_cast %scan3A_548 : i32 to index
      %swap3A_849 = arith.constant 528 : index
      %swap3A_850 = tpu.vector_load %arg11[%swap3A_848, %swap3A_849] {strides = array<i32>} : memref<16x768xf32, #tpu.memory_space<vmem>>, vector<1x16xf32>,
      %swap3A_851 = vector.shape_cast %swap3A_850 : vector<1x16xf32> to vector<16xf32>
      %swap3A_852 = vector.shape_cast %get3A_847 : vector<16xf32> to vector<1x16xf32>
      tpu.vector_store %arg11[%swap3A_848, %swap3A_849], %swap3A_852 {add = true, strides = array<i32>} : memref<16x768xf32, #tpu.memory_space<vmem>>, vector<1x16xf32>,
      %get3A_853 = arith.index_cast %scan3A_548 : i32 to index
      %get3A_854 = arith.constant 544 : index
      %get3A_855 = tpu.vector_load %arg15[%get3A_853, %get3A_854] {strides = array<i32>} : memref<16x768xf32, #tpu.memory_space<vmem>>, vector<1x16xf32>,
      %get3A_856 = vector.shape_cast %get3A_855 : vector<1x16xf32> to vector<16xf32>
      %swap3A_857 = arith.index_cast %scan3A_548 : i32 to index
      %swap3A_858 = arith.constant 544 : index
      %swap3A_859 = tpu.vector_load %arg11[%swap3A_857, %swap3A_858] {strides = array<i32>} : memref<16x768xf32, #tpu.memory_space<vmem>>, vector<1x16xf32>,
      %swap3A_860 = vector.shape_cast %swap3A_859 : vector<1x16xf32> to vector<16xf32>
      %swap3A_861 = vector.shape_cast %get3A_856 : vector<16xf32> to vector<1x16xf32>
      tpu.vector_store %arg11[%swap3A_857, %swap3A_858], %swap3A_861 {add = true, strides = array<i32>} : memref<16x768xf32, #tpu.memory_space<vmem>>, vector<1x16xf32>,
      %get3A_862 = arith.index_cast %scan3A_548 : i32 to index
      %get3A_863 = arith.constant 560 : index
      %get3A_864 = tpu.vector_load %arg15[%get3A_862, %get3A_863] {strides = array<i32>} : memref<16x768xf32, #tpu.memory_space<vmem>>, vector<1x16xf32>,
      %get3A_865 = vector.shape_cast %get3A_864 : vector<1x16xf32> to vector<16xf32>
      %swap3A_866 = arith.index_cast %scan3A_548 : i32 to index
      %swap3A_867 = arith.constant 560 : index
      %swap3A_868 = tpu.vector_load %arg11[%swap3A_866, %swap3A_867] {strides = array<i32>} : memref<16x768xf32, #tpu.memory_space<vmem>>, vector<1x16xf32>,
      %swap3A_869 = vector.shape_cast %swap3A_868 : vector<1x16xf32> to vector<16xf32>
      %swap3A_870 = vector.shape_cast %get3A_865 : vector<16xf32> to vector<1x16xf32>
      tpu.vector_store %arg11[%swap3A_866, %swap3A_867], %swap3A_870 {add = true, strides = array<i32>} : memref<16x768xf32, #tpu.memory_space<vmem>>, vector<1x16xf32>,
      %get3A_871 = arith.index_cast %scan3A_548 : i32 to index
      %get3A_872 = arith.constant 576 : index
      %get3A_873 = tpu.vector_load %arg15[%get3A_871, %get3A_872] {strides = array<i32>} : memref<16x768xf32, #tpu.memory_space<vmem>>, vector<1x16xf32>,
      %get3A_874 = vector.shape_cast %get3A_873 : vector<1x16xf32> to vector<16xf32>
      %swap3A_875 = arith.index_cast %scan3A_548 : i32 to index
      %swap3A_876 = arith.constant 576 : index
      %swap3A_877 = tpu.vector_load %arg11[%swap3A_875, %swap3A_876] {strides = array<i32>} : memref<16x768xf32, #tpu.memory_space<vmem>>, vector<1x16xf32>,
      %swap3A_878 = vector.shape_cast %swap3A_877 : vector<1x16xf32> to vector<16xf32>
      %swap3A_879 = vector.shape_cast %get3A_874 : vector<16xf32> to vector<1x16xf32>
      tpu.vector_store %arg11[%swap3A_875, %swap3A_876], %swap3A_879 {add = true, strides = array<i32>} : memref<16x768xf32, #tpu.memory_space<vmem>>, vector<1x16xf32>,
      %get3A_880 = arith.index_cast %scan3A_548 : i32 to index
      %get3A_881 = arith.constant 592 : index
      %get3A_882 = tpu.vector_load %arg15[%get3A_880, %get3A_881] {strides = array<i32>} : memref<16x768xf32, #tpu.memory_space<vmem>>, vector<1x16xf32>,
      %get3A_883 = vector.shape_cast %get3A_882 : vector<1x16xf32> to vector<16xf32>
      %swap3A_884 = arith.index_cast %scan3A_548 : i32 to index
      %swap3A_885 = arith.constant 592 : index
      %swap3A_886 = tpu.vector_load %arg11[%swap3A_884, %swap3A_885] {strides = array<i32>} : memref<16x768xf32, #tpu.memory_space<vmem>>, vector<1x16xf32>,
      %swap3A_887 = vector.shape_cast %swap3A_886 : vector<1x16xf32> to vector<16xf32>
      %swap3A_888 = vector.shape_cast %get3A_883 : vector<16xf32> to vector<1x16xf32>
      tpu.vector_store %arg11[%swap3A_884, %swap3A_885], %swap3A_888 {add = true, strides = array<i32>} : memref<16x768xf32, #tpu.memory_space<vmem>>, vector<1x16xf32>,
      %get3A_889 = arith.index_cast %scan3A_548 : i32 to index
      %get3A_890 = arith.constant 608 : index
      %get3A_891 = tpu.vector_load %arg15[%get3A_889, %get3A_890] {strides = array<i32>} : memref<16x768xf32, #tpu.memory_space<vmem>>, vector<1x16xf32>,
      %get3A_892 = vector.shape_cast %get3A_891 : vector<1x16xf32> to vector<16xf32>
      %swap3A_893 = arith.index_cast %scan3A_548 : i32 to index
      %swap3A_894 = arith.constant 608 : index
      %swap3A_895 = tpu.vector_load %arg11[%swap3A_893, %swap3A_894] {strides = array<i32>} : memref<16x768xf32, #tpu.memory_space<vmem>>, vector<1x16xf32>,
      %swap3A_896 = vector.shape_cast %swap3A_895 : vector<1x16xf32> to vector<16xf32>
      %swap3A_897 = vector.shape_cast %get3A_892 : vector<16xf32> to vector<1x16xf32>
      tpu.vector_store %arg11[%swap3A_893, %swap3A_894], %swap3A_897 {add = true, strides = array<i32>} : memref<16x768xf32, #tpu.memory_space<vmem>>, vector<1x16xf32>,
      %get3A_898 = arith.index_cast %scan3A_548 : i32 to index
      %get3A_899 = arith.constant 624 : index
      %get3A_900 = tpu.vector_load %arg15[%get3A_898, %get3A_899] {strides = array<i32>} : memref<16x768xf32, #tpu.memory_space<vmem>>, vector<1x16xf32>,
      %get3A_901 = vector.shape_cast %get3A_900 : vector<1x16xf32> to vector<16xf32>
      %swap3A_902 = arith.index_cast %scan3A_548 : i32 to index
      %swap3A_903 = arith.constant 624 : index
      %swap3A_904 = tpu.vector_load %arg11[%swap3A_902, %swap3A_903] {strides = array<i32>} : memref<16x768xf32, #tpu.memory_space<vmem>>, vector<1x16xf32>,
      %swap3A_905 = vector.shape_cast %swap3A_904 : vector<1x16xf32> to vector<16xf32>
      %swap3A_906 = vector.shape_cast %get3A_901 : vector<16xf32> to vector<1x16xf32>
      tpu.vector_store %arg11[%swap3A_902, %swap3A_903], %swap3A_906 {add = true, strides = array<i32>} : memref<16x768xf32, #tpu.memory_space<vmem>>, vector<1x16xf32>,
      %get3A_907 = arith.index_cast %scan3A_548 : i32 to index
      %get3A_908 = arith.constant 640 : index
      %get3A_909 = tpu.vector_load %arg15[%get3A_907, %get3A_908] {strides = array<i32>} : memref<16x768xf32, #tpu.memory_space<vmem>>, vector<1x16xf32>,
      %get3A_910 = vector.shape_cast %get3A_909 : vector<1x16xf32> to vector<16xf32>
      %swap3A_911 = arith.index_cast %scan3A_548 : i32 to index
      %swap3A_912 = arith.constant 640 : index
      %swap3A_913 = tpu.vector_load %arg11[%swap3A_911, %swap3A_912] {strides = array<i32>} : memref<16x768xf32, #tpu.memory_space<vmem>>, vector<1x16xf32>,
      %swap3A_914 = vector.shape_cast %swap3A_913 : vector<1x16xf32> to vector<16xf32>
      %swap3A_915 = vector.shape_cast %get3A_910 : vector<16xf32> to vector<1x16xf32>
      tpu.vector_store %arg11[%swap3A_911, %swap3A_912], %swap3A_915 {add = true, strides = array<i32>} : memref<16x768xf32, #tpu.memory_space<vmem>>, vector<1x16xf32>,
      %get3A_916 = arith.index_cast %scan3A_548 : i32 to index
      %get3A_917 = arith.constant 656 : index
      %get3A_918 = tpu.vector_load %arg15[%get3A_916, %get3A_917] {strides = array<i32>} : memref<16x768xf32, #tpu.memory_space<vmem>>, vector<1x16xf32>,
      %get3A_919 = vector.shape_cast %get3A_918 : vector<1x16xf32> to vector<16xf32>
      %swap3A_920 = arith.index_cast %scan3A_548 : i32 to index
      %swap3A_921 = arith.constant 656 : index
      %swap3A_922 = tpu.vector_load %arg11[%swap3A_920, %swap3A_921] {strides = array<i32>} : memref<16x768xf32, #tpu.memory_space<vmem>>, vector<1x16xf32>,
      %swap3A_923 = vector.shape_cast %swap3A_922 : vector<1x16xf32> to vector<16xf32>
      %swap3A_924 = vector.shape_cast %get3A_919 : vector<16xf32> to vector<1x16xf32>
      tpu.vector_store %arg11[%swap3A_920, %swap3A_921], %swap3A_924 {add = true, strides = array<i32>} : memref<16x768xf32, #tpu.memory_space<vmem>>, vector<1x16xf32>,
      %get3A_925 = arith.index_cast %scan3A_548 : i32 to index
      %get3A_926 = arith.constant 672 : index
      %get3A_927 = tpu.vector_load %arg15[%get3A_925, %get3A_926] {strides = array<i32>} : memref<16x768xf32, #tpu.memory_space<vmem>>, vector<1x16xf32>,
      %get3A_928 = vector.shape_cast %get3A_927 : vector<1x16xf32> to vector<16xf32>
      %swap3A_929 = arith.index_cast %scan3A_548 : i32 to index
      %swap3A_930 = arith.constant 672 : index
      %swap3A_931 = tpu.vector_load %arg11[%swap3A_929, %swap3A_930] {strides = array<i32>} : memref<16x768xf32, #tpu.memory_space<vmem>>, vector<1x16xf32>,
      %swap3A_932 = vector.shape_cast %swap3A_931 : vector<1x16xf32> to vector<16xf32>
      %swap3A_933 = vector.shape_cast %get3A_928 : vector<16xf32> to vector<1x16xf32>
      tpu.vector_store %arg11[%swap3A_929, %swap3A_930], %swap3A_933 {add = true, strides = array<i32>} : memref<16x768xf32, #tpu.memory_space<vmem>>, vector<1x16xf32>,
      %get3A_934 = arith.index_cast %scan3A_548 : i32 to index
      %get3A_935 = arith.constant 688 : index
      %get3A_936 = tpu.vector_load %arg15[%get3A_934, %get3A_935] {strides = array<i32>} : memref<16x768xf32, #tpu.memory_space<vmem>>, vector<1x16xf32>,
      %get3A_937 = vector.shape_cast %get3A_936 : vector<1x16xf32> to vector<16xf32>
      %swap3A_938 = arith.index_cast %scan3A_548 : i32 to index
      %swap3A_939 = arith.constant 688 : index
      %swap3A_940 = tpu.vector_load %arg11[%swap3A_938, %swap3A_939] {strides = array<i32>} : memref<16x768xf32, #tpu.memory_space<vmem>>, vector<1x16xf32>,
      %swap3A_941 = vector.shape_cast %swap3A_940 : vector<1x16xf32> to vector<16xf32>
      %swap3A_942 = vector.shape_cast %get3A_937 : vector<16xf32> to vector<1x16xf32>
      tpu.vector_store %arg11[%swap3A_938, %swap3A_939], %swap3A_942 {add = true, strides = array<i32>} : memref<16x768xf32, #tpu.memory_space<vmem>>, vector<1x16xf32>,
      %get3A_943 = arith.index_cast %scan3A_548 : i32 to index
      %get3A_944 = arith.constant 704 : index
      %get3A_945 = tpu.vector_load %arg15[%get3A_943, %get3A_944] {strides = array<i32>} : memref<16x768xf32, #tpu.memory_space<vmem>>, vector<1x16xf32>,
      %get3A_946 = vector.shape_cast %get3A_945 : vector<1x16xf32> to vector<16xf32>
      %swap3A_947 = arith.index_cast %scan3A_548 : i32 to index
      %swap3A_948 = arith.constant 704 : index
      %swap3A_949 = tpu.vector_load %arg11[%swap3A_947, %swap3A_948] {strides = array<i32>} : memref<16x768xf32, #tpu.memory_space<vmem>>, vector<1x16xf32>,
      %swap3A_950 = vector.shape_cast %swap3A_949 : vector<1x16xf32> to vector<16xf32>
      %swap3A_951 = vector.shape_cast %get3A_946 : vector<16xf32> to vector<1x16xf32>
      tpu.vector_store %arg11[%swap3A_947, %swap3A_948], %swap3A_951 {add = true, strides = array<i32>} : memref<16x768xf32, #tpu.memory_space<vmem>>, vector<1x16xf32>,
      %get3A_952 = arith.index_cast %scan3A_548 : i32 to index
      %get3A_953 = arith.constant 720 : index
      %get3A_954 = tpu.vector_load %arg15[%get3A_952, %get3A_953] {strides = array<i32>} : memref<16x768xf32, #tpu.memory_space<vmem>>, vector<1x16xf32>,
      %get3A_955 = vector.shape_cast %get3A_954 : vector<1x16xf32> to vector<16xf32>
      %swap3A_956 = arith.index_cast %scan3A_548 : i32 to index
      %swap3A_957 = arith.constant 720 : index
      %swap3A_958 = tpu.vector_load %arg11[%swap3A_956, %swap3A_957] {strides = array<i32>} : memref<16x768xf32, #tpu.memory_space<vmem>>, vector<1x16xf32>,
      %swap3A_959 = vector.shape_cast %swap3A_958 : vector<1x16xf32> to vector<16xf32>
      %swap3A_960 = vector.shape_cast %get3A_955 : vector<16xf32> to vector<1x16xf32>
      tpu.vector_store %arg11[%swap3A_956, %swap3A_957], %swap3A_960 {add = true, strides = array<i32>} : memref<16x768xf32, #tpu.memory_space<vmem>>, vector<1x16xf32>,
      %get3A_961 = arith.index_cast %scan3A_548 : i32 to index
      %get3A_962 = arith.constant 736 : index
      %get3A_963 = tpu.vector_load %arg15[%get3A_961, %get3A_962] {strides = array<i32>} : memref<16x768xf32, #tpu.memory_space<vmem>>, vector<1x16xf32>,
      %get3A_964 = vector.shape_cast %get3A_963 : vector<1x16xf32> to vector<16xf32>
      %swap3A_965 = arith.index_cast %scan3A_548 : i32 to index
      %swap3A_966 = arith.constant 736 : index
      %swap3A_967 = tpu.vector_load %arg11[%swap3A_965, %swap3A_966] {strides = array<i32>} : memref<16x768xf32, #tpu.memory_space<vmem>>, vector<1x16xf32>,
      %swap3A_968 = vector.shape_cast %swap3A_967 : vector<1x16xf32> to vector<16xf32>
      %swap3A_969 = vector.shape_cast %get3A_964 : vector<16xf32> to vector<1x16xf32>
      tpu.vector_store %arg11[%swap3A_965, %swap3A_966], %swap3A_969 {add = true, strides = array<i32>} : memref<16x768xf32, #tpu.memory_space<vmem>>, vector<1x16xf32>,
      %get3A_970 = arith.index_cast %scan3A_548 : i32 to index
      %get3A_971 = arith.constant 752 : index
      %get3A_972 = tpu.vector_load %arg15[%get3A_970, %get3A_971] {strides = array<i32>} : memref<16x768xf32, #tpu.memory_space<vmem>>, vector<1x16xf32>,
      %get3A_973 = vector.shape_cast %get3A_972 : vector<1x16xf32> to vector<16xf32>
      %swap3A_974 = arith.index_cast %scan3A_548 : i32 to index
      %swap3A_975 = arith.constant 752 : index
      %swap3A_976 = tpu.vector_load %arg11[%swap3A_974, %swap3A_975] {strides = array<i32>} : memref<16x768xf32, #tpu.memory_space<vmem>>, vector<1x16xf32>,
      %swap3A_977 = vector.shape_cast %swap3A_976 : vector<1x16xf32> to vector<16xf32>
      %swap3A_978 = vector.shape_cast %get3A_973 : vector<16xf32> to vector<1x16xf32>
      tpu.vector_store %arg11[%swap3A_974, %swap3A_975], %swap3A_978 {add = true, strides = array<i32>} : memref<16x768xf32, #tpu.memory_space<vmem>>, vector<1x16xf32>,
    }
    %scan3A_240 = arith.constant 16 : i32
    %dma_start3A_241 = arith.constant 3 : i32
    %dma_start3A_242 = arith.constant 0 : i32
    %dma_start3A_243 = tpu.memref_slice %arg8[%dma_start3A_241, %dma_start3A_242] : memref<4x16xi32, #tpu.memory_space<vmem>> -> memref<1x16xi32, #tpu.memory_space<vmem>>
    %dma_start3A_244 = tpu.memref_squeeze %dma_start3A_243 : memref<1x16xi32, #tpu.memory_space<vmem>> -> memref<16xi32, #tpu.memory_space<vmem>>
    %dma_start3A_245 = arith.constant 0 : i32
    %dma_start3A_246 = arith.constant 0 : i32
    %dma_start3A_247 = tpu.memref_slice %arg5[%dma_start3A_245, %dma_start3A_246] : memref<31x768xf32, #tpu.memory_space<hbm>> -> memref<31x768xf32, #tpu.memory_space<hbm>>
    tpu.enqueue_indirect_dma source(%dma_start3A_247 : memref<31x768xf32, #tpu.memory_space<hbm>>) target(%arg15 : memref<16x768xf32, #tpu.memory_space<vmem>>) offsets(%dma_start3A_244 : memref<16xi32, #tpu.memory_space<vmem>>) semaphore(%arg28 : memref<!tpu.dma_semaphore, #tpu.memory_space<semaphore_mem>>)
    %add3A_248 = arith.constant 64 : i32
    %add3A_249 = arith.addi %add3A, %add3A_248 : i32
    %mul3A_250 = arith.constant 16 : i32
    %mul3A_251 = arith.muli %add3A_249, %mul3A_250 : i32
    %multiple_of3A_252 = tpu.assume_multiple %mul3A_251, 16 : i32
    %dma_start3A_253 = arith.constant 0 : i32
    %dma_start3A_254 = tpu.memref_slice %arg6[%multiple_of3A_252, %dma_start3A_253] : memref<8192x768xf32, #tpu.memory_space<hbm>> -> memref<16x768xf32, #tpu.memory_space<hbm>>
    %dma_start3A_255 = arith.constant 0 : i32
    %dma_start3A_256 = tpu.memref_slice %arg6[%multiple_of3A_252, %dma_start3A_255] : memref<8192x768xf32, #tpu.memory_space<hbm>> -> memref<16x768xf32, #tpu.memory_space<hbm>>
    tpu.enqueue_dma source(%arg11 : memref<16x768xf32, #tpu.memory_space<vmem>>) target(%dma_start3A_256 : memref<16x768xf32, #tpu.memory_space<hbm>>) target_semaphore(%arg24 : memref<!tpu.dma_semaphore, #tpu.memory_space<semaphore_mem>>)
    %dma_wait3A_257 = arith.constant 0 : i32
    %dma_wait3A_258 = tpu.memref_slice %arg6[%multiple_of3A_252, %dma_wait3A_257] : memref<8192x768xf32, #tpu.memory_space<hbm>> -> memref<16x768xf32, #tpu.memory_space<hbm>>
    %dma_wait3A_259 = arith.constant 0 : i32
    %dma_wait3A_260 = tpu.memref_slice %arg6[%multiple_of3A_252, %dma_wait3A_259] : memref<8192x768xf32, #tpu.memory_space<hbm>> -> memref<16x768xf32, #tpu.memory_space<hbm>>
    tpu.wait_dma2 semaphore(%arg24 : memref<!tpu.dma_semaphore, #tpu.memory_space<semaphore_mem>>) src(%arg11 : memref<16x768xf32, #tpu.memory_space<vmem>>) dst(%dma_wait3A_260 : memref<16x768xf32, #tpu.memory_space<hbm>>)
    %dma_start3A_261 = arith.constant 128 : i32
    %dma_start3A_262 = tpu.memref_slice %arg7[%dma_start3A_261] : memref<256xi32, #tpu.memory_space<vmem>> -> memref<16xi32, #tpu.memory_space<vmem>>
    %dma_start3A_263 = arith.constant 0 : i32
    %dma_start3A_264 = arith.constant 0 : i32
    %dma_start3A_265 = tpu.memref_slice %arg4[%dma_start3A_263, %dma_start3A_264] : memref<4098x768xf32, #tpu.memory_space<hbm>> -> memref<4098x768xf32, #tpu.memory_space<hbm>>
    tpu.enqueue_indirect_dma source(%dma_start3A_265 : memref<4098x768xf32, #tpu.memory_space<hbm>>) target(%arg11 : memref<16x768xf32, #tpu.memory_space<vmem>>) offsets(%dma_start3A_262 : memref<16xi32, #tpu.memory_space<vmem>>) semaphore(%arg18 : memref<!tpu.dma_semaphore, #tpu.memory_space<semaphore_mem>>)
    %dma_wait3A_266 = arith.constant 48 : i32
    %dma_wait3A_267 = tpu.memref_slice %arg7[%dma_wait3A_266] : memref<256xi32, #tpu.memory_space<vmem>> -> memref<16xi32, #tpu.memory_space<vmem>>
    %dma_wait3A_268 = arith.constant 0 : i32
    %dma_wait3A_269 = arith.constant 0 : i32
    %dma_wait3A_270 = tpu.memref_slice %arg4[%dma_wait3A_268, %dma_wait3A_269] : memref<4098x768xf32, #tpu.memory_space<hbm>> -> memref<4098x768xf32, #tpu.memory_space<hbm>>
    tpu.wait_indirect_dma semaphore(%arg19 : memref<!tpu.dma_semaphore, #tpu.memory_space<semaphore_mem>>) src(%dma_wait3A_270 : memref<4098x768xf32, #tpu.memory_space<hbm>>) dst(%arg12 : memref<16x768xf32, #tpu.memory_space<vmem>>)
    %dma_wait3A_271 = arith.constant 3 : i32
    %dma_wait3A_272 = arith.constant 0 : i32
    %dma_wait3A_273 = tpu.memref_slice %arg8[%dma_wait3A_271, %dma_wait3A_272] : memref<4x16xi32, #tpu.memory_space<vmem>> -> memref<1x16xi32, #tpu.memory_space<vmem>>
    %dma_wait3A_274 = tpu.memref_squeeze %dma_wait3A_273 : memref<1x16xi32, #tpu.memory_space<vmem>> -> memref<16xi32, #tpu.memory_space<vmem>>
    %dma_wait3A_275 = arith.constant 0 : i32
    %dma_wait3A_276 = arith.constant 0 : i32
    %dma_wait3A_277 = tpu.memref_slice %arg5[%dma_wait3A_275, %dma_wait3A_276] : memref<31x768xf32, #tpu.memory_space<hbm>> -> memref<31x768xf32, #tpu.memory_space<hbm>>
    tpu.wait_indirect_dma semaphore(%arg28 : memref<!tpu.dma_semaphore, #tpu.memory_space<semaphore_mem>>) src(%dma_wait3A_277 : memref<31x768xf32, #tpu.memory_space<hbm>>) dst(%arg15 : memref<16x768xf32, #tpu.memory_space<vmem>>)
    %scan3A_278 = arith.constant 0 : i32
    %scan3A_279 = arith.constant 0 : i32
    %scan3A_280 = arith.constant 16 : i32
    %scan3A_281 = arith.addi %scan3A_279, %scan3A_280 : i32
    %scan3A_282 = arith.constant 1 : i32
    scf.for %scan3A_548 = %scan3A_279 to %scan3A_281 step %scan3A_282  : i32 {
      %get3A = arith.index_cast %scan3A_548 : i32 to index
      %get3A_549 = arith.constant 0 : index
      %get3A_550 = tpu.vector_load %arg15[%get3A, %get3A_549] {strides = array<i32>} : memref<16x768xf32, #tpu.memory_space<vmem>>, vector<1x16xf32>,
      %get3A_551 = vector.shape_cast %get3A_550 : vector<1x16xf32> to vector<16xf32>
      %swap3A = arith.index_cast %scan3A_548 : i32 to index
      %swap3A_552 = arith.constant 0 : index
      %swap3A_553 = tpu.vector_load %arg12[%swap3A, %swap3A_552] {strides = array<i32>} : memref<16x768xf32, #tpu.memory_space<vmem>>, vector<1x16xf32>,
      %swap3A_554 = vector.shape_cast %swap3A_553 : vector<1x16xf32> to vector<16xf32>
      %swap3A_555 = vector.shape_cast %get3A_551 : vector<16xf32> to vector<1x16xf32>
      tpu.vector_store %arg12[%swap3A, %swap3A_552], %swap3A_555 {add = true, strides = array<i32>} : memref<16x768xf32, #tpu.memory_space<vmem>>, vector<1x16xf32>,
      %get3A_556 = arith.index_cast %scan3A_548 : i32 to index
      %get3A_557 = arith.constant 16 : index
      %get3A_558 = tpu.vector_load %arg15[%get3A_556, %get3A_557] {strides = array<i32>} : memref<16x768xf32, #tpu.memory_space<vmem>>, vector<1x16xf32>,
      %get3A_559 = vector.shape_cast %get3A_558 : vector<1x16xf32> to vector<16xf32>
      %swap3A_560 = arith.index_cast %scan3A_548 : i32 to index
      %swap3A_561 = arith.constant 16 : index
      %swap3A_562 = tpu.vector_load %arg12[%swap3A_560, %swap3A_561] {strides = array<i32>} : memref<16x768xf32, #tpu.memory_space<vmem>>, vector<1x16xf32>,
      %swap3A_563 = vector.shape_cast %swap3A_562 : vector<1x16xf32> to vector<16xf32>
      %swap3A_564 = vector.shape_cast %get3A_559 : vector<16xf32> to vector<1x16xf32>
      tpu.vector_store %arg12[%swap3A_560, %swap3A_561], %swap3A_564 {add = true, strides = array<i32>} : memref<16x768xf32, #tpu.memory_space<vmem>>, vector<1x16xf32>,
      %get3A_565 = arith.index_cast %scan3A_548 : i32 to index
      %get3A_566 = arith.constant 32 : index
      %get3A_567 = tpu.vector_load %arg15[%get3A_565, %get3A_566] {strides = array<i32>} : memref<16x768xf32, #tpu.memory_space<vmem>>, vector<1x16xf32>,
      %get3A_568 = vector.shape_cast %get3A_567 : vector<1x16xf32> to vector<16xf32>
      %swap3A_569 = arith.index_cast %scan3A_548 : i32 to index
      %swap3A_570 = arith.constant 32 : index
      %swap3A_571 = tpu.vector_load %arg12[%swap3A_569, %swap3A_570] {strides = array<i32>} : memref<16x768xf32, #tpu.memory_space<vmem>>, vector<1x16xf32>,
      %swap3A_572 = vector.shape_cast %swap3A_571 : vector<1x16xf32> to vector<16xf32>
      %swap3A_573 = vector.shape_cast %get3A_568 : vector<16xf32> to vector<1x16xf32>
      tpu.vector_store %arg12[%swap3A_569, %swap3A_570], %swap3A_573 {add = true, strides = array<i32>} : memref<16x768xf32, #tpu.memory_space<vmem>>, vector<1x16xf32>,
      %get3A_574 = arith.index_cast %scan3A_548 : i32 to index
      %get3A_575 = arith.constant 48 : index
      %get3A_576 = tpu.vector_load %arg15[%get3A_574, %get3A_575] {strides = array<i32>} : memref<16x768xf32, #tpu.memory_space<vmem>>, vector<1x16xf32>,
      %get3A_577 = vector.shape_cast %get3A_576 : vector<1x16xf32> to vector<16xf32>
      %swap3A_578 = arith.index_cast %scan3A_548 : i32 to index
      %swap3A_579 = arith.constant 48 : index
      %swap3A_580 = tpu.vector_load %arg12[%swap3A_578, %swap3A_579] {strides = array<i32>} : memref<16x768xf32, #tpu.memory_space<vmem>>, vector<1x16xf32>,
      %swap3A_581 = vector.shape_cast %swap3A_580 : vector<1x16xf32> to vector<16xf32>
      %swap3A_582 = vector.shape_cast %get3A_577 : vector<16xf32> to vector<1x16xf32>
      tpu.vector_store %arg12[%swap3A_578, %swap3A_579], %swap3A_582 {add = true, strides = array<i32>} : memref<16x768xf32, #tpu.memory_space<vmem>>, vector<1x16xf32>,
      %get3A_583 = arith.index_cast %scan3A_548 : i32 to index
      %get3A_584 = arith.constant 64 : index
      %get3A_585 = tpu.vector_load %arg15[%get3A_583, %get3A_584] {strides = array<i32>} : memref<16x768xf32, #tpu.memory_space<vmem>>, vector<1x16xf32>,
      %get3A_586 = vector.shape_cast %get3A_585 : vector<1x16xf32> to vector<16xf32>
      %swap3A_587 = arith.index_cast %scan3A_548 : i32 to index
      %swap3A_588 = arith.constant 64 : index
      %swap3A_589 = tpu.vector_load %arg12[%swap3A_587, %swap3A_588] {strides = array<i32>} : memref<16x768xf32, #tpu.memory_space<vmem>>, vector<1x16xf32>,
      %swap3A_590 = vector.shape_cast %swap3A_589 : vector<1x16xf32> to vector<16xf32>
      %swap3A_591 = vector.shape_cast %get3A_586 : vector<16xf32> to vector<1x16xf32>
      tpu.vector_store %arg12[%swap3A_587, %swap3A_588], %swap3A_591 {add = true, strides = array<i32>} : memref<16x768xf32, #tpu.memory_space<vmem>>, vector<1x16xf32>,
      %get3A_592 = arith.index_cast %scan3A_548 : i32 to index
      %get3A_593 = arith.constant 80 : index
      %get3A_594 = tpu.vector_load %arg15[%get3A_592, %get3A_593] {strides = array<i32>} : memref<16x768xf32, #tpu.memory_space<vmem>>, vector<1x16xf32>,
      %get3A_595 = vector.shape_cast %get3A_594 : vector<1x16xf32> to vector<16xf32>
      %swap3A_596 = arith.index_cast %scan3A_548 : i32 to index
      %swap3A_597 = arith.constant 80 : index
      %swap3A_598 = tpu.vector_load %arg12[%swap3A_596, %swap3A_597] {strides = array<i32>} : memref<16x768xf32, #tpu.memory_space<vmem>>, vector<1x16xf32>,
      %swap3A_599 = vector.shape_cast %swap3A_598 : vector<1x16xf32> to vector<16xf32>
      %swap3A_600 = vector.shape_cast %get3A_595 : vector<16xf32> to vector<1x16xf32>
      tpu.vector_store %arg12[%swap3A_596, %swap3A_597], %swap3A_600 {add = true, strides = array<i32>} : memref<16x768xf32, #tpu.memory_space<vmem>>, vector<1x16xf32>,
      %get3A_601 = arith.index_cast %scan3A_548 : i32 to index
      %get3A_602 = arith.constant 96 : index
      %get3A_603 = tpu.vector_load %arg15[%get3A_601, %get3A_602] {strides = array<i32>} : memref<16x768xf32, #tpu.memory_space<vmem>>, vector<1x16xf32>,
      %get3A_604 = vector.shape_cast %get3A_603 : vector<1x16xf32> to vector<16xf32>
      %swap3A_605 = arith.index_cast %scan3A_548 : i32 to index
      %swap3A_606 = arith.constant 96 : index
      %swap3A_607 = tpu.vector_load %arg12[%swap3A_605, %swap3A_606] {strides = array<i32>} : memref<16x768xf32, #tpu.memory_space<vmem>>, vector<1x16xf32>,
      %swap3A_608 = vector.shape_cast %swap3A_607 : vector<1x16xf32> to vector<16xf32>
      %swap3A_609 = vector.shape_cast %get3A_604 : vector<16xf32> to vector<1x16xf32>
      tpu.vector_store %arg12[%swap3A_605, %swap3A_606], %swap3A_609 {add = true, strides = array<i32>} : memref<16x768xf32, #tpu.memory_space<vmem>>, vector<1x16xf32>,
      %get3A_610 = arith.index_cast %scan3A_548 : i32 to index
      %get3A_611 = arith.constant 112 : index
      %get3A_612 = tpu.vector_load %arg15[%get3A_610, %get3A_611] {strides = array<i32>} : memref<16x768xf32, #tpu.memory_space<vmem>>, vector<1x16xf32>,
      %get3A_613 = vector.shape_cast %get3A_612 : vector<1x16xf32> to vector<16xf32>
      %swap3A_614 = arith.index_cast %scan3A_548 : i32 to index
      %swap3A_615 = arith.constant 112 : index
      %swap3A_616 = tpu.vector_load %arg12[%swap3A_614, %swap3A_615] {strides = array<i32>} : memref<16x768xf32, #tpu.memory_space<vmem>>, vector<1x16xf32>,
      %swap3A_617 = vector.shape_cast %swap3A_616 : vector<1x16xf32> to vector<16xf32>
      %swap3A_618 = vector.shape_cast %get3A_613 : vector<16xf32> to vector<1x16xf32>
      tpu.vector_store %arg12[%swap3A_614, %swap3A_615], %swap3A_618 {add = true, strides = array<i32>} : memref<16x768xf32, #tpu.memory_space<vmem>>, vector<1x16xf32>,
      %get3A_619 = arith.index_cast %scan3A_548 : i32 to index
      %get3A_620 = arith.constant 128 : index
      %get3A_621 = tpu.vector_load %arg15[%get3A_619, %get3A_620] {strides = array<i32>} : memref<16x768xf32, #tpu.memory_space<vmem>>, vector<1x16xf32>,
      %get3A_622 = vector.shape_cast %get3A_621 : vector<1x16xf32> to vector<16xf32>
      %swap3A_623 = arith.index_cast %scan3A_548 : i32 to index
      %swap3A_624 = arith.constant 128 : index
      %swap3A_625 = tpu.vector_load %arg12[%swap3A_623, %swap3A_624] {strides = array<i32>} : memref<16x768xf32, #tpu.memory_space<vmem>>, vector<1x16xf32>,
      %swap3A_626 = vector.shape_cast %swap3A_625 : vector<1x16xf32> to vector<16xf32>
      %swap3A_627 = vector.shape_cast %get3A_622 : vector<16xf32> to vector<1x16xf32>
      tpu.vector_store %arg12[%swap3A_623, %swap3A_624], %swap3A_627 {add = true, strides = array<i32>} : memref<16x768xf32, #tpu.memory_space<vmem>>, vector<1x16xf32>,
      %get3A_628 = arith.index_cast %scan3A_548 : i32 to index
      %get3A_629 = arith.constant 144 : index
      %get3A_630 = tpu.vector_load %arg15[%get3A_628, %get3A_629] {strides = array<i32>} : memref<16x768xf32, #tpu.memory_space<vmem>>, vector<1x16xf32>,
      %get3A_631 = vector.shape_cast %get3A_630 : vector<1x16xf32> to vector<16xf32>
      %swap3A_632 = arith.index_cast %scan3A_548 : i32 to index
      %swap3A_633 = arith.constant 144 : index
      %swap3A_634 = tpu.vector_load %arg12[%swap3A_632, %swap3A_633] {strides = array<i32>} : memref<16x768xf32, #tpu.memory_space<vmem>>, vector<1x16xf32>,
      %swap3A_635 = vector.shape_cast %swap3A_634 : vector<1x16xf32> to vector<16xf32>
      %swap3A_636 = vector.shape_cast %get3A_631 : vector<16xf32> to vector<1x16xf32>
      tpu.vector_store %arg12[%swap3A_632, %swap3A_633], %swap3A_636 {add = true, strides = array<i32>} : memref<16x768xf32, #tpu.memory_space<vmem>>, vector<1x16xf32>,
      %get3A_637 = arith.index_cast %scan3A_548 : i32 to index
      %get3A_638 = arith.constant 160 : index
      %get3A_639 = tpu.vector_load %arg15[%get3A_637, %get3A_638] {strides = array<i32>} : memref<16x768xf32, #tpu.memory_space<vmem>>, vector<1x16xf32>,
      %get3A_640 = vector.shape_cast %get3A_639 : vector<1x16xf32> to vector<16xf32>
      %swap3A_641 = arith.index_cast %scan3A_548 : i32 to index
      %swap3A_642 = arith.constant 160 : index
      %swap3A_643 = tpu.vector_load %arg12[%swap3A_641, %swap3A_642] {strides = array<i32>} : memref<16x768xf32, #tpu.memory_space<vmem>>, vector<1x16xf32>,
      %swap3A_644 = vector.shape_cast %swap3A_643 : vector<1x16xf32> to vector<16xf32>
      %swap3A_645 = vector.shape_cast %get3A_640 : vector<16xf32> to vector<1x16xf32>
      tpu.vector_store %arg12[%swap3A_641, %swap3A_642], %swap3A_645 {add = true, strides = array<i32>} : memref<16x768xf32, #tpu.memory_space<vmem>>, vector<1x16xf32>,
      %get3A_646 = arith.index_cast %scan3A_548 : i32 to index
      %get3A_647 = arith.constant 176 : index
      %get3A_648 = tpu.vector_load %arg15[%get3A_646, %get3A_647] {strides = array<i32>} : memref<16x768xf32, #tpu.memory_space<vmem>>, vector<1x16xf32>,
      %get3A_649 = vector.shape_cast %get3A_648 : vector<1x16xf32> to vector<16xf32>
      %swap3A_650 = arith.index_cast %scan3A_548 : i32 to index
      %swap3A_651 = arith.constant 176 : index
      %swap3A_652 = tpu.vector_load %arg12[%swap3A_650, %swap3A_651] {strides = array<i32>} : memref<16x768xf32, #tpu.memory_space<vmem>>, vector<1x16xf32>,
      %swap3A_653 = vector.shape_cast %swap3A_652 : vector<1x16xf32> to vector<16xf32>
      %swap3A_654 = vector.shape_cast %get3A_649 : vector<16xf32> to vector<1x16xf32>
      tpu.vector_store %arg12[%swap3A_650, %swap3A_651], %swap3A_654 {add = true, strides = array<i32>} : memref<16x768xf32, #tpu.memory_space<vmem>>, vector<1x16xf32>,
      %get3A_655 = arith.index_cast %scan3A_548 : i32 to index
      %get3A_656 = arith.constant 192 : index
      %get3A_657 = tpu.vector_load %arg15[%get3A_655, %get3A_656] {strides = array<i32>} : memref<16x768xf32, #tpu.memory_space<vmem>>, vector<1x16xf32>,
      %get3A_658 = vector.shape_cast %get3A_657 : vector<1x16xf32> to vector<16xf32>
      %swap3A_659 = arith.index_cast %scan3A_548 : i32 to index
      %swap3A_660 = arith.constant 192 : index
      %swap3A_661 = tpu.vector_load %arg12[%swap3A_659, %swap3A_660] {strides = array<i32>} : memref<16x768xf32, #tpu.memory_space<vmem>>, vector<1x16xf32>,
      %swap3A_662 = vector.shape_cast %swap3A_661 : vector<1x16xf32> to vector<16xf32>
      %swap3A_663 = vector.shape_cast %get3A_658 : vector<16xf32> to vector<1x16xf32>
      tpu.vector_store %arg12[%swap3A_659, %swap3A_660], %swap3A_663 {add = true, strides = array<i32>} : memref<16x768xf32, #tpu.memory_space<vmem>>, vector<1x16xf32>,
      %get3A_664 = arith.index_cast %scan3A_548 : i32 to index
      %get3A_665 = arith.constant 208 : index
      %get3A_666 = tpu.vector_load %arg15[%get3A_664, %get3A_665] {strides = array<i32>} : memref<16x768xf32, #tpu.memory_space<vmem>>, vector<1x16xf32>,
      %get3A_667 = vector.shape_cast %get3A_666 : vector<1x16xf32> to vector<16xf32>
      %swap3A_668 = arith.index_cast %scan3A_548 : i32 to index
      %swap3A_669 = arith.constant 208 : index
      %swap3A_670 = tpu.vector_load %arg12[%swap3A_668, %swap3A_669] {strides = array<i32>} : memref<16x768xf32, #tpu.memory_space<vmem>>, vector<1x16xf32>,
      %swap3A_671 = vector.shape_cast %swap3A_670 : vector<1x16xf32> to vector<16xf32>
      %swap3A_672 = vector.shape_cast %get3A_667 : vector<16xf32> to vector<1x16xf32>
      tpu.vector_store %arg12[%swap3A_668, %swap3A_669], %swap3A_672 {add = true, strides = array<i32>} : memref<16x768xf32, #tpu.memory_space<vmem>>, vector<1x16xf32>,
      %get3A_673 = arith.index_cast %scan3A_548 : i32 to index
      %get3A_674 = arith.constant 224 : index
      %get3A_675 = tpu.vector_load %arg15[%get3A_673, %get3A_674] {strides = array<i32>} : memref<16x768xf32, #tpu.memory_space<vmem>>, vector<1x16xf32>,
      %get3A_676 = vector.shape_cast %get3A_675 : vector<1x16xf32> to vector<16xf32>
      %swap3A_677 = arith.index_cast %scan3A_548 : i32 to index
      %swap3A_678 = arith.constant 224 : index
      %swap3A_679 = tpu.vector_load %arg12[%swap3A_677, %swap3A_678] {strides = array<i32>} : memref<16x768xf32, #tpu.memory_space<vmem>>, vector<1x16xf32>,
      %swap3A_680 = vector.shape_cast %swap3A_679 : vector<1x16xf32> to vector<16xf32>
      %swap3A_681 = vector.shape_cast %get3A_676 : vector<16xf32> to vector<1x16xf32>
      tpu.vector_store %arg12[%swap3A_677, %swap3A_678], %swap3A_681 {add = true, strides = array<i32>} : memref<16x768xf32, #tpu.memory_space<vmem>>, vector<1x16xf32>,
      %get3A_682 = arith.index_cast %scan3A_548 : i32 to index
      %get3A_683 = arith.constant 240 : index
      %get3A_684 = tpu.vector_load %arg15[%get3A_682, %get3A_683] {strides = array<i32>} : memref<16x768xf32, #tpu.memory_space<vmem>>, vector<1x16xf32>,
      %get3A_685 = vector.shape_cast %get3A_684 : vector<1x16xf32> to vector<16xf32>
      %swap3A_686 = arith.index_cast %scan3A_548 : i32 to index
      %swap3A_687 = arith.constant 240 : index
      %swap3A_688 = tpu.vector_load %arg12[%swap3A_686, %swap3A_687] {strides = array<i32>} : memref<16x768xf32, #tpu.memory_space<vmem>>, vector<1x16xf32>,
      %swap3A_689 = vector.shape_cast %swap3A_688 : vector<1x16xf32> to vector<16xf32>
      %swap3A_690 = vector.shape_cast %get3A_685 : vector<16xf32> to vector<1x16xf32>
      tpu.vector_store %arg12[%swap3A_686, %swap3A_687], %swap3A_690 {add = true, strides = array<i32>} : memref<16x768xf32, #tpu.memory_space<vmem>>, vector<1x16xf32>,
      %get3A_691 = arith.index_cast %scan3A_548 : i32 to index
      %get3A_692 = arith.constant 256 : index
      %get3A_693 = tpu.vector_load %arg15[%get3A_691, %get3A_692] {strides = array<i32>} : memref<16x768xf32, #tpu.memory_space<vmem>>, vector<1x16xf32>,
      %get3A_694 = vector.shape_cast %get3A_693 : vector<1x16xf32> to vector<16xf32>
      %swap3A_695 = arith.index_cast %scan3A_548 : i32 to index
      %swap3A_696 = arith.constant 256 : index
      %swap3A_697 = tpu.vector_load %arg12[%swap3A_695, %swap3A_696] {strides = array<i32>} : memref<16x768xf32, #tpu.memory_space<vmem>>, vector<1x16xf32>,
      %swap3A_698 = vector.shape_cast %swap3A_697 : vector<1x16xf32> to vector<16xf32>
      %swap3A_699 = vector.shape_cast %get3A_694 : vector<16xf32> to vector<1x16xf32>
      tpu.vector_store %arg12[%swap3A_695, %swap3A_696], %swap3A_699 {add = true, strides = array<i32>} : memref<16x768xf32, #tpu.memory_space<vmem>>, vector<1x16xf32>,
      %get3A_700 = arith.index_cast %scan3A_548 : i32 to index
      %get3A_701 = arith.constant 272 : index
      %get3A_702 = tpu.vector_load %arg15[%get3A_700, %get3A_701] {strides = array<i32>} : memref<16x768xf32, #tpu.memory_space<vmem>>, vector<1x16xf32>,
      %get3A_703 = vector.shape_cast %get3A_702 : vector<1x16xf32> to vector<16xf32>
      %swap3A_704 = arith.index_cast %scan3A_548 : i32 to index
      %swap3A_705 = arith.constant 272 : index
      %swap3A_706 = tpu.vector_load %arg12[%swap3A_704, %swap3A_705] {strides = array<i32>} : memref<16x768xf32, #tpu.memory_space<vmem>>, vector<1x16xf32>,
      %swap3A_707 = vector.shape_cast %swap3A_706 : vector<1x16xf32> to vector<16xf32>
      %swap3A_708 = vector.shape_cast %get3A_703 : vector<16xf32> to vector<1x16xf32>
      tpu.vector_store %arg12[%swap3A_704, %swap3A_705], %swap3A_708 {add = true, strides = array<i32>} : memref<16x768xf32, #tpu.memory_space<vmem>>, vector<1x16xf32>,
      %get3A_709 = arith.index_cast %scan3A_548 : i32 to index
      %get3A_710 = arith.constant 288 : index
      %get3A_711 = tpu.vector_load %arg15[%get3A_709, %get3A_710] {strides = array<i32>} : memref<16x768xf32, #tpu.memory_space<vmem>>, vector<1x16xf32>,
      %get3A_712 = vector.shape_cast %get3A_711 : vector<1x16xf32> to vector<16xf32>
      %swap3A_713 = arith.index_cast %scan3A_548 : i32 to index
      %swap3A_714 = arith.constant 288 : index
      %swap3A_715 = tpu.vector_load %arg12[%swap3A_713, %swap3A_714] {strides = array<i32>} : memref<16x768xf32, #tpu.memory_space<vmem>>, vector<1x16xf32>,
      %swap3A_716 = vector.shape_cast %swap3A_715 : vector<1x16xf32> to vector<16xf32>
      %swap3A_717 = vector.shape_cast %get3A_712 : vector<16xf32> to vector<1x16xf32>
      tpu.vector_store %arg12[%swap3A_713, %swap3A_714], %swap3A_717 {add = true, strides = array<i32>} : memref<16x768xf32, #tpu.memory_space<vmem>>, vector<1x16xf32>,
      %get3A_718 = arith.index_cast %scan3A_548 : i32 to index
      %get3A_719 = arith.constant 304 : index
      %get3A_720 = tpu.vector_load %arg15[%get3A_718, %get3A_719] {strides = array<i32>} : memref<16x768xf32, #tpu.memory_space<vmem>>, vector<1x16xf32>,
      %get3A_721 = vector.shape_cast %get3A_720 : vector<1x16xf32> to vector<16xf32>
      %swap3A_722 = arith.index_cast %scan3A_548 : i32 to index
      %swap3A_723 = arith.constant 304 : index
      %swap3A_724 = tpu.vector_load %arg12[%swap3A_722, %swap3A_723] {strides = array<i32>} : memref<16x768xf32, #tpu.memory_space<vmem>>, vector<1x16xf32>,
      %swap3A_725 = vector.shape_cast %swap3A_724 : vector<1x16xf32> to vector<16xf32>
      %swap3A_726 = vector.shape_cast %get3A_721 : vector<16xf32> to vector<1x16xf32>
      tpu.vector_store %arg12[%swap3A_722, %swap3A_723], %swap3A_726 {add = true, strides = array<i32>} : memref<16x768xf32, #tpu.memory_space<vmem>>, vector<1x16xf32>,
      %get3A_727 = arith.index_cast %scan3A_548 : i32 to index
      %get3A_728 = arith.constant 320 : index
      %get3A_729 = tpu.vector_load %arg15[%get3A_727, %get3A_728] {strides = array<i32>} : memref<16x768xf32, #tpu.memory_space<vmem>>, vector<1x16xf32>,
      %get3A_730 = vector.shape_cast %get3A_729 : vector<1x16xf32> to vector<16xf32>
      %swap3A_731 = arith.index_cast %scan3A_548 : i32 to index
      %swap3A_732 = arith.constant 320 : index
      %swap3A_733 = tpu.vector_load %arg12[%swap3A_731, %swap3A_732] {strides = array<i32>} : memref<16x768xf32, #tpu.memory_space<vmem>>, vector<1x16xf32>,
      %swap3A_734 = vector.shape_cast %swap3A_733 : vector<1x16xf32> to vector<16xf32>
      %swap3A_735 = vector.shape_cast %get3A_730 : vector<16xf32> to vector<1x16xf32>
      tpu.vector_store %arg12[%swap3A_731, %swap3A_732], %swap3A_735 {add = true, strides = array<i32>} : memref<16x768xf32, #tpu.memory_space<vmem>>, vector<1x16xf32>,
      %get3A_736 = arith.index_cast %scan3A_548 : i32 to index
      %get3A_737 = arith.constant 336 : index
      %get3A_738 = tpu.vector_load %arg15[%get3A_736, %get3A_737] {strides = array<i32>} : memref<16x768xf32, #tpu.memory_space<vmem>>, vector<1x16xf32>,
      %get3A_739 = vector.shape_cast %get3A_738 : vector<1x16xf32> to vector<16xf32>
      %swap3A_740 = arith.index_cast %scan3A_548 : i32 to index
      %swap3A_741 = arith.constant 336 : index
      %swap3A_742 = tpu.vector_load %arg12[%swap3A_740, %swap3A_741] {strides = array<i32>} : memref<16x768xf32, #tpu.memory_space<vmem>>, vector<1x16xf32>,
      %swap3A_743 = vector.shape_cast %swap3A_742 : vector<1x16xf32> to vector<16xf32>
      %swap3A_744 = vector.shape_cast %get3A_739 : vector<16xf32> to vector<1x16xf32>
      tpu.vector_store %arg12[%swap3A_740, %swap3A_741], %swap3A_744 {add = true, strides = array<i32>} : memref<16x768xf32, #tpu.memory_space<vmem>>, vector<1x16xf32>,
      %get3A_745 = arith.index_cast %scan3A_548 : i32 to index
      %get3A_746 = arith.constant 352 : index
      %get3A_747 = tpu.vector_load %arg15[%get3A_745, %get3A_746] {strides = array<i32>} : memref<16x768xf32, #tpu.memory_space<vmem>>, vector<1x16xf32>,
      %get3A_748 = vector.shape_cast %get3A_747 : vector<1x16xf32> to vector<16xf32>
      %swap3A_749 = arith.index_cast %scan3A_548 : i32 to index
      %swap3A_750 = arith.constant 352 : index
      %swap3A_751 = tpu.vector_load %arg12[%swap3A_749, %swap3A_750] {strides = array<i32>} : memref<16x768xf32, #tpu.memory_space<vmem>>, vector<1x16xf32>,
      %swap3A_752 = vector.shape_cast %swap3A_751 : vector<1x16xf32> to vector<16xf32>
      %swap3A_753 = vector.shape_cast %get3A_748 : vector<16xf32> to vector<1x16xf32>
      tpu.vector_store %arg12[%swap3A_749, %swap3A_750], %swap3A_753 {add = true, strides = array<i32>} : memref<16x768xf32, #tpu.memory_space<vmem>>, vector<1x16xf32>,
      %get3A_754 = arith.index_cast %scan3A_548 : i32 to index
      %get3A_755 = arith.constant 368 : index
      %get3A_756 = tpu.vector_load %arg15[%get3A_754, %get3A_755] {strides = array<i32>} : memref<16x768xf32, #tpu.memory_space<vmem>>, vector<1x16xf32>,
      %get3A_757 = vector.shape_cast %get3A_756 : vector<1x16xf32> to vector<16xf32>
      %swap3A_758 = arith.index_cast %scan3A_548 : i32 to index
      %swap3A_759 = arith.constant 368 : index
      %swap3A_760 = tpu.vector_load %arg12[%swap3A_758, %swap3A_759] {strides = array<i32>} : memref<16x768xf32, #tpu.memory_space<vmem>>, vector<1x16xf32>,
      %swap3A_761 = vector.shape_cast %swap3A_760 : vector<1x16xf32> to vector<16xf32>
      %swap3A_762 = vector.shape_cast %get3A_757 : vector<16xf32> to vector<1x16xf32>
      tpu.vector_store %arg12[%swap3A_758, %swap3A_759], %swap3A_762 {add = true, strides = array<i32>} : memref<16x768xf32, #tpu.memory_space<vmem>>, vector<1x16xf32>,
      %get3A_763 = arith.index_cast %scan3A_548 : i32 to index
      %get3A_764 = arith.constant 384 : index
      %get3A_765 = tpu.vector_load %arg15[%get3A_763, %get3A_764] {strides = array<i32>} : memref<16x768xf32, #tpu.memory_space<vmem>>, vector<1x16xf32>,
      %get3A_766 = vector.shape_cast %get3A_765 : vector<1x16xf32> to vector<16xf32>
      %swap3A_767 = arith.index_cast %scan3A_548 : i32 to index
      %swap3A_768 = arith.constant 384 : index
      %swap3A_769 = tpu.vector_load %arg12[%swap3A_767, %swap3A_768] {strides = array<i32>} : memref<16x768xf32, #tpu.memory_space<vmem>>, vector<1x16xf32>,
      %swap3A_770 = vector.shape_cast %swap3A_769 : vector<1x16xf32> to vector<16xf32>
      %swap3A_771 = vector.shape_cast %get3A_766 : vector<16xf32> to vector<1x16xf32>
      tpu.vector_store %arg12[%swap3A_767, %swap3A_768], %swap3A_771 {add = true, strides = array<i32>} : memref<16x768xf32, #tpu.memory_space<vmem>>, vector<1x16xf32>,
      %get3A_772 = arith.index_cast %scan3A_548 : i32 to index
      %get3A_773 = arith.constant 400 : index
      %get3A_774 = tpu.vector_load %arg15[%get3A_772, %get3A_773] {strides = array<i32>} : memref<16x768xf32, #tpu.memory_space<vmem>>, vector<1x16xf32>,
      %get3A_775 = vector.shape_cast %get3A_774 : vector<1x16xf32> to vector<16xf32>
      %swap3A_776 = arith.index_cast %scan3A_548 : i32 to index
      %swap3A_777 = arith.constant 400 : index
      %swap3A_778 = tpu.vector_load %arg12[%swap3A_776, %swap3A_777] {strides = array<i32>} : memref<16x768xf32, #tpu.memory_space<vmem>>, vector<1x16xf32>,
      %swap3A_779 = vector.shape_cast %swap3A_778 : vector<1x16xf32> to vector<16xf32>
      %swap3A_780 = vector.shape_cast %get3A_775 : vector<16xf32> to vector<1x16xf32>
      tpu.vector_store %arg12[%swap3A_776, %swap3A_777], %swap3A_780 {add = true, strides = array<i32>} : memref<16x768xf32, #tpu.memory_space<vmem>>, vector<1x16xf32>,
      %get3A_781 = arith.index_cast %scan3A_548 : i32 to index
      %get3A_782 = arith.constant 416 : index
      %get3A_783 = tpu.vector_load %arg15[%get3A_781, %get3A_782] {strides = array<i32>} : memref<16x768xf32, #tpu.memory_space<vmem>>, vector<1x16xf32>,
      %get3A_784 = vector.shape_cast %get3A_783 : vector<1x16xf32> to vector<16xf32>
      %swap3A_785 = arith.index_cast %scan3A_548 : i32 to index
      %swap3A_786 = arith.constant 416 : index
      %swap3A_787 = tpu.vector_load %arg12[%swap3A_785, %swap3A_786] {strides = array<i32>} : memref<16x768xf32, #tpu.memory_space<vmem>>, vector<1x16xf32>,
      %swap3A_788 = vector.shape_cast %swap3A_787 : vector<1x16xf32> to vector<16xf32>
      %swap3A_789 = vector.shape_cast %get3A_784 : vector<16xf32> to vector<1x16xf32>
      tpu.vector_store %arg12[%swap3A_785, %swap3A_786], %swap3A_789 {add = true, strides = array<i32>} : memref<16x768xf32, #tpu.memory_space<vmem>>, vector<1x16xf32>,
      %get3A_790 = arith.index_cast %scan3A_548 : i32 to index
      %get3A_791 = arith.constant 432 : index
      %get3A_792 = tpu.vector_load %arg15[%get3A_790, %get3A_791] {strides = array<i32>} : memref<16x768xf32, #tpu.memory_space<vmem>>, vector<1x16xf32>,
      %get3A_793 = vector.shape_cast %get3A_792 : vector<1x16xf32> to vector<16xf32>
      %swap3A_794 = arith.index_cast %scan3A_548 : i32 to index
      %swap3A_795 = arith.constant 432 : index
      %swap3A_796 = tpu.vector_load %arg12[%swap3A_794, %swap3A_795] {strides = array<i32>} : memref<16x768xf32, #tpu.memory_space<vmem>>, vector<1x16xf32>,
      %swap3A_797 = vector.shape_cast %swap3A_796 : vector<1x16xf32> to vector<16xf32>
      %swap3A_798 = vector.shape_cast %get3A_793 : vector<16xf32> to vector<1x16xf32>
      tpu.vector_store %arg12[%swap3A_794, %swap3A_795], %swap3A_798 {add = true, strides = array<i32>} : memref<16x768xf32, #tpu.memory_space<vmem>>, vector<1x16xf32>,
      %get3A_799 = arith.index_cast %scan3A_548 : i32 to index
      %get3A_800 = arith.constant 448 : index
      %get3A_801 = tpu.vector_load %arg15[%get3A_799, %get3A_800] {strides = array<i32>} : memref<16x768xf32, #tpu.memory_space<vmem>>, vector<1x16xf32>,
      %get3A_802 = vector.shape_cast %get3A_801 : vector<1x16xf32> to vector<16xf32>
      %swap3A_803 = arith.index_cast %scan3A_548 : i32 to index
      %swap3A_804 = arith.constant 448 : index
      %swap3A_805 = tpu.vector_load %arg12[%swap3A_803, %swap3A_804] {strides = array<i32>} : memref<16x768xf32, #tpu.memory_space<vmem>>, vector<1x16xf32>,
      %swap3A_806 = vector.shape_cast %swap3A_805 : vector<1x16xf32> to vector<16xf32>
      %swap3A_807 = vector.shape_cast %get3A_802 : vector<16xf32> to vector<1x16xf32>
      tpu.vector_store %arg12[%swap3A_803, %swap3A_804], %swap3A_807 {add = true, strides = array<i32>} : memref<16x768xf32, #tpu.memory_space<vmem>>, vector<1x16xf32>,
      %get3A_808 = arith.index_cast %scan3A_548 : i32 to index
      %get3A_809 = arith.constant 464 : index
      %get3A_810 = tpu.vector_load %arg15[%get3A_808, %get3A_809] {strides = array<i32>} : memref<16x768xf32, #tpu.memory_space<vmem>>, vector<1x16xf32>,
      %get3A_811 = vector.shape_cast %get3A_810 : vector<1x16xf32> to vector<16xf32>
      %swap3A_812 = arith.index_cast %scan3A_548 : i32 to index
      %swap3A_813 = arith.constant 464 : index
      %swap3A_814 = tpu.vector_load %arg12[%swap3A_812, %swap3A_813] {strides = array<i32>} : memref<16x768xf32, #tpu.memory_space<vmem>>, vector<1x16xf32>,
      %swap3A_815 = vector.shape_cast %swap3A_814 : vector<1x16xf32> to vector<16xf32>
      %swap3A_816 = vector.shape_cast %get3A_811 : vector<16xf32> to vector<1x16xf32>
      tpu.vector_store %arg12[%swap3A_812, %swap3A_813], %swap3A_816 {add = true, strides = array<i32>} : memref<16x768xf32, #tpu.memory_space<vmem>>, vector<1x16xf32>,
      %get3A_817 = arith.index_cast %scan3A_548 : i32 to index
      %get3A_818 = arith.constant 480 : index
      %get3A_819 = tpu.vector_load %arg15[%get3A_817, %get3A_818] {strides = array<i32>} : memref<16x768xf32, #tpu.memory_space<vmem>>, vector<1x16xf32>,
      %get3A_820 = vector.shape_cast %get3A_819 : vector<1x16xf32> to vector<16xf32>
      %swap3A_821 = arith.index_cast %scan3A_548 : i32 to index
      %swap3A_822 = arith.constant 480 : index
      %swap3A_823 = tpu.vector_load %arg12[%swap3A_821, %swap3A_822] {strides = array<i32>} : memref<16x768xf32, #tpu.memory_space<vmem>>, vector<1x16xf32>,
      %swap3A_824 = vector.shape_cast %swap3A_823 : vector<1x16xf32> to vector<16xf32>
      %swap3A_825 = vector.shape_cast %get3A_820 : vector<16xf32> to vector<1x16xf32>
      tpu.vector_store %arg12[%swap3A_821, %swap3A_822], %swap3A_825 {add = true, strides = array<i32>} : memref<16x768xf32, #tpu.memory_space<vmem>>, vector<1x16xf32>,
      %get3A_826 = arith.index_cast %scan3A_548 : i32 to index
      %get3A_827 = arith.constant 496 : index
      %get3A_828 = tpu.vector_load %arg15[%get3A_826, %get3A_827] {strides = array<i32>} : memref<16x768xf32, #tpu.memory_space<vmem>>, vector<1x16xf32>,
      %get3A_829 = vector.shape_cast %get3A_828 : vector<1x16xf32> to vector<16xf32>
      %swap3A_830 = arith.index_cast %scan3A_548 : i32 to index
      %swap3A_831 = arith.constant 496 : index
      %swap3A_832 = tpu.vector_load %arg12[%swap3A_830, %swap3A_831] {strides = array<i32>} : memref<16x768xf32, #tpu.memory_space<vmem>>, vector<1x16xf32>,
      %swap3A_833 = vector.shape_cast %swap3A_832 : vector<1x16xf32> to vector<16xf32>
      %swap3A_834 = vector.shape_cast %get3A_829 : vector<16xf32> to vector<1x16xf32>
      tpu.vector_store %arg12[%swap3A_830, %swap3A_831], %swap3A_834 {add = true, strides = array<i32>} : memref<16x768xf32, #tpu.memory_space<vmem>>, vector<1x16xf32>,
      %get3A_835 = arith.index_cast %scan3A_548 : i32 to index
      %get3A_836 = arith.constant 512 : index
      %get3A_837 = tpu.vector_load %arg15[%get3A_835, %get3A_836] {strides = array<i32>} : memref<16x768xf32, #tpu.memory_space<vmem>>, vector<1x16xf32>,
      %get3A_838 = vector.shape_cast %get3A_837 : vector<1x16xf32> to vector<16xf32>
      %swap3A_839 = arith.index_cast %scan3A_548 : i32 to index
      %swap3A_840 = arith.constant 512 : index
      %swap3A_841 = tpu.vector_load %arg12[%swap3A_839, %swap3A_840] {strides = array<i32>} : memref<16x768xf32, #tpu.memory_space<vmem>>, vector<1x16xf32>,
      %swap3A_842 = vector.shape_cast %swap3A_841 : vector<1x16xf32> to vector<16xf32>
      %swap3A_843 = vector.shape_cast %get3A_838 : vector<16xf32> to vector<1x16xf32>
      tpu.vector_store %arg12[%swap3A_839, %swap3A_840], %swap3A_843 {add = true, strides = array<i32>} : memref<16x768xf32, #tpu.memory_space<vmem>>, vector<1x16xf32>,
      %get3A_844 = arith.index_cast %scan3A_548 : i32 to index
      %get3A_845 = arith.constant 528 : index
      %get3A_846 = tpu.vector_load %arg15[%get3A_844, %get3A_845] {strides = array<i32>} : memref<16x768xf32, #tpu.memory_space<vmem>>, vector<1x16xf32>,
      %get3A_847 = vector.shape_cast %get3A_846 : vector<1x16xf32> to vector<16xf32>
      %swap3A_848 = arith.index_cast %scan3A_548 : i32 to index
      %swap3A_849 = arith.constant 528 : index
      %swap3A_850 = tpu.vector_load %arg12[%swap3A_848, %swap3A_849] {strides = array<i32>} : memref<16x768xf32, #tpu.memory_space<vmem>>, vector<1x16xf32>,
      %swap3A_851 = vector.shape_cast %swap3A_850 : vector<1x16xf32> to vector<16xf32>
      %swap3A_852 = vector.shape_cast %get3A_847 : vector<16xf32> to vector<1x16xf32>
      tpu.vector_store %arg12[%swap3A_848, %swap3A_849], %swap3A_852 {add = true, strides = array<i32>} : memref<16x768xf32, #tpu.memory_space<vmem>>, vector<1x16xf32>,
      %get3A_853 = arith.index_cast %scan3A_548 : i32 to index
      %get3A_854 = arith.constant 544 : index
      %get3A_855 = tpu.vector_load %arg15[%get3A_853, %get3A_854] {strides = array<i32>} : memref<16x768xf32, #tpu.memory_space<vmem>>, vector<1x16xf32>,
      %get3A_856 = vector.shape_cast %get3A_855 : vector<1x16xf32> to vector<16xf32>
      %swap3A_857 = arith.index_cast %scan3A_548 : i32 to index
      %swap3A_858 = arith.constant 544 : index
      %swap3A_859 = tpu.vector_load %arg12[%swap3A_857, %swap3A_858] {strides = array<i32>} : memref<16x768xf32, #tpu.memory_space<vmem>>, vector<1x16xf32>,
      %swap3A_860 = vector.shape_cast %swap3A_859 : vector<1x16xf32> to vector<16xf32>
      %swap3A_861 = vector.shape_cast %get3A_856 : vector<16xf32> to vector<1x16xf32>
      tpu.vector_store %arg12[%swap3A_857, %swap3A_858], %swap3A_861 {add = true, strides = array<i32>} : memref<16x768xf32, #tpu.memory_space<vmem>>, vector<1x16xf32>,
      %get3A_862 = arith.index_cast %scan3A_548 : i32 to index
      %get3A_863 = arith.constant 560 : index
      %get3A_864 = tpu.vector_load %arg15[%get3A_862, %get3A_863] {strides = array<i32>} : memref<16x768xf32, #tpu.memory_space<vmem>>, vector<1x16xf32>,
      %get3A_865 = vector.shape_cast %get3A_864 : vector<1x16xf32> to vector<16xf32>
      %swap3A_866 = arith.index_cast %scan3A_548 : i32 to index
      %swap3A_867 = arith.constant 560 : index
      %swap3A_868 = tpu.vector_load %arg12[%swap3A_866, %swap3A_867] {strides = array<i32>} : memref<16x768xf32, #tpu.memory_space<vmem>>, vector<1x16xf32>,
      %swap3A_869 = vector.shape_cast %swap3A_868 : vector<1x16xf32> to vector<16xf32>
      %swap3A_870 = vector.shape_cast %get3A_865 : vector<16xf32> to vector<1x16xf32>
      tpu.vector_store %arg12[%swap3A_866, %swap3A_867], %swap3A_870 {add = true, strides = array<i32>} : memref<16x768xf32, #tpu.memory_space<vmem>>, vector<1x16xf32>,
      %get3A_871 = arith.index_cast %scan3A_548 : i32 to index
      %get3A_872 = arith.constant 576 : index
      %get3A_873 = tpu.vector_load %arg15[%get3A_871, %get3A_872] {strides = array<i32>} : memref<16x768xf32, #tpu.memory_space<vmem>>, vector<1x16xf32>,
      %get3A_874 = vector.shape_cast %get3A_873 : vector<1x16xf32> to vector<16xf32>
      %swap3A_875 = arith.index_cast %scan3A_548 : i32 to index
      %swap3A_876 = arith.constant 576 : index
      %swap3A_877 = tpu.vector_load %arg12[%swap3A_875, %swap3A_876] {strides = array<i32>} : memref<16x768xf32, #tpu.memory_space<vmem>>, vector<1x16xf32>,
      %swap3A_878 = vector.shape_cast %swap3A_877 : vector<1x16xf32> to vector<16xf32>
      %swap3A_879 = vector.shape_cast %get3A_874 : vector<16xf32> to vector<1x16xf32>
      tpu.vector_store %arg12[%swap3A_875, %swap3A_876], %swap3A_879 {add = true, strides = array<i32>} : memref<16x768xf32, #tpu.memory_space<vmem>>, vector<1x16xf32>,
      %get3A_880 = arith.index_cast %scan3A_548 : i32 to index
      %get3A_881 = arith.constant 592 : index
      %get3A_882 = tpu.vector_load %arg15[%get3A_880, %get3A_881] {strides = array<i32>} : memref<16x768xf32, #tpu.memory_space<vmem>>, vector<1x16xf32>,
      %get3A_883 = vector.shape_cast %get3A_882 : vector<1x16xf32> to vector<16xf32>
      %swap3A_884 = arith.index_cast %scan3A_548 : i32 to index
      %swap3A_885 = arith.constant 592 : index
      %swap3A_886 = tpu.vector_load %arg12[%swap3A_884, %swap3A_885] {strides = array<i32>} : memref<16x768xf32, #tpu.memory_space<vmem>>, vector<1x16xf32>,
      %swap3A_887 = vector.shape_cast %swap3A_886 : vector<1x16xf32> to vector<16xf32>
      %swap3A_888 = vector.shape_cast %get3A_883 : vector<16xf32> to vector<1x16xf32>
      tpu.vector_store %arg12[%swap3A_884, %swap3A_885], %swap3A_888 {add = true, strides = array<i32>} : memref<16x768xf32, #tpu.memory_space<vmem>>, vector<1x16xf32>,
      %get3A_889 = arith.index_cast %scan3A_548 : i32 to index
      %get3A_890 = arith.constant 608 : index
      %get3A_891 = tpu.vector_load %arg15[%get3A_889, %get3A_890] {strides = array<i32>} : memref<16x768xf32, #tpu.memory_space<vmem>>, vector<1x16xf32>,
      %get3A_892 = vector.shape_cast %get3A_891 : vector<1x16xf32> to vector<16xf32>
      %swap3A_893 = arith.index_cast %scan3A_548 : i32 to index
      %swap3A_894 = arith.constant 608 : index
      %swap3A_895 = tpu.vector_load %arg12[%swap3A_893, %swap3A_894] {strides = array<i32>} : memref<16x768xf32, #tpu.memory_space<vmem>>, vector<1x16xf32>,
      %swap3A_896 = vector.shape_cast %swap3A_895 : vector<1x16xf32> to vector<16xf32>
      %swap3A_897 = vector.shape_cast %get3A_892 : vector<16xf32> to vector<1x16xf32>
      tpu.vector_store %arg12[%swap3A_893, %swap3A_894], %swap3A_897 {add = true, strides = array<i32>} : memref<16x768xf32, #tpu.memory_space<vmem>>, vector<1x16xf32>,
      %get3A_898 = arith.index_cast %scan3A_548 : i32 to index
      %get3A_899 = arith.constant 624 : index
      %get3A_900 = tpu.vector_load %arg15[%get3A_898, %get3A_899] {strides = array<i32>} : memref<16x768xf32, #tpu.memory_space<vmem>>, vector<1x16xf32>,
      %get3A_901 = vector.shape_cast %get3A_900 : vector<1x16xf32> to vector<16xf32>
      %swap3A_902 = arith.index_cast %scan3A_548 : i32 to index
      %swap3A_903 = arith.constant 624 : index
      %swap3A_904 = tpu.vector_load %arg12[%swap3A_902, %swap3A_903] {strides = array<i32>} : memref<16x768xf32, #tpu.memory_space<vmem>>, vector<1x16xf32>,
      %swap3A_905 = vector.shape_cast %swap3A_904 : vector<1x16xf32> to vector<16xf32>
      %swap3A_906 = vector.shape_cast %get3A_901 : vector<16xf32> to vector<1x16xf32>
      tpu.vector_store %arg12[%swap3A_902, %swap3A_903], %swap3A_906 {add = true, strides = array<i32>} : memref<16x768xf32, #tpu.memory_space<vmem>>, vector<1x16xf32>,
      %get3A_907 = arith.index_cast %scan3A_548 : i32 to index
      %get3A_908 = arith.constant 640 : index
      %get3A_909 = tpu.vector_load %arg15[%get3A_907, %get3A_908] {strides = array<i32>} : memref<16x768xf32, #tpu.memory_space<vmem>>, vector<1x16xf32>,
      %get3A_910 = vector.shape_cast %get3A_909 : vector<1x16xf32> to vector<16xf32>
      %swap3A_911 = arith.index_cast %scan3A_548 : i32 to index
      %swap3A_912 = arith.constant 640 : index
      %swap3A_913 = tpu.vector_load %arg12[%swap3A_911, %swap3A_912] {strides = array<i32>} : memref<16x768xf32, #tpu.memory_space<vmem>>, vector<1x16xf32>,
      %swap3A_914 = vector.shape_cast %swap3A_913 : vector<1x16xf32> to vector<16xf32>
      %swap3A_915 = vector.shape_cast %get3A_910 : vector<16xf32> to vector<1x16xf32>
      tpu.vector_store %arg12[%swap3A_911, %swap3A_912], %swap3A_915 {add = true, strides = array<i32>} : memref<16x768xf32, #tpu.memory_space<vmem>>, vector<1x16xf32>,
      %get3A_916 = arith.index_cast %scan3A_548 : i32 to index
      %get3A_917 = arith.constant 656 : index
      %get3A_918 = tpu.vector_load %arg15[%get3A_916, %get3A_917] {strides = array<i32>} : memref<16x768xf32, #tpu.memory_space<vmem>>, vector<1x16xf32>,
      %get3A_919 = vector.shape_cast %get3A_918 : vector<1x16xf32> to vector<16xf32>
      %swap3A_920 = arith.index_cast %scan3A_548 : i32 to index
      %swap3A_921 = arith.constant 656 : index
      %swap3A_922 = tpu.vector_load %arg12[%swap3A_920, %swap3A_921] {strides = array<i32>} : memref<16x768xf32, #tpu.memory_space<vmem>>, vector<1x16xf32>,
      %swap3A_923 = vector.shape_cast %swap3A_922 : vector<1x16xf32> to vector<16xf32>
      %swap3A_924 = vector.shape_cast %get3A_919 : vector<16xf32> to vector<1x16xf32>
      tpu.vector_store %arg12[%swap3A_920, %swap3A_921], %swap3A_924 {add = true, strides = array<i32>} : memref<16x768xf32, #tpu.memory_space<vmem>>, vector<1x16xf32>,
      %get3A_925 = arith.index_cast %scan3A_548 : i32 to index
      %get3A_926 = arith.constant 672 : index
      %get3A_927 = tpu.vector_load %arg15[%get3A_925, %get3A_926] {strides = array<i32>} : memref<16x768xf32, #tpu.memory_space<vmem>>, vector<1x16xf32>,
      %get3A_928 = vector.shape_cast %get3A_927 : vector<1x16xf32> to vector<16xf32>
      %swap3A_929 = arith.index_cast %scan3A_548 : i32 to index
      %swap3A_930 = arith.constant 672 : index
      %swap3A_931 = tpu.vector_load %arg12[%swap3A_929, %swap3A_930] {strides = array<i32>} : memref<16x768xf32, #tpu.memory_space<vmem>>, vector<1x16xf32>,
      %swap3A_932 = vector.shape_cast %swap3A_931 : vector<1x16xf32> to vector<16xf32>
      %swap3A_933 = vector.shape_cast %get3A_928 : vector<16xf32> to vector<1x16xf32>
      tpu.vector_store %arg12[%swap3A_929, %swap3A_930], %swap3A_933 {add = true, strides = array<i32>} : memref<16x768xf32, #tpu.memory_space<vmem>>, vector<1x16xf32>,
      %get3A_934 = arith.index_cast %scan3A_548 : i32 to index
      %get3A_935 = arith.constant 688 : index
      %get3A_936 = tpu.vector_load %arg15[%get3A_934, %get3A_935] {strides = array<i32>} : memref<16x768xf32, #tpu.memory_space<vmem>>, vector<1x16xf32>,
      %get3A_937 = vector.shape_cast %get3A_936 : vector<1x16xf32> to vector<16xf32>
      %swap3A_938 = arith.index_cast %scan3A_548 : i32 to index
      %swap3A_939 = arith.constant 688 : index
      %swap3A_940 = tpu.vector_load %arg12[%swap3A_938, %swap3A_939] {strides = array<i32>} : memref<16x768xf32, #tpu.memory_space<vmem>>, vector<1x16xf32>,
      %swap3A_941 = vector.shape_cast %swap3A_940 : vector<1x16xf32> to vector<16xf32>
      %swap3A_942 = vector.shape_cast %get3A_937 : vector<16xf32> to vector<1x16xf32>
      tpu.vector_store %arg12[%swap3A_938, %swap3A_939], %swap3A_942 {add = true, strides = array<i32>} : memref<16x768xf32, #tpu.memory_space<vmem>>, vector<1x16xf32>,
      %get3A_943 = arith.index_cast %scan3A_548 : i32 to index
      %get3A_944 = arith.constant 704 : index
      %get3A_945 = tpu.vector_load %arg15[%get3A_943, %get3A_944] {strides = array<i32>} : memref<16x768xf32, #tpu.memory_space<vmem>>, vector<1x16xf32>,
      %get3A_946 = vector.shape_cast %get3A_945 : vector<1x16xf32> to vector<16xf32>
      %swap3A_947 = arith.index_cast %scan3A_548 : i32 to index
      %swap3A_948 = arith.constant 704 : index
      %swap3A_949 = tpu.vector_load %arg12[%swap3A_947, %swap3A_948] {strides = array<i32>} : memref<16x768xf32, #tpu.memory_space<vmem>>, vector<1x16xf32>,
      %swap3A_950 = vector.shape_cast %swap3A_949 : vector<1x16xf32> to vector<16xf32>
      %swap3A_951 = vector.shape_cast %get3A_946 : vector<16xf32> to vector<1x16xf32>
      tpu.vector_store %arg12[%swap3A_947, %swap3A_948], %swap3A_951 {add = true, strides = array<i32>} : memref<16x768xf32, #tpu.memory_space<vmem>>, vector<1x16xf32>,
      %get3A_952 = arith.index_cast %scan3A_548 : i32 to index
      %get3A_953 = arith.constant 720 : index
      %get3A_954 = tpu.vector_load %arg15[%get3A_952, %get3A_953] {strides = array<i32>} : memref<16x768xf32, #tpu.memory_space<vmem>>, vector<1x16xf32>,
      %get3A_955 = vector.shape_cast %get3A_954 : vector<1x16xf32> to vector<16xf32>
      %swap3A_956 = arith.index_cast %scan3A_548 : i32 to index
      %swap3A_957 = arith.constant 720 : index
      %swap3A_958 = tpu.vector_load %arg12[%swap3A_956, %swap3A_957] {strides = array<i32>} : memref<16x768xf32, #tpu.memory_space<vmem>>, vector<1x16xf32>,
      %swap3A_959 = vector.shape_cast %swap3A_958 : vector<1x16xf32> to vector<16xf32>
      %swap3A_960 = vector.shape_cast %get3A_955 : vector<16xf32> to vector<1x16xf32>
      tpu.vector_store %arg12[%swap3A_956, %swap3A_957], %swap3A_960 {add = true, strides = array<i32>} : memref<16x768xf32, #tpu.memory_space<vmem>>, vector<1x16xf32>,
      %get3A_961 = arith.index_cast %scan3A_548 : i32 to index
      %get3A_962 = arith.constant 736 : index
      %get3A_963 = tpu.vector_load %arg15[%get3A_961, %get3A_962] {strides = array<i32>} : memref<16x768xf32, #tpu.memory_space<vmem>>, vector<1x16xf32>,
      %get3A_964 = vector.shape_cast %get3A_963 : vector<1x16xf32> to vector<16xf32>
      %swap3A_965 = arith.index_cast %scan3A_548 : i32 to index
      %swap3A_966 = arith.constant 736 : index
      %swap3A_967 = tpu.vector_load %arg12[%swap3A_965, %swap3A_966] {strides = array<i32>} : memref<16x768xf32, #tpu.memory_space<vmem>>, vector<1x16xf32>,
      %swap3A_968 = vector.shape_cast %swap3A_967 : vector<1x16xf32> to vector<16xf32>
      %swap3A_969 = vector.shape_cast %get3A_964 : vector<16xf32> to vector<1x16xf32>
      tpu.vector_store %arg12[%swap3A_965, %swap3A_966], %swap3A_969 {add = true, strides = array<i32>} : memref<16x768xf32, #tpu.memory_space<vmem>>, vector<1x16xf32>,
      %get3A_970 = arith.index_cast %scan3A_548 : i32 to index
      %get3A_971 = arith.constant 752 : index
      %get3A_972 = tpu.vector_load %arg15[%get3A_970, %get3A_971] {strides = array<i32>} : memref<16x768xf32, #tpu.memory_space<vmem>>, vector<1x16xf32>,
      %get3A_973 = vector.shape_cast %get3A_972 : vector<1x16xf32> to vector<16xf32>
      %swap3A_974 = arith.index_cast %scan3A_548 : i32 to index
      %swap3A_975 = arith.constant 752 : index
      %swap3A_976 = tpu.vector_load %arg12[%swap3A_974, %swap3A_975] {strides = array<i32>} : memref<16x768xf32, #tpu.memory_space<vmem>>, vector<1x16xf32>,
      %swap3A_977 = vector.shape_cast %swap3A_976 : vector<1x16xf32> to vector<16xf32>
      %swap3A_978 = vector.shape_cast %get3A_973 : vector<16xf32> to vector<1x16xf32>
      tpu.vector_store %arg12[%swap3A_974, %swap3A_975], %swap3A_978 {add = true, strides = array<i32>} : memref<16x768xf32, #tpu.memory_space<vmem>>, vector<1x16xf32>,
    }
    %scan3A_283 = arith.constant 16 : i32
    %add3A_284 = arith.constant 96 : i32
    %add3A_285 = arith.addi %add3A, %add3A_284 : i32
    %mul3A_286 = arith.constant 16 : i32
    %mul3A_287 = arith.muli %add3A_285, %mul3A_286 : i32
    %multiple_of3A_288 = tpu.assume_multiple %mul3A_287, 16 : i32
    %dma_start3A_289 = arith.constant 0 : i32
    %dma_start3A_290 = tpu.memref_slice %arg6[%multiple_of3A_288, %dma_start3A_289] : memref<8192x768xf32, #tpu.memory_space<hbm>> -> memref<16x768xf32, #tpu.memory_space<hbm>>
    %dma_start3A_291 = arith.constant 0 : i32
    %dma_start3A_292 = tpu.memref_slice %arg6[%multiple_of3A_288, %dma_start3A_291] : memref<8192x768xf32, #tpu.memory_space<hbm>> -> memref<16x768xf32, #tpu.memory_space<hbm>>
    tpu.enqueue_dma source(%arg12 : memref<16x768xf32, #tpu.memory_space<vmem>>) target(%dma_start3A_292 : memref<16x768xf32, #tpu.memory_space<hbm>>) target_semaphore(%arg25 : memref<!tpu.dma_semaphore, #tpu.memory_space<semaphore_mem>>)
    %dma_wait3A_293 = arith.constant 0 : i32
    %dma_wait3A_294 = tpu.memref_slice %arg6[%multiple_of3A_288, %dma_wait3A_293] : memref<8192x768xf32, #tpu.memory_space<hbm>> -> memref<16x768xf32, #tpu.memory_space<hbm>>
    %dma_wait3A_295 = arith.constant 0 : i32
    %dma_wait3A_296 = tpu.memref_slice %arg6[%multiple_of3A_288, %dma_wait3A_295] : memref<8192x768xf32, #tpu.memory_space<hbm>> -> memref<16x768xf32, #tpu.memory_space<hbm>>
    tpu.wait_dma2 semaphore(%arg25 : memref<!tpu.dma_semaphore, #tpu.memory_space<semaphore_mem>>) src(%arg12 : memref<16x768xf32, #tpu.memory_space<vmem>>) dst(%dma_wait3A_296 : memref<16x768xf32, #tpu.memory_space<hbm>>)
    %dma_start3A_297 = arith.constant 144 : i32
    %dma_start3A_298 = tpu.memref_slice %arg7[%dma_start3A_297] : memref<256xi32, #tpu.memory_space<vmem>> -> memref<16xi32, #tpu.memory_space<vmem>>
    %dma_start3A_299 = arith.constant 0 : i32
    %dma_start3A_300 = arith.constant 0 : i32
    %dma_start3A_301 = tpu.memref_slice %arg4[%dma_start3A_299, %dma_start3A_300] : memref<4098x768xf32, #tpu.memory_space<hbm>> -> memref<4098x768xf32, #tpu.memory_space<hbm>>
    tpu.enqueue_indirect_dma source(%dma_start3A_301 : memref<4098x768xf32, #tpu.memory_space<hbm>>) target(%arg12 : memref<16x768xf32, #tpu.memory_space<vmem>>) offsets(%dma_start3A_298 : memref<16xi32, #tpu.memory_space<vmem>>) semaphore(%arg19 : memref<!tpu.dma_semaphore, #tpu.memory_space<semaphore_mem>>)
    %dma_wait3A_302 = arith.constant 64 : i32
    %dma_wait3A_303 = tpu.memref_slice %arg7[%dma_wait3A_302] : memref<256xi32, #tpu.memory_space<vmem>> -> memref<16xi32, #tpu.memory_space<vmem>>
    %dma_wait3A_304 = arith.constant 0 : i32
    %dma_wait3A_305 = arith.constant 0 : i32
    %dma_wait3A_306 = tpu.memref_slice %arg4[%dma_wait3A_304, %dma_wait3A_305] : memref<4098x768xf32, #tpu.memory_space<hbm>> -> memref<4098x768xf32, #tpu.memory_space<hbm>>
    tpu.wait_indirect_dma semaphore(%arg20 : memref<!tpu.dma_semaphore, #tpu.memory_space<semaphore_mem>>) src(%dma_wait3A_306 : memref<4098x768xf32, #tpu.memory_space<hbm>>) dst(%arg13 : memref<16x768xf32, #tpu.memory_space<vmem>>)
    %add3A_307 = arith.constant 128 : i32
    %add3A_308 = arith.addi %add3A, %add3A_307 : i32
    %mul3A_309 = arith.constant 16 : i32
    %mul3A_310 = arith.muli %add3A_308, %mul3A_309 : i32
    %multiple_of3A_311 = tpu.assume_multiple %mul3A_310, 16 : i32
    %dma_start3A_312 = arith.constant 0 : i32
    %dma_start3A_313 = tpu.memref_slice %arg6[%multiple_of3A_311, %dma_start3A_312] : memref<8192x768xf32, #tpu.memory_space<hbm>> -> memref<16x768xf32, #tpu.memory_space<hbm>>
    %dma_start3A_314 = arith.constant 0 : i32
    %dma_start3A_315 = tpu.memref_slice %arg6[%multiple_of3A_311, %dma_start3A_314] : memref<8192x768xf32, #tpu.memory_space<hbm>> -> memref<16x768xf32, #tpu.memory_space<hbm>>
    tpu.enqueue_dma source(%arg13 : memref<16x768xf32, #tpu.memory_space<vmem>>) target(%dma_start3A_315 : memref<16x768xf32, #tpu.memory_space<hbm>>) target_semaphore(%arg26 : memref<!tpu.dma_semaphore, #tpu.memory_space<semaphore_mem>>)
    %dma_wait3A_316 = arith.constant 0 : i32
    %dma_wait3A_317 = tpu.memref_slice %arg6[%multiple_of3A_311, %dma_wait3A_316] : memref<8192x768xf32, #tpu.memory_space<hbm>> -> memref<16x768xf32, #tpu.memory_space<hbm>>
    %dma_wait3A_318 = arith.constant 0 : i32
    %dma_wait3A_319 = tpu.memref_slice %arg6[%multiple_of3A_311, %dma_wait3A_318] : memref<8192x768xf32, #tpu.memory_space<hbm>> -> memref<16x768xf32, #tpu.memory_space<hbm>>
    tpu.wait_dma2 semaphore(%arg26 : memref<!tpu.dma_semaphore, #tpu.memory_space<semaphore_mem>>) src(%arg13 : memref<16x768xf32, #tpu.memory_space<vmem>>) dst(%dma_wait3A_319 : memref<16x768xf32, #tpu.memory_space<hbm>>)
    %dma_start3A_320 = arith.constant 160 : i32
    %dma_start3A_321 = tpu.memref_slice %arg7[%dma_start3A_320] : memref<256xi32, #tpu.memory_space<vmem>> -> memref<16xi32, #tpu.memory_space<vmem>>
    %dma_start3A_322 = arith.constant 0 : i32
    %dma_start3A_323 = arith.constant 0 : i32
    %dma_start3A_324 = tpu.memref_slice %arg4[%dma_start3A_322, %dma_start3A_323] : memref<4098x768xf32, #tpu.memory_space<hbm>> -> memref<4098x768xf32, #tpu.memory_space<hbm>>
    tpu.enqueue_indirect_dma source(%dma_start3A_324 : memref<4098x768xf32, #tpu.memory_space<hbm>>) target(%arg13 : memref<16x768xf32, #tpu.memory_space<vmem>>) offsets(%dma_start3A_321 : memref<16xi32, #tpu.memory_space<vmem>>) semaphore(%arg20 : memref<!tpu.dma_semaphore, #tpu.memory_space<semaphore_mem>>)
    %dma_wait3A_325 = arith.constant 80 : i32
    %dma_wait3A_326 = tpu.memref_slice %arg7[%dma_wait3A_325] : memref<256xi32, #tpu.memory_space<vmem>> -> memref<16xi32, #tpu.memory_space<vmem>>
    %dma_wait3A_327 = arith.constant 0 : i32
    %dma_wait3A_328 = arith.constant 0 : i32
    %dma_wait3A_329 = tpu.memref_slice %arg4[%dma_wait3A_327, %dma_wait3A_328] : memref<4098x768xf32, #tpu.memory_space<hbm>> -> memref<4098x768xf32, #tpu.memory_space<hbm>>
    tpu.wait_indirect_dma semaphore(%arg21 : memref<!tpu.dma_semaphore, #tpu.memory_space<semaphore_mem>>) src(%dma_wait3A_329 : memref<4098x768xf32, #tpu.memory_space<hbm>>) dst(%arg14 : memref<16x768xf32, #tpu.memory_space<vmem>>)
    %add3A_330 = arith.constant 160 : i32
    %add3A_331 = arith.addi %add3A, %add3A_330 : i32
    %mul3A_332 = arith.constant 16 : i32
    %mul3A_333 = arith.muli %add3A_331, %mul3A_332 : i32
    %multiple_of3A_334 = tpu.assume_multiple %mul3A_333, 16 : i32
    %dma_start3A_335 = arith.constant 0 : i32
    %dma_start3A_336 = tpu.memref_slice %arg6[%multiple_of3A_334, %dma_start3A_335] : memref<8192x768xf32, #tpu.memory_space<hbm>> -> memref<16x768xf32, #tpu.memory_space<hbm>>
    %dma_start3A_337 = arith.constant 0 : i32
    %dma_start3A_338 = tpu.memref_slice %arg6[%multiple_of3A_334, %dma_start3A_337] : memref<8192x768xf32, #tpu.memory_space<hbm>> -> memref<16x768xf32, #tpu.memory_space<hbm>>
    tpu.enqueue_dma source(%arg14 : memref<16x768xf32, #tpu.memory_space<vmem>>) target(%dma_start3A_338 : memref<16x768xf32, #tpu.memory_space<hbm>>) target_semaphore(%arg27 : memref<!tpu.dma_semaphore, #tpu.memory_space<semaphore_mem>>)
    %dma_wait3A_339 = arith.constant 0 : i32
    %dma_wait3A_340 = tpu.memref_slice %arg6[%multiple_of3A_334, %dma_wait3A_339] : memref<8192x768xf32, #tpu.memory_space<hbm>> -> memref<16x768xf32, #tpu.memory_space<hbm>>
    %dma_wait3A_341 = arith.constant 0 : i32
    %dma_wait3A_342 = tpu.memref_slice %arg6[%multiple_of3A_334, %dma_wait3A_341] : memref<8192x768xf32, #tpu.memory_space<hbm>> -> memref<16x768xf32, #tpu.memory_space<hbm>>
    tpu.wait_dma2 semaphore(%arg27 : memref<!tpu.dma_semaphore, #tpu.memory_space<semaphore_mem>>) src(%arg14 : memref<16x768xf32, #tpu.memory_space<vmem>>) dst(%dma_wait3A_342 : memref<16x768xf32, #tpu.memory_space<hbm>>)
    %dma_start3A_343 = arith.constant 176 : i32
    %dma_start3A_344 = tpu.memref_slice %arg7[%dma_start3A_343] : memref<256xi32, #tpu.memory_space<vmem>> -> memref<16xi32, #tpu.memory_space<vmem>>
    %dma_start3A_345 = arith.constant 0 : i32
    %dma_start3A_346 = arith.constant 0 : i32
    %dma_start3A_347 = tpu.memref_slice %arg4[%dma_start3A_345, %dma_start3A_346] : memref<4098x768xf32, #tpu.memory_space<hbm>> -> memref<4098x768xf32, #tpu.memory_space<hbm>>
    tpu.enqueue_indirect_dma source(%dma_start3A_347 : memref<4098x768xf32, #tpu.memory_space<hbm>>) target(%arg14 : memref<16x768xf32, #tpu.memory_space<vmem>>) offsets(%dma_start3A_344 : memref<16xi32, #tpu.memory_space<vmem>>) semaphore(%arg21 : memref<!tpu.dma_semaphore, #tpu.memory_space<semaphore_mem>>)
    %dma_wait3A_348 = arith.constant 96 : i32
    %dma_wait3A_349 = tpu.memref_slice %arg7[%dma_wait3A_348] : memref<256xi32, #tpu.memory_space<vmem>> -> memref<16xi32, #tpu.memory_space<vmem>>
    %dma_wait3A_350 = arith.constant 0 : i32
    %dma_wait3A_351 = arith.constant 0 : i32
    %dma_wait3A_352 = tpu.memref_slice %arg4[%dma_wait3A_350, %dma_wait3A_351] : memref<4098x768xf32, #tpu.memory_space<hbm>> -> memref<4098x768xf32, #tpu.memory_space<hbm>>
    tpu.wait_indirect_dma semaphore(%arg16 : memref<!tpu.dma_semaphore, #tpu.memory_space<semaphore_mem>>) src(%dma_wait3A_352 : memref<4098x768xf32, #tpu.memory_space<hbm>>) dst(%arg9 : memref<16x768xf32, #tpu.memory_space<vmem>>)
    %add3A_353 = arith.constant 192 : i32
    %add3A_354 = arith.addi %add3A, %add3A_353 : i32
    %mul3A_355 = arith.constant 16 : i32
    %mul3A_356 = arith.muli %add3A_354, %mul3A_355 : i32
    %multiple_of3A_357 = tpu.assume_multiple %mul3A_356, 16 : i32
    %dma_start3A_358 = arith.constant 0 : i32
    %dma_start3A_359 = tpu.memref_slice %arg6[%multiple_of3A_357, %dma_start3A_358] : memref<8192x768xf32, #tpu.memory_space<hbm>> -> memref<16x768xf32, #tpu.memory_space<hbm>>
    %dma_start3A_360 = arith.constant 0 : i32
    %dma_start3A_361 = tpu.memref_slice %arg6[%multiple_of3A_357, %dma_start3A_360] : memref<8192x768xf32, #tpu.memory_space<hbm>> -> memref<16x768xf32, #tpu.memory_space<hbm>>
    tpu.enqueue_dma source(%arg9 : memref<16x768xf32, #tpu.memory_space<vmem>>) target(%dma_start3A_361 : memref<16x768xf32, #tpu.memory_space<hbm>>) target_semaphore(%arg22 : memref<!tpu.dma_semaphore, #tpu.memory_space<semaphore_mem>>)
    %dma_wait3A_362 = arith.constant 0 : i32
    %dma_wait3A_363 = tpu.memref_slice %arg6[%multiple_of3A_357, %dma_wait3A_362] : memref<8192x768xf32, #tpu.memory_space<hbm>> -> memref<16x768xf32, #tpu.memory_space<hbm>>
    %dma_wait3A_364 = arith.constant 0 : i32
    %dma_wait3A_365 = tpu.memref_slice %arg6[%multiple_of3A_357, %dma_wait3A_364] : memref<8192x768xf32, #tpu.memory_space<hbm>> -> memref<16x768xf32, #tpu.memory_space<hbm>>
    tpu.wait_dma2 semaphore(%arg22 : memref<!tpu.dma_semaphore, #tpu.memory_space<semaphore_mem>>) src(%arg9 : memref<16x768xf32, #tpu.memory_space<vmem>>) dst(%dma_wait3A_365 : memref<16x768xf32, #tpu.memory_space<hbm>>)
    %dma_start3A_366 = arith.constant 192 : i32
    %dma_start3A_367 = tpu.memref_slice %arg7[%dma_start3A_366] : memref<256xi32, #tpu.memory_space<vmem>> -> memref<16xi32, #tpu.memory_space<vmem>>
    %dma_start3A_368 = arith.constant 0 : i32
    %dma_start3A_369 = arith.constant 0 : i32
    %dma_start3A_370 = tpu.memref_slice %arg4[%dma_start3A_368, %dma_start3A_369] : memref<4098x768xf32, #tpu.memory_space<hbm>> -> memref<4098x768xf32, #tpu.memory_space<hbm>>
    tpu.enqueue_indirect_dma source(%dma_start3A_370 : memref<4098x768xf32, #tpu.memory_space<hbm>>) target(%arg9 : memref<16x768xf32, #tpu.memory_space<vmem>>) offsets(%dma_start3A_367 : memref<16xi32, #tpu.memory_space<vmem>>) semaphore(%arg16 : memref<!tpu.dma_semaphore, #tpu.memory_space<semaphore_mem>>)
    %dma_wait3A_371 = arith.constant 112 : i32
    %dma_wait3A_372 = tpu.memref_slice %arg7[%dma_wait3A_371] : memref<256xi32, #tpu.memory_space<vmem>> -> memref<16xi32, #tpu.memory_space<vmem>>
    %dma_wait3A_373 = arith.constant 0 : i32
    %dma_wait3A_374 = arith.constant 0 : i32
    %dma_wait3A_375 = tpu.memref_slice %arg4[%dma_wait3A_373, %dma_wait3A_374] : memref<4098x768xf32, #tpu.memory_space<hbm>> -> memref<4098x768xf32, #tpu.memory_space<hbm>>
    tpu.wait_indirect_dma semaphore(%arg17 : memref<!tpu.dma_semaphore, #tpu.memory_space<semaphore_mem>>) src(%dma_wait3A_375 : memref<4098x768xf32, #tpu.memory_space<hbm>>) dst(%arg10 : memref<16x768xf32, #tpu.memory_space<vmem>>)
    %add3A_376 = arith.constant 224 : i32
    %add3A_377 = arith.addi %add3A, %add3A_376 : i32
    %mul3A_378 = arith.constant 16 : i32
    %mul3A_379 = arith.muli %add3A_377, %mul3A_378 : i32
    %multiple_of3A_380 = tpu.assume_multiple %mul3A_379, 16 : i32
    %dma_start3A_381 = arith.constant 0 : i32
    %dma_start3A_382 = tpu.memref_slice %arg6[%multiple_of3A_380, %dma_start3A_381] : memref<8192x768xf32, #tpu.memory_space<hbm>> -> memref<16x768xf32, #tpu.memory_space<hbm>>
    %dma_start3A_383 = arith.constant 0 : i32
    %dma_start3A_384 = tpu.memref_slice %arg6[%multiple_of3A_380, %dma_start3A_383] : memref<8192x768xf32, #tpu.memory_space<hbm>> -> memref<16x768xf32, #tpu.memory_space<hbm>>
    tpu.enqueue_dma source(%arg10 : memref<16x768xf32, #tpu.memory_space<vmem>>) target(%dma_start3A_384 : memref<16x768xf32, #tpu.memory_space<hbm>>) target_semaphore(%arg23 : memref<!tpu.dma_semaphore, #tpu.memory_space<semaphore_mem>>)
    %dma_wait3A_385 = arith.constant 0 : i32
    %dma_wait3A_386 = tpu.memref_slice %arg6[%multiple_of3A_380, %dma_wait3A_385] : memref<8192x768xf32, #tpu.memory_space<hbm>> -> memref<16x768xf32, #tpu.memory_space<hbm>>
    %dma_wait3A_387 = arith.constant 0 : i32
    %dma_wait3A_388 = tpu.memref_slice %arg6[%multiple_of3A_380, %dma_wait3A_387] : memref<8192x768xf32, #tpu.memory_space<hbm>> -> memref<16x768xf32, #tpu.memory_space<hbm>>
    tpu.wait_dma2 semaphore(%arg23 : memref<!tpu.dma_semaphore, #tpu.memory_space<semaphore_mem>>) src(%arg10 : memref<16x768xf32, #tpu.memory_space<vmem>>) dst(%dma_wait3A_388 : memref<16x768xf32, #tpu.memory_space<hbm>>)
    %dma_start3A_389 = arith.constant 208 : i32
    %dma_start3A_390 = tpu.memref_slice %arg7[%dma_start3A_389] : memref<256xi32, #tpu.memory_space<vmem>> -> memref<16xi32, #tpu.memory_space<vmem>>
    %dma_start3A_391 = arith.constant 0 : i32
    %dma_start3A_392 = arith.constant 0 : i32
    %dma_start3A_393 = tpu.memref_slice %arg4[%dma_start3A_391, %dma_start3A_392] : memref<4098x768xf32, #tpu.memory_space<hbm>> -> memref<4098x768xf32, #tpu.memory_space<hbm>>
    tpu.enqueue_indirect_dma source(%dma_start3A_393 : memref<4098x768xf32, #tpu.memory_space<hbm>>) target(%arg10 : memref<16x768xf32, #tpu.memory_space<vmem>>) offsets(%dma_start3A_390 : memref<16xi32, #tpu.memory_space<vmem>>) semaphore(%arg17 : memref<!tpu.dma_semaphore, #tpu.memory_space<semaphore_mem>>)
    %dma_wait3A_394 = arith.constant 128 : i32
    %dma_wait3A_395 = tpu.memref_slice %arg7[%dma_wait3A_394] : memref<256xi32, #tpu.memory_space<vmem>> -> memref<16xi32, #tpu.memory_space<vmem>>
    %dma_wait3A_396 = arith.constant 0 : i32
    %dma_wait3A_397 = arith.constant 0 : i32
    %dma_wait3A_398 = tpu.memref_slice %arg4[%dma_wait3A_396, %dma_wait3A_397] : memref<4098x768xf32, #tpu.memory_space<hbm>> -> memref<4098x768xf32, #tpu.memory_space<hbm>>
    tpu.wait_indirect_dma semaphore(%arg18 : memref<!tpu.dma_semaphore, #tpu.memory_space<semaphore_mem>>) src(%dma_wait3A_398 : memref<4098x768xf32, #tpu.memory_space<hbm>>) dst(%arg11 : memref<16x768xf32, #tpu.memory_space<vmem>>)
    %add3A_399 = arith.constant 256 : i32
    %add3A_400 = arith.addi %add3A, %add3A_399 : i32
    %mul3A_401 = arith.constant 16 : i32
    %mul3A_402 = arith.muli %add3A_400, %mul3A_401 : i32
    %multiple_of3A_403 = tpu.assume_multiple %mul3A_402, 16 : i32
    %dma_start3A_404 = arith.constant 0 : i32
    %dma_start3A_405 = tpu.memref_slice %arg6[%multiple_of3A_403, %dma_start3A_404] : memref<8192x768xf32, #tpu.memory_space<hbm>> -> memref<16x768xf32, #tpu.memory_space<hbm>>
    %dma_start3A_406 = arith.constant 0 : i32
    %dma_start3A_407 = tpu.memref_slice %arg6[%multiple_of3A_403, %dma_start3A_406] : memref<8192x768xf32, #tpu.memory_space<hbm>> -> memref<16x768xf32, #tpu.memory_space<hbm>>
    tpu.enqueue_dma source(%arg11 : memref<16x768xf32, #tpu.memory_space<vmem>>) target(%dma_start3A_407 : memref<16x768xf32, #tpu.memory_space<hbm>>) target_semaphore(%arg24 : memref<!tpu.dma_semaphore, #tpu.memory_space<semaphore_mem>>)
    %dma_wait3A_408 = arith.constant 0 : i32
    %dma_wait3A_409 = tpu.memref_slice %arg6[%multiple_of3A_403, %dma_wait3A_408] : memref<8192x768xf32, #tpu.memory_space<hbm>> -> memref<16x768xf32, #tpu.memory_space<hbm>>
    %dma_wait3A_410 = arith.constant 0 : i32
    %dma_wait3A_411 = tpu.memref_slice %arg6[%multiple_of3A_403, %dma_wait3A_410] : memref<8192x768xf32, #tpu.memory_space<hbm>> -> memref<16x768xf32, #tpu.memory_space<hbm>>
    tpu.wait_dma2 semaphore(%arg24 : memref<!tpu.dma_semaphore, #tpu.memory_space<semaphore_mem>>) src(%arg11 : memref<16x768xf32, #tpu.memory_space<vmem>>) dst(%dma_wait3A_411 : memref<16x768xf32, #tpu.memory_space<hbm>>)
    %dma_start3A_412 = arith.constant 224 : i32
    %dma_start3A_413 = tpu.memref_slice %arg7[%dma_start3A_412] : memref<256xi32, #tpu.memory_space<vmem>> -> memref<16xi32, #tpu.memory_space<vmem>>
    %dma_start3A_414 = arith.constant 0 : i32
    %dma_start3A_415 = arith.constant 0 : i32
    %dma_start3A_416 = tpu.memref_slice %arg4[%dma_start3A_414, %dma_start3A_415] : memref<4098x768xf32, #tpu.memory_space<hbm>> -> memref<4098x768xf32, #tpu.memory_space<hbm>>
    tpu.enqueue_indirect_dma source(%dma_start3A_416 : memref<4098x768xf32, #tpu.memory_space<hbm>>) target(%arg11 : memref<16x768xf32, #tpu.memory_space<vmem>>) offsets(%dma_start3A_413 : memref<16xi32, #tpu.memory_space<vmem>>) semaphore(%arg18 : memref<!tpu.dma_semaphore, #tpu.memory_space<semaphore_mem>>)
    %dma_wait3A_417 = arith.constant 144 : i32
    %dma_wait3A_418 = tpu.memref_slice %arg7[%dma_wait3A_417] : memref<256xi32, #tpu.memory_space<vmem>> -> memref<16xi32, #tpu.memory_space<vmem>>
    %dma_wait3A_419 = arith.constant 0 : i32
    %dma_wait3A_420 = arith.constant 0 : i32
    %dma_wait3A_421 = tpu.memref_slice %arg4[%dma_wait3A_419, %dma_wait3A_420] : memref<4098x768xf32, #tpu.memory_space<hbm>> -> memref<4098x768xf32, #tpu.memory_space<hbm>>
    tpu.wait_indirect_dma semaphore(%arg19 : memref<!tpu.dma_semaphore, #tpu.memory_space<semaphore_mem>>) src(%dma_wait3A_421 : memref<4098x768xf32, #tpu.memory_space<hbm>>) dst(%arg12 : memref<16x768xf32, #tpu.memory_space<vmem>>)
    %add3A_422 = arith.constant 288 : i32
    %add3A_423 = arith.addi %add3A, %add3A_422 : i32
    %mul3A_424 = arith.constant 16 : i32
    %mul3A_425 = arith.muli %add3A_423, %mul3A_424 : i32
    %multiple_of3A_426 = tpu.assume_multiple %mul3A_425, 16 : i32
    %dma_start3A_427 = arith.constant 0 : i32
    %dma_start3A_428 = tpu.memref_slice %arg6[%multiple_of3A_426, %dma_start3A_427] : memref<8192x768xf32, #tpu.memory_space<hbm>> -> memref<16x768xf32, #tpu.memory_space<hbm>>
    %dma_start3A_429 = arith.constant 0 : i32
    %dma_start3A_430 = tpu.memref_slice %arg6[%multiple_of3A_426, %dma_start3A_429] : memref<8192x768xf32, #tpu.memory_space<hbm>> -> memref<16x768xf32, #tpu.memory_space<hbm>>
    tpu.enqueue_dma source(%arg12 : memref<16x768xf32, #tpu.memory_space<vmem>>) target(%dma_start3A_430 : memref<16x768xf32, #tpu.memory_space<hbm>>) target_semaphore(%arg25 : memref<!tpu.dma_semaphore, #tpu.memory_space<semaphore_mem>>)
    %dma_wait3A_431 = arith.constant 0 : i32
    %dma_wait3A_432 = tpu.memref_slice %arg6[%multiple_of3A_426, %dma_wait3A_431] : memref<8192x768xf32, #tpu.memory_space<hbm>> -> memref<16x768xf32, #tpu.memory_space<hbm>>
    %dma_wait3A_433 = arith.constant 0 : i32
    %dma_wait3A_434 = tpu.memref_slice %arg6[%multiple_of3A_426, %dma_wait3A_433] : memref<8192x768xf32, #tpu.memory_space<hbm>> -> memref<16x768xf32, #tpu.memory_space<hbm>>
    tpu.wait_dma2 semaphore(%arg25 : memref<!tpu.dma_semaphore, #tpu.memory_space<semaphore_mem>>) src(%arg12 : memref<16x768xf32, #tpu.memory_space<vmem>>) dst(%dma_wait3A_434 : memref<16x768xf32, #tpu.memory_space<hbm>>)
    %dma_start3A_435 = arith.constant 240 : i32
    %dma_start3A_436 = tpu.memref_slice %arg7[%dma_start3A_435] : memref<256xi32, #tpu.memory_space<vmem>> -> memref<16xi32, #tpu.memory_space<vmem>>
    %dma_start3A_437 = arith.constant 0 : i32
    %dma_start3A_438 = arith.constant 0 : i32
    %dma_start3A_439 = tpu.memref_slice %arg4[%dma_start3A_437, %dma_start3A_438] : memref<4098x768xf32, #tpu.memory_space<hbm>> -> memref<4098x768xf32, #tpu.memory_space<hbm>>
    tpu.enqueue_indirect_dma source(%dma_start3A_439 : memref<4098x768xf32, #tpu.memory_space<hbm>>) target(%arg12 : memref<16x768xf32, #tpu.memory_space<vmem>>) offsets(%dma_start3A_436 : memref<16xi32, #tpu.memory_space<vmem>>) semaphore(%arg19 : memref<!tpu.dma_semaphore, #tpu.memory_space<semaphore_mem>>)
    %dma_wait3A_440 = arith.constant 160 : i32
    %dma_wait3A_441 = tpu.memref_slice %arg7[%dma_wait3A_440] : memref<256xi32, #tpu.memory_space<vmem>> -> memref<16xi32, #tpu.memory_space<vmem>>
    %dma_wait3A_442 = arith.constant 0 : i32
    %dma_wait3A_443 = arith.constant 0 : i32
    %dma_wait3A_444 = tpu.memref_slice %arg4[%dma_wait3A_442, %dma_wait3A_443] : memref<4098x768xf32, #tpu.memory_space<hbm>> -> memref<4098x768xf32, #tpu.memory_space<hbm>>
    tpu.wait_indirect_dma semaphore(%arg20 : memref<!tpu.dma_semaphore, #tpu.memory_space<semaphore_mem>>) src(%dma_wait3A_444 : memref<4098x768xf32, #tpu.memory_space<hbm>>) dst(%arg13 : memref<16x768xf32, #tpu.memory_space<vmem>>)
    %add3A_445 = arith.constant 320 : i32
    %add3A_446 = arith.addi %add3A, %add3A_445 : i32
    %mul3A_447 = arith.constant 16 : i32
    %mul3A_448 = arith.muli %add3A_446, %mul3A_447 : i32
    %multiple_of3A_449 = tpu.assume_multiple %mul3A_448, 16 : i32
    %dma_start3A_450 = arith.constant 0 : i32
    %dma_start3A_451 = tpu.memref_slice %arg6[%multiple_of3A_449, %dma_start3A_450] : memref<8192x768xf32, #tpu.memory_space<hbm>> -> memref<16x768xf32, #tpu.memory_space<hbm>>
    %dma_start3A_452 = arith.constant 0 : i32
    %dma_start3A_453 = tpu.memref_slice %arg6[%multiple_of3A_449, %dma_start3A_452] : memref<8192x768xf32, #tpu.memory_space<hbm>> -> memref<16x768xf32, #tpu.memory_space<hbm>>
    tpu.enqueue_dma source(%arg13 : memref<16x768xf32, #tpu.memory_space<vmem>>) target(%dma_start3A_453 : memref<16x768xf32, #tpu.memory_space<hbm>>) target_semaphore(%arg26 : memref<!tpu.dma_semaphore, #tpu.memory_space<semaphore_mem>>)
    %dma_wait3A_454 = arith.constant 176 : i32
    %dma_wait3A_455 = tpu.memref_slice %arg7[%dma_wait3A_454] : memref<256xi32, #tpu.memory_space<vmem>> -> memref<16xi32, #tpu.memory_space<vmem>>
    %dma_wait3A_456 = arith.constant 0 : i32
    %dma_wait3A_457 = arith.constant 0 : i32
    %dma_wait3A_458 = tpu.memref_slice %arg4[%dma_wait3A_456, %dma_wait3A_457] : memref<4098x768xf32, #tpu.memory_space<hbm>> -> memref<4098x768xf32, #tpu.memory_space<hbm>>
    tpu.wait_indirect_dma semaphore(%arg21 : memref<!tpu.dma_semaphore, #tpu.memory_space<semaphore_mem>>) src(%dma_wait3A_458 : memref<4098x768xf32, #tpu.memory_space<hbm>>) dst(%arg14 : memref<16x768xf32, #tpu.memory_space<vmem>>)
    %add3A_459 = arith.constant 352 : i32
    %add3A_460 = arith.addi %add3A, %add3A_459 : i32
    %mul3A_461 = arith.constant 16 : i32
    %mul3A_462 = arith.muli %add3A_460, %mul3A_461 : i32
    %multiple_of3A_463 = tpu.assume_multiple %mul3A_462, 16 : i32
    %dma_start3A_464 = arith.constant 0 : i32
    %dma_start3A_465 = tpu.memref_slice %arg6[%multiple_of3A_463, %dma_start3A_464] : memref<8192x768xf32, #tpu.memory_space<hbm>> -> memref<16x768xf32, #tpu.memory_space<hbm>>
    %dma_start3A_466 = arith.constant 0 : i32
    %dma_start3A_467 = tpu.memref_slice %arg6[%multiple_of3A_463, %dma_start3A_466] : memref<8192x768xf32, #tpu.memory_space<hbm>> -> memref<16x768xf32, #tpu.memory_space<hbm>>
    tpu.enqueue_dma source(%arg14 : memref<16x768xf32, #tpu.memory_space<vmem>>) target(%dma_start3A_467 : memref<16x768xf32, #tpu.memory_space<hbm>>) target_semaphore(%arg27 : memref<!tpu.dma_semaphore, #tpu.memory_space<semaphore_mem>>)
    %dma_wait3A_468 = arith.constant 192 : i32
    %dma_wait3A_469 = tpu.memref_slice %arg7[%dma_wait3A_468] : memref<256xi32, #tpu.memory_space<vmem>> -> memref<16xi32, #tpu.memory_space<vmem>>
    %dma_wait3A_470 = arith.constant 0 : i32
    %dma_wait3A_471 = arith.constant 0 : i32
    %dma_wait3A_472 = tpu.memref_slice %arg4[%dma_wait3A_470, %dma_wait3A_471] : memref<4098x768xf32, #tpu.memory_space<hbm>> -> memref<4098x768xf32, #tpu.memory_space<hbm>>
    tpu.wait_indirect_dma semaphore(%arg16 : memref<!tpu.dma_semaphore, #tpu.memory_space<semaphore_mem>>) src(%dma_wait3A_472 : memref<4098x768xf32, #tpu.memory_space<hbm>>) dst(%arg9 : memref<16x768xf32, #tpu.memory_space<vmem>>)
    %add3A_473 = arith.constant 384 : i32
    %add3A_474 = arith.addi %add3A, %add3A_473 : i32
    %mul3A_475 = arith.constant 16 : i32
    %mul3A_476 = arith.muli %add3A_474, %mul3A_475 : i32
    %multiple_of3A_477 = tpu.assume_multiple %mul3A_476, 16 : i32
    %dma_start3A_478 = arith.constant 0 : i32
    %dma_start3A_479 = tpu.memref_slice %arg6[%multiple_of3A_477, %dma_start3A_478] : memref<8192x768xf32, #tpu.memory_space<hbm>> -> memref<16x768xf32, #tpu.memory_space<hbm>>
    %dma_start3A_480 = arith.constant 0 : i32
    %dma_start3A_481 = tpu.memref_slice %arg6[%multiple_of3A_477, %dma_start3A_480] : memref<8192x768xf32, #tpu.memory_space<hbm>> -> memref<16x768xf32, #tpu.memory_space<hbm>>
    tpu.enqueue_dma source(%arg9 : memref<16x768xf32, #tpu.memory_space<vmem>>) target(%dma_start3A_481 : memref<16x768xf32, #tpu.memory_space<hbm>>) target_semaphore(%arg22 : memref<!tpu.dma_semaphore, #tpu.memory_space<semaphore_mem>>)
    %dma_wait3A_482 = arith.constant 208 : i32
    %dma_wait3A_483 = tpu.memref_slice %arg7[%dma_wait3A_482] : memref<256xi32, #tpu.memory_space<vmem>> -> memref<16xi32, #tpu.memory_space<vmem>>
    %dma_wait3A_484 = arith.constant 0 : i32
    %dma_wait3A_485 = arith.constant 0 : i32
    %dma_wait3A_486 = tpu.memref_slice %arg4[%dma_wait3A_484, %dma_wait3A_485] : memref<4098x768xf32, #tpu.memory_space<hbm>> -> memref<4098x768xf32, #tpu.memory_space<hbm>>
    tpu.wait_indirect_dma semaphore(%arg17 : memref<!tpu.dma_semaphore, #tpu.memory_space<semaphore_mem>>) src(%dma_wait3A_486 : memref<4098x768xf32, #tpu.memory_space<hbm>>) dst(%arg10 : memref<16x768xf32, #tpu.memory_space<vmem>>)
    %add3A_487 = arith.constant 416 : i32
    %add3A_488 = arith.addi %add3A, %add3A_487 : i32
    %mul3A_489 = arith.constant 16 : i32
    %mul3A_490 = arith.muli %add3A_488, %mul3A_489 : i32
    %multiple_of3A_491 = tpu.assume_multiple %mul3A_490, 16 : i32
    %dma_start3A_492 = arith.constant 0 : i32
    %dma_start3A_493 = tpu.memref_slice %arg6[%multiple_of3A_491, %dma_start3A_492] : memref<8192x768xf32, #tpu.memory_space<hbm>> -> memref<16x768xf32, #tpu.memory_space<hbm>>
    %dma_start3A_494 = arith.constant 0 : i32
    %dma_start3A_495 = tpu.memref_slice %arg6[%multiple_of3A_491, %dma_start3A_494] : memref<8192x768xf32, #tpu.memory_space<hbm>> -> memref<16x768xf32, #tpu.memory_space<hbm>>
    tpu.enqueue_dma source(%arg10 : memref<16x768xf32, #tpu.memory_space<vmem>>) target(%dma_start3A_495 : memref<16x768xf32, #tpu.memory_space<hbm>>) target_semaphore(%arg23 : memref<!tpu.dma_semaphore, #tpu.memory_space<semaphore_mem>>)
    %dma_wait3A_496 = arith.constant 224 : i32
    %dma_wait3A_497 = tpu.memref_slice %arg7[%dma_wait3A_496] : memref<256xi32, #tpu.memory_space<vmem>> -> memref<16xi32, #tpu.memory_space<vmem>>
    %dma_wait3A_498 = arith.constant 0 : i32
    %dma_wait3A_499 = arith.constant 0 : i32
    %dma_wait3A_500 = tpu.memref_slice %arg4[%dma_wait3A_498, %dma_wait3A_499] : memref<4098x768xf32, #tpu.memory_space<hbm>> -> memref<4098x768xf32, #tpu.memory_space<hbm>>
    tpu.wait_indirect_dma semaphore(%arg18 : memref<!tpu.dma_semaphore, #tpu.memory_space<semaphore_mem>>) src(%dma_wait3A_500 : memref<4098x768xf32, #tpu.memory_space<hbm>>) dst(%arg11 : memref<16x768xf32, #tpu.memory_space<vmem>>)
    %add3A_501 = arith.constant 448 : i32
    %add3A_502 = arith.addi %add3A, %add3A_501 : i32
    %mul3A_503 = arith.constant 16 : i32
    %mul3A_504 = arith.muli %add3A_502, %mul3A_503 : i32
    %multiple_of3A_505 = tpu.assume_multiple %mul3A_504, 16 : i32
    %dma_start3A_506 = arith.constant 0 : i32
    %dma_start3A_507 = tpu.memref_slice %arg6[%multiple_of3A_505, %dma_start3A_506] : memref<8192x768xf32, #tpu.memory_space<hbm>> -> memref<16x768xf32, #tpu.memory_space<hbm>>
    %dma_start3A_508 = arith.constant 0 : i32
    %dma_start3A_509 = tpu.memref_slice %arg6[%multiple_of3A_505, %dma_start3A_508] : memref<8192x768xf32, #tpu.memory_space<hbm>> -> memref<16x768xf32, #tpu.memory_space<hbm>>
    tpu.enqueue_dma source(%arg11 : memref<16x768xf32, #tpu.memory_space<vmem>>) target(%dma_start3A_509 : memref<16x768xf32, #tpu.memory_space<hbm>>) target_semaphore(%arg24 : memref<!tpu.dma_semaphore, #tpu.memory_space<semaphore_mem>>)
    %dma_wait3A_510 = arith.constant 240 : i32
    %dma_wait3A_511 = tpu.memref_slice %arg7[%dma_wait3A_510] : memref<256xi32, #tpu.memory_space<vmem>> -> memref<16xi32, #tpu.memory_space<vmem>>
    %dma_wait3A_512 = arith.constant 0 : i32
    %dma_wait3A_513 = arith.constant 0 : i32
    %dma_wait3A_514 = tpu.memref_slice %arg4[%dma_wait3A_512, %dma_wait3A_513] : memref<4098x768xf32, #tpu.memory_space<hbm>> -> memref<4098x768xf32, #tpu.memory_space<hbm>>
    tpu.wait_indirect_dma semaphore(%arg19 : memref<!tpu.dma_semaphore, #tpu.memory_space<semaphore_mem>>) src(%dma_wait3A_514 : memref<4098x768xf32, #tpu.memory_space<hbm>>) dst(%arg12 : memref<16x768xf32, #tpu.memory_space<vmem>>)
    %add3A_515 = arith.constant 480 : i32
    %add3A_516 = arith.addi %add3A, %add3A_515 : i32
    %mul3A_517 = arith.constant 16 : i32
    %mul3A_518 = arith.muli %add3A_516, %mul3A_517 : i32
    %multiple_of3A_519 = tpu.assume_multiple %mul3A_518, 16 : i32
    %dma_start3A_520 = arith.constant 0 : i32
    %dma_start3A_521 = tpu.memref_slice %arg6[%multiple_of3A_519, %dma_start3A_520] : memref<8192x768xf32, #tpu.memory_space<hbm>> -> memref<16x768xf32, #tpu.memory_space<hbm>>
    %dma_start3A_522 = arith.constant 0 : i32
    %dma_start3A_523 = tpu.memref_slice %arg6[%multiple_of3A_519, %dma_start3A_522] : memref<8192x768xf32, #tpu.memory_space<hbm>> -> memref<16x768xf32, #tpu.memory_space<hbm>>
    tpu.enqueue_dma source(%arg12 : memref<16x768xf32, #tpu.memory_space<vmem>>) target(%dma_start3A_523 : memref<16x768xf32, #tpu.memory_space<hbm>>) target_semaphore(%arg25 : memref<!tpu.dma_semaphore, #tpu.memory_space<semaphore_mem>>)
    %dma_wait3A_524 = arith.constant 0 : i32
    %dma_wait3A_525 = tpu.memref_slice %arg6[%multiple_of3A_519, %dma_wait3A_524] : memref<8192x768xf32, #tpu.memory_space<hbm>> -> memref<16x768xf32, #tpu.memory_space<hbm>>
    %dma_wait3A_526 = arith.constant 0 : i32
    %dma_wait3A_527 = tpu.memref_slice %arg6[%multiple_of3A_519, %dma_wait3A_526] : memref<8192x768xf32, #tpu.memory_space<hbm>> -> memref<16x768xf32, #tpu.memory_space<hbm>>
    tpu.wait_dma2 semaphore(%arg25 : memref<!tpu.dma_semaphore, #tpu.memory_space<semaphore_mem>>) src(%arg12 : memref<16x768xf32, #tpu.memory_space<vmem>>) dst(%dma_wait3A_527 : memref<16x768xf32, #tpu.memory_space<hbm>>)
    %dma_wait3A_528 = arith.constant 0 : i32
    %dma_wait3A_529 = tpu.memref_slice %arg6[%multiple_of3A_505, %dma_wait3A_528] : memref<8192x768xf32, #tpu.memory_space<hbm>> -> memref<16x768xf32, #tpu.memory_space<hbm>>
    %dma_wait3A_530 = arith.constant 0 : i32
    %dma_wait3A_531 = tpu.memref_slice %arg6[%multiple_of3A_505, %dma_wait3A_530] : memref<8192x768xf32, #tpu.memory_space<hbm>> -> memref<16x768xf32, #tpu.memory_space<hbm>>
    tpu.wait_dma2 semaphore(%arg24 : memref<!tpu.dma_semaphore, #tpu.memory_space<semaphore_mem>>) src(%arg11 : memref<16x768xf32, #tpu.memory_space<vmem>>) dst(%dma_wait3A_531 : memref<16x768xf32, #tpu.memory_space<hbm>>)
    %dma_wait3A_532 = arith.constant 0 : i32
    %dma_wait3A_533 = tpu.memref_slice %arg6[%multiple_of3A_491, %dma_wait3A_532] : memref<8192x768xf32, #tpu.memory_space<hbm>> -> memref<16x768xf32, #tpu.memory_space<hbm>>
    %dma_wait3A_534 = arith.constant 0 : i32
    %dma_wait3A_535 = tpu.memref_slice %arg6[%multiple_of3A_491, %dma_wait3A_534] : memref<8192x768xf32, #tpu.memory_space<hbm>> -> memref<16x768xf32, #tpu.memory_space<hbm>>
    tpu.wait_dma2 semaphore(%arg23 : memref<!tpu.dma_semaphore, #tpu.memory_space<semaphore_mem>>) src(%arg10 : memref<16x768xf32, #tpu.memory_space<vmem>>) dst(%dma_wait3A_535 : memref<16x768xf32, #tpu.memory_space<hbm>>)
    %dma_wait3A_536 = arith.constant 0 : i32
    %dma_wait3A_537 = tpu.memref_slice %arg6[%multiple_of3A_477, %dma_wait3A_536] : memref<8192x768xf32, #tpu.memory_space<hbm>> -> memref<16x768xf32, #tpu.memory_space<hbm>>
    %dma_wait3A_538 = arith.constant 0 : i32
    %dma_wait3A_539 = tpu.memref_slice %arg6[%multiple_of3A_477, %dma_wait3A_538] : memref<8192x768xf32, #tpu.memory_space<hbm>> -> memref<16x768xf32, #tpu.memory_space<hbm>>
    tpu.wait_dma2 semaphore(%arg22 : memref<!tpu.dma_semaphore, #tpu.memory_space<semaphore_mem>>) src(%arg9 : memref<16x768xf32, #tpu.memory_space<vmem>>) dst(%dma_wait3A_539 : memref<16x768xf32, #tpu.memory_space<hbm>>)
    %dma_wait3A_540 = arith.constant 0 : i32
    %dma_wait3A_541 = tpu.memref_slice %arg6[%multiple_of3A_463, %dma_wait3A_540] : memref<8192x768xf32, #tpu.memory_space<hbm>> -> memref<16x768xf32, #tpu.memory_space<hbm>>
    %dma_wait3A_542 = arith.constant 0 : i32
    %dma_wait3A_543 = tpu.memref_slice %arg6[%multiple_of3A_463, %dma_wait3A_542] : memref<8192x768xf32, #tpu.memory_space<hbm>> -> memref<16x768xf32, #tpu.memory_space<hbm>>
    tpu.wait_dma2 semaphore(%arg27 : memref<!tpu.dma_semaphore, #tpu.memory_space<semaphore_mem>>) src(%arg14 : memref<16x768xf32, #tpu.memory_space<vmem>>) dst(%dma_wait3A_543 : memref<16x768xf32, #tpu.memory_space<hbm>>)
    %dma_wait3A_544 = arith.constant 0 : i32
    %dma_wait3A_545 = tpu.memref_slice %arg6[%multiple_of3A_449, %dma_wait3A_544] : memref<8192x768xf32, #tpu.memory_space<hbm>> -> memref<16x768xf32, #tpu.memory_space<hbm>>
    %dma_wait3A_546 = arith.constant 0 : i32
    %dma_wait3A_547 = tpu.memref_slice %arg6[%multiple_of3A_449, %dma_wait3A_546] : memref<8192x768xf32, #tpu.memory_space<hbm>> -> memref<16x768xf32, #tpu.memory_space<hbm>>
    tpu.wait_dma2 semaphore(%arg26 : memref<!tpu.dma_semaphore, #tpu.memory_space<semaphore_mem>>) src(%arg13 : memref<16x768xf32, #tpu.memory_space<vmem>>) dst(%dma_wait3A_547 : memref<16x768xf32, #tpu.memory_space<hbm>>)
    return
  }
}

</mosaic_0001>

<sc_bundles>
// kernel: kernel.3.cloned.1.call-start
scs
__scs_entry_jumppad:
0x0: {  	(pc) =	sbr.rel $0x88, $3  }
0x1: {  	(tag) =	ssettag $0x0;
	lr =	simm.s32 $0x1  }
0x2: {  	[smem:$0x3F9D] =	sst lr;
	_ =	strace $0xD0000000  }
0x3: {  	_ = 	snop  }
0x4: {  	_ = 	snop  }
0x5: {  	_ = 	snop  }
0x6: {  	_ = 	snop  }
0x7: {  	_ = 	snop  }
__scs_overlays_trampoline_lowered:
0x8: {  	[smem:$0x3FAC] =	sst s0  }
0x9: {  	[smem:$0x3FAD] =	sst s1  }
0xa: {  	[smem:$0x3FAE] =	sst s2  }
0xb: {  	[smem:$0x3FAF] =	sst s3  }
0xc: {  	[smem:$0x3FB0] =	sst s4  }
0xd: {  	[smem:$0x3FB1] =	sst s5  }
0xe: {  	[smem:$0x3FB2] =	sst s6  }
0xf: {  	[smem:$0x3FB3] =	sst s7  }
0x10: {  	[smem:$0x3FB4] =	sst s8  }
0x11: {  	[smem:$0x3FB5] =	sst s9;
	s0 =	simm.s32 @!p0 $0x0  }
0x12: {  	s1 =	sld [smem:$0x3F9B];
	s0 =	simm.s32 @p0 $0x1  }
0x13: {  	[smem:$0x3FB6] =	sst s0;
	s0 =	simm.s32 @!p1 $0x0  }
0x14: {  	s2 =	sld [smem:$0x3F9A];
	s0 =	simm.s32 @p1 $0x1  }
0x15: {  	[smem:$0x3FB7] =	sst s0;
	s0 =	simm.s32 @!p2 $0x0  }
0x16: {  	s3 =	sld [smem:$0x3FDB];
	s0 =	simm.s32 @p2 $0x1  }
0x17: {  	s4 =	simm.s32 $0x1BF5;
	[smem:$0x3FB9] =	sst s0  }
0x18: {  	s0 =	sld [smem:$0x3F9C];
	_ =	swait.ge [sflag:s4], $0x0  }
0x19: {  	s7 =	sld [smem:$0x3F9D]  }
0x1a: {  	s8 =	sadd.s32 $0xFFFFE003, lr  }
0x1b: {  	s9 =	sadd.s32 $0xFFFFFEF7, lr;
	s5 =	simm.s32 $0xFFFFFFFF;
	p2 =	slt.u32 s8, $0xFFFFF086  }
0x1c: {  	p1 =	slt.u32 s9, $0xF7A;
	s5 =	simm.s32 @!p2 $0x0  }
0x1d: {  	s5 =	simm.s32 @p1 $0x1;
	p0 =	seq.s32 s7, s2  }
0x1e: {  	s7 =	smul.u32 @!p0 $0xF7A, s2;
	p2 =	seq.s32 @!p0 s5, $0x0  }
0x1f: {  	s9 =	smul.u32 $0xF7A, s1;
	s8 =	simm.s32 @!p0 $0x1BF5;
	p2 =	por !p2, p0  }
0x20: {  	[sflag:s8] =	ssyncset.s32 @!p0 $0xFFFFF086;
	s6 =	sadd.s32 @!p0 s3, s7;
	s7 =	simm.s32 @!p0 $0x108  }
0x21: {  	s3 =	sadd.s32 s3, s9;
	s6 =	sadd.s32 @!p0 $0x88, s6;
	s7 =	simm.s32 @p2 $0x1082  }
0x22: {  	[simem:s7], [sflag:s8] =	dma.local @!p0 [hbm:s6], $0xF7A  }
0x23: {  	s9 =	sor.u32 $0xD0000000, s2;
	s6 =	simm.s32 $0x108;
	_ =	swait.ge @!p0 [sflag:s8], $0x0  }
0x24: {  	s3 =	sadd.s32 $0x88, s3;
	s6 =	simm.s32 @!p1 $0x1082;
	[sflag:s4] =	ssyncset.s32 $0xFFFFF086  }
0x25: {  	[simem:s6], [sflag:s4] =	dma.local [hbm:s3], $0xF7A  }
0x26: {  	[smem:$0x3F9D] =	sst s1;
	(tag) =	ssettag s2;
	_ =	strace s9  }
0x27: {  	s1 =	sld [smem:$0x3FAD]  }
0x28: {  	s2 =	sld [smem:$0x3FAE]  }
0x29: {  	s4 =	sld [smem:$0x3FB0]  }
0x2a: {  	p0 =	seq.s32 s5, $0x0;
	s5 =	sld [smem:$0x3FB1]  }
0x2b: {  	s6 =	sld [smem:$0x3FB2]  }
0x2c: {  	s7 =	sld [smem:$0x3FB3]  }
0x2d: {  	s3 =	simm.s32 $0x108;
	s8 =	sld [smem:$0x3FB4]  }
0x2e: {  	s3 =	simm.s32 @!p0 $0x1082;
	s9 =	sld [smem:$0x3FB5]  }
0x2f: {  	lr =	sadd.s32 s0, s3;
	s0 =	sld [smem:$0x3FAC]  }
0x30: {  	s3 =	sld [smem:$0x3FAF]  }
0x31: {  	[smem:$0x3FB8] =	sst s10  }
0x32: {  	s10 =	sld [smem:$0x3FB6];
	_ =	sdelay $0x3  }
0x33: {  	p0 =	seq.s32 s10, $0x1;
	s10 =	sld [smem:$0x3FB8];
	_ =	sdelay $0x3  }
0x34: {  	[smem:$0x3FB8] =	sst s10  }
0x35: {  	s10 =	sld [smem:$0x3FB7];
	_ =	sdelay $0x3  }
0x36: {  	p1 =	seq.s32 s10, $0x1;
	s10 =	sld [smem:$0x3FB8];
	_ =	sdelay $0x3  }
0x37: {  	[smem:$0x3FB8] =	sst s10  }
0x38: {  	s10 =	sld [smem:$0x3FB9]  }
0x39: {  	_ = 	snop;
	(pc) =	sbr.ind lr, $3  }
0x3a: {  	_ = 	snop  }
0x3b: {  	_ = 	snop  }
0x3c: {  	p2 =	seq.s32 s10, $0x1;
	s10 =	sld [smem:$0x3FB8]  }
0x3d: {  	_ =	shalt  }
0x3e: {  	_ =	shalt  }
0x3f: {  	_ =	shalt  }
0x40: {  	_ =	shalt  }
0x41: {  	_ =	shalt  }
0x42: {  	_ =	shalt  }
0x43: {  	_ =	shalt  }
0x44: {  	_ =	shalt  }
0x45: {  	_ =	shalt  }
0x46: {  	_ =	shalt  }
0x47: {  	_ =	shalt  }
0x48: {  	_ =	shalt  }
0x49: {  	_ =	shalt  }
0x4a: {  	_ =	shalt  }
0x4b: {  	_ =	shalt  }
0x4c: {  	_ =	shalt  }
0x4d: {  	_ =	shalt  }
0x4e: {  	_ =	shalt  }
0x4f: {  	_ =	shalt  }
0x50: {  	_ =	shalt  }
0x51: {  	_ =	shalt  }
0x52: {  	_ =	shalt  }
0x53: {  	_ =	shalt  }
0x54: {  	_ =	shalt  }
0x55: {  	_ =	shalt  }
0x56: {  	_ =	shalt  }
0x57: {  	_ =	shalt  }
0x58: {  	_ =	shalt  }
0x59: {  	_ =	shalt  }
0x5a: {  	_ =	shalt  }
0x5b: {  	_ =	shalt  }
0x5c: {  	_ =	shalt  }
0x5d: {  	_ =	shalt  }
0x5e: {  	_ =	shalt  }
0x5f: {  	_ =	shalt  }
0x60: {  	_ =	shalt  }
0x61: {  	_ =	shalt  }
0x62: {  	_ =	shalt  }
0x63: {  	_ =	shalt  }
0x64: {  	_ =	shalt  }
0x65: {  	_ =	shalt  }
0x66: {  	_ =	shalt  }
0x67: {  	_ =	shalt  }
0x68: {  	_ =	shalt  }
0x69: {  	_ =	shalt  }
0x6a: {  	_ =	shalt  }
0x6b: {  	_ =	shalt  }
0x6c: {  	_ =	shalt  }
0x6d: {  	_ =	shalt  }
0x6e: {  	_ =	shalt  }
0x6f: {  	_ =	shalt  }
0x70: {  	_ =	shalt  }
0x71: {  	_ =	shalt  }
0x72: {  	_ =	shalt  }
0x73: {  	_ =	shalt  }
0x74: {  	_ =	shalt  }
0x75: {  	_ =	shalt  }
0x76: {  	_ =	shalt  }
0x77: {  	_ =	shalt  }
0x78: {  	_ =	shalt  }
0x79: {  	_ =	shalt  }
0x7a: {  	_ =	shalt  }
0x7b: {  	_ =	shalt  }
0x7c: {  	_ =	shalt  }
0x7d: {  	_ =	shalt  }
0x7e: {  	_ =	shalt  }
0x7f: {  	_ =	shalt  }
0x80: {  	_ =	shalt  }
0x81: {  	_ =	shalt  }
0x82: {  	_ =	shalt  }
0x83: {  	_ =	shalt  }
0x84: {  	_ =	shalt  }
0x85: {  	_ =	shalt  }
0x86: {  	_ =	shalt  }
0x87: {  	_ =	shalt  }
.Lfunc_end0:
.L_simem_size_0:
called_computation_lowered:
.L_overlay_start_0:
0x88: {  	s2 =	sld [smem:$0x3FD9]  }
0x89: {  	s3 =	sld [smem:$0x3FFE];
	_ =	sdelay $0x1  }
0x8a: {  	s1 =	srdreg.scid  }
0x8b: {  	s0 =	sand.u32 $0x1, s1  }
0x8c: {  	s17 =	sshll.u32 s0, $0xA;
	s2 =	sadd.s32 s3, s2  }
0x8d: {  	s2 =	sadd.s32 s2, s17  }
0x8e: {  	[smem:$0x3FC4] =	sst s2  }
0x8f: {  	_ = 	snop  }
0x90: {  	s2 =	sld [smem:$0x3FC7]  }
0x91: {  	s18 =	sld [smem:$0x3FC6]  }
0x92: {  	s4 =	sld [smem:$0x3FD0];
	(tm) =	ssettm $0x1  }
0x93: {  	s5 =	sld [smem:$0x3FFB];
	_ =	sdelay $0x3  }
0x94: {  	_ =	strace s5  }
0x95: {  	s5 =	sld [smem:$0x3FFC];
	_ =	sdelay $0x3  }
0x96: {  	_ =	strace s5  }
0x97: {  	s5 =	sld [smem:$0x3FFD];
	_ =	sdelay $0x3  }
0x98: {  	_ =	strace s5  }
0x99: {  	_ =	strace $0x8FFFFFFF  }
0x9a: {  	s19 =	sld [smem:$0x3FDB];
	_ =	sdelay $0x1  }
0x9b: {  	s6 =	simm.s32 $_scs_section_size  }
0x9c: {  	s7 =	simm.s32 $_size__tile_overlayer_lowered;
	s8 =	simm.s32 $_tile_overlayer_lowered  }
0x9d: {  	s22 =	simm.s32 $0x1BFF;
	s21 =	sshll.u32 s8, $0x1;
	s5 =	sadd.s32 s6, s19  }
0x9e: {  	s9 =	simm.s32 $0x0;
	s20 =	sshll.u32 s7, $0x1;
	s7 =	sadd.s32 s21, s5  }
0x9f: {  	[timem:s9], [sflag:s22] =	dma.local [hbm:s7], s20  }
0xa0: {  	_ =	swait.ge [sflag:s22], s20  }
0xa1: {  	s6 =	ssub.s32 $0x0, s20;
	[sflag:s22] =	ssyncset.done $0x0  }
0xa2: {  	[sflag:s22] =	ssyncadd.s32 s6;
	_ =	sdelay $0x1  }
0xa3: {  	s23 =	simm.s32 $0x1B8B  }
0xa4: {  	_ =	swait.ge [sflag:s23], $0x1  }
0xa5: {  	[sflag:s23] =	ssyncset.done $0x0  }
0xa6: {  	s25 =	simm.s32 $0x1B8E;
	s24 =	sld [smem:$0x3FFE];
	[sflag:s23] =	ssyncadd.s32 $0xFFFFFFFF  }
0xa7: {  	s26 =	simm.s32 $execute0_lowered;
	[smem:$0x3FD2] =	sst s25  }
0xa8: {  	s7 =	sshll.u32 s26, $0x1;
	_ =	strace $0x80000046;
	[dreg:$0x1] =	wrdreg $0xFFFFFFFF  }
0xa9: {  	s28 =	simm.s32 $_size_execute0_lowered;
	s5 =	sadd.s32 s5, s7;
	[dreg:$0x0] =	wrdreg $0x0  }
0xaa: {  	s7 =	sshll.u32 s28, $0x1;
	[dreg:$0x2] =	wrdreg s5  }
0xab: {  	[dreg:$0x3] =	wrdreg s7  }
0xac: {  	[dreg:$0x4] =	wrdreg $0xC0  }
0xad: {  	_ =	task [dreg:s9], $0x5FFFF  }
0xae: {  	[dreg:$0x1] =	wrdreg $0xFFFFFFFF  }
0xaf: {  	[dreg:$0x0] =	wrdreg $0x60  }
0xb0: {  	[dreg:$0x2] =	wrdreg s24  }
0xb1: {  	[dreg:$0x3] =	wrdreg s2  }
0xb2: {  	[dreg:$0x4] =	wrdreg s18  }
0xb3: {  	[dreg:$0x5] =	wrdreg s4  }
0xb4: {  	[dreg:$0x6] =	wrdreg $0x9  }
0xb5: {  	_ =	task.clear_ibuf [dreg:s9], $0x7FFFF;
	_ =	strace $0x90000046  }
0xb6: {  	s29 =	simm.s32 $0x9;
	_ =	strace $0x80000048  }
0xb7: {  	_ =	swait.ge [sflag:s29], $0x1  }
0xb8: {  	[sflag:s29] =	ssyncadd.s32 $0xFFFFFFFF  }
0xb9: {  	_ =	strace $0x90000048  }
0xba: {  	_ =	sfence  }
0xbb: {  	s30 =	sld [smem:$0x0];
	_ =	sdelay $0x2  }
0xbc: {  	s31 =	sshll.u32 s1, $0xD;
	s1 =	sshrl.u32 s1, $0x2  }
0xbd: {  	s3 =	sand.u32 $0x4000, s31;
	s1 =	sadd.s32 s1, s30  }
0xbe: {  	s0 =	sor.u32 s3, s0;
	s1 =	sshll.u32 s1, $0x11  }
0xbf: {  	s0 =	sor.u32 s1, s0  }
0xc0: {  	s0 =	sadd.s32 $0x8F2B, s0  }
0xc1: {  	[sflag:s0] =	ssyncadd.remote.s32 $0x1  }
0xc2: {  	_ =	sfence.sel $0xFFFF  }
0xc3: {  	[dreg:$0x0] =	wrdreg $0xFFFFFFFF;
	(pc) =	sbr.abs _section_cstart, $3  }
0xc4: {  	[dreg:$0x1] =	wrdreg $0xFFFFFFFF  }
0xc5: {  	_ =	task.clear_ibuf [dreg:s9], $0x2FFFF;
	_ =	strace $0x9FFFFFFF  }
0xc6: {  	(tm) =	ssettm $0x7FFFFFFF  }
0xc7: {  	_ =	shalt  }
tec
execute0_lowered:
.L_overlay_start_1:
0x0: {  	(tag) =	ssettag $0x1  }
0x1: {  	s0 =	rddreg [dreg:$0x0];
	s2 =	srdreg.scid;
	s1 =	simm.s32 $0x0  }
0x2: {  	s4 =	stileid.u32;
	s2 =	sand.u32 $0x1, s2;
	[smem:$0x7FF] =	sst s1  }
0x3: {  	s4 =	sshll.u32 s4, $0x1;
	s5 =	sadd.s32 $0x600, s0;
	s3 =	ssub.s32 $0x2, s2  }
0x4: {  	s26 =	sadd.s32 $0x400, s0;
	s2 =	sor.u32 s2, s4;
	s6 =	sshrl.u32 s3, $0x1  }
0x5: {  	s30 =	sshll.u32 s2, $0x1;
	s2 =	smul.u32 $0x600, s2;
	s0 =	ssub.s32 s3, s6  }
0x6: {  	s15 =	sadd.s32 s5, s30;
	s16 =	sadd.s32 s26, s30;
	s17 =	sor.u32 $0x40, s30  }
0x7: {  	s18 =	sor.u32 $0x80, s30;
	s8 =	sor.u32 $0xC0, s30;
	[dreg:$0x5] =	wrdreg s15  }
0x8: {  	s20 =	sor.u32 $0x100, s30;
	[dreg:$0x6] =	wrdreg s16;
	s7 =	sadd.s32 s5, s17  }
0x9: {  	s21 =	sor.u32 $0x140, s30;
	s9 =	sadd.s32 s5, s18;
	[dreg:$0x7] =	wrdreg s7  }
0xa: {  	s22 =	sor.u32 $0x180, s30;
	s19 =	sadd.s32 s5, s8;
	[dreg:$0x8] =	wrdreg s9  }
0xb: {  	s13 =	sor.u32 $0x1C0, s30;
	s10 =	sadd.s32 s5, s20;
	[dreg:$0x9] =	wrdreg s19  }
0xc: {  	s14 =	sor.u32 $0x200, s30;
	s11 =	sadd.s32 s5, s21;
	[dreg:$0xa] =	wrdreg s10  }
0xd: {  	s12 =	smul.u32 $0x300, s17;
	s6 =	sadd.s32 s26, s17;
	[dreg:$0xb] =	wrdreg s11  }
0xe: {  	s15 =	smul.u32 $0x300, s18;
	s4 =	sadd.s32 s26, s8;
	[dreg:$0xc] =	wrdreg s6  }
0xf: {  	s16 =	sor.u32 $0x240, s30;
	s23 =	sadd.s32 s5, s22;
	[dreg:$0xe] =	wrdreg s4  }
0x10: {  	s3 =	smul.u32 $0x300, s22;
	s24 =	sadd.s32 s5, s13;
	[dreg:$0xf] =	wrdreg s23  }
0x11: {  	s25 =	sadd.s32 s5, s14;
	s6 =	smul.u32 $0x300, s8;
	[dreg:$0x10] =	wrdreg s24  }
0x12: {  	s17 =	sor.u32 $0x340, s30;
	s4 =	smul.u32 $0x300, s20;
	[dreg:$0x11] =	wrdreg s25  }
0x13: {  	s7 =	sadd.s32 s26, s18;
	s11 =	smul.u32 $0x300, s13;
	s13 =	rddreg [dreg:$0x3]  }
0x14: {  	s8 =	smul.u32 $0x300, s21;
	s26 =	sadd.s32 s5, s16;
	[dreg:$0xd] =	wrdreg s7  }
0x15: {  	s9 =	sor.u32 $0x2C0, s30;
	s22 =	sadd.s32 s5, s17;
	[dreg:$0x12] =	wrdreg s26  }
0x16: {  	s10 =	sor.u32 $0x300, s30;
	s20 =	sadd.s32 s5, s9;
	[dreg:$0x16] =	wrdreg s22  }
0x17: {  	s18 =	sor.u32 $0x380, s30;
	s21 =	sadd.s32 s5, s10;
	[dreg:$0x14] =	wrdreg s20  }
0x18: {  	s28 =	simm.s32 $0x2B00;
	s23 =	sadd.s32 s5, s18;
	[dreg:$0x15] =	wrdreg s21  }
0x19: {  	s29 =	simm.s32 $0x8B00;
	s2 =	sadd.s32 s13, s2;
	[dreg:$0x17] =	wrdreg s23  }
0x1a: {  	s31 =	simm.s32 $0x1;
	s25 =	sadd.s32 s13, s12;
	[dreg:$0x19] =	wrdreg s2  }
0x1b: {  	s0 =	smax.u32 s0, $0x1;
	s3 =	sadd.s32 s13, s3;
	[dreg:$0x1a] =	wrdreg s25  }
0x1c: {  	s19 =	sor.u32 $0x3C0, s30;
	s24 =	smul.u32 $0x300, s14;
	[dreg:$0x1f] =	wrdreg s3  }
0x1d: {  	s17 =	smul.u32 $0x300, s17;
	s7 =	sor.u32 $0x280, s30;
	s3 =	rddreg [dreg:$0x1]  }
0x1e: {  	s26 =	smul.u32 $0x300, s16;
	s30 =	sadd.s32 s5, s7;
	s23 =	rddreg [dreg:$0x2]  }
0x1f: {  	s12 =	smul.u32 $0x300, s9;
	s5 =	sadd.s32 s5, s19;
	[dreg:$0x13] =	wrdreg s30  }
0x20: {  	s22 =	smul.u32 $0x300, s19;
	s6 =	sadd.s32 s13, s6;
	[dreg:$0x18] =	wrdreg s5  }
0x21: {  	s9 =	simm.s32 $0xAB00;
	s4 =	sadd.s32 s13, s4;
	[dreg:$0x1c] =	wrdreg s6  }
0x22: {  	s7 =	smul.u32 $0x300, s7;
	s8 =	sadd.s32 s13, s8;
	[dreg:$0x1d] =	wrdreg s4  }
0x23: {  	s14 =	sadd.s32 s13, s11;
	s16 =	sadd.s32 s13, s24;
	[dreg:$0x1e] =	wrdreg s8  }
0x24: {  	s21 =	smul.u32 $0x300, s18;
	s19 =	simm.s32 $0xC300;
	[smem:$0x7F2] =	sst s14  }
0x25: {  	s30 =	sadd.s32 s13, s15;
	s15 =	smul.u32 $0x300, s10;
	[smem:$0x7F3] =	sst s16  }
0x26: {  	s2 =	sadd.s32 s13, s26;
	s4 =	sadd.s32 s13, s12;
	s25 =	sadd.s32 s13, s22  }
0x27: {  	s11 =	sadd.s32 $0x100, s3;
	s12 =	sadd.s32 $0x200, s3;
	s26 =	sadd.s32 $0x100, s23  }
0x28: {  	s14 =	simm.s32 $0x300;
	s5 =	simm.s32 $0x9300;
	[dreg:$0x1b] =	wrdreg s30  }
0x29: {  	s8 =	simm.s32 $0xA300;
	s10 =	simm.s32 $0xB300;
	[smem:$0x7F4] =	sst s2  }
0x2a: {  	s6 =	simm.s32 $0xCB00;
	s22 =	simm.s32 $0xEB00;
	[smem:$0x7F6] =	sst s4  }
0x2b: {  	s20 =	sadd.s32 s13, s7;
	s2 =	sadd.s32 s13, s17;
	[smem:$0x7FA] =	sst s25  }
0x2c: {  	s24 =	sadd.s32 s13, s21;
	s30 =	sadd.s32 $0x200, s23;
	[smem:$0x7F5] =	sst s20  }
0x2d: {  	s25 =	simm.s32 $0x1300;
	s4 =	simm.s32 $0x9B00;
	[smem:$0x7F8] =	sst s2  }
0x2e: {  	s17 =	simm.s32 $0xBB00;
	s7 =	sadd.s32 s13, s15;
	[smem:$0x7F9] =	sst s24  }
0x2f: {  	s21 =	simm.s32 $0xE300;
	s2 =	simm.s32 $0xB00;
	[smem:$0x7F7] =	sst s7  }
0x30: {  	v2 =	vlaneseq.u32;
	s15 =	simm.s32 $0xD300;
	_ =	strace $0x80000047;
	[smem:$0x7FB] =	sst s0  }
0x31: {  	vm0 =	vmmov $0xffff;
	v1 =	vshrl.u32 v2, $0x3;
	s20 =	simm.s32 $0xDB00;
	s13 =	simm.s32 $0xF300;
	[smem:$0x7FC] =	sst s26  }
0x32: {  	v0 =	vand.u32 $0x7, v2;
	v2 =	vor.u32 $0x8, v2;
	v1 =	vmul.u32 $0x8, v1;
	s7 =	simm.s32 $0x0;
	[smem:$0x7FD] =	sst s30;
	s26 =	simm.s32 $0x1B00  }
.LBB2_1:
0x33: {  	[smem:$0x7F1] =	sst s7  }
0x34: {  	s0 =	rddreg [dreg:$0x5];
	s7 =	simm.s32 $0xE  }
0x35: {  	[tilespmem:s1], [sflag:$0xE] =	stream.linear.gather [hbm4b:s0+s1], $0x10, $0x38;
	[tilespmem:$0x15300] =	vst v63  }
0x36: {  	_ =	swait.ge [sflag:s7], $0x10  }
0x37: {  	[sflag:s7] =	ssyncset.done $0x0  }
0x38: {  	[sflag:s7] =	ssyncadd.s32 $0xFFFFFFF0  }
0x39: {  	v3 =	vld [tilespmem:$0x0];
	_ =	sdelay $0x4  }
0x3a: {  	v4 =	vshrl.u32 v3, $0x3  }
0x3b: {  	v4 =	vmul.u32 $0x30, v4  }
0x3c: {  	v3 =	vand.u32 $0x7, v3  }
0x3d: {  	v3 =	vor.u32 v3, v4  }
0x3e: {  	v4 =	vperm.xlane v3, v0;
	_ =	sdelay $0x1  }
0x3f: {  	v4 =	vadd.s32 v1, v4;
	_ =	sdelay $0x3  }
0x40: {  	v3 =	vperm.xlane v3, v2  }
0x41: {  	[tilespmem:s14], [sflag:$0x1] =	stream.indirect_vreg.gather [hbm4b:s3+s1], $0x80, v4, vm0, $0xb8;
	[tilespmem:$0x15300] =	vst v63  }
0x42: {  	v3 =	vadd.s32 v1, v3  }
0x43: {  	[tilespmem:s2], [sflag:$0x1] =	stream.indirect_vreg.gather [hbm4b:s11+s1], $0x80, v4, vm0, $0xb8;
	[tilespmem:$0x15300] =	vst v63  }
0x44: {  	_ = 	snop  }
0x45: {  	[tilespmem:s25], [sflag:$0x1] =	stream.indirect_vreg.gather [hbm4b:s12+s1], $0x80, v4, vm0, $0xb8;
	[tilespmem:$0x15300] =	vst v63  }
0x46: {  	_ = 	snop  }
0x47: {  	[tilespmem:s26], [sflag:$0x1] =	stream.indirect_vreg.gather [hbm4b:s3+s1], $0x80, v3, vm0, $0xb8;
	[tilespmem:$0x15300] =	vst v63  }
0x48: {  	s25 =	simm.s32 $0x2300  }
0x49: {  	[tilespmem:s25], [sflag:$0x1] =	stream.indirect_vreg.gather [hbm4b:s11+s1], $0x80, v3, vm0, $0xb8;
	[tilespmem:$0x15300] =	vst v63  }
0x4a: {  	_ = 	snop  }
0x4b: {  	[tilespmem:s28], [sflag:$0x1] =	stream.indirect_vreg.gather [hbm4b:s12+s1], $0x80, v3, vm0, $0xb8;
	[tilespmem:$0x15300] =	vst v63  }
0x4c: {  	s23 =	simm.s32 $0x100;
	s2 =	rddreg [dreg:$0x6]  }
0x4d: {  	[tilespmem:s23], [sflag:$0xE] =	stream.linear.gather [hbm4b:s2+s1], $0x10, $0x38;
	[tilespmem:$0x15300] =	vst v63  }
0x4e: {  	_ =	swait.ge [sflag:s7], $0x10  }
0x4f: {  	[sflag:s7] =	ssyncset.done $0x0  }
0x50: {  	[sflag:s7] =	ssyncadd.s32 $0xFFFFFFF0  }
0x51: {  	v3 =	vld [tilespmem:$0x100];
	_ =	sdelay $0x4  }
0x52: {  	v4 =	vshrl.u32 v3, $0x3  }
0x53: {  	v4 =	vmul.u32 $0x30, v4  }
0x54: {  	v3 =	vand.u32 $0x7, v3  }
0x55: {  	v3 =	vor.u32 v3, v4  }
0x56: {  	v4 =	vperm.xlane v3, v0;
	_ =	sdelay $0x1  }
0x57: {  	v4 =	vadd.s32 v1, v4;
	_ =	sdelay $0x3  }
0x58: {  	s26 =	simm.s32 $0x12300;
	s2 =	rddreg [dreg:$0x2]  }
0x59: {  	[tilespmem:s26], [sflag:$0xD] =	stream.indirect_vreg.gather [hbm4b:s2+s1], $0x80, v4, vm0, $0xb8;
	[tilespmem:$0x15300] =	vst v63  }
0x5a: {  	v3 =	vperm.xlane v3, v2;
	s26 =	sld [smem:$0x7FC];
	_ =	sdelay $0x1  }
0x5b: {  	s23 =	simm.s32 $0x12B00;
	s28 =	sld [smem:$0x7FD];
	v3 =	vadd.s32 v1, v3  }
0x5c: {  	[tilespmem:s23], [sflag:$0xD] =	stream.indirect_vreg.gather [hbm4b:s26+s1], $0x80, v4, vm0, $0xb8;
	[tilespmem:$0x15300] =	vst v63  }
0x5d: {  	s23 =	simm.s32 $0x13300  }
0x5e: {  	[tilespmem:s23], [sflag:$0xD] =	stream.indirect_vreg.gather [hbm4b:s28+s1], $0x80, v4, vm0, $0xb8;
	[tilespmem:$0x15300] =	vst v63  }
0x5f: {  	s23 =	simm.s32 $0x13B00  }
0x60: {  	[tilespmem:s23], [sflag:$0xD] =	stream.indirect_vreg.gather [hbm4b:s2+s1], $0x80, v3, vm0, $0xb8;
	[tilespmem:$0x15300] =	vst v63  }
0x61: {  	s23 =	simm.s32 $0x14300  }
0x62: {  	[tilespmem:s23], [sflag:$0xD] =	stream.indirect_vreg.gather [hbm4b:s26+s1], $0x80, v3, vm0, $0xb8;
	[tilespmem:$0x15300] =	vst v63  }
0x63: {  	s2 =	simm.s32 $0x14B00  }
0x64: {  	[tilespmem:s2], [sflag:$0xD] =	stream.indirect_vreg.gather [hbm4b:s28+s1], $0x80, v3, vm0, $0xb8;
	[tilespmem:$0x15300] =	vst v63  }
0x65: {  	s23 =	rddreg [dreg:$0x7];
	s26 =	simm.s32 $0x10  }
0x66: {  	[tilespmem:s26], [sflag:$0xE] =	stream.linear.gather [hbm4b:s23+s1], $0x10, $0x38;
	[tilespmem:$0x15300] =	vst v63  }
0x67: {  	_ =	swait.ge [sflag:s7], $0x10  }
0x68: {  	[sflag:s7] =	ssyncset.done $0x0  }
0x69: {  	s26 =	simm.s32 $0x20;
	s23 =	rddreg [dreg:$0x8];
	[sflag:s7] =	ssyncadd.s32 $0xFFFFFFF0  }
0x6a: {  	[tilespmem:s26], [sflag:$0xE] =	stream.linear.gather [hbm4b:s23+s1], $0x10, $0x38;
	[tilespmem:$0x15300] =	vst v63  }
0x6b: {  	_ =	swait.ge [sflag:s7], $0x10  }
0x6c: {  	[sflag:s7] =	ssyncset.done $0x0  }
0x6d: {  	s26 =	simm.s32 $0x30;
	s23 =	rddreg [dreg:$0x9];
	[sflag:s7] =	ssyncadd.s32 $0xFFFFFFF0  }
0x6e: {  	[tilespmem:s26], [sflag:$0xE] =	stream.linear.gather [hbm4b:s23+s1], $0x10, $0x38;
	[tilespmem:$0x15300] =	vst v63  }
0x6f: {  	_ =	swait.ge [sflag:s7], $0x10  }
0x70: {  	[sflag:s7] =	ssyncset.done $0x0  }
0x71: {  	s26 =	simm.s32 $0x40;
	s23 =	rddreg [dreg:$0xa];
	[sflag:s7] =	ssyncadd.s32 $0xFFFFFFF0  }
0x72: {  	[tilespmem:s26], [sflag:$0xE] =	stream.linear.gather [hbm4b:s23+s1], $0x10, $0x38;
	[tilespmem:$0x15300] =	vst v63  }
0x73: {  	_ =	swait.ge [sflag:s7], $0x10  }
0x74: {  	[sflag:s7] =	ssyncset.done $0x0  }
0x75: {  	s26 =	simm.s32 $0x50;
	s23 =	rddreg [dreg:$0xb];
	[sflag:s7] =	ssyncadd.s32 $0xFFFFFFF0  }
0x76: {  	[tilespmem:s26], [sflag:$0xE] =	stream.linear.gather [hbm4b:s23+s1], $0x10, $0x38;
	[tilespmem:$0x15300] =	vst v63  }
0x77: {  	_ =	swait.ge [sflag:s7], $0x10  }
0x78: {  	[sflag:s7] =	ssyncset.done $0x0  }
0x79: {  	s26 =	simm.s32 $0x60;
	s23 =	rddreg [dreg:$0xf];
	[sflag:s7] =	ssyncadd.s32 $0xFFFFFFF0  }
0x7a: {  	[tilespmem:s26], [sflag:$0xE] =	stream.linear.gather [hbm4b:s23+s1], $0x10, $0x38;
	[tilespmem:$0x15300] =	vst v63  }
0x7b: {  	_ =	swait.ge [sflag:s7], $0x10  }
0x7c: {  	[sflag:s7] =	ssyncset.done $0x0  }
0x7d: {  	s26 =	simm.s32 $0x70;
	s23 =	rddreg [dreg:$0x10];
	[sflag:s7] =	ssyncadd.s32 $0xFFFFFFF0  }
0x7e: {  	[tilespmem:s26], [sflag:$0xE] =	stream.linear.gather [hbm4b:s23+s1], $0x10, $0x38;
	[tilespmem:$0x15300] =	vst v63  }
0x7f: {  	_ =	swait.ge [sflag:s7], $0x10  }
0x80: {  	[sflag:s7] =	ssyncset.done $0x0  }
0x81: {  	s26 =	simm.s32 $0x80;
	s23 =	rddreg [dreg:$0x11];
	[sflag:s7] =	ssyncadd.s32 $0xFFFFFFF0  }
0x82: {  	[tilespmem:s26], [sflag:$0xE] =	stream.linear.gather [hbm4b:s23+s1], $0x10, $0x38;
	[tilespmem:$0x15300] =	vst v63  }
0x83: {  	_ =	swait.ge [sflag:s7], $0x10  }
0x84: {  	[sflag:s7] =	ssyncset.done $0x0  }
0x85: {  	s26 =	simm.s32 $0x90;
	s23 =	rddreg [dreg:$0x12];
	[sflag:s7] =	ssyncadd.s32 $0xFFFFFFF0  }
0x86: {  	[tilespmem:s26], [sflag:$0xE] =	stream.linear.gather [hbm4b:s23+s1], $0x10, $0x38;
	[tilespmem:$0x15300] =	vst v63  }
0x87: {  	_ =	swait.ge [sflag:s7], $0x10  }
0x88: {  	[sflag:s7] =	ssyncset.done $0x0  }
0x89: {  	s26 =	simm.s32 $0xA0;
	s23 =	rddreg [dreg:$0x13];
	[sflag:s7] =	ssyncadd.s32 $0xFFFFFFF0  }
0x8a: {  	[tilespmem:s26], [sflag:$0xE] =	stream.linear.gather [hbm4b:s23+s1], $0x10, $0x38;
	[tilespmem:$0x15300] =	vst v63  }
0x8b: {  	_ =	swait.ge [sflag:s7], $0x10  }
0x8c: {  	[sflag:s7] =	ssyncset.done $0x0  }
0x8d: {  	s26 =	simm.s32 $0xB0;
	s23 =	rddreg [dreg:$0x14];
	[sflag:s7] =	ssyncadd.s32 $0xFFFFFFF0  }
0x8e: {  	[tilespmem:s26], [sflag:$0xE] =	stream.linear.gather [hbm4b:s23+s1], $0x10, $0x38;
	[tilespmem:$0x15300] =	vst v63  }
0x8f: {  	_ =	swait.ge [sflag:s7], $0x10  }
0x90: {  	[sflag:s7] =	ssyncset.done $0x0  }
0x91: {  	s26 =	simm.s32 $0xC0;
	s23 =	rddreg [dreg:$0x15];
	[sflag:s7] =	ssyncadd.s32 $0xFFFFFFF0  }
0x92: {  	[tilespmem:s26], [sflag:$0xE] =	stream.linear.gather [hbm4b:s23+s1], $0x10, $0x38;
	[tilespmem:$0x15300] =	vst v63  }
0x93: {  	_ =	swait.ge [sflag:s7], $0x10  }
0x94: {  	[sflag:s7] =	ssyncset.done $0x0  }
0x95: {  	s26 =	simm.s32 $0xD0;
	s23 =	rddreg [dreg:$0x16];
	[sflag:s7] =	ssyncadd.s32 $0xFFFFFFF0  }
0x96: {  	[tilespmem:s26], [sflag:$0xE] =	stream.linear.gather [hbm4b:s23+s1], $0x10, $0x38;
	[tilespmem:$0x15300] =	vst v63  }
0x97: {  	_ =	swait.ge [sflag:s7], $0x10  }
0x98: {  	[sflag:s7] =	ssyncset.done $0x0  }
0x99: {  	s26 =	simm.s32 $0xE0;
	s23 =	rddreg [dreg:$0x17];
	[sflag:s7] =	ssyncadd.s32 $0xFFFFFFF0  }
0x9a: {  	[tilespmem:s26], [sflag:$0xE] =	stream.linear.gather [hbm4b:s23+s1], $0x10, $0x38;
	[tilespmem:$0x15300] =	vst v63  }
0x9b: {  	_ =	swait.ge [sflag:s7], $0x10  }
0x9c: {  	[sflag:s7] =	ssyncset.done $0x0  }
0x9d: {  	s26 =	simm.s32 $0xF0;
	s23 =	rddreg [dreg:$0x18];
	[sflag:s7] =	ssyncadd.s32 $0xFFFFFFF0  }
0x9e: {  	[tilespmem:s26], [sflag:$0xE] =	stream.linear.gather [hbm4b:s23+s1], $0x10, $0x38;
	[tilespmem:$0x15300] =	vst v63  }
0x9f: {  	_ =	swait.ge [sflag:s7], $0x10  }
0xa0: {  	[sflag:s7] =	ssyncset.done $0x0  }
0xa1: {  	s26 =	simm.s32 $0x180;
	s23 =	rddreg [dreg:$0xc];
	[sflag:s7] =	ssyncadd.s32 $0xFFFFFFF0  }
0xa2: {  	[tilespmem:s26], [sflag:$0xE] =	stream.linear.gather [hbm4b:s23+s1], $0x10, $0x38;
	[tilespmem:$0x15300] =	vst v63  }
0xa3: {  	_ =	swait.ge [sflag:s7], $0x10  }
0xa4: {  	[sflag:s7] =	ssyncset.done $0x0  }
0xa5: {  	s26 =	simm.s32 $0x200;
	s23 =	rddreg [dreg:$0xd];
	[sflag:s7] =	ssyncadd.s32 $0xFFFFFFF0  }
0xa6: {  	[tilespmem:s26], [sflag:$0xE] =	stream.linear.gather [hbm4b:s23+s1], $0x10, $0x38;
	[tilespmem:$0x15300] =	vst v63  }
0xa7: {  	_ =	swait.ge [sflag:s7], $0x10  }
0xa8: {  	[sflag:s7] =	ssyncset.done $0x0  }
0xa9: {  	s26 =	simm.s32 $0x280;
	s23 =	rddreg [dreg:$0xe];
	[sflag:s7] =	ssyncadd.s32 $0xFFFFFFF0  }
0xaa: {  	[tilespmem:s26], [sflag:$0xE] =	stream.linear.gather [hbm4b:s23+s1], $0x10, $0x38;
	[tilespmem:$0x15300] =	vst v63  }
0xab: {  	_ =	swait.ge [sflag:s7], $0x10  }
0xac: {  	[sflag:s7] =	ssyncset.done $0x0  }
0xad: {  	[sflag:s7] =	ssyncadd.s32 $0xFFFFFFF0  }
0xae: {  	v3 =	vld [tilespmem:$0x10];
	_ =	sdelay $0x4  }
0xaf: {  	v4 =	vshrl.u32 v3, $0x3  }
0xb0: {  	v4 =	vmul.u32 $0x30, v4  }
0xb1: {  	v3 =	vand.u32 $0x7, v3  }
0xb2: {  	v3 =	vor.u32 v3, v4  }
0xb3: {  	v4 =	vperm.xlane v3, v0;
	_ =	sdelay $0x1  }
0xb4: {  	v4 =	vadd.s32 v1, v4;
	_ =	sdelay $0x3  }
0xb5: {  	s25 =	simm.s32 $0x3300;
	v3 =	vperm.xlane v3, v2  }
0xb6: {  	[tilespmem:s25], [sflag:$0x2] =	stream.indirect_vreg.gather [hbm4b:s3+s1], $0x80, v4, vm0, $0xb8;
	[tilespmem:$0x15300] =	vst v63  }
0xb7: {  	s30 =	simm.s32 $0x3B00;
	v3 =	vadd.s32 v1, v3  }
0xb8: {  	[tilespmem:s30], [sflag:$0x2] =	stream.indirect_vreg.gather [hbm4b:s11+s1], $0x80, v4, vm0, $0xb8;
	[tilespmem:$0x15300] =	vst v63  }
0xb9: {  	s7 =	simm.s32 $0x4300  }
0xba: {  	[tilespmem:s7], [sflag:$0x2] =	stream.indirect_vreg.gather [hbm4b:s12+s1], $0x80, v4, vm0, $0xb8;
	[tilespmem:$0x15300] =	vst v63  }
0xbb: {  	s16 =	simm.s32 $0x4B00  }
0xbc: {  	[tilespmem:s16], [sflag:$0x2] =	stream.indirect_vreg.gather [hbm4b:s3+s1], $0x80, v3, vm0, $0xb8;
	[tilespmem:$0x15300] =	vst v63  }
0xbd: {  	s30 =	simm.s32 $0x5300  }
0xbe: {  	[tilespmem:s30], [sflag:$0x2] =	stream.indirect_vreg.gather [hbm4b:s11+s1], $0x80, v3, vm0, $0xb8;
	[tilespmem:$0x15300] =	vst v63  }
0xbf: {  	s18 =	simm.s32 $0x5B00  }
0xc0: {  	[tilespmem:s18], [sflag:$0x2] =	stream.indirect_vreg.gather [hbm4b:s12+s1], $0x80, v3, vm0, $0xb8;
	[tilespmem:$0x15300] =	vst v63  }
0xc1: {  	v3 =	vld [tilespmem:$0x20];
	_ =	sdelay $0x4  }
0xc2: {  	v4 =	vshrl.u32 v3, $0x3  }
0xc3: {  	v4 =	vmul.u32 $0x30, v4  }
0xc4: {  	v3 =	vand.u32 $0x7, v3  }
0xc5: {  	v3 =	vor.u32 v3, v4  }
0xc6: {  	v4 =	vperm.xlane v3, v0;
	_ =	sdelay $0x1  }
0xc7: {  	v4 =	vadd.s32 v1, v4;
	_ =	sdelay $0x3  }
0xc8: {  	s18 =	simm.s32 $0x6300;
	v3 =	vperm.xlane v3, v2  }
0xc9: {  	[tilespmem:s18], [sflag:$0x3] =	stream.indirect_vreg.gather [hbm4b:s3+s1], $0x80, v4, vm0, $0xb8;
	[tilespmem:$0x15300] =	vst v63  }
0xca: {  	s24 =	simm.s32 $0x6B00;
	v3 =	vadd.s32 v1, v3  }
0xcb: {  	[tilespmem:s24], [sflag:$0x3] =	stream.indirect_vreg.gather [hbm4b:s11+s1], $0x80, v4, vm0, $0xb8;
	[tilespmem:$0x15300] =	vst v63  }
0xcc: {  	s24 =	simm.s32 $0x7300  }
0xcd: {  	[tilespmem:s24], [sflag:$0x3] =	stream.indirect_vreg.gather [hbm4b:s12+s1], $0x80, v4, vm0, $0xb8;
	[tilespmem:$0x15300] =	vst v63  }
0xce: {  	s16 =	simm.s32 $0x7B00  }
0xcf: {  	[tilespmem:s16], [sflag:$0x3] =	stream.indirect_vreg.gather [hbm4b:s3+s1], $0x80, v3, vm0, $0xb8;
	[tilespmem:$0x15300] =	vst v63  }
0xd0: {  	s14 =	simm.s32 $0x8300  }
0xd1: {  	[tilespmem:s14], [sflag:$0x3] =	stream.indirect_vreg.gather [hbm4b:s11+s1], $0x80, v3, vm0, $0xb8;
	[tilespmem:$0x15300] =	vst v63  }
0xd2: {  	_ = 	snop  }
0xd3: {  	[tilespmem:s29], [sflag:$0x3] =	stream.indirect_vreg.gather [hbm4b:s12+s1], $0x80, v3, vm0, $0xb8;
	[tilespmem:$0x15300] =	vst v63  }
0xd4: {  	v3 =	vld [tilespmem:$0x30];
	_ =	sdelay $0x4  }
0xd5: {  	v4 =	vshrl.u32 v3, $0x3  }
0xd6: {  	v4 =	vmul.u32 $0x30, v4  }
0xd7: {  	v3 =	vand.u32 $0x7, v3  }
0xd8: {  	v3 =	vor.u32 v3, v4  }
0xd9: {  	v4 =	vperm.xlane v3, v0;
	_ =	sdelay $0x1  }
0xda: {  	v4 =	vadd.s32 v1, v4;
	_ =	sdelay $0x3  }
0xdb: {  	v3 =	vperm.xlane v3, v2  }
0xdc: {  	[tilespmem:s5], [sflag:$0x4] =	stream.indirect_vreg.gather [hbm4b:s3+s1], $0x80, v4, vm0, $0xb8;
	[tilespmem:$0x15300] =	vst v63  }
0xdd: {  	v3 =	vadd.s32 v1, v3  }
0xde: {  	[tilespmem:s4], [sflag:$0x4] =	stream.indirect_vreg.gather [hbm4b:s11+s1], $0x80, v4, vm0, $0xb8;
	[tilespmem:$0x15300] =	vst v63  }
0xdf: {  	_ = 	snop  }
0xe0: {  	[tilespmem:s8], [sflag:$0x4] =	stream.indirect_vreg.gather [hbm4b:s12+s1], $0x80, v4, vm0, $0xb8;
	[tilespmem:$0x15300] =	vst v63  }
0xe1: {  	_ = 	snop  }
0xe2: {  	[tilespmem:s9], [sflag:$0x4] =	stream.indirect_vreg.gather [hbm4b:s3+s1], $0x80, v3, vm0, $0xb8;
	[tilespmem:$0x15300] =	vst v63  }
0xe3: {  	_ = 	snop  }
0xe4: {  	[tilespmem:s10], [sflag:$0x4] =	stream.indirect_vreg.gather [hbm4b:s11+s1], $0x80, v3, vm0, $0xb8;
	[tilespmem:$0x15300] =	vst v63  }
0xe5: {  	_ = 	snop  }
0xe6: {  	[tilespmem:s17], [sflag:$0x4] =	stream.indirect_vreg.gather [hbm4b:s12+s1], $0x80, v3, vm0, $0xb8;
	[tilespmem:$0x15300] =	vst v63  }
0xe7: {  	v3 =	vld [tilespmem:$0x40];
	_ =	sdelay $0x4  }
0xe8: {  	v4 =	vshrl.u32 v3, $0x3  }
0xe9: {  	v4 =	vmul.u32 $0x30, v4  }
0xea: {  	v3 =	vand.u32 $0x7, v3  }
0xeb: {  	v3 =	vor.u32 v3, v4  }
0xec: {  	v4 =	vperm.xlane v3, v0;
	_ =	sdelay $0x1  }
0xed: {  	v4 =	vadd.s32 v1, v4;
	_ =	sdelay $0x3  }
0xee: {  	v3 =	vperm.xlane v3, v2  }
0xef: {  	[tilespmem:s19], [sflag:$0x5] =	stream.indirect_vreg.gather [hbm4b:s3+s1], $0x80, v4, vm0, $0xb8;
	[tilespmem:$0x15300] =	vst v63  }
0xf0: {  	v3 =	vadd.s32 v1, v3  }
0xf1: {  	[tilespmem:s6], [sflag:$0x5] =	stream.indirect_vreg.gather [hbm4b:s11+s1], $0x80, v4, vm0, $0xb8;
	[tilespmem:$0x15300] =	vst v63  }
0xf2: {  	_ = 	snop  }
0xf3: {  	[tilespmem:s15], [sflag:$0x5] =	stream.indirect_vreg.gather [hbm4b:s12+s1], $0x80, v4, vm0, $0xb8;
	[tilespmem:$0x15300] =	vst v63  }
0xf4: {  	_ = 	snop  }
0xf5: {  	[tilespmem:s20], [sflag:$0x5] =	stream.indirect_vreg.gather [hbm4b:s3+s1], $0x80, v3, vm0, $0xb8;
	[tilespmem:$0x15300] =	vst v63  }
0xf6: {  	_ = 	snop  }
0xf7: {  	[tilespmem:s21], [sflag:$0x5] =	stream.indirect_vreg.gather [hbm4b:s11+s1], $0x80, v3, vm0, $0xb8;
	[tilespmem:$0x15300] =	vst v63  }
0xf8: {  	_ = 	snop  }
0xf9: {  	[tilespmem:s22], [sflag:$0x5] =	stream.indirect_vreg.gather [hbm4b:s12+s1], $0x80, v3, vm0, $0xb8;
	[tilespmem:$0x15300] =	vst v63  }
0xfa: {  	v3 =	vld [tilespmem:$0x50];
	_ =	sdelay $0x4  }
0xfb: {  	v4 =	vshrl.u32 v3, $0x3  }
0xfc: {  	v4 =	vmul.u32 $0x30, v4  }
0xfd: {  	v3 =	vand.u32 $0x7, v3  }
0xfe: {  	v3 =	vor.u32 v3, v4  }
0xff: {  	v4 =	vperm.xlane v3, v0;
	_ =	sdelay $0x1  }
0x100: {  	v4 =	vadd.s32 v1, v4;
	_ =	sdelay $0x3  }
0x101: {  	v3 =	vperm.xlane v3, v2  }
0x102: {  	[tilespmem:s13], [sflag:$0x6] =	stream.indirect_vreg.gather [hbm4b:s3+s1], $0x80, v4, vm0, $0xb8;
	[tilespmem:$0x15300] =	vst v63  }
0x103: {  	s21 =	simm.s32 $0xFB00;
	v3 =	vadd.s32 v1, v3  }
0x104: {  	[tilespmem:s21], [sflag:$0x6] =	stream.indirect_vreg.gather [hbm4b:s11+s1], $0x80, v4, vm0, $0xb8;
	[tilespmem:$0x15300] =	vst v63  }
0x105: {  	s22 =	simm.s32 $0x10300  }
0x106: {  	[tilespmem:s22], [sflag:$0x6] =	stream.indirect_vreg.gather [hbm4b:s12+s1], $0x80, v4, vm0, $0xb8;
	[tilespmem:$0x15300] =	vst v63  }
0x107: {  	s23 =	simm.s32 $0x10B00  }
0x108: {  	[tilespmem:s23], [sflag:$0x6] =	stream.indirect_vreg.gather [hbm4b:s3+s1], $0x80, v3, vm0, $0xb8;
	[tilespmem:$0x15300] =	vst v63  }
0x109: {  	s25 =	simm.s32 $0x11300  }
0x10a: {  	[tilespmem:s25], [sflag:$0x6] =	stream.indirect_vreg.gather [hbm4b:s11+s1], $0x80, v3, vm0, $0xb8;
	[tilespmem:$0x15300] =	vst v63  }
0x10b: {  	s26 =	simm.s32 $0x11B00  }
0x10c: {  	[tilespmem:s26], [sflag:$0x6] =	stream.indirect_vreg.gather [hbm4b:s12+s1], $0x80, v3, vm0, $0xb8;
	[tilespmem:$0x15300] =	vst v63  }
0x10d: {  	_ =	swait.ge [sflag:s31], $0x3000  }
0x10e: {  	[sflag:s31] =	ssyncset.done $0x0  }
0x10f: {  	s29 =	simm.s32 $0x0;
	s6 =	simm.s32 $0xD;
	[sflag:s31] =	ssyncadd.s32 $0xFFFFD000  }
0x110: {  	s0 =	smul.u32 $0x1800, s29;
	_ =	swait.ge [sflag:s6], $0x3000  }
0x111: {  	s31 =	sand.u32 $0x380, s1;
	[sflag:s6] =	ssyncset.done $0x0  }
0x112: {  	s25 =	sor.u32 s31, s0;
	[sflag:s6] =	ssyncadd.s32 $0xFFFFD000  }
0x113: {  	v3 =	vld [tilespmem:s25+$0x13770]  }
0x114: {  	v6 =	vld [tilespmem:s25+$0x12300]  }
0x115: {  	v7 =	vld [tilespmem:s25+$0x12310]  }
0x116: {  	v8 =	vld [tilespmem:s25+$0x12320]  }
0x117: {  	v9 =	vld [tilespmem:s25+$0x12330]  }
0x118: {  	v10 =	vld [tilespmem:s25+$0x12340]  }
0x119: {  	v11 =	vld [tilespmem:s25+$0x12350]  }
0x11a: {  	v12 =	vld [tilespmem:s25+$0x12360]  }
0x11b: {  	v13 =	vld [tilespmem:s25+$0x12370]  }
0x11c: {  	v14 =	vld [tilespmem:s25+$0x12700]  }
0x11d: {  	v15 =	vld [tilespmem:s25+$0x12710]  }
0x11e: {  	v16 =	vld [tilespmem:s25+$0x12720]  }
0x11f: {  	v17 =	vld [tilespmem:s25+$0x12730]  }
0x120: {  	v18 =	vld [tilespmem:s25+$0x12740]  }
0x121: {  	v19 =	vld [tilespmem:s25+$0x12750]  }
0x122: {  	v20 =	vld [tilespmem:s25+$0x12760]  }
0x123: {  	v21 =	vld [tilespmem:s25+$0x12770]  }
0x124: {  	v22 =	vld [tilespmem:s25+$0x12B00]  }
0x125: {  	v23 =	vld [tilespmem:s25+$0x12B10]  }
0x126: {  	v24 =	vld [tilespmem:s25+$0x12B20]  }
0x127: {  	v25 =	vld [tilespmem:s25+$0x12B30]  }
0x128: {  	v26 =	vld [tilespmem:s25+$0x12B40]  }
0x129: {  	v27 =	vld [tilespmem:s25+$0x12B50]  }
0x12a: {  	v28 =	vld [tilespmem:s25+$0x12B60]  }
0x12b: {  	v29 =	vld [tilespmem:s25+$0x12B70]  }
0x12c: {  	v30 =	vld [tilespmem:s25+$0x12F00]  }
0x12d: {  	v31 =	vld [tilespmem:s25+$0x12F10]  }
0x12e: {  	v32 =	vld [tilespmem:s25+$0x12F20]  }
0x12f: {  	v33 =	vld [tilespmem:s25+$0x12F30]  }
0x130: {  	v34 =	vld [tilespmem:s25+$0x12F40]  }
0x131: {  	v35 =	vld [tilespmem:s25+$0x12F50]  }
0x132: {  	v36 =	vld [tilespmem:s25+$0x12F60]  }
0x133: {  	v37 =	vld [tilespmem:s25+$0x12F70]  }
0x134: {  	v38 =	vld [tilespmem:s25+$0x13300]  }
0x135: {  	v39 =	vld [tilespmem:s25+$0x13310]  }
0x136: {  	v40 =	vld [tilespmem:s25+$0x13320]  }
0x137: {  	v41 =	vld [tilespmem:s25+$0x13330]  }
0x138: {  	v42 =	vld [tilespmem:s25+$0x13340]  }
0x139: {  	v43 =	vld [tilespmem:s25+$0x13350]  }
0x13a: {  	v44 =	vld [tilespmem:s25+$0x13360]  }
0x13b: {  	v45 =	vld [tilespmem:s25+$0x13370]  }
0x13c: {  	v46 =	vld [tilespmem:s25+$0x13700]  }
0x13d: {  	v47 =	vld [tilespmem:s25+$0x13710]  }
0x13e: {  	v48 =	vld [tilespmem:s25+$0x13720]  }
0x13f: {  	v49 =	vld [tilespmem:s25+$0x13730]  }
0x140: {  	v5 =	vld [tilespmem:s25+$0x13740]  }
0x141: {  	v4 =	vld [tilespmem:s25+$0x13750]  }
0x142: {  	[tilespmem:s25+$0x1770] =	vst.add.f32.msk $0xffff, v3  }
0x143: {  	v3 =	vld [tilespmem:s25+$0x13760]  }
0x144: {  	[tilespmem:s25+$0x300] =	vst.add.f32.msk $0xffff, v6  }
0x145: {  	[tilespmem:s25+$0x310] =	vst.add.f32.msk $0xffff, v7  }
0x146: {  	[tilespmem:s25+$0x320] =	vst.add.f32.msk $0xffff, v8  }
0x147: {  	[tilespmem:s25+$0x330] =	vst.add.f32.msk $0xffff, v9  }
0x148: {  	[tilespmem:s25+$0x340] =	vst.add.f32.msk $0xffff, v10  }
0x149: {  	[tilespmem:s25+$0x350] =	vst.add.f32.msk $0xffff, v11  }
0x14a: {  	[tilespmem:s25+$0x360] =	vst.add.f32.msk $0xffff, v12  }
0x14b: {  	[tilespmem:s25+$0x370] =	vst.add.f32.msk $0xffff, v13  }
0x14c: {  	[tilespmem:s25+$0x700] =	vst.add.f32.msk $0xffff, v14  }
0x14d: {  	[tilespmem:s25+$0x710] =	vst.add.f32.msk $0xffff, v15  }
0x14e: {  	[tilespmem:s25+$0x720] =	vst.add.f32.msk $0xffff, v16  }
0x14f: {  	[tilespmem:s25+$0x730] =	vst.add.f32.msk $0xffff, v17  }
0x150: {  	[tilespmem:s25+$0x740] =	vst.add.f32.msk $0xffff, v18  }
0x151: {  	[tilespmem:s25+$0x750] =	vst.add.f32.msk $0xffff, v19  }
0x152: {  	[tilespmem:s25+$0x760] =	vst.add.f32.msk $0xffff, v20  }
0x153: {  	[tilespmem:s25+$0x770] =	vst.add.f32.msk $0xffff, v21  }
0x154: {  	[tilespmem:s25+$0xB00] =	vst.add.f32.msk $0xffff, v22  }
0x155: {  	[tilespmem:s25+$0xB10] =	vst.add.f32.msk $0xffff, v23  }
0x156: {  	[tilespmem:s25+$0xB20] =	vst.add.f32.msk $0xffff, v24  }
0x157: {  	[tilespmem:s25+$0xB30] =	vst.add.f32.msk $0xffff, v25  }
0x158: {  	[tilespmem:s25+$0xB40] =	vst.add.f32.msk $0xffff, v26  }
0x159: {  	[tilespmem:s25+$0xB50] =	vst.add.f32.msk $0xffff, v27  }
0x15a: {  	[tilespmem:s25+$0xB60] =	vst.add.f32.msk $0xffff, v28  }
0x15b: {  	[tilespmem:s25+$0xB70] =	vst.add.f32.msk $0xffff, v29  }
0x15c: {  	[tilespmem:s25+$0xF00] =	vst.add.f32.msk $0xffff, v30  }
0x15d: {  	[tilespmem:s25+$0xF10] =	vst.add.f32.msk $0xffff, v31  }
0x15e: {  	[tilespmem:s25+$0xF20] =	vst.add.f32.msk $0xffff, v32  }
0x15f: {  	[tilespmem:s25+$0xF30] =	vst.add.f32.msk $0xffff, v33  }
0x160: {  	[tilespmem:s25+$0xF40] =	vst.add.f32.msk $0xffff, v34  }
0x161: {  	[tilespmem:s25+$0xF50] =	vst.add.f32.msk $0xffff, v35  }
0x162: {  	[tilespmem:s25+$0xF60] =	vst.add.f32.msk $0xffff, v36  }
0x163: {  	[tilespmem:s25+$0xF70] =	vst.add.f32.msk $0xffff, v37  }
0x164: {  	[tilespmem:s25+$0x1300] =	vst.add.f32.msk $0xffff, v38  }
0x165: {  	[tilespmem:s25+$0x1310] =	vst.add.f32.msk $0xffff, v39  }
0x166: {  	[tilespmem:s25+$0x1320] =	vst.add.f32.msk $0xffff, v40  }
0x167: {  	[tilespmem:s25+$0x1330] =	vst.add.f32.msk $0xffff, v41  }
0x168: {  	[tilespmem:s25+$0x1340] =	vst.add.f32.msk $0xffff, v42  }
0x169: {  	[tilespmem:s25+$0x1350] =	vst.add.f32.msk $0xffff, v43  }
0x16a: {  	[tilespmem:s25+$0x1360] =	vst.add.f32.msk $0xffff, v44  }
0x16b: {  	[tilespmem:s25+$0x1370] =	vst.add.f32.msk $0xffff, v45  }
0x16c: {  	[tilespmem:s25+$0x1700] =	vst.add.f32.msk $0xffff, v46  }
0x16d: {  	[tilespmem:s25+$0x1710] =	vst.add.f32.msk $0xffff, v47  }
0x16e: {  	s28 =	simm.s32 $0x2;
	[tilespmem:s25+$0x1720] =	vst.add.f32.msk $0xffff, v48  }
0x16f: {  	s16 =	simm.s32 $0x8B00;
	s26 =	simm.s32 $0x0;
	s0 =	simm.s32 $0x0;
	[tilespmem:s25+$0x1730] =	vst.add.f32.msk $0xffff, v49  }
.LBB2_2:
0x170: {  	p0 =	sne.s32 s28, $0xF;
	s0 =	smul.u32 $0x1800, s0;
	[tilespmem:s25+$0x1740] =	vst.add.f32.msk $0xffff, v5;
	s26 =	sadd.s32 $0x80, s26  }
0x171: {  	s2 =	sand.u32 $0x380, s26;
	[tilespmem:s25+$0x1750] =	vst.add.f32.msk $0xffff, v4  }
0x172: {  	[tilespmem:s25+$0x1760] =	vst.add.f32.msk $0xffff, v3;
	s25 =	sor.u32 s2, s0  }
0x173: {  	v3 =	vld [tilespmem:s25+$0x13770]  }
0x174: {  	v6 =	vld [tilespmem:s25+$0x12300]  }
0x175: {  	v7 =	vld [tilespmem:s25+$0x12310]  }
0x176: {  	v8 =	vld [tilespmem:s25+$0x12320]  }
0x177: {  	v9 =	vld [tilespmem:s25+$0x12330]  }
0x178: {  	[tilespmem:s25+$0x1770] =	vst.add.f32.msk $0xffff, v3  }
0x179: {  	v10 =	vld [tilespmem:s25+$0x12340]  }
0x17a: {  	v11 =	vld [tilespmem:s25+$0x12350]  }
0x17b: {  	v12 =	vld [tilespmem:s25+$0x12360]  }
0x17c: {  	v13 =	vld [tilespmem:s25+$0x12370]  }
0x17d: {  	v14 =	vld [tilespmem:s25+$0x12700]  }
0x17e: {  	v15 =	vld [tilespmem:s25+$0x12710]  }
0x17f: {  	v16 =	vld [tilespmem:s25+$0x12720]  }
0x180: {  	v17 =	vld [tilespmem:s25+$0x12730]  }
0x181: {  	v18 =	vld [tilespmem:s25+$0x12740]  }
0x182: {  	v19 =	vld [tilespmem:s25+$0x12750]  }
0x183: {  	v20 =	vld [tilespmem:s25+$0x12760]  }
0x184: {  	v21 =	vld [tilespmem:s25+$0x12770]  }
0x185: {  	v22 =	vld [tilespmem:s25+$0x12B00]  }
0x186: {  	v23 =	vld [tilespmem:s25+$0x12B10]  }
0x187: {  	v24 =	vld [tilespmem:s25+$0x12B20]  }
0x188: {  	v25 =	vld [tilespmem:s25+$0x12B30]  }
0x189: {  	v26 =	vld [tilespmem:s25+$0x12B40]  }
0x18a: {  	v27 =	vld [tilespmem:s25+$0x12B50]  }
0x18b: {  	v28 =	vld [tilespmem:s25+$0x12B60]  }
0x18c: {  	v29 =	vld [tilespmem:s25+$0x12B70]  }
0x18d: {  	v30 =	vld [tilespmem:s25+$0x12F00]  }
0x18e: {  	v31 =	vld [tilespmem:s25+$0x12F10]  }
0x18f: {  	v32 =	vld [tilespmem:s25+$0x12F20]  }
0x190: {  	v33 =	vld [tilespmem:s25+$0x12F30]  }
0x191: {  	v34 =	vld [tilespmem:s25+$0x12F40]  }
0x192: {  	v35 =	vld [tilespmem:s25+$0x12F50]  }
0x193: {  	v36 =	vld [tilespmem:s25+$0x12F60]  }
0x194: {  	v37 =	vld [tilespmem:s25+$0x12F70]  }
0x195: {  	v38 =	vld [tilespmem:s25+$0x13300]  }
0x196: {  	v39 =	vld [tilespmem:s25+$0x13310]  }
0x197: {  	v40 =	vld [tilespmem:s25+$0x13320]  }
0x198: {  	v41 =	vld [tilespmem:s25+$0x13330]  }
0x199: {  	v42 =	vld [tilespmem:s25+$0x13340]  }
0x19a: {  	v43 =	vld [tilespmem:s25+$0x13350]  }
0x19b: {  	v44 =	vld [tilespmem:s25+$0x13360]  }
0x19c: {  	v45 =	vld [tilespmem:s25+$0x13370]  }
0x19d: {  	v46 =	vld [tilespmem:s25+$0x13700]  }
0x19e: {  	v47 =	vld [tilespmem:s25+$0x13710]  }
0x19f: {  	v48 =	vld [tilespmem:s25+$0x13720]  }
0x1a0: {  	v49 =	vld [tilespmem:s25+$0x13730]  }
0x1a1: {  	v5 =	vld [tilespmem:s25+$0x13740]  }
0x1a2: {  	v4 =	vld [tilespmem:s25+$0x13750]  }
0x1a3: {  	v3 =	vld [tilespmem:s25+$0x13760]  }
0x1a4: {  	[tilespmem:s25+$0x300] =	vst.add.f32.msk $0xffff, v6  }
0x1a5: {  	[tilespmem:s25+$0x310] =	vst.add.f32.msk $0xffff, v7  }
0x1a6: {  	[tilespmem:s25+$0x320] =	vst.add.f32.msk $0xffff, v8  }
0x1a7: {  	[tilespmem:s25+$0x330] =	vst.add.f32.msk $0xffff, v9  }
0x1a8: {  	[tilespmem:s25+$0x340] =	vst.add.f32.msk $0xffff, v10  }
0x1a9: {  	[tilespmem:s25+$0x350] =	vst.add.f32.msk $0xffff, v11  }
0x1aa: {  	[tilespmem:s25+$0x360] =	vst.add.f32.msk $0xffff, v12  }
0x1ab: {  	[tilespmem:s25+$0x370] =	vst.add.f32.msk $0xffff, v13  }
0x1ac: {  	[tilespmem:s25+$0x700] =	vst.add.f32.msk $0xffff, v14  }
0x1ad: {  	[tilespmem:s25+$0x710] =	vst.add.f32.msk $0xffff, v15  }
0x1ae: {  	[tilespmem:s25+$0x720] =	vst.add.f32.msk $0xffff, v16  }
0x1af: {  	[tilespmem:s25+$0x730] =	vst.add.f32.msk $0xffff, v17  }
0x1b0: {  	[tilespmem:s25+$0x740] =	vst.add.f32.msk $0xffff, v18  }
0x1b1: {  	[tilespmem:s25+$0x750] =	vst.add.f32.msk $0xffff, v19  }
0x1b2: {  	[tilespmem:s25+$0x760] =	vst.add.f32.msk $0xffff, v20  }
0x1b3: {  	[tilespmem:s25+$0x770] =	vst.add.f32.msk $0xffff, v21  }
0x1b4: {  	[tilespmem:s25+$0xB00] =	vst.add.f32.msk $0xffff, v22  }
0x1b5: {  	[tilespmem:s25+$0xB10] =	vst.add.f32.msk $0xffff, v23  }
0x1b6: {  	[tilespmem:s25+$0xB20] =	vst.add.f32.msk $0xffff, v24  }
0x1b7: {  	[tilespmem:s25+$0xB30] =	vst.add.f32.msk $0xffff, v25  }
0x1b8: {  	[tilespmem:s25+$0xB40] =	vst.add.f32.msk $0xffff, v26  }
0x1b9: {  	[tilespmem:s25+$0xB50] =	vst.add.f32.msk $0xffff, v27  }
0x1ba: {  	[tilespmem:s25+$0xB60] =	vst.add.f32.msk $0xffff, v28  }
0x1bb: {  	[tilespmem:s25+$0xB70] =	vst.add.f32.msk $0xffff, v29  }
0x1bc: {  	[tilespmem:s25+$0xF00] =	vst.add.f32.msk $0xffff, v30  }
0x1bd: {  	[tilespmem:s25+$0xF10] =	vst.add.f32.msk $0xffff, v31  }
0x1be: {  	[tilespmem:s25+$0xF20] =	vst.add.f32.msk $0xffff, v32  }
0x1bf: {  	[tilespmem:s25+$0xF30] =	vst.add.f32.msk $0xffff, v33  }
0x1c0: {  	[tilespmem:s25+$0xF40] =	vst.add.f32.msk $0xffff, v34  }
0x1c1: {  	[tilespmem:s25+$0xF50] =	vst.add.f32.msk $0xffff, v35  }
0x1c2: {  	[tilespmem:s25+$0xF60] =	vst.add.f32.msk $0xffff, v36  }
0x1c3: {  	[tilespmem:s25+$0xF70] =	vst.add.f32.msk $0xffff, v37  }
0x1c4: {  	[tilespmem:s25+$0x1300] =	vst.add.f32.msk $0xffff, v38  }
0x1c5: {  	[tilespmem:s25+$0x1310] =	vst.add.f32.msk $0xffff, v39  }
0x1c6: {  	[tilespmem:s25+$0x1320] =	vst.add.f32.msk $0xffff, v40  }
0x1c7: {  	[tilespmem:s25+$0x1330] =	vst.add.f32.msk $0xffff, v41  }
0x1c8: {  	[tilespmem:s25+$0x1340] =	vst.add.f32.msk $0xffff, v42  }
0x1c9: {  	[tilespmem:s25+$0x1350] =	vst.add.f32.msk $0xffff, v43  }
0x1ca: {  	[tilespmem:s25+$0x1360] =	vst.add.f32.msk $0xffff, v44  }
.Ltmp0:
0x1cb: {  	[tilespmem:s25+$0x1370] =	vst.add.f32.msk $0xffff, v45;
	(pc) =	sbr.rel @p0 .LBB2_2-.Ltmp0, $4  }
0x1cc: {  	[tilespmem:s25+$0x1700] =	vst.add.f32.msk $0xffff, v46  }
0x1cd: {  	[tilespmem:s25+$0x1710] =	vst.add.f32.msk $0xffff, v47  }
0x1ce: {  	[tilespmem:s25+$0x1720] =	vst.add.f32.msk $0xffff, v48  }
0x1cf: {  	s0 =	sshrl.u32 s28, $0x3;
	s28 =	sadd.s32 $0x1, s28;
	[tilespmem:s25+$0x1730] =	vst.add.f32.msk $0xffff, v49  }
0x1d0: {  	s0 =	smul.u32 $0x1800, s0;
	[tilespmem:s25+$0x1740] =	vst.add.f32.msk $0xffff, v5;
	s2 =	sadd.s32 $0x80, s26  }
0x1d1: {  	[tilespmem:s25+$0x1750] =	vst.add.f32.msk $0xffff, v4;
	s2 =	sand.u32 $0x380, s2  }
0x1d2: {  	[tilespmem:s25+$0x1760] =	vst.add.f32.msk $0xffff, v3;
	s23 =	sor.u32 s2, s0  }
0x1d3: {  	v3 =	vld [tilespmem:s23+$0x13770]  }
0x1d4: {  	v4 =	vld [tilespmem:s23+$0x12300]  }
0x1d5: {  	v5 =	vld [tilespmem:s23+$0x12310]  }
0x1d6: {  	v6 =	vld [tilespmem:s23+$0x12320]  }
0x1d7: {  	v7 =	vld [tilespmem:s23+$0x12330]  }
0x1d8: {  	v8 =	vld [tilespmem:s23+$0x12350]  }
0x1d9: {  	v9 =	vld [tilespmem:s23+$0x12360]  }
0x1da: {  	v10 =	vld [tilespmem:s23+$0x12370]  }
0x1db: {  	v11 =	vld [tilespmem:s23+$0x12700]  }
0x1dc: {  	v12 =	vld [tilespmem:s23+$0x12710]  }
0x1dd: {  	v13 =	vld [tilespmem:s23+$0x12720]  }
0x1de: {  	v14 =	vld [tilespmem:s23+$0x12730]  }
0x1df: {  	v15 =	vld [tilespmem:s23+$0x12740]  }
0x1e0: {  	v16 =	vld [tilespmem:s23+$0x12750]  }
0x1e1: {  	v17 =	vld [tilespmem:s23+$0x12760]  }
0x1e2: {  	v18 =	vld [tilespmem:s23+$0x12770]  }
0x1e3: {  	v19 =	vld [tilespmem:s23+$0x12B00]  }
0x1e4: {  	v20 =	vld [tilespmem:s23+$0x12B10]  }
0x1e5: {  	v21 =	vld [tilespmem:s23+$0x12B20]  }
0x1e6: {  	v22 =	vld [tilespmem:s23+$0x12B30]  }
0x1e7: {  	v23 =	vld [tilespmem:s23+$0x12B40]  }
0x1e8: {  	v24 =	vld [tilespmem:s23+$0x12B50]  }
0x1e9: {  	v25 =	vld [tilespmem:s23+$0x12B60]  }
0x1ea: {  	v26 =	vld [tilespmem:s23+$0x12B70]  }
0x1eb: {  	v27 =	vld [tilespmem:s23+$0x12F00]  }
0x1ec: {  	v28 =	vld [tilespmem:s23+$0x12F10]  }
0x1ed: {  	v29 =	vld [tilespmem:s23+$0x12F20]  }
0x1ee: {  	v30 =	vld [tilespmem:s23+$0x12F30]  }
0x1ef: {  	v31 =	vld [tilespmem:s23+$0x12F40]  }
0x1f0: {  	v32 =	vld [tilespmem:s23+$0x12F50]  }
0x1f1: {  	v33 =	vld [tilespmem:s23+$0x12F60]  }
0x1f2: {  	v34 =	vld [tilespmem:s23+$0x12F70]  }
0x1f3: {  	v35 =	vld [tilespmem:s23+$0x13300]  }
0x1f4: {  	v36 =	vld [tilespmem:s23+$0x13310]  }
0x1f5: {  	v37 =	vld [tilespmem:s23+$0x13320]  }
0x1f6: {  	v38 =	vld [tilespmem:s23+$0x13330]  }
0x1f7: {  	v39 =	vld [tilespmem:s23+$0x13340]  }
0x1f8: {  	v40 =	vld [tilespmem:s23+$0x13350]  }
0x1f9: {  	v41 =	vld [tilespmem:s23+$0x13360]  }
0x1fa: {  	v42 =	vld [tilespmem:s23+$0x13370]  }
0x1fb: {  	v43 =	vld [tilespmem:s23+$0x13700]  }
0x1fc: {  	v44 =	vld [tilespmem:s23+$0x13710]  }
0x1fd: {  	v45 =	vld [tilespmem:s23+$0x13720]  }
0x1fe: {  	v46 =	vld [tilespmem:s23+$0x13730]  }
0x1ff: {  	v47 =	vld [tilespmem:s23+$0x13740]  }
0x200: {  	v48 =	vld [tilespmem:s23+$0x13750]  }
0x201: {  	v49 =	vld [tilespmem:s23+$0x13760]  }
0x202: {  	[tilespmem:s23+$0x1770] =	vst.add.f32.msk $0xffff, v3  }
0x203: {  	v3 =	vld [tilespmem:s23+$0x12340]  }
0x204: {  	[tilespmem:s23+$0x300] =	vst.add.f32.msk $0xffff, v4  }
0x205: {  	[tilespmem:s23+$0x310] =	vst.add.f32.msk $0xffff, v5  }
0x206: {  	[tilespmem:s23+$0x320] =	vst.add.f32.msk $0xffff, v6  }
0x207: {  	[tilespmem:s23+$0x330] =	vst.add.f32.msk $0xffff, v7  }
0x208: {  	[tilespmem:s23+$0x350] =	vst.add.f32.msk $0xffff, v8  }
0x209: {  	[tilespmem:s23+$0x360] =	vst.add.f32.msk $0xffff, v9  }
0x20a: {  	[tilespmem:s23+$0x370] =	vst.add.f32.msk $0xffff, v10  }
0x20b: {  	[tilespmem:s23+$0x700] =	vst.add.f32.msk $0xffff, v11  }
0x20c: {  	[tilespmem:s23+$0x710] =	vst.add.f32.msk $0xffff, v12  }
0x20d: {  	[tilespmem:s23+$0x720] =	vst.add.f32.msk $0xffff, v13  }
0x20e: {  	[tilespmem:s23+$0x730] =	vst.add.f32.msk $0xffff, v14  }
0x20f: {  	[tilespmem:s23+$0x740] =	vst.add.f32.msk $0xffff, v15  }
0x210: {  	[tilespmem:s23+$0x750] =	vst.add.f32.msk $0xffff, v16  }
0x211: {  	[tilespmem:s23+$0x760] =	vst.add.f32.msk $0xffff, v17  }
0x212: {  	[tilespmem:s23+$0x770] =	vst.add.f32.msk $0xffff, v18  }
0x213: {  	[tilespmem:s23+$0xB00] =	vst.add.f32.msk $0xffff, v19  }
0x214: {  	[tilespmem:s23+$0xB10] =	vst.add.f32.msk $0xffff, v20  }
0x215: {  	[tilespmem:s23+$0xB20] =	vst.add.f32.msk $0xffff, v21  }
0x216: {  	[tilespmem:s23+$0xB30] =	vst.add.f32.msk $0xffff, v22  }
0x217: {  	[tilespmem:s23+$0xB40] =	vst.add.f32.msk $0xffff, v23  }
0x218: {  	[tilespmem:s23+$0xB50] =	vst.add.f32.msk $0xffff, v24  }
0x219: {  	[tilespmem:s23+$0xB60] =	vst.add.f32.msk $0xffff, v25  }
0x21a: {  	[tilespmem:s23+$0xB70] =	vst.add.f32.msk $0xffff, v26  }
0x21b: {  	[tilespmem:s23+$0xF00] =	vst.add.f32.msk $0xffff, v27  }
0x21c: {  	[tilespmem:s23+$0xF10] =	vst.add.f32.msk $0xffff, v28  }
0x21d: {  	[tilespmem:s23+$0xF20] =	vst.add.f32.msk $0xffff, v29  }
0x21e: {  	[tilespmem:s23+$0xF30] =	vst.add.f32.msk $0xffff, v30  }
0x21f: {  	[tilespmem:s23+$0xF40] =	vst.add.f32.msk $0xffff, v31  }
0x220: {  	[tilespmem:s23+$0xF50] =	vst.add.f32.msk $0xffff, v32  }
0x221: {  	[tilespmem:s23+$0xF60] =	vst.add.f32.msk $0xffff, v33  }
0x222: {  	[tilespmem:s23+$0xF70] =	vst.add.f32.msk $0xffff, v34  }
0x223: {  	[tilespmem:s23+$0x1300] =	vst.add.f32.msk $0xffff, v35  }
0x224: {  	[tilespmem:s23+$0x1310] =	vst.add.f32.msk $0xffff, v36  }
0x225: {  	[tilespmem:s23+$0x1320] =	vst.add.f32.msk $0xffff, v37  }
0x226: {  	[tilespmem:s23+$0x1330] =	vst.add.f32.msk $0xffff, v38  }
0x227: {  	[tilespmem:s23+$0x1340] =	vst.add.f32.msk $0xffff, v39  }
0x228: {  	[tilespmem:s23+$0x1350] =	vst.add.f32.msk $0xffff, v40  }
0x229: {  	[tilespmem:s23+$0x1360] =	vst.add.f32.msk $0xffff, v41  }
0x22a: {  	[tilespmem:s23+$0x1370] =	vst.add.f32.msk $0xffff, v42  }
0x22b: {  	[tilespmem:s23+$0x1700] =	vst.add.f32.msk $0xffff, v43  }
0x22c: {  	[tilespmem:s23+$0x1710] =	vst.add.f32.msk $0xffff, v44  }
0x22d: {  	[tilespmem:s23+$0x1720] =	vst.add.f32.msk $0xffff, v45  }
0x22e: {  	[tilespmem:s23+$0x1730] =	vst.add.f32.msk $0xffff, v46  }
0x22f: {  	[tilespmem:s23+$0x1740] =	vst.add.f32.msk $0xffff, v47  }
0x230: {  	[tilespmem:s23+$0x1750] =	vst.add.f32.msk $0xffff, v48  }
0x231: {  	[tilespmem:s23+$0x1760] =	vst.add.f32.msk $0xffff, v49  }
0x232: {  	[tilespmem:s23+$0x340] =	vst.add.f32.msk $0xffff, v3  }
0x233: {  	v3 =	vld [tilespmem:$0x180];
	_ =	sdelay $0x4  }
0x234: {  	v4 =	vshrl.u32 v3, $0x3  }
0x235: {  	v4 =	vmul.u32 $0x30, v4  }
0x236: {  	v3 =	vand.u32 $0x7, v3  }
0x237: {  	v3 =	vor.u32 v3, v4  }
0x238: {  	v4 =	vperm.xlane v3, v0;
	_ =	sdelay $0x1  }
0x239: {  	v4 =	vadd.s32 v1, v4;
	_ =	sdelay $0x2  }
0x23a: {  	s31 =	rddreg [dreg:$0x2]  }
0x23b: {  	s25 =	simm.s32 $0x0;
	s29 =	simm.s32 $0x12300;
	s4 =	sld [smem:$0x7FC];
	v3 =	vperm.xlane v3, v2  }
0x23c: {  	[tilespmem:s29], [sflag:$0xD] =	stream.indirect_vreg.gather [hbm4b:s31+s25], $0x80, v4, vm0, $0xb8;
	[tilespmem:$0x15300] =	vst v63  }
0x23d: {  	s8 =	simm.s32 $0x12B00;
	s5 =	sld [smem:$0x7FD];
	v3 =	vadd.s32 v1, v3  }
0x23e: {  	[tilespmem:s8], [sflag:$0xD] =	stream.indirect_vreg.gather [hbm4b:s4+s25], $0x80, v4, vm0, $0xb8;
	[tilespmem:$0x15300] =	vst v63  }
0x23f: {  	s9 =	simm.s32 $0x13300  }
0x240: {  	[tilespmem:s9], [sflag:$0xD] =	stream.indirect_vreg.gather [hbm4b:s5+s25], $0x80, v4, vm0, $0xb8;
	[tilespmem:$0x15300] =	vst v63  }
0x241: {  	s10 =	simm.s32 $0x13B00  }
0x242: {  	[tilespmem:s10], [sflag:$0xD] =	stream.indirect_vreg.gather [hbm4b:s31+s25], $0x80, v3, vm0, $0xb8;
	[tilespmem:$0x15300] =	vst v63  }
0x243: {  	s13 =	simm.s32 $0x14300  }
0x244: {  	[tilespmem:s13], [sflag:$0xD] =	stream.indirect_vreg.gather [hbm4b:s4+s25], $0x80, v3, vm0, $0xb8;
	[tilespmem:$0x15300] =	vst v63  }
0x245: {  	s14 =	simm.s32 $0x14B00  }
0x246: {  	[tilespmem:s14], [sflag:$0xD] =	stream.indirect_vreg.gather [hbm4b:s5+s25], $0x80, v3, vm0, $0xb8;
	[tilespmem:$0x15300] =	vst v63  }
0x247: {  	s15 =	rddreg [dreg:$0x19];
	s17 =	simm.s32 $0x300;
	s19 =	simm.s32 $0x7  }
0x248: {  	[hbm4b:s15+s25] =	stream.linear.scatter [tilespmem:s17], [sflag:$0x7], $0x3000, $0x38;
	[tilespmem:$0x15300] =	vst v63  }
0x249: {  	_ =	swait.ge [sflag:s19], $0x3000  }
0x24a: {  	[sflag:s19] =	ssyncset.done $0x0  }
0x24b: {  	[sflag:s19] =	ssyncadd.s32 $0xFFFFD000  }
0x24c: {  	v3 =	vld [tilespmem:$0x60];
	_ =	sdelay $0x4  }
0x24d: {  	v4 =	vshrl.u32 v3, $0x3  }
0x24e: {  	v4 =	vmul.u32 $0x30, v4  }
0x24f: {  	v3 =	vand.u32 $0x7, v3  }
0x250: {  	v3 =	vor.u32 v3, v4  }
0x251: {  	v4 =	vperm.xlane v3, v0;
	_ =	sdelay $0x1  }
0x252: {  	v4 =	vadd.s32 v1, v4;
	_ =	sdelay $0x3  }
0x253: {  	v3 =	vperm.xlane v3, v2  }
0x254: {  	[tilespmem:s17], [sflag:$0x1] =	stream.indirect_vreg.gather [hbm4b:s3+s25], $0x80, v4, vm0, $0xb8;
	[tilespmem:$0x15300] =	vst v63  }
0x255: {  	s20 =	simm.s32 $0xB00;
	v3 =	vadd.s32 v1, v3  }
0x256: {  	[tilespmem:s20], [sflag:$0x1] =	stream.indirect_vreg.gather [hbm4b:s11+s25], $0x80, v4, vm0, $0xb8;
	[tilespmem:$0x15300] =	vst v63  }
0x257: {  	s21 =	simm.s32 $0x1300  }
0x258: {  	[tilespmem:s21], [sflag:$0x1] =	stream.indirect_vreg.gather [hbm4b:s12+s25], $0x80, v4, vm0, $0xb8;
	[tilespmem:$0x15300] =	vst v63  }
0x259: {  	s22 =	simm.s32 $0x1B00  }
0x25a: {  	[tilespmem:s22], [sflag:$0x1] =	stream.indirect_vreg.gather [hbm4b:s3+s25], $0x80, v3, vm0, $0xb8;
	[tilespmem:$0x15300] =	vst v63  }
0x25b: {  	s20 =	simm.s32 $0x2300  }
0x25c: {  	[tilespmem:s20], [sflag:$0x1] =	stream.indirect_vreg.gather [hbm4b:s11+s25], $0x80, v3, vm0, $0xb8;
	[tilespmem:$0x15300] =	vst v63  }
0x25d: {  	s26 =	simm.s32 $0x2;
	s23 =	simm.s32 $0x2B00  }
0x25e: {  	[tilespmem:s23], [sflag:$0x1] =	stream.indirect_vreg.gather [hbm4b:s12+s25], $0x80, v3, vm0, $0xb8;
	[tilespmem:$0x15300] =	vst v63  }
0x25f: {  	_ =	swait.ge [sflag:s26], $0x3000  }
0x260: {  	[sflag:s26] =	ssyncset.done $0x0  }
0x261: {  	s29 =	simm.s32 $0x0;
	[sflag:s26] =	ssyncadd.s32 $0xFFFFD000  }
0x262: {  	s0 =	smul.u32 $0x1800, s29;
	_ =	swait.ge [sflag:s6], $0x3000  }
0x263: {  	s31 =	sand.u32 $0x380, s25;
	[sflag:s6] =	ssyncset.done $0x0  }
0x264: {  	s26 =	sor.u32 s31, s0;
	[sflag:s6] =	ssyncadd.s32 $0xFFFFD000  }
0x265: {  	v3 =	vld [tilespmem:s26+$0x13770]  }
0x266: {  	v6 =	vld [tilespmem:s26+$0x12300]  }
0x267: {  	v7 =	vld [tilespmem:s26+$0x12310]  }
0x268: {  	v8 =	vld [tilespmem:s26+$0x12320]  }
0x269: {  	v9 =	vld [tilespmem:s26+$0x12330]  }
0x26a: {  	v10 =	vld [tilespmem:s26+$0x12340]  }
0x26b: {  	v11 =	vld [tilespmem:s26+$0x12350]  }
0x26c: {  	v12 =	vld [tilespmem:s26+$0x12360]  }
0x26d: {  	v13 =	vld [tilespmem:s26+$0x12370]  }
0x26e: {  	v14 =	vld [tilespmem:s26+$0x12700]  }
0x26f: {  	v15 =	vld [tilespmem:s26+$0x12710]  }
0x270: {  	v16 =	vld [tilespmem:s26+$0x12720]  }
0x271: {  	v17 =	vld [tilespmem:s26+$0x12730]  }
0x272: {  	v18 =	vld [tilespmem:s26+$0x12740]  }
0x273: {  	v19 =	vld [tilespmem:s26+$0x12750]  }
0x274: {  	v20 =	vld [tilespmem:s26+$0x12760]  }
0x275: {  	v21 =	vld [tilespmem:s26+$0x12770]  }
0x276: {  	v22 =	vld [tilespmem:s26+$0x12B00]  }
0x277: {  	v23 =	vld [tilespmem:s26+$0x12B10]  }
0x278: {  	v24 =	vld [tilespmem:s26+$0x12B20]  }
0x279: {  	v25 =	vld [tilespmem:s26+$0x12B30]  }
0x27a: {  	v26 =	vld [tilespmem:s26+$0x12B40]  }
0x27b: {  	v27 =	vld [tilespmem:s26+$0x12B50]  }
0x27c: {  	v28 =	vld [tilespmem:s26+$0x12B60]  }
0x27d: {  	v29 =	vld [tilespmem:s26+$0x12B70]  }
0x27e: {  	v30 =	vld [tilespmem:s26+$0x12F00]  }
0x27f: {  	v31 =	vld [tilespmem:s26+$0x12F10]  }
0x280: {  	v32 =	vld [tilespmem:s26+$0x12F20]  }
0x281: {  	v33 =	vld [tilespmem:s26+$0x12F30]  }
0x282: {  	v34 =	vld [tilespmem:s26+$0x12F40]  }
0x283: {  	v35 =	vld [tilespmem:s26+$0x12F50]  }
0x284: {  	v36 =	vld [tilespmem:s26+$0x12F60]  }
0x285: {  	v37 =	vld [tilespmem:s26+$0x12F70]  }
0x286: {  	v52 =	vld [tilespmem:s26+$0x13300]  }
0x287: {  	v53 =	vld [tilespmem:s26+$0x13310]  }
0x288: {  	v54 =	vld [tilespmem:s26+$0x13320]  }
0x289: {  	v55 =	vld [tilespmem:s26+$0x13330]  }
0x28a: {  	v56 =	vld [tilespmem:s26+$0x13340]  }
0x28b: {  	v57 =	vld [tilespmem:s26+$0x13350]  }
0x28c: {  	v58 =	vld [tilespmem:s26+$0x13360]  }
0x28d: {  	v59 =	vld [tilespmem:s26+$0x13370]  }
0x28e: {  	v60 =	vld [tilespmem:s26+$0x13700]  }
0x28f: {  	v61 =	vld [tilespmem:s26+$0x13710]  }
0x290: {  	v62 =	vld [tilespmem:s26+$0x13720]  }
0x291: {  	v63 =	vld [tilespmem:s26+$0x13730]  }
0x292: {  	v5 =	vld [tilespmem:s26+$0x13740]  }
0x293: {  	v4 =	vld [tilespmem:s26+$0x13750]  }
0x294: {  	[tilespmem:s26+$0x4770] =	vst.add.f32.msk $0xffff, v3  }
0x295: {  	v3 =	vld [tilespmem:s26+$0x13760]  }
0x296: {  	[tilespmem:s26+$0x3300] =	vst.add.f32.msk $0xffff, v6  }
0x297: {  	[tilespmem:s26+$0x3310] =	vst.add.f32.msk $0xffff, v7  }
0x298: {  	[tilespmem:s26+$0x3320] =	vst.add.f32.msk $0xffff, v8  }
0x299: {  	[tilespmem:s26+$0x3330] =	vst.add.f32.msk $0xffff, v9  }
0x29a: {  	[tilespmem:s26+$0x3340] =	vst.add.f32.msk $0xffff, v10  }
0x29b: {  	[tilespmem:s26+$0x3350] =	vst.add.f32.msk $0xffff, v11  }
0x29c: {  	[tilespmem:s26+$0x3360] =	vst.add.f32.msk $0xffff, v12  }
0x29d: {  	[tilespmem:s26+$0x3370] =	vst.add.f32.msk $0xffff, v13  }
0x29e: {  	[tilespmem:s26+$0x3700] =	vst.add.f32.msk $0xffff, v14  }
0x29f: {  	[tilespmem:s26+$0x3710] =	vst.add.f32.msk $0xffff, v15  }
0x2a0: {  	[tilespmem:s26+$0x3720] =	vst.add.f32.msk $0xffff, v16  }
0x2a1: {  	[tilespmem:s26+$0x3730] =	vst.add.f32.msk $0xffff, v17  }
0x2a2: {  	[tilespmem:s26+$0x3740] =	vst.add.f32.msk $0xffff, v18  }
0x2a3: {  	[tilespmem:s26+$0x3750] =	vst.add.f32.msk $0xffff, v19  }
0x2a4: {  	[tilespmem:s26+$0x3760] =	vst.add.f32.msk $0xffff, v20  }
0x2a5: {  	[tilespmem:s26+$0x3770] =	vst.add.f32.msk $0xffff, v21  }
0x2a6: {  	[tilespmem:s26+$0x3B00] =	vst.add.f32.msk $0xffff, v22  }
0x2a7: {  	[tilespmem:s26+$0x3B10] =	vst.add.f32.msk $0xffff, v23  }
0x2a8: {  	[tilespmem:s26+$0x3B20] =	vst.add.f32.msk $0xffff, v24  }
0x2a9: {  	[tilespmem:s26+$0x3B30] =	vst.add.f32.msk $0xffff, v25  }
0x2aa: {  	[tilespmem:s26+$0x3B40] =	vst.add.f32.msk $0xffff, v26  }
0x2ab: {  	[tilespmem:s26+$0x3B50] =	vst.add.f32.msk $0xffff, v27  }
0x2ac: {  	[tilespmem:s26+$0x3B60] =	vst.add.f32.msk $0xffff, v28  }
0x2ad: {  	[tilespmem:s26+$0x3B70] =	vst.add.f32.msk $0xffff, v29  }
0x2ae: {  	[tilespmem:s26+$0x3F00] =	vst.add.f32.msk $0xffff, v30  }
0x2af: {  	[tilespmem:s26+$0x3F10] =	vst.add.f32.msk $0xffff, v31  }
0x2b0: {  	[tilespmem:s26+$0x3F20] =	vst.add.f32.msk $0xffff, v32  }
0x2b1: {  	[tilespmem:s26+$0x3F30] =	vst.add.f32.msk $0xffff, v33  }
0x2b2: {  	[tilespmem:s26+$0x3F40] =	vst.add.f32.msk $0xffff, v34  }
0x2b3: {  	[tilespmem:s26+$0x3F50] =	vst.add.f32.msk $0xffff, v35  }
0x2b4: {  	[tilespmem:s26+$0x3F60] =	vst.add.f32.msk $0xffff, v36  }
0x2b5: {  	[tilespmem:s26+$0x3F70] =	vst.add.f32.msk $0xffff, v37  }
0x2b6: {  	[tilespmem:s26+$0x4300] =	vst.add.f32.msk $0xffff, v52  }
0x2b7: {  	[tilespmem:s26+$0x4310] =	vst.add.f32.msk $0xffff, v53  }
0x2b8: {  	[tilespmem:s26+$0x4320] =	vst.add.f32.msk $0xffff, v54  }
0x2b9: {  	[tilespmem:s26+$0x4330] =	vst.add.f32.msk $0xffff, v55  }
0x2ba: {  	[tilespmem:s26+$0x4340] =	vst.add.f32.msk $0xffff, v56  }
0x2bb: {  	[tilespmem:s26+$0x4350] =	vst.add.f32.msk $0xffff, v57  }
0x2bc: {  	[tilespmem:s26+$0x4360] =	vst.add.f32.msk $0xffff, v58  }
0x2bd: {  	[tilespmem:s26+$0x4370] =	vst.add.f32.msk $0xffff, v59  }
0x2be: {  	[tilespmem:s26+$0x4700] =	vst.add.f32.msk $0xffff, v60  }
0x2bf: {  	[tilespmem:s26+$0x4710] =	vst.add.f32.msk $0xffff, v61  }
0x2c0: {  	[tilespmem:s26+$0x4720] =	vst.add.f32.msk $0xffff, v62  }
0x2c1: {  	s28 =	simm.s32 $0x2;
	s0 =	simm.s32 $0x0;
	[tilespmem:s26+$0x4730] =	vst.add.f32.msk $0xffff, v63  }
.LBB2_4:
0x2c2: {  	p0 =	sne.s32 s28, $0xF;
	s0 =	smul.u32 $0x1800, s0;
	[tilespmem:s26+$0x4740] =	vst.add.f32.msk $0xffff, v5;
	s25 =	sadd.s32 $0x80, s25  }
0x2c3: {  	s2 =	sand.u32 $0x380, s25;
	[tilespmem:s26+$0x4750] =	vst.add.f32.msk $0xffff, v4  }
0x2c4: {  	[tilespmem:s26+$0x4760] =	vst.add.f32.msk $0xffff, v3;
	s26 =	sor.u32 s2, s0  }
0x2c5: {  	v3 =	vld [tilespmem:s26+$0x13770]  }
0x2c6: {  	v6 =	vld [tilespmem:s26+$0x12300]  }
0x2c7: {  	v7 =	vld [tilespmem:s26+$0x12310]  }
0x2c8: {  	v8 =	vld [tilespmem:s26+$0x12320]  }
0x2c9: {  	v9 =	vld [tilespmem:s26+$0x12330]  }
0x2ca: {  	[tilespmem:s26+$0x4770] =	vst.add.f32.msk $0xffff, v3  }
0x2cb: {  	v10 =	vld [tilespmem:s26+$0x12340]  }
0x2cc: {  	v11 =	vld [tilespmem:s26+$0x12350]  }
0x2cd: {  	v12 =	vld [tilespmem:s26+$0x12360]  }
0x2ce: {  	v13 =	vld [tilespmem:s26+$0x12370]  }
0x2cf: {  	v14 =	vld [tilespmem:s26+$0x12700]  }
0x2d0: {  	v15 =	vld [tilespmem:s26+$0x12710]  }
0x2d1: {  	v16 =	vld [tilespmem:s26+$0x12720]  }
0x2d2: {  	v17 =	vld [tilespmem:s26+$0x12730]  }
0x2d3: {  	v18 =	vld [tilespmem:s26+$0x12740]  }
0x2d4: {  	v19 =	vld [tilespmem:s26+$0x12750]  }
0x2d5: {  	v20 =	vld [tilespmem:s26+$0x12760]  }
0x2d6: {  	v21 =	vld [tilespmem:s26+$0x12770]  }
0x2d7: {  	v22 =	vld [tilespmem:s26+$0x12B00]  }
0x2d8: {  	v23 =	vld [tilespmem:s26+$0x12B10]  }
0x2d9: {  	v24 =	vld [tilespmem:s26+$0x12B20]  }
0x2da: {  	v25 =	vld [tilespmem:s26+$0x12B30]  }
0x2db: {  	v26 =	vld [tilespmem:s26+$0x12B40]  }
0x2dc: {  	v27 =	vld [tilespmem:s26+$0x12B50]  }
0x2dd: {  	v28 =	vld [tilespmem:s26+$0x12B60]  }
0x2de: {  	v29 =	vld [tilespmem:s26+$0x12B70]  }
0x2df: {  	v30 =	vld [tilespmem:s26+$0x12F00]  }
0x2e0: {  	v31 =	vld [tilespmem:s26+$0x12F10]  }
0x2e1: {  	v32 =	vld [tilespmem:s26+$0x12F20]  }
0x2e2: {  	v33 =	vld [tilespmem:s26+$0x12F30]  }
0x2e3: {  	v34 =	vld [tilespmem:s26+$0x12F40]  }
0x2e4: {  	v35 =	vld [tilespmem:s26+$0x12F50]  }
0x2e5: {  	v36 =	vld [tilespmem:s26+$0x12F60]  }
0x2e6: {  	v37 =	vld [tilespmem:s26+$0x12F70]  }
0x2e7: {  	v38 =	vld [tilespmem:s26+$0x13300]  }
0x2e8: {  	v39 =	vld [tilespmem:s26+$0x13310]  }
0x2e9: {  	v40 =	vld [tilespmem:s26+$0x13320]  }
0x2ea: {  	v41 =	vld [tilespmem:s26+$0x13330]  }
0x2eb: {  	v42 =	vld [tilespmem:s26+$0x13340]  }
0x2ec: {  	v43 =	vld [tilespmem:s26+$0x13350]  }
0x2ed: {  	v44 =	vld [tilespmem:s26+$0x13360]  }
0x2ee: {  	v45 =	vld [tilespmem:s26+$0x13370]  }
0x2ef: {  	v46 =	vld [tilespmem:s26+$0x13700]  }
0x2f0: {  	v47 =	vld [tilespmem:s26+$0x13710]  }
0x2f1: {  	v48 =	vld [tilespmem:s26+$0x13720]  }
0x2f2: {  	v49 =	vld [tilespmem:s26+$0x13730]  }
0x2f3: {  	v5 =	vld [tilespmem:s26+$0x13740]  }
0x2f4: {  	v4 =	vld [tilespmem:s26+$0x13750]  }
0x2f5: {  	v3 =	vld [tilespmem:s26+$0x13760]  }
0x2f6: {  	[tilespmem:s26+$0x3300] =	vst.add.f32.msk $0xffff, v6  }
0x2f7: {  	[tilespmem:s26+$0x3310] =	vst.add.f32.msk $0xffff, v7  }
0x2f8: {  	[tilespmem:s26+$0x3320] =	vst.add.f32.msk $0xffff, v8  }
0x2f9: {  	[tilespmem:s26+$0x3330] =	vst.add.f32.msk $0xffff, v9  }
0x2fa: {  	[tilespmem:s26+$0x3340] =	vst.add.f32.msk $0xffff, v10  }
0x2fb: {  	[tilespmem:s26+$0x3350] =	vst.add.f32.msk $0xffff, v11  }
0x2fc: {  	[tilespmem:s26+$0x3360] =	vst.add.f32.msk $0xffff, v12  }
0x2fd: {  	[tilespmem:s26+$0x3370] =	vst.add.f32.msk $0xffff, v13  }
0x2fe: {  	[tilespmem:s26+$0x3700] =	vst.add.f32.msk $0xffff, v14  }
0x2ff: {  	[tilespmem:s26+$0x3710] =	vst.add.f32.msk $0xffff, v15  }
0x300: {  	[tilespmem:s26+$0x3720] =	vst.add.f32.msk $0xffff, v16  }
0x301: {  	[tilespmem:s26+$0x3730] =	vst.add.f32.msk $0xffff, v17  }
0x302: {  	[tilespmem:s26+$0x3740] =	vst.add.f32.msk $0xffff, v18  }
0x303: {  	[tilespmem:s26+$0x3750] =	vst.add.f32.msk $0xffff, v19  }
0x304: {  	[tilespmem:s26+$0x3760] =	vst.add.f32.msk $0xffff, v20  }
0x305: {  	[tilespmem:s26+$0x3770] =	vst.add.f32.msk $0xffff, v21  }
0x306: {  	[tilespmem:s26+$0x3B00] =	vst.add.f32.msk $0xffff, v22  }
0x307: {  	[tilespmem:s26+$0x3B10] =	vst.add.f32.msk $0xffff, v23  }
0x308: {  	[tilespmem:s26+$0x3B20] =	vst.add.f32.msk $0xffff, v24  }
0x309: {  	[tilespmem:s26+$0x3B30] =	vst.add.f32.msk $0xffff, v25  }
0x30a: {  	[tilespmem:s26+$0x3B40] =	vst.add.f32.msk $0xffff, v26  }
0x30b: {  	[tilespmem:s26+$0x3B50] =	vst.add.f32.msk $0xffff, v27  }
0x30c: {  	[tilespmem:s26+$0x3B60] =	vst.add.f32.msk $0xffff, v28  }
0x30d: {  	[tilespmem:s26+$0x3B70] =	vst.add.f32.msk $0xffff, v29  }
0x30e: {  	[tilespmem:s26+$0x3F00] =	vst.add.f32.msk $0xffff, v30  }
0x30f: {  	[tilespmem:s26+$0x3F10] =	vst.add.f32.msk $0xffff, v31  }
0x310: {  	[tilespmem:s26+$0x3F20] =	vst.add.f32.msk $0xffff, v32  }
0x311: {  	[tilespmem:s26+$0x3F30] =	vst.add.f32.msk $0xffff, v33  }
0x312: {  	[tilespmem:s26+$0x3F40] =	vst.add.f32.msk $0xffff, v34  }
0x313: {  	[tilespmem:s26+$0x3F50] =	vst.add.f32.msk $0xffff, v35  }
0x314: {  	[tilespmem:s26+$0x3F60] =	vst.add.f32.msk $0xffff, v36  }
0x315: {  	[tilespmem:s26+$0x3F70] =	vst.add.f32.msk $0xffff, v37  }
0x316: {  	[tilespmem:s26+$0x4300] =	vst.add.f32.msk $0xffff, v38  }
0x317: {  	[tilespmem:s26+$0x4310] =	vst.add.f32.msk $0xffff, v39  }
0x318: {  	[tilespmem:s26+$0x4320] =	vst.add.f32.msk $0xffff, v40  }
0x319: {  	[tilespmem:s26+$0x4330] =	vst.add.f32.msk $0xffff, v41  }
0x31a: {  	[tilespmem:s26+$0x4340] =	vst.add.f32.msk $0xffff, v42  }
0x31b: {  	[tilespmem:s26+$0x4350] =	vst.add.f32.msk $0xffff, v43  }
0x31c: {  	[tilespmem:s26+$0x4360] =	vst.add.f32.msk $0xffff, v44  }
.Ltmp1:
0x31d: {  	[tilespmem:s26+$0x4370] =	vst.add.f32.msk $0xffff, v45;
	(pc) =	sbr.rel @p0 .LBB2_4-.Ltmp1, $4  }
0x31e: {  	[tilespmem:s26+$0x4700] =	vst.add.f32.msk $0xffff, v46  }
0x31f: {  	[tilespmem:s26+$0x4710] =	vst.add.f32.msk $0xffff, v47  }
0x320: {  	[tilespmem:s26+$0x4720] =	vst.add.f32.msk $0xffff, v48  }
0x321: {  	s0 =	sshrl.u32 s28, $0x3;
	s28 =	sadd.s32 $0x1, s28;
	[tilespmem:s26+$0x4730] =	vst.add.f32.msk $0xffff, v49  }
0x322: {  	s0 =	smul.u32 $0x1800, s0;
	[tilespmem:s26+$0x4740] =	vst.add.f32.msk $0xffff, v5;
	s2 =	sadd.s32 $0x80, s25  }
0x323: {  	[tilespmem:s26+$0x4750] =	vst.add.f32.msk $0xffff, v4;
	s2 =	sand.u32 $0x380, s2  }
0x324: {  	[tilespmem:s26+$0x4760] =	vst.add.f32.msk $0xffff, v3;
	s23 =	sor.u32 s2, s0  }
0x325: {  	v3 =	vld [tilespmem:s23+$0x13770]  }
0x326: {  	v4 =	vld [tilespmem:s23+$0x12300]  }
0x327: {  	v5 =	vld [tilespmem:s23+$0x12310]  }
0x328: {  	v6 =	vld [tilespmem:s23+$0x12320]  }
0x329: {  	v7 =	vld [tilespmem:s23+$0x12330]  }
0x32a: {  	v8 =	vld [tilespmem:s23+$0x12350]  }
0x32b: {  	v9 =	vld [tilespmem:s23+$0x12360]  }
0x32c: {  	v10 =	vld [tilespmem:s23+$0x12370]  }
0x32d: {  	v11 =	vld [tilespmem:s23+$0x12700]  }
0x32e: {  	v12 =	vld [tilespmem:s23+$0x12710]  }
0x32f: {  	v13 =	vld [tilespmem:s23+$0x12720]  }
0x330: {  	v14 =	vld [tilespmem:s23+$0x12730]  }
0x331: {  	v15 =	vld [tilespmem:s23+$0x12740]  }
0x332: {  	v16 =	vld [tilespmem:s23+$0x12750]  }
0x333: {  	v17 =	vld [tilespmem:s23+$0x12760]  }
0x334: {  	v18 =	vld [tilespmem:s23+$0x12770]  }
0x335: {  	v19 =	vld [tilespmem:s23+$0x12B00]  }
0x336: {  	v20 =	vld [tilespmem:s23+$0x12B10]  }
0x337: {  	v21 =	vld [tilespmem:s23+$0x12B20]  }
0x338: {  	v22 =	vld [tilespmem:s23+$0x12B30]  }
0x339: {  	v23 =	vld [tilespmem:s23+$0x12B40]  }
0x33a: {  	v24 =	vld [tilespmem:s23+$0x12B50]  }
0x33b: {  	v25 =	vld [tilespmem:s23+$0x12B60]  }
0x33c: {  	v26 =	vld [tilespmem:s23+$0x12B70]  }
0x33d: {  	v27 =	vld [tilespmem:s23+$0x12F00]  }
0x33e: {  	v28 =	vld [tilespmem:s23+$0x12F10]  }
0x33f: {  	v29 =	vld [tilespmem:s23+$0x12F20]  }
0x340: {  	v30 =	vld [tilespmem:s23+$0x12F30]  }
0x341: {  	v31 =	vld [tilespmem:s23+$0x12F40]  }
0x342: {  	v32 =	vld [tilespmem:s23+$0x12F50]  }
0x343: {  	v33 =	vld [tilespmem:s23+$0x12F60]  }
0x344: {  	v34 =	vld [tilespmem:s23+$0x12F70]  }
0x345: {  	v35 =	vld [tilespmem:s23+$0x13300]  }
0x346: {  	v36 =	vld [tilespmem:s23+$0x13310]  }
0x347: {  	v37 =	vld [tilespmem:s23+$0x13320]  }
0x348: {  	v38 =	vld [tilespmem:s23+$0x13330]  }
0x349: {  	v39 =	vld [tilespmem:s23+$0x13340]  }
0x34a: {  	v40 =	vld [tilespmem:s23+$0x13350]  }
0x34b: {  	v41 =	vld [tilespmem:s23+$0x13360]  }
0x34c: {  	v42 =	vld [tilespmem:s23+$0x13370]  }
0x34d: {  	v43 =	vld [tilespmem:s23+$0x13700]  }
0x34e: {  	v44 =	vld [tilespmem:s23+$0x13710]  }
0x34f: {  	v45 =	vld [tilespmem:s23+$0x13720]  }
0x350: {  	v46 =	vld [tilespmem:s23+$0x13730]  }
0x351: {  	v47 =	vld [tilespmem:s23+$0x13740]  }
0x352: {  	v48 =	vld [tilespmem:s23+$0x13750]  }
0x353: {  	v49 =	vld [tilespmem:s23+$0x13760]  }
0x354: {  	[tilespmem:s23+$0x4770] =	vst.add.f32.msk $0xffff, v3  }
0x355: {  	v3 =	vld [tilespmem:s23+$0x12340]  }
0x356: {  	[tilespmem:s23+$0x3300] =	vst.add.f32.msk $0xffff, v4  }
0x357: {  	[tilespmem:s23+$0x3310] =	vst.add.f32.msk $0xffff, v5  }
0x358: {  	[tilespmem:s23+$0x3320] =	vst.add.f32.msk $0xffff, v6  }
0x359: {  	[tilespmem:s23+$0x3330] =	vst.add.f32.msk $0xffff, v7  }
0x35a: {  	[tilespmem:s23+$0x3350] =	vst.add.f32.msk $0xffff, v8  }
0x35b: {  	[tilespmem:s23+$0x3360] =	vst.add.f32.msk $0xffff, v9  }
0x35c: {  	[tilespmem:s23+$0x3370] =	vst.add.f32.msk $0xffff, v10  }
0x35d: {  	[tilespmem:s23+$0x3700] =	vst.add.f32.msk $0xffff, v11  }
0x35e: {  	[tilespmem:s23+$0x3710] =	vst.add.f32.msk $0xffff, v12  }
0x35f: {  	[tilespmem:s23+$0x3720] =	vst.add.f32.msk $0xffff, v13  }
0x360: {  	[tilespmem:s23+$0x3730] =	vst.add.f32.msk $0xffff, v14  }
0x361: {  	[tilespmem:s23+$0x3740] =	vst.add.f32.msk $0xffff, v15  }
0x362: {  	[tilespmem:s23+$0x3750] =	vst.add.f32.msk $0xffff, v16  }
0x363: {  	[tilespmem:s23+$0x3760] =	vst.add.f32.msk $0xffff, v17  }
0x364: {  	[tilespmem:s23+$0x3770] =	vst.add.f32.msk $0xffff, v18  }
0x365: {  	[tilespmem:s23+$0x3B00] =	vst.add.f32.msk $0xffff, v19  }
0x366: {  	[tilespmem:s23+$0x3B10] =	vst.add.f32.msk $0xffff, v20  }
0x367: {  	[tilespmem:s23+$0x3B20] =	vst.add.f32.msk $0xffff, v21  }
0x368: {  	[tilespmem:s23+$0x3B30] =	vst.add.f32.msk $0xffff, v22  }
0x369: {  	[tilespmem:s23+$0x3B40] =	vst.add.f32.msk $0xffff, v23  }
0x36a: {  	[tilespmem:s23+$0x3B50] =	vst.add.f32.msk $0xffff, v24  }
0x36b: {  	[tilespmem:s23+$0x3B60] =	vst.add.f32.msk $0xffff, v25  }
0x36c: {  	[tilespmem:s23+$0x3B70] =	vst.add.f32.msk $0xffff, v26  }
0x36d: {  	[tilespmem:s23+$0x3F00] =	vst.add.f32.msk $0xffff, v27  }
0x36e: {  	[tilespmem:s23+$0x3F10] =	vst.add.f32.msk $0xffff, v28  }
0x36f: {  	[tilespmem:s23+$0x3F20] =	vst.add.f32.msk $0xffff, v29  }
0x370: {  	[tilespmem:s23+$0x3F30] =	vst.add.f32.msk $0xffff, v30  }
0x371: {  	[tilespmem:s23+$0x3F40] =	vst.add.f32.msk $0xffff, v31  }
0x372: {  	[tilespmem:s23+$0x3F50] =	vst.add.f32.msk $0xffff, v32  }
0x373: {  	[tilespmem:s23+$0x3F60] =	vst.add.f32.msk $0xffff, v33  }
0x374: {  	[tilespmem:s23+$0x3F70] =	vst.add.f32.msk $0xffff, v34  }
0x375: {  	[tilespmem:s23+$0x4300] =	vst.add.f32.msk $0xffff, v35  }
0x376: {  	[tilespmem:s23+$0x4310] =	vst.add.f32.msk $0xffff, v36  }
0x377: {  	[tilespmem:s23+$0x4320] =	vst.add.f32.msk $0xffff, v37  }
0x378: {  	[tilespmem:s23+$0x4330] =	vst.add.f32.msk $0xffff, v38  }
0x379: {  	[tilespmem:s23+$0x4340] =	vst.add.f32.msk $0xffff, v39  }
0x37a: {  	[tilespmem:s23+$0x4350] =	vst.add.f32.msk $0xffff, v40  }
0x37b: {  	[tilespmem:s23+$0x4360] =	vst.add.f32.msk $0xffff, v41  }
0x37c: {  	[tilespmem:s23+$0x4370] =	vst.add.f32.msk $0xffff, v42  }
0x37d: {  	[tilespmem:s23+$0x4700] =	vst.add.f32.msk $0xffff, v43  }
0x37e: {  	[tilespmem:s23+$0x4710] =	vst.add.f32.msk $0xffff, v44  }
0x37f: {  	[tilespmem:s23+$0x4720] =	vst.add.f32.msk $0xffff, v45  }
0x380: {  	[tilespmem:s23+$0x4730] =	vst.add.f32.msk $0xffff, v46  }
0x381: {  	[tilespmem:s23+$0x4740] =	vst.add.f32.msk $0xffff, v47  }
0x382: {  	[tilespmem:s23+$0x4750] =	vst.add.f32.msk $0xffff, v48  }
0x383: {  	[tilespmem:s23+$0x4760] =	vst.add.f32.msk $0xffff, v49  }
0x384: {  	[tilespmem:s23+$0x3340] =	vst.add.f32.msk $0xffff, v3  }
0x385: {  	v3 =	vld [tilespmem:$0x200];
	_ =	sdelay $0x4  }
0x386: {  	v4 =	vshrl.u32 v3, $0x3  }
0x387: {  	v4 =	vmul.u32 $0x30, v4  }
0x388: {  	v3 =	vand.u32 $0x7, v3  }
0x389: {  	v3 =	vor.u32 v3, v4  }
0x38a: {  	v4 =	vperm.xlane v3, v0;
	_ =	sdelay $0x1  }
0x38b: {  	v4 =	vadd.s32 v1, v4;
	_ =	sdelay $0x2  }
0x38c: {  	s31 =	rddreg [dreg:$0x2]  }
0x38d: {  	s25 =	simm.s32 $0x0;
	s26 =	simm.s32 $0x12300;
	s4 =	sld [smem:$0x7FC];
	v3 =	vperm.xlane v3, v2  }
0x38e: {  	[tilespmem:s26], [sflag:$0xD] =	stream.indirect_vreg.gather [hbm4b:s31+s25], $0x80, v4, vm0, $0xb8;
	[tilespmem:$0x15300] =	vst v63  }
0x38f: {  	s8 =	simm.s32 $0x12B00;
	s5 =	sld [smem:$0x7FD];
	v3 =	vadd.s32 v1, v3  }
0x390: {  	[tilespmem:s8], [sflag:$0xD] =	stream.indirect_vreg.gather [hbm4b:s4+s25], $0x80, v4, vm0, $0xb8;
	[tilespmem:$0x15300] =	vst v63  }
0x391: {  	s9 =	simm.s32 $0x13300  }
0x392: {  	[tilespmem:s9], [sflag:$0xD] =	stream.indirect_vreg.gather [hbm4b:s5+s25], $0x80, v4, vm0, $0xb8;
	[tilespmem:$0x15300] =	vst v63  }
0x393: {  	s10 =	simm.s32 $0x13B00  }
0x394: {  	[tilespmem:s10], [sflag:$0xD] =	stream.indirect_vreg.gather [hbm4b:s31+s25], $0x80, v3, vm0, $0xb8;
	[tilespmem:$0x15300] =	vst v63  }
0x395: {  	s13 =	simm.s32 $0x14300  }
0x396: {  	[tilespmem:s13], [sflag:$0xD] =	stream.indirect_vreg.gather [hbm4b:s4+s25], $0x80, v3, vm0, $0xb8;
	[tilespmem:$0x15300] =	vst v63  }
0x397: {  	s14 =	simm.s32 $0x14B00  }
0x398: {  	[tilespmem:s14], [sflag:$0xD] =	stream.indirect_vreg.gather [hbm4b:s5+s25], $0x80, v3, vm0, $0xb8;
	[tilespmem:$0x15300] =	vst v63  }
0x399: {  	s15 =	rddreg [dreg:$0x1a];
	s21 =	simm.s32 $0x3300;
	s17 =	simm.s32 $0x8  }
0x39a: {  	[hbm4b:s15+s25] =	stream.linear.scatter [tilespmem:s21], [sflag:$0x8], $0x3000, $0x38;
	[tilespmem:$0x15300] =	vst v63  }
0x39b: {  	_ =	swait.ge [sflag:s17], $0x3000  }
0x39c: {  	[sflag:s17] =	ssyncset.done $0x0  }
0x39d: {  	[sflag:s17] =	ssyncadd.s32 $0xFFFFD000  }
0x39e: {  	v3 =	vld [tilespmem:$0x70];
	_ =	sdelay $0x4  }
0x39f: {  	v4 =	vshrl.u32 v3, $0x3  }
0x3a0: {  	v4 =	vmul.u32 $0x30, v4  }
0x3a1: {  	v3 =	vand.u32 $0x7, v3  }
0x3a2: {  	v3 =	vor.u32 v3, v4  }
0x3a3: {  	v4 =	vperm.xlane v3, v0;
	_ =	sdelay $0x1  }
0x3a4: {  	v4 =	vadd.s32 v1, v4;
	_ =	sdelay $0x3  }
0x3a5: {  	v3 =	vperm.xlane v3, v2  }
0x3a6: {  	[tilespmem:s21], [sflag:$0x2] =	stream.indirect_vreg.gather [hbm4b:s3+s25], $0x80, v4, vm0, $0xb8;
	[tilespmem:$0x15300] =	vst v63  }
0x3a7: {  	s29 =	simm.s32 $0x3B00;
	v3 =	vadd.s32 v1, v3  }
0x3a8: {  	[tilespmem:s29], [sflag:$0x2] =	stream.indirect_vreg.gather [hbm4b:s11+s25], $0x80, v4, vm0, $0xb8;
	[tilespmem:$0x15300] =	vst v63  }
0x3a9: {  	_ = 	snop  }
0x3aa: {  	[tilespmem:s7], [sflag:$0x2] =	stream.indirect_vreg.gather [hbm4b:s12+s25], $0x80, v4, vm0, $0xb8;
	[tilespmem:$0x15300] =	vst v63  }
0x3ab: {  	s19 =	simm.s32 $0x4B00  }
0x3ac: {  	[tilespmem:s19], [sflag:$0x2] =	stream.indirect_vreg.gather [hbm4b:s3+s25], $0x80, v3, vm0, $0xb8;
	[tilespmem:$0x15300] =	vst v63  }
0x3ad: {  	_ = 	snop  }
0x3ae: {  	[tilespmem:s30], [sflag:$0x2] =	stream.indirect_vreg.gather [hbm4b:s11+s25], $0x80, v3, vm0, $0xb8;
	[tilespmem:$0x15300] =	vst v63  }
0x3af: {  	s22 =	simm.s32 $0x5B00;
	s23 =	simm.s32 $0x3  }
0x3b0: {  	[tilespmem:s22], [sflag:$0x2] =	stream.indirect_vreg.gather [hbm4b:s12+s25], $0x80, v3, vm0, $0xb8;
	[tilespmem:$0x15300] =	vst v63  }
0x3b1: {  	_ =	swait.ge [sflag:s23], $0x3000  }
0x3b2: {  	[sflag:s23] =	ssyncset.done $0x0  }
0x3b3: {  	s26 =	simm.s32 $0x0;
	[sflag:s23] =	ssyncadd.s32 $0xFFFFD000  }
0x3b4: {  	s0 =	smul.u32 $0x1800, s26;
	_ =	swait.ge [sflag:s6], $0x3000  }
0x3b5: {  	s31 =	sand.u32 $0x380, s25;
	[sflag:s6] =	ssyncset.done $0x0  }
0x3b6: {  	s26 =	sor.u32 s31, s0;
	[sflag:s6] =	ssyncadd.s32 $0xFFFFD000  }
0x3b7: {  	v3 =	vld [tilespmem:s26+$0x13770]  }
0x3b8: {  	v6 =	vld [tilespmem:s26+$0x12300]  }
0x3b9: {  	v7 =	vld [tilespmem:s26+$0x12310]  }
0x3ba: {  	v8 =	vld [tilespmem:s26+$0x12320]  }
0x3bb: {  	v9 =	vld [tilespmem:s26+$0x12330]  }
0x3bc: {  	v10 =	vld [tilespmem:s26+$0x12340]  }
0x3bd: {  	v11 =	vld [tilespmem:s26+$0x12350]  }
0x3be: {  	v12 =	vld [tilespmem:s26+$0x12360]  }
0x3bf: {  	v13 =	vld [tilespmem:s26+$0x12370]  }
0x3c0: {  	v14 =	vld [tilespmem:s26+$0x12700]  }
0x3c1: {  	v15 =	vld [tilespmem:s26+$0x12710]  }
0x3c2: {  	v16 =	vld [tilespmem:s26+$0x12720]  }
0x3c3: {  	v17 =	vld [tilespmem:s26+$0x12730]  }
0x3c4: {  	v18 =	vld [tilespmem:s26+$0x12740]  }
0x3c5: {  	v19 =	vld [tilespmem:s26+$0x12750]  }
0x3c6: {  	v20 =	vld [tilespmem:s26+$0x12760]  }
0x3c7: {  	v21 =	vld [tilespmem:s26+$0x12770]  }
0x3c8: {  	v22 =	vld [tilespmem:s26+$0x12B00]  }
0x3c9: {  	v23 =	vld [tilespmem:s26+$0x12B10]  }
0x3ca: {  	v24 =	vld [tilespmem:s26+$0x12B20]  }
0x3cb: {  	v25 =	vld [tilespmem:s26+$0x12B30]  }
0x3cc: {  	v26 =	vld [tilespmem:s26+$0x12B40]  }
0x3cd: {  	v27 =	vld [tilespmem:s26+$0x12B50]  }
0x3ce: {  	v28 =	vld [tilespmem:s26+$0x12B60]  }
0x3cf: {  	v29 =	vld [tilespmem:s26+$0x12B70]  }
0x3d0: {  	v30 =	vld [tilespmem:s26+$0x12F00]  }
0x3d1: {  	v31 =	vld [tilespmem:s26+$0x12F10]  }
0x3d2: {  	v32 =	vld [tilespmem:s26+$0x12F20]  }
0x3d3: {  	v33 =	vld [tilespmem:s26+$0x12F30]  }
0x3d4: {  	v34 =	vld [tilespmem:s26+$0x12F40]  }
0x3d5: {  	v35 =	vld [tilespmem:s26+$0x12F50]  }
0x3d6: {  	v36 =	vld [tilespmem:s26+$0x12F60]  }
0x3d7: {  	v37 =	vld [tilespmem:s26+$0x12F70]  }
0x3d8: {  	v52 =	vld [tilespmem:s26+$0x13300]  }
0x3d9: {  	v53 =	vld [tilespmem:s26+$0x13310]  }
0x3da: {  	v54 =	vld [tilespmem:s26+$0x13320]  }
0x3db: {  	v55 =	vld [tilespmem:s26+$0x13330]  }
0x3dc: {  	v56 =	vld [tilespmem:s26+$0x13340]  }
0x3dd: {  	v57 =	vld [tilespmem:s26+$0x13350]  }
0x3de: {  	v58 =	vld [tilespmem:s26+$0x13360]  }
0x3df: {  	v59 =	vld [tilespmem:s26+$0x13370]  }
0x3e0: {  	v60 =	vld [tilespmem:s26+$0x13700]  }
0x3e1: {  	v61 =	vld [tilespmem:s26+$0x13710]  }
0x3e2: {  	v62 =	vld [tilespmem:s26+$0x13720]  }
0x3e3: {  	v63 =	vld [tilespmem:s26+$0x13730]  }
0x3e4: {  	v5 =	vld [tilespmem:s26+$0x13740]  }
0x3e5: {  	v4 =	vld [tilespmem:s26+$0x13750]  }
0x3e6: {  	[tilespmem:s26+$0x7770] =	vst.add.f32.msk $0xffff, v3  }
0x3e7: {  	v3 =	vld [tilespmem:s26+$0x13760]  }
0x3e8: {  	[tilespmem:s26+$0x6300] =	vst.add.f32.msk $0xffff, v6  }
0x3e9: {  	[tilespmem:s26+$0x6310] =	vst.add.f32.msk $0xffff, v7  }
0x3ea: {  	[tilespmem:s26+$0x6320] =	vst.add.f32.msk $0xffff, v8  }
0x3eb: {  	[tilespmem:s26+$0x6330] =	vst.add.f32.msk $0xffff, v9  }
0x3ec: {  	[tilespmem:s26+$0x6340] =	vst.add.f32.msk $0xffff, v10  }
0x3ed: {  	[tilespmem:s26+$0x6350] =	vst.add.f32.msk $0xffff, v11  }
0x3ee: {  	[tilespmem:s26+$0x6360] =	vst.add.f32.msk $0xffff, v12  }
0x3ef: {  	[tilespmem:s26+$0x6370] =	vst.add.f32.msk $0xffff, v13  }
0x3f0: {  	[tilespmem:s26+$0x6700] =	vst.add.f32.msk $0xffff, v14  }
0x3f1: {  	[tilespmem:s26+$0x6710] =	vst.add.f32.msk $0xffff, v15  }
0x3f2: {  	[tilespmem:s26+$0x6720] =	vst.add.f32.msk $0xffff, v16  }
0x3f3: {  	[tilespmem:s26+$0x6730] =	vst.add.f32.msk $0xffff, v17  }
0x3f4: {  	[tilespmem:s26+$0x6740] =	vst.add.f32.msk $0xffff, v18  }
0x3f5: {  	[tilespmem:s26+$0x6750] =	vst.add.f32.msk $0xffff, v19  }
0x3f6: {  	[tilespmem:s26+$0x6760] =	vst.add.f32.msk $0xffff, v20  }
0x3f7: {  	[tilespmem:s26+$0x6770] =	vst.add.f32.msk $0xffff, v21  }
0x3f8: {  	[tilespmem:s26+$0x6B00] =	vst.add.f32.msk $0xffff, v22  }
0x3f9: {  	[tilespmem:s26+$0x6B10] =	vst.add.f32.msk $0xffff, v23  }
0x3fa: {  	[tilespmem:s26+$0x6B20] =	vst.add.f32.msk $0xffff, v24  }
0x3fb: {  	[tilespmem:s26+$0x6B30] =	vst.add.f32.msk $0xffff, v25  }
0x3fc: {  	[tilespmem:s26+$0x6B40] =	vst.add.f32.msk $0xffff, v26  }
0x3fd: {  	[tilespmem:s26+$0x6B50] =	vst.add.f32.msk $0xffff, v27  }
0x3fe: {  	[tilespmem:s26+$0x6B60] =	vst.add.f32.msk $0xffff, v28  }
0x3ff: {  	[tilespmem:s26+$0x6B70] =	vst.add.f32.msk $0xffff, v29  }
0x400: {  	[tilespmem:s26+$0x6F00] =	vst.add.f32.msk $0xffff, v30  }
0x401: {  	[tilespmem:s26+$0x6F10] =	vst.add.f32.msk $0xffff, v31  }
0x402: {  	[tilespmem:s26+$0x6F20] =	vst.add.f32.msk $0xffff, v32  }
0x403: {  	[tilespmem:s26+$0x6F30] =	vst.add.f32.msk $0xffff, v33  }
0x404: {  	[tilespmem:s26+$0x6F40] =	vst.add.f32.msk $0xffff, v34  }
0x405: {  	[tilespmem:s26+$0x6F50] =	vst.add.f32.msk $0xffff, v35  }
0x406: {  	[tilespmem:s26+$0x6F60] =	vst.add.f32.msk $0xffff, v36  }
0x407: {  	[tilespmem:s26+$0x6F70] =	vst.add.f32.msk $0xffff, v37  }
0x408: {  	[tilespmem:s26+$0x7300] =	vst.add.f32.msk $0xffff, v52  }
0x409: {  	[tilespmem:s26+$0x7310] =	vst.add.f32.msk $0xffff, v53  }
0x40a: {  	[tilespmem:s26+$0x7320] =	vst.add.f32.msk $0xffff, v54  }
0x40b: {  	[tilespmem:s26+$0x7330] =	vst.add.f32.msk $0xffff, v55  }
0x40c: {  	[tilespmem:s26+$0x7340] =	vst.add.f32.msk $0xffff, v56  }
0x40d: {  	[tilespmem:s26+$0x7350] =	vst.add.f32.msk $0xffff, v57  }
0x40e: {  	[tilespmem:s26+$0x7360] =	vst.add.f32.msk $0xffff, v58  }
0x40f: {  	[tilespmem:s26+$0x7370] =	vst.add.f32.msk $0xffff, v59  }
0x410: {  	[tilespmem:s26+$0x7700] =	vst.add.f32.msk $0xffff, v60  }
0x411: {  	[tilespmem:s26+$0x7710] =	vst.add.f32.msk $0xffff, v61  }
0x412: {  	[tilespmem:s26+$0x7720] =	vst.add.f32.msk $0xffff, v62  }
0x413: {  	s28 =	simm.s32 $0x2;
	s0 =	simm.s32 $0x0;
	[tilespmem:s26+$0x7730] =	vst.add.f32.msk $0xffff, v63  }
.LBB2_6:
0x414: {  	p0 =	sne.s32 s28, $0xF;
	s0 =	smul.u32 $0x1800, s0;
	[tilespmem:s26+$0x7740] =	vst.add.f32.msk $0xffff, v5;
	s25 =	sadd.s32 $0x80, s25  }
0x415: {  	s2 =	sand.u32 $0x380, s25;
	[tilespmem:s26+$0x7750] =	vst.add.f32.msk $0xffff, v4  }
0x416: {  	[tilespmem:s26+$0x7760] =	vst.add.f32.msk $0xffff, v3;
	s26 =	sor.u32 s2, s0  }
0x417: {  	v3 =	vld [tilespmem:s26+$0x13770]  }
0x418: {  	v6 =	vld [tilespmem:s26+$0x12300]  }
0x419: {  	v7 =	vld [tilespmem:s26+$0x12310]  }
0x41a: {  	v8 =	vld [tilespmem:s26+$0x12320]  }
0x41b: {  	v9 =	vld [tilespmem:s26+$0x12330]  }
0x41c: {  	[tilespmem:s26+$0x7770] =	vst.add.f32.msk $0xffff, v3  }
0x41d: {  	v10 =	vld [tilespmem:s26+$0x12340]  }
0x41e: {  	v11 =	vld [tilespmem:s26+$0x12350]  }
0x41f: {  	v12 =	vld [tilespmem:s26+$0x12360]  }
0x420: {  	v13 =	vld [tilespmem:s26+$0x12370]  }
0x421: {  	v14 =	vld [tilespmem:s26+$0x12700]  }
0x422: {  	v15 =	vld [tilespmem:s26+$0x12710]  }
0x423: {  	v16 =	vld [tilespmem:s26+$0x12720]  }
0x424: {  	v17 =	vld [tilespmem:s26+$0x12730]  }
0x425: {  	v18 =	vld [tilespmem:s26+$0x12740]  }
0x426: {  	v19 =	vld [tilespmem:s26+$0x12750]  }
0x427: {  	v20 =	vld [tilespmem:s26+$0x12760]  }
0x428: {  	v21 =	vld [tilespmem:s26+$0x12770]  }
0x429: {  	v22 =	vld [tilespmem:s26+$0x12B00]  }
0x42a: {  	v23 =	vld [tilespmem:s26+$0x12B10]  }
0x42b: {  	v24 =	vld [tilespmem:s26+$0x12B20]  }
0x42c: {  	v25 =	vld [tilespmem:s26+$0x12B30]  }
0x42d: {  	v26 =	vld [tilespmem:s26+$0x12B40]  }
0x42e: {  	v27 =	vld [tilespmem:s26+$0x12B50]  }
0x42f: {  	v28 =	vld [tilespmem:s26+$0x12B60]  }
0x430: {  	v29 =	vld [tilespmem:s26+$0x12B70]  }
0x431: {  	v30 =	vld [tilespmem:s26+$0x12F00]  }
0x432: {  	v31 =	vld [tilespmem:s26+$0x12F10]  }
0x433: {  	v32 =	vld [tilespmem:s26+$0x12F20]  }
0x434: {  	v33 =	vld [tilespmem:s26+$0x12F30]  }
0x435: {  	v34 =	vld [tilespmem:s26+$0x12F40]  }
0x436: {  	v35 =	vld [tilespmem:s26+$0x12F50]  }
0x437: {  	v36 =	vld [tilespmem:s26+$0x12F60]  }
0x438: {  	v37 =	vld [tilespmem:s26+$0x12F70]  }
0x439: {  	v38 =	vld [tilespmem:s26+$0x13300]  }
0x43a: {  	v39 =	vld [tilespmem:s26+$0x13310]  }
0x43b: {  	v40 =	vld [tilespmem:s26+$0x13320]  }
0x43c: {  	v41 =	vld [tilespmem:s26+$0x13330]  }
0x43d: {  	v42 =	vld [tilespmem:s26+$0x13340]  }
0x43e: {  	v43 =	vld [tilespmem:s26+$0x13350]  }
0x43f: {  	v44 =	vld [tilespmem:s26+$0x13360]  }
0x440: {  	v45 =	vld [tilespmem:s26+$0x13370]  }
0x441: {  	v46 =	vld [tilespmem:s26+$0x13700]  }
0x442: {  	v47 =	vld [tilespmem:s26+$0x13710]  }
0x443: {  	v48 =	vld [tilespmem:s26+$0x13720]  }
0x444: {  	v49 =	vld [tilespmem:s26+$0x13730]  }
0x445: {  	v5 =	vld [tilespmem:s26+$0x13740]  }
0x446: {  	v4 =	vld [tilespmem:s26+$0x13750]  }
0x447: {  	v3 =	vld [tilespmem:s26+$0x13760]  }
0x448: {  	[tilespmem:s26+$0x6300] =	vst.add.f32.msk $0xffff, v6  }
0x449: {  	[tilespmem:s26+$0x6310] =	vst.add.f32.msk $0xffff, v7  }
0x44a: {  	[tilespmem:s26+$0x6320] =	vst.add.f32.msk $0xffff, v8  }
0x44b: {  	[tilespmem:s26+$0x6330] =	vst.add.f32.msk $0xffff, v9  }
0x44c: {  	[tilespmem:s26+$0x6340] =	vst.add.f32.msk $0xffff, v10  }
0x44d: {  	[tilespmem:s26+$0x6350] =	vst.add.f32.msk $0xffff, v11  }
0x44e: {  	[tilespmem:s26+$0x6360] =	vst.add.f32.msk $0xffff, v12  }
0x44f: {  	[tilespmem:s26+$0x6370] =	vst.add.f32.msk $0xffff, v13  }
0x450: {  	[tilespmem:s26+$0x6700] =	vst.add.f32.msk $0xffff, v14  }
0x451: {  	[tilespmem:s26+$0x6710] =	vst.add.f32.msk $0xffff, v15  }
0x452: {  	[tilespmem:s26+$0x6720] =	vst.add.f32.msk $0xffff, v16  }
0x453: {  	[tilespmem:s26+$0x6730] =	vst.add.f32.msk $0xffff, v17  }
0x454: {  	[tilespmem:s26+$0x6740] =	vst.add.f32.msk $0xffff, v18  }
0x455: {  	[tilespmem:s26+$0x6750] =	vst.add.f32.msk $0xffff, v19  }
0x456: {  	[tilespmem:s26+$0x6760] =	vst.add.f32.msk $0xffff, v20  }
0x457: {  	[tilespmem:s26+$0x6770] =	vst.add.f32.msk $0xffff, v21  }
0x458: {  	[tilespmem:s26+$0x6B00] =	vst.add.f32.msk $0xffff, v22  }
0x459: {  	[tilespmem:s26+$0x6B10] =	vst.add.f32.msk $0xffff, v23  }
0x45a: {  	[tilespmem:s26+$0x6B20] =	vst.add.f32.msk $0xffff, v24  }
0x45b: {  	[tilespmem:s26+$0x6B30] =	vst.add.f32.msk $0xffff, v25  }
0x45c: {  	[tilespmem:s26+$0x6B40] =	vst.add.f32.msk $0xffff, v26  }
0x45d: {  	[tilespmem:s26+$0x6B50] =	vst.add.f32.msk $0xffff, v27  }
0x45e: {  	[tilespmem:s26+$0x6B60] =	vst.add.f32.msk $0xffff, v28  }
0x45f: {  	[tilespmem:s26+$0x6B70] =	vst.add.f32.msk $0xffff, v29  }
0x460: {  	[tilespmem:s26+$0x6F00] =	vst.add.f32.msk $0xffff, v30  }
0x461: {  	[tilespmem:s26+$0x6F10] =	vst.add.f32.msk $0xffff, v31  }
0x462: {  	[tilespmem:s26+$0x6F20] =	vst.add.f32.msk $0xffff, v32  }
0x463: {  	[tilespmem:s26+$0x6F30] =	vst.add.f32.msk $0xffff, v33  }
0x464: {  	[tilespmem:s26+$0x6F40] =	vst.add.f32.msk $0xffff, v34  }
0x465: {  	[tilespmem:s26+$0x6F50] =	vst.add.f32.msk $0xffff, v35  }
0x466: {  	[tilespmem:s26+$0x6F60] =	vst.add.f32.msk $0xffff, v36  }
0x467: {  	[tilespmem:s26+$0x6F70] =	vst.add.f32.msk $0xffff, v37  }
0x468: {  	[tilespmem:s26+$0x7300] =	vst.add.f32.msk $0xffff, v38  }
0x469: {  	[tilespmem:s26+$0x7310] =	vst.add.f32.msk $0xffff, v39  }
0x46a: {  	[tilespmem:s26+$0x7320] =	vst.add.f32.msk $0xffff, v40  }
0x46b: {  	[tilespmem:s26+$0x7330] =	vst.add.f32.msk $0xffff, v41  }
0x46c: {  	[tilespmem:s26+$0x7340] =	vst.add.f32.msk $0xffff, v42  }
0x46d: {  	[tilespmem:s26+$0x7350] =	vst.add.f32.msk $0xffff, v43  }
0x46e: {  	[tilespmem:s26+$0x7360] =	vst.add.f32.msk $0xffff, v44  }
.Ltmp2:
0x46f: {  	[tilespmem:s26+$0x7370] =	vst.add.f32.msk $0xffff, v45;
	(pc) =	sbr.rel @p0 .LBB2_6-.Ltmp2, $4  }
0x470: {  	[tilespmem:s26+$0x7700] =	vst.add.f32.msk $0xffff, v46  }
0x471: {  	[tilespmem:s26+$0x7710] =	vst.add.f32.msk $0xffff, v47  }
0x472: {  	[tilespmem:s26+$0x7720] =	vst.add.f32.msk $0xffff, v48  }
0x473: {  	s0 =	sshrl.u32 s28, $0x3;
	s28 =	sadd.s32 $0x1, s28;
	[tilespmem:s26+$0x7730] =	vst.add.f32.msk $0xffff, v49  }
0x474: {  	s0 =	smul.u32 $0x1800, s0;
	[tilespmem:s26+$0x7740] =	vst.add.f32.msk $0xffff, v5;
	s2 =	sadd.s32 $0x80, s25  }
0x475: {  	[tilespmem:s26+$0x7750] =	vst.add.f32.msk $0xffff, v4;
	s2 =	sand.u32 $0x380, s2  }
0x476: {  	[tilespmem:s26+$0x7760] =	vst.add.f32.msk $0xffff, v3;
	s23 =	sor.u32 s2, s0  }
0x477: {  	v3 =	vld [tilespmem:s23+$0x13770]  }
0x478: {  	v4 =	vld [tilespmem:s23+$0x12300]  }
0x479: {  	v5 =	vld [tilespmem:s23+$0x12310]  }
0x47a: {  	v6 =	vld [tilespmem:s23+$0x12320]  }
0x47b: {  	v7 =	vld [tilespmem:s23+$0x12330]  }
0x47c: {  	v8 =	vld [tilespmem:s23+$0x12350]  }
0x47d: {  	v9 =	vld [tilespmem:s23+$0x12360]  }
0x47e: {  	v10 =	vld [tilespmem:s23+$0x12370]  }
0x47f: {  	v11 =	vld [tilespmem:s23+$0x12700]  }
0x480: {  	v12 =	vld [tilespmem:s23+$0x12710]  }
0x481: {  	v13 =	vld [tilespmem:s23+$0x12720]  }
0x482: {  	v14 =	vld [tilespmem:s23+$0x12730]  }
0x483: {  	v15 =	vld [tilespmem:s23+$0x12740]  }
0x484: {  	v16 =	vld [tilespmem:s23+$0x12750]  }
0x485: {  	v17 =	vld [tilespmem:s23+$0x12760]  }
0x486: {  	v18 =	vld [tilespmem:s23+$0x12770]  }
0x487: {  	v19 =	vld [tilespmem:s23+$0x12B00]  }
0x488: {  	v20 =	vld [tilespmem:s23+$0x12B10]  }
0x489: {  	v21 =	vld [tilespmem:s23+$0x12B20]  }
0x48a: {  	v22 =	vld [tilespmem:s23+$0x12B30]  }
0x48b: {  	v23 =	vld [tilespmem:s23+$0x12B40]  }
0x48c: {  	v24 =	vld [tilespmem:s23+$0x12B50]  }
0x48d: {  	v25 =	vld [tilespmem:s23+$0x12B60]  }
0x48e: {  	v26 =	vld [tilespmem:s23+$0x12B70]  }
0x48f: {  	v27 =	vld [tilespmem:s23+$0x12F00]  }
0x490: {  	v28 =	vld [tilespmem:s23+$0x12F10]  }
0x491: {  	v29 =	vld [tilespmem:s23+$0x12F20]  }
0x492: {  	v30 =	vld [tilespmem:s23+$0x12F30]  }
0x493: {  	v31 =	vld [tilespmem:s23+$0x12F40]  }
0x494: {  	v32 =	vld [tilespmem:s23+$0x12F50]  }
0x495: {  	v33 =	vld [tilespmem:s23+$0x12F60]  }
0x496: {  	v34 =	vld [tilespmem:s23+$0x12F70]  }
0x497: {  	v35 =	vld [tilespmem:s23+$0x13300]  }
0x498: {  	v36 =	vld [tilespmem:s23+$0x13310]  }
0x499: {  	v37 =	vld [tilespmem:s23+$0x13320]  }
0x49a: {  	v38 =	vld [tilespmem:s23+$0x13330]  }
0x49b: {  	v39 =	vld [tilespmem:s23+$0x13340]  }
0x49c: {  	v40 =	vld [tilespmem:s23+$0x13350]  }
0x49d: {  	v41 =	vld [tilespmem:s23+$0x13360]  }
0x49e: {  	v42 =	vld [tilespmem:s23+$0x13370]  }
0x49f: {  	v43 =	vld [tilespmem:s23+$0x13700]  }
0x4a0: {  	v44 =	vld [tilespmem:s23+$0x13710]  }
0x4a1: {  	v45 =	vld [tilespmem:s23+$0x13720]  }
0x4a2: {  	v46 =	vld [tilespmem:s23+$0x13730]  }
0x4a3: {  	v47 =	vld [tilespmem:s23+$0x13740]  }
0x4a4: {  	v48 =	vld [tilespmem:s23+$0x13750]  }
0x4a5: {  	v49 =	vld [tilespmem:s23+$0x13760]  }
0x4a6: {  	[tilespmem:s23+$0x7770] =	vst.add.f32.msk $0xffff, v3  }
0x4a7: {  	v3 =	vld [tilespmem:s23+$0x12340]  }
0x4a8: {  	[tilespmem:s23+$0x6300] =	vst.add.f32.msk $0xffff, v4  }
0x4a9: {  	[tilespmem:s23+$0x6310] =	vst.add.f32.msk $0xffff, v5  }
0x4aa: {  	[tilespmem:s23+$0x6320] =	vst.add.f32.msk $0xffff, v6  }
0x4ab: {  	[tilespmem:s23+$0x6330] =	vst.add.f32.msk $0xffff, v7  }
0x4ac: {  	[tilespmem:s23+$0x6350] =	vst.add.f32.msk $0xffff, v8  }
0x4ad: {  	[tilespmem:s23+$0x6360] =	vst.add.f32.msk $0xffff, v9  }
0x4ae: {  	[tilespmem:s23+$0x6370] =	vst.add.f32.msk $0xffff, v10  }
0x4af: {  	[tilespmem:s23+$0x6700] =	vst.add.f32.msk $0xffff, v11  }
0x4b0: {  	[tilespmem:s23+$0x6710] =	vst.add.f32.msk $0xffff, v12  }
0x4b1: {  	[tilespmem:s23+$0x6720] =	vst.add.f32.msk $0xffff, v13  }
0x4b2: {  	[tilespmem:s23+$0x6730] =	vst.add.f32.msk $0xffff, v14  }
0x4b3: {  	[tilespmem:s23+$0x6740] =	vst.add.f32.msk $0xffff, v15  }
0x4b4: {  	[tilespmem:s23+$0x6750] =	vst.add.f32.msk $0xffff, v16  }
0x4b5: {  	[tilespmem:s23+$0x6760] =	vst.add.f32.msk $0xffff, v17  }
0x4b6: {  	[tilespmem:s23+$0x6770] =	vst.add.f32.msk $0xffff, v18  }
0x4b7: {  	[tilespmem:s23+$0x6B00] =	vst.add.f32.msk $0xffff, v19  }
0x4b8: {  	[tilespmem:s23+$0x6B10] =	vst.add.f32.msk $0xffff, v20  }
0x4b9: {  	[tilespmem:s23+$0x6B20] =	vst.add.f32.msk $0xffff, v21  }
0x4ba: {  	[tilespmem:s23+$0x6B30] =	vst.add.f32.msk $0xffff, v22  }
0x4bb: {  	[tilespmem:s23+$0x6B40] =	vst.add.f32.msk $0xffff, v23  }
0x4bc: {  	[tilespmem:s23+$0x6B50] =	vst.add.f32.msk $0xffff, v24  }
0x4bd: {  	[tilespmem:s23+$0x6B60] =	vst.add.f32.msk $0xffff, v25  }
0x4be: {  	[tilespmem:s23+$0x6B70] =	vst.add.f32.msk $0xffff, v26  }
0x4bf: {  	[tilespmem:s23+$0x6F00] =	vst.add.f32.msk $0xffff, v27  }
0x4c0: {  	[tilespmem:s23+$0x6F10] =	vst.add.f32.msk $0xffff, v28  }
0x4c1: {  	[tilespmem:s23+$0x6F20] =	vst.add.f32.msk $0xffff, v29  }
0x4c2: {  	[tilespmem:s23+$0x6F30] =	vst.add.f32.msk $0xffff, v30  }
0x4c3: {  	[tilespmem:s23+$0x6F40] =	vst.add.f32.msk $0xffff, v31  }
0x4c4: {  	[tilespmem:s23+$0x6F50] =	vst.add.f32.msk $0xffff, v32  }
0x4c5: {  	[tilespmem:s23+$0x6F60] =	vst.add.f32.msk $0xffff, v33  }
0x4c6: {  	[tilespmem:s23+$0x6F70] =	vst.add.f32.msk $0xffff, v34  }
0x4c7: {  	[tilespmem:s23+$0x7300] =	vst.add.f32.msk $0xffff, v35  }
0x4c8: {  	[tilespmem:s23+$0x7310] =	vst.add.f32.msk $0xffff, v36  }
0x4c9: {  	[tilespmem:s23+$0x7320] =	vst.add.f32.msk $0xffff, v37  }
0x4ca: {  	[tilespmem:s23+$0x7330] =	vst.add.f32.msk $0xffff, v38  }
0x4cb: {  	[tilespmem:s23+$0x7340] =	vst.add.f32.msk $0xffff, v39  }
0x4cc: {  	[tilespmem:s23+$0x7350] =	vst.add.f32.msk $0xffff, v40  }
0x4cd: {  	[tilespmem:s23+$0x7360] =	vst.add.f32.msk $0xffff, v41  }
0x4ce: {  	[tilespmem:s23+$0x7370] =	vst.add.f32.msk $0xffff, v42  }
0x4cf: {  	[tilespmem:s23+$0x7700] =	vst.add.f32.msk $0xffff, v43  }
0x4d0: {  	[tilespmem:s23+$0x7710] =	vst.add.f32.msk $0xffff, v44  }
0x4d1: {  	[tilespmem:s23+$0x7720] =	vst.add.f32.msk $0xffff, v45  }
0x4d2: {  	[tilespmem:s23+$0x7730] =	vst.add.f32.msk $0xffff, v46  }
0x4d3: {  	[tilespmem:s23+$0x7740] =	vst.add.f32.msk $0xffff, v47  }
0x4d4: {  	[tilespmem:s23+$0x7750] =	vst.add.f32.msk $0xffff, v48  }
0x4d5: {  	[tilespmem:s23+$0x7760] =	vst.add.f32.msk $0xffff, v49  }
0x4d6: {  	[tilespmem:s23+$0x6340] =	vst.add.f32.msk $0xffff, v3  }
0x4d7: {  	v3 =	vld [tilespmem:$0x280];
	_ =	sdelay $0x4  }
0x4d8: {  	v4 =	vshrl.u32 v3, $0x3  }
0x4d9: {  	v4 =	vmul.u32 $0x30, v4  }
0x4da: {  	v3 =	vand.u32 $0x7, v3  }
0x4db: {  	v3 =	vor.u32 v3, v4  }
0x4dc: {  	v4 =	vperm.xlane v3, v0;
	_ =	sdelay $0x1  }
0x4dd: {  	v4 =	vadd.s32 v1, v4;
	_ =	sdelay $0x2  }
0x4de: {  	s31 =	rddreg [dreg:$0x2]  }
0x4df: {  	s25 =	simm.s32 $0x0;
	s26 =	simm.s32 $0x12300;
	s4 =	sld [smem:$0x7FC]  }
0x4e0: {  	[tilespmem:s26], [sflag:$0xD] =	stream.indirect_vreg.gather [hbm4b:s31+s25], $0x80, v4, vm0, $0xb8;
	[tilespmem:$0x15300] =	vst v63  }
0x4e1: {  	s5 =	simm.s32 $0x12B00;
	v3 =	vperm.xlane v3, v2  }
0x4e2: {  	[tilespmem:s5], [sflag:$0xD] =	stream.indirect_vreg.gather [hbm4b:s4+s25], $0x80, v4, vm0, $0xb8;
	[tilespmem:$0x15300] =	vst v63  }
0x4e3: {  	v3 =	vadd.s32 v1, v3;
	s5 =	sld [smem:$0x7FD];
	_ =	sdelay $0x1  }
0x4e4: {  	s8 =	simm.s32 $0x13300  }
0x4e5: {  	[tilespmem:s8], [sflag:$0xD] =	stream.indirect_vreg.gather [hbm4b:s5+s25], $0x80, v4, vm0, $0xb8;
	[tilespmem:$0x15300] =	vst v63  }
0x4e6: {  	s9 =	simm.s32 $0x13B00  }
0x4e7: {  	[tilespmem:s9], [sflag:$0xD] =	stream.indirect_vreg.gather [hbm4b:s31+s25], $0x80, v3, vm0, $0xb8;
	[tilespmem:$0x15300] =	vst v63  }
0x4e8: {  	s10 =	simm.s32 $0x14300  }
0x4e9: {  	[tilespmem:s10], [sflag:$0xD] =	stream.indirect_vreg.gather [hbm4b:s4+s25], $0x80, v3, vm0, $0xb8;
	[tilespmem:$0x15300] =	vst v63  }
0x4ea: {  	s13 =	simm.s32 $0x14B00  }
0x4eb: {  	[tilespmem:s13], [sflag:$0xD] =	stream.indirect_vreg.gather [hbm4b:s5+s25], $0x80, v3, vm0, $0xb8;
	[tilespmem:$0x15300] =	vst v63  }
0x4ec: {  	s14 =	rddreg [dreg:$0x1b];
	s15 =	simm.s32 $0x9  }
0x4ed: {  	[hbm4b:s14+s25] =	stream.linear.scatter [tilespmem:s18], [sflag:$0x9], $0x3000, $0x38;
	[tilespmem:$0x15300] =	vst v63  }
0x4ee: {  	_ =	swait.ge [sflag:s15], $0x3000  }
0x4ef: {  	[sflag:s15] =	ssyncset.done $0x0  }
0x4f0: {  	[sflag:s15] =	ssyncadd.s32 $0xFFFFD000  }
0x4f1: {  	v3 =	vld [tilespmem:$0x80];
	_ =	sdelay $0x4  }
0x4f2: {  	v4 =	vshrl.u32 v3, $0x3  }
0x4f3: {  	v4 =	vmul.u32 $0x30, v4  }
0x4f4: {  	v3 =	vand.u32 $0x7, v3  }
0x4f5: {  	v3 =	vor.u32 v3, v4  }
0x4f6: {  	v4 =	vperm.xlane v3, v0;
	_ =	sdelay $0x1  }
0x4f7: {  	v4 =	vadd.s32 v1, v4;
	_ =	sdelay $0x3  }
0x4f8: {  	v3 =	vperm.xlane v3, v2  }
0x4f9: {  	[tilespmem:s18], [sflag:$0x3] =	stream.indirect_vreg.gather [hbm4b:s3+s25], $0x80, v4, vm0, $0xb8;
	[tilespmem:$0x15300] =	vst v63  }
0x4fa: {  	s17 =	simm.s32 $0x6B00;
	v3 =	vadd.s32 v1, v3  }
0x4fb: {  	[tilespmem:s17], [sflag:$0x3] =	stream.indirect_vreg.gather [hbm4b:s11+s25], $0x80, v4, vm0, $0xb8;
	[tilespmem:$0x15300] =	vst v63  }
0x4fc: {  	_ = 	snop  }
0x4fd: {  	[tilespmem:s24], [sflag:$0x3] =	stream.indirect_vreg.gather [hbm4b:s12+s25], $0x80, v4, vm0, $0xb8;
	[tilespmem:$0x15300] =	vst v63  }
0x4fe: {  	s19 =	simm.s32 $0x7B00  }
0x4ff: {  	[tilespmem:s19], [sflag:$0x3] =	stream.indirect_vreg.gather [hbm4b:s3+s25], $0x80, v3, vm0, $0xb8;
	[tilespmem:$0x15300] =	vst v63  }
0x500: {  	s22 =	simm.s32 $0x8300  }
0x501: {  	[tilespmem:s22], [sflag:$0x3] =	stream.indirect_vreg.gather [hbm4b:s11+s25], $0x80, v3, vm0, $0xb8;
	[tilespmem:$0x15300] =	vst v63  }
0x502: {  	s23 =	simm.s32 $0x4  }
0x503: {  	[tilespmem:s16], [sflag:$0x3] =	stream.indirect_vreg.gather [hbm4b:s12+s25], $0x80, v3, vm0, $0xb8;
	[tilespmem:$0x15300] =	vst v63  }
0x504: {  	_ =	swait.ge [sflag:s23], $0x3000  }
0x505: {  	[sflag:s23] =	ssyncset.done $0x0  }
0x506: {  	s26 =	simm.s32 $0x0;
	[sflag:s23] =	ssyncadd.s32 $0xFFFFD000  }
0x507: {  	s0 =	smul.u32 $0x1800, s26;
	_ =	swait.ge [sflag:s6], $0x3000  }
0x508: {  	s31 =	sand.u32 $0x380, s25;
	[sflag:s6] =	ssyncset.done $0x0  }
0x509: {  	s26 =	sor.u32 s31, s0;
	[sflag:s6] =	ssyncadd.s32 $0xFFFFD000  }
0x50a: {  	v3 =	vld [tilespmem:s26+$0x13770]  }
0x50b: {  	v6 =	vld [tilespmem:s26+$0x12300]  }
0x50c: {  	v7 =	vld [tilespmem:s26+$0x12310]  }
0x50d: {  	v8 =	vld [tilespmem:s26+$0x12320]  }
0x50e: {  	v9 =	vld [tilespmem:s26+$0x12330]  }
0x50f: {  	v10 =	vld [tilespmem:s26+$0x12340]  }
0x510: {  	v11 =	vld [tilespmem:s26+$0x12350]  }
0x511: {  	v12 =	vld [tilespmem:s26+$0x12360]  }
0x512: {  	v13 =	vld [tilespmem:s26+$0x12370]  }
0x513: {  	v14 =	vld [tilespmem:s26+$0x12700]  }
0x514: {  	v15 =	vld [tilespmem:s26+$0x12710]  }
0x515: {  	v16 =	vld [tilespmem:s26+$0x12720]  }
0x516: {  	v17 =	vld [tilespmem:s26+$0x12730]  }
0x517: {  	v18 =	vld [tilespmem:s26+$0x12740]  }
0x518: {  	v19 =	vld [tilespmem:s26+$0x12750]  }
0x519: {  	v20 =	vld [tilespmem:s26+$0x12760]  }
0x51a: {  	v21 =	vld [tilespmem:s26+$0x12770]  }
0x51b: {  	v22 =	vld [tilespmem:s26+$0x12B00]  }
0x51c: {  	v23 =	vld [tilespmem:s26+$0x12B10]  }
0x51d: {  	v24 =	vld [tilespmem:s26+$0x12B20]  }
0x51e: {  	v25 =	vld [tilespmem:s26+$0x12B30]  }
0x51f: {  	v26 =	vld [tilespmem:s26+$0x12B40]  }
0x520: {  	v27 =	vld [tilespmem:s26+$0x12B50]  }
0x521: {  	v28 =	vld [tilespmem:s26+$0x12B60]  }
0x522: {  	v29 =	vld [tilespmem:s26+$0x12B70]  }
0x523: {  	v30 =	vld [tilespmem:s26+$0x12F00]  }
0x524: {  	v31 =	vld [tilespmem:s26+$0x12F10]  }
0x525: {  	v32 =	vld [tilespmem:s26+$0x12F20]  }
0x526: {  	v33 =	vld [tilespmem:s26+$0x12F30]  }
0x527: {  	v34 =	vld [tilespmem:s26+$0x12F40]  }
0x528: {  	v35 =	vld [tilespmem:s26+$0x12F50]  }
0x529: {  	v36 =	vld [tilespmem:s26+$0x12F60]  }
0x52a: {  	v37 =	vld [tilespmem:s26+$0x12F70]  }
0x52b: {  	v52 =	vld [tilespmem:s26+$0x13300]  }
0x52c: {  	v53 =	vld [tilespmem:s26+$0x13310]  }
0x52d: {  	v54 =	vld [tilespmem:s26+$0x13320]  }
0x52e: {  	v55 =	vld [tilespmem:s26+$0x13330]  }
0x52f: {  	v56 =	vld [tilespmem:s26+$0x13340]  }
0x530: {  	v57 =	vld [tilespmem:s26+$0x13350]  }
0x531: {  	v58 =	vld [tilespmem:s26+$0x13360]  }
0x532: {  	v59 =	vld [tilespmem:s26+$0x13370]  }
0x533: {  	v60 =	vld [tilespmem:s26+$0x13700]  }
0x534: {  	v61 =	vld [tilespmem:s26+$0x13710]  }
0x535: {  	v62 =	vld [tilespmem:s26+$0x13720]  }
0x536: {  	v63 =	vld [tilespmem:s26+$0x13730]  }
0x537: {  	v5 =	vld [tilespmem:s26+$0x13740]  }
0x538: {  	v4 =	vld [tilespmem:s26+$0x13750]  }
0x539: {  	[tilespmem:s26+$0xA770] =	vst.add.f32.msk $0xffff, v3  }
0x53a: {  	v3 =	vld [tilespmem:s26+$0x13760]  }
0x53b: {  	[tilespmem:s26+$0x9300] =	vst.add.f32.msk $0xffff, v6  }
0x53c: {  	[tilespmem:s26+$0x9310] =	vst.add.f32.msk $0xffff, v7  }
0x53d: {  	[tilespmem:s26+$0x9320] =	vst.add.f32.msk $0xffff, v8  }
0x53e: {  	[tilespmem:s26+$0x9330] =	vst.add.f32.msk $0xffff, v9  }
0x53f: {  	[tilespmem:s26+$0x9340] =	vst.add.f32.msk $0xffff, v10  }
0x540: {  	[tilespmem:s26+$0x9350] =	vst.add.f32.msk $0xffff, v11  }
0x541: {  	[tilespmem:s26+$0x9360] =	vst.add.f32.msk $0xffff, v12  }
0x542: {  	[tilespmem:s26+$0x9370] =	vst.add.f32.msk $0xffff, v13  }
0x543: {  	[tilespmem:s26+$0x9700] =	vst.add.f32.msk $0xffff, v14  }
0x544: {  	[tilespmem:s26+$0x9710] =	vst.add.f32.msk $0xffff, v15  }
0x545: {  	[tilespmem:s26+$0x9720] =	vst.add.f32.msk $0xffff, v16  }
0x546: {  	[tilespmem:s26+$0x9730] =	vst.add.f32.msk $0xffff, v17  }
0x547: {  	[tilespmem:s26+$0x9740] =	vst.add.f32.msk $0xffff, v18  }
0x548: {  	[tilespmem:s26+$0x9750] =	vst.add.f32.msk $0xffff, v19  }
0x549: {  	[tilespmem:s26+$0x9760] =	vst.add.f32.msk $0xffff, v20  }
0x54a: {  	[tilespmem:s26+$0x9770] =	vst.add.f32.msk $0xffff, v21  }
0x54b: {  	[tilespmem:s26+$0x9B00] =	vst.add.f32.msk $0xffff, v22  }
0x54c: {  	[tilespmem:s26+$0x9B10] =	vst.add.f32.msk $0xffff, v23  }
0x54d: {  	[tilespmem:s26+$0x9B20] =	vst.add.f32.msk $0xffff, v24  }
0x54e: {  	[tilespmem:s26+$0x9B30] =	vst.add.f32.msk $0xffff, v25  }
0x54f: {  	[tilespmem:s26+$0x9B40] =	vst.add.f32.msk $0xffff, v26  }
0x550: {  	[tilespmem:s26+$0x9B50] =	vst.add.f32.msk $0xffff, v27  }
0x551: {  	[tilespmem:s26+$0x9B60] =	vst.add.f32.msk $0xffff, v28  }
0x552: {  	[tilespmem:s26+$0x9B70] =	vst.add.f32.msk $0xffff, v29  }
0x553: {  	[tilespmem:s26+$0x9F00] =	vst.add.f32.msk $0xffff, v30  }
0x554: {  	[tilespmem:s26+$0x9F10] =	vst.add.f32.msk $0xffff, v31  }
0x555: {  	[tilespmem:s26+$0x9F20] =	vst.add.f32.msk $0xffff, v32  }
0x556: {  	[tilespmem:s26+$0x9F30] =	vst.add.f32.msk $0xffff, v33  }
0x557: {  	[tilespmem:s26+$0x9F40] =	vst.add.f32.msk $0xffff, v34  }
0x558: {  	[tilespmem:s26+$0x9F50] =	vst.add.f32.msk $0xffff, v35  }
0x559: {  	[tilespmem:s26+$0x9F60] =	vst.add.f32.msk $0xffff, v36  }
0x55a: {  	[tilespmem:s26+$0x9F70] =	vst.add.f32.msk $0xffff, v37  }
0x55b: {  	[tilespmem:s26+$0xA300] =	vst.add.f32.msk $0xffff, v52  }
0x55c: {  	[tilespmem:s26+$0xA310] =	vst.add.f32.msk $0xffff, v53  }
0x55d: {  	[tilespmem:s26+$0xA320] =	vst.add.f32.msk $0xffff, v54  }
0x55e: {  	[tilespmem:s26+$0xA330] =	vst.add.f32.msk $0xffff, v55  }
0x55f: {  	[tilespmem:s26+$0xA340] =	vst.add.f32.msk $0xffff, v56  }
0x560: {  	[tilespmem:s26+$0xA350] =	vst.add.f32.msk $0xffff, v57  }
0x561: {  	[tilespmem:s26+$0xA360] =	vst.add.f32.msk $0xffff, v58  }
0x562: {  	[tilespmem:s26+$0xA370] =	vst.add.f32.msk $0xffff, v59  }
0x563: {  	[tilespmem:s26+$0xA700] =	vst.add.f32.msk $0xffff, v60  }
0x564: {  	[tilespmem:s26+$0xA710] =	vst.add.f32.msk $0xffff, v61  }
0x565: {  	[tilespmem:s26+$0xA720] =	vst.add.f32.msk $0xffff, v62  }
0x566: {  	s28 =	simm.s32 $0x2;
	s0 =	simm.s32 $0x0;
	[tilespmem:s26+$0xA730] =	vst.add.f32.msk $0xffff, v63  }
.LBB2_8:
0x567: {  	p0 =	sne.s32 s28, $0xF;
	s0 =	smul.u32 $0x1800, s0;
	[tilespmem:s26+$0xA740] =	vst.add.f32.msk $0xffff, v5;
	s25 =	sadd.s32 $0x80, s25  }
0x568: {  	s2 =	sand.u32 $0x380, s25;
	[tilespmem:s26+$0xA750] =	vst.add.f32.msk $0xffff, v4  }
0x569: {  	[tilespmem:s26+$0xA760] =	vst.add.f32.msk $0xffff, v3;
	s26 =	sor.u32 s2, s0  }
0x56a: {  	v3 =	vld [tilespmem:s26+$0x13770]  }
0x56b: {  	v6 =	vld [tilespmem:s26+$0x12300]  }
0x56c: {  	v7 =	vld [tilespmem:s26+$0x12310]  }
0x56d: {  	v8 =	vld [tilespmem:s26+$0x12320]  }
0x56e: {  	v9 =	vld [tilespmem:s26+$0x12330]  }
0x56f: {  	[tilespmem:s26+$0xA770] =	vst.add.f32.msk $0xffff, v3  }
0x570: {  	v10 =	vld [tilespmem:s26+$0x12340]  }
0x571: {  	v11 =	vld [tilespmem:s26+$0x12350]  }
0x572: {  	v12 =	vld [tilespmem:s26+$0x12360]  }
0x573: {  	v13 =	vld [tilespmem:s26+$0x12370]  }
0x574: {  	v14 =	vld [tilespmem:s26+$0x12700]  }
0x575: {  	v15 =	vld [tilespmem:s26+$0x12710]  }
0x576: {  	v16 =	vld [tilespmem:s26+$0x12720]  }
0x577: {  	v17 =	vld [tilespmem:s26+$0x12730]  }
0x578: {  	v18 =	vld [tilespmem:s26+$0x12740]  }
0x579: {  	v19 =	vld [tilespmem:s26+$0x12750]  }
0x57a: {  	v20 =	vld [tilespmem:s26+$0x12760]  }
0x57b: {  	v21 =	vld [tilespmem:s26+$0x12770]  }
0x57c: {  	v22 =	vld [tilespmem:s26+$0x12B00]  }
0x57d: {  	v23 =	vld [tilespmem:s26+$0x12B10]  }
0x57e: {  	v24 =	vld [tilespmem:s26+$0x12B20]  }
0x57f: {  	v25 =	vld [tilespmem:s26+$0x12B30]  }
0x580: {  	v26 =	vld [tilespmem:s26+$0x12B40]  }
0x581: {  	v27 =	vld [tilespmem:s26+$0x12B50]  }
0x582: {  	v28 =	vld [tilespmem:s26+$0x12B60]  }
0x583: {  	v29 =	vld [tilespmem:s26+$0x12B70]  }
0x584: {  	v30 =	vld [tilespmem:s26+$0x12F00]  }
0x585: {  	v31 =	vld [tilespmem:s26+$0x12F10]  }
0x586: {  	v32 =	vld [tilespmem:s26+$0x12F20]  }
0x587: {  	v33 =	vld [tilespmem:s26+$0x12F30]  }
0x588: {  	v34 =	vld [tilespmem:s26+$0x12F40]  }
0x589: {  	v35 =	vld [tilespmem:s26+$0x12F50]  }
0x58a: {  	v36 =	vld [tilespmem:s26+$0x12F60]  }
0x58b: {  	v37 =	vld [tilespmem:s26+$0x12F70]  }
0x58c: {  	v38 =	vld [tilespmem:s26+$0x13300]  }
0x58d: {  	v39 =	vld [tilespmem:s26+$0x13310]  }
0x58e: {  	v40 =	vld [tilespmem:s26+$0x13320]  }
0x58f: {  	v41 =	vld [tilespmem:s26+$0x13330]  }
0x590: {  	v42 =	vld [tilespmem:s26+$0x13340]  }
0x591: {  	v43 =	vld [tilespmem:s26+$0x13350]  }
0x592: {  	v44 =	vld [tilespmem:s26+$0x13360]  }
0x593: {  	v45 =	vld [tilespmem:s26+$0x13370]  }
0x594: {  	v46 =	vld [tilespmem:s26+$0x13700]  }
0x595: {  	v47 =	vld [tilespmem:s26+$0x13710]  }
0x596: {  	v48 =	vld [tilespmem:s26+$0x13720]  }
0x597: {  	v49 =	vld [tilespmem:s26+$0x13730]  }
0x598: {  	v5 =	vld [tilespmem:s26+$0x13740]  }
0x599: {  	v4 =	vld [tilespmem:s26+$0x13750]  }
0x59a: {  	v3 =	vld [tilespmem:s26+$0x13760]  }
0x59b: {  	[tilespmem:s26+$0x9300] =	vst.add.f32.msk $0xffff, v6  }
0x59c: {  	[tilespmem:s26+$0x9310] =	vst.add.f32.msk $0xffff, v7  }
0x59d: {  	[tilespmem:s26+$0x9320] =	vst.add.f32.msk $0xffff, v8  }
0x59e: {  	[tilespmem:s26+$0x9330] =	vst.add.f32.msk $0xffff, v9  }
0x59f: {  	[tilespmem:s26+$0x9340] =	vst.add.f32.msk $0xffff, v10  }
0x5a0: {  	[tilespmem:s26+$0x9350] =	vst.add.f32.msk $0xffff, v11  }
0x5a1: {  	[tilespmem:s26+$0x9360] =	vst.add.f32.msk $0xffff, v12  }
0x5a2: {  	[tilespmem:s26+$0x9370] =	vst.add.f32.msk $0xffff, v13  }
0x5a3: {  	[tilespmem:s26+$0x9700] =	vst.add.f32.msk $0xffff, v14  }
0x5a4: {  	[tilespmem:s26+$0x9710] =	vst.add.f32.msk $0xffff, v15  }
0x5a5: {  	[tilespmem:s26+$0x9720] =	vst.add.f32.msk $0xffff, v16  }
0x5a6: {  	[tilespmem:s26+$0x9730] =	vst.add.f32.msk $0xffff, v17  }
0x5a7: {  	[tilespmem:s26+$0x9740] =	vst.add.f32.msk $0xffff, v18  }
0x5a8: {  	[tilespmem:s26+$0x9750] =	vst.add.f32.msk $0xffff, v19  }
0x5a9: {  	[tilespmem:s26+$0x9760] =	vst.add.f32.msk $0xffff, v20  }
0x5aa: {  	[tilespmem:s26+$0x9770] =	vst.add.f32.msk $0xffff, v21  }
0x5ab: {  	[tilespmem:s26+$0x9B00] =	vst.add.f32.msk $0xffff, v22  }
0x5ac: {  	[tilespmem:s26+$0x9B10] =	vst.add.f32.msk $0xffff, v23  }
0x5ad: {  	[tilespmem:s26+$0x9B20] =	vst.add.f32.msk $0xffff, v24  }
0x5ae: {  	[tilespmem:s26+$0x9B30] =	vst.add.f32.msk $0xffff, v25  }
0x5af: {  	[tilespmem:s26+$0x9B40] =	vst.add.f32.msk $0xffff, v26  }
0x5b0: {  	[tilespmem:s26+$0x9B50] =	vst.add.f32.msk $0xffff, v27  }
0x5b1: {  	[tilespmem:s26+$0x9B60] =	vst.add.f32.msk $0xffff, v28  }
0x5b2: {  	[tilespmem:s26+$0x9B70] =	vst.add.f32.msk $0xffff, v29  }
0x5b3: {  	[tilespmem:s26+$0x9F00] =	vst.add.f32.msk $0xffff, v30  }
0x5b4: {  	[tilespmem:s26+$0x9F10] =	vst.add.f32.msk $0xffff, v31  }
0x5b5: {  	[tilespmem:s26+$0x9F20] =	vst.add.f32.msk $0xffff, v32  }
0x5b6: {  	[tilespmem:s26+$0x9F30] =	vst.add.f32.msk $0xffff, v33  }
0x5b7: {  	[tilespmem:s26+$0x9F40] =	vst.add.f32.msk $0xffff, v34  }
0x5b8: {  	[tilespmem:s26+$0x9F50] =	vst.add.f32.msk $0xffff, v35  }
0x5b9: {  	[tilespmem:s26+$0x9F60] =	vst.add.f32.msk $0xffff, v36  }
0x5ba: {  	[tilespmem:s26+$0x9F70] =	vst.add.f32.msk $0xffff, v37  }
0x5bb: {  	[tilespmem:s26+$0xA300] =	vst.add.f32.msk $0xffff, v38  }
0x5bc: {  	[tilespmem:s26+$0xA310] =	vst.add.f32.msk $0xffff, v39  }
0x5bd: {  	[tilespmem:s26+$0xA320] =	vst.add.f32.msk $0xffff, v40  }
0x5be: {  	[tilespmem:s26+$0xA330] =	vst.add.f32.msk $0xffff, v41  }
0x5bf: {  	[tilespmem:s26+$0xA340] =	vst.add.f32.msk $0xffff, v42  }
0x5c0: {  	[tilespmem:s26+$0xA350] =	vst.add.f32.msk $0xffff, v43  }
0x5c1: {  	[tilespmem:s26+$0xA360] =	vst.add.f32.msk $0xffff, v44  }
.Ltmp3:
0x5c2: {  	[tilespmem:s26+$0xA370] =	vst.add.f32.msk $0xffff, v45;
	(pc) =	sbr.rel @p0 .LBB2_8-.Ltmp3, $4  }
0x5c3: {  	[tilespmem:s26+$0xA700] =	vst.add.f32.msk $0xffff, v46  }
0x5c4: {  	[tilespmem:s26+$0xA710] =	vst.add.f32.msk $0xffff, v47  }
0x5c5: {  	[tilespmem:s26+$0xA720] =	vst.add.f32.msk $0xffff, v48  }
0x5c6: {  	s0 =	sshrl.u32 s28, $0x3;
	s28 =	sadd.s32 $0x1, s28;
	[tilespmem:s26+$0xA730] =	vst.add.f32.msk $0xffff, v49  }
0x5c7: {  	s0 =	smul.u32 $0x1800, s0;
	[tilespmem:s26+$0xA740] =	vst.add.f32.msk $0xffff, v5;
	s2 =	sadd.s32 $0x80, s25  }
0x5c8: {  	[tilespmem:s26+$0xA750] =	vst.add.f32.msk $0xffff, v4;
	s2 =	sand.u32 $0x380, s2  }
0x5c9: {  	[tilespmem:s26+$0xA760] =	vst.add.f32.msk $0xffff, v3;
	s9 =	sor.u32 s2, s0  }
0x5ca: {  	v3 =	vld [tilespmem:s9+$0x13770]  }
0x5cb: {  	v4 =	vld [tilespmem:s9+$0x12300]  }
0x5cc: {  	v5 =	vld [tilespmem:s9+$0x12310]  }
0x5cd: {  	v6 =	vld [tilespmem:s9+$0x12320]  }
0x5ce: {  	v7 =	vld [tilespmem:s9+$0x12330]  }
0x5cf: {  	v8 =	vld [tilespmem:s9+$0x12350]  }
0x5d0: {  	v9 =	vld [tilespmem:s9+$0x12360]  }
0x5d1: {  	v10 =	vld [tilespmem:s9+$0x12370]  }
0x5d2: {  	v11 =	vld [tilespmem:s9+$0x12700]  }
0x5d3: {  	v12 =	vld [tilespmem:s9+$0x12710]  }
0x5d4: {  	v13 =	vld [tilespmem:s9+$0x12720]  }
0x5d5: {  	v14 =	vld [tilespmem:s9+$0x12730]  }
0x5d6: {  	v15 =	vld [tilespmem:s9+$0x12740]  }
0x5d7: {  	v16 =	vld [tilespmem:s9+$0x12750]  }
0x5d8: {  	v17 =	vld [tilespmem:s9+$0x12760]  }
0x5d9: {  	v18 =	vld [tilespmem:s9+$0x12770]  }
0x5da: {  	v19 =	vld [tilespmem:s9+$0x12B00]  }
0x5db: {  	v20 =	vld [tilespmem:s9+$0x12B10]  }
0x5dc: {  	v21 =	vld [tilespmem:s9+$0x12B20]  }
0x5dd: {  	v22 =	vld [tilespmem:s9+$0x12B30]  }
0x5de: {  	v23 =	vld [tilespmem:s9+$0x12B40]  }
0x5df: {  	v24 =	vld [tilespmem:s9+$0x12B50]  }
0x5e0: {  	v25 =	vld [tilespmem:s9+$0x12B60]  }
0x5e1: {  	v26 =	vld [tilespmem:s9+$0x12B70]  }
0x5e2: {  	v27 =	vld [tilespmem:s9+$0x12F00]  }
0x5e3: {  	v28 =	vld [tilespmem:s9+$0x12F10]  }
0x5e4: {  	v29 =	vld [tilespmem:s9+$0x12F20]  }
0x5e5: {  	v30 =	vld [tilespmem:s9+$0x12F30]  }
0x5e6: {  	v31 =	vld [tilespmem:s9+$0x12F40]  }
0x5e7: {  	v32 =	vld [tilespmem:s9+$0x12F50]  }
0x5e8: {  	v33 =	vld [tilespmem:s9+$0x12F60]  }
0x5e9: {  	v34 =	vld [tilespmem:s9+$0x12F70]  }
0x5ea: {  	v35 =	vld [tilespmem:s9+$0x13300]  }
0x5eb: {  	v36 =	vld [tilespmem:s9+$0x13310]  }
0x5ec: {  	v37 =	vld [tilespmem:s9+$0x13320]  }
0x5ed: {  	v38 =	vld [tilespmem:s9+$0x13330]  }
0x5ee: {  	v39 =	vld [tilespmem:s9+$0x13340]  }
0x5ef: {  	v40 =	vld [tilespmem:s9+$0x13350]  }
0x5f0: {  	v41 =	vld [tilespmem:s9+$0x13360]  }
0x5f1: {  	v42 =	vld [tilespmem:s9+$0x13370]  }
0x5f2: {  	v43 =	vld [tilespmem:s9+$0x13700]  }
0x5f3: {  	v44 =	vld [tilespmem:s9+$0x13710]  }
0x5f4: {  	v45 =	vld [tilespmem:s9+$0x13720]  }
0x5f5: {  	v46 =	vld [tilespmem:s9+$0x13730]  }
0x5f6: {  	v47 =	vld [tilespmem:s9+$0x13740]  }
0x5f7: {  	v48 =	vld [tilespmem:s9+$0x13750]  }
0x5f8: {  	v49 =	vld [tilespmem:s9+$0x13760]  }
0x5f9: {  	[tilespmem:s9+$0xA770] =	vst.add.f32.msk $0xffff, v3  }
0x5fa: {  	v3 =	vld [tilespmem:s9+$0x12340]  }
0x5fb: {  	[tilespmem:s9+$0x9300] =	vst.add.f32.msk $0xffff, v4  }
0x5fc: {  	[tilespmem:s9+$0x9310] =	vst.add.f32.msk $0xffff, v5  }
0x5fd: {  	[tilespmem:s9+$0x9320] =	vst.add.f32.msk $0xffff, v6  }
0x5fe: {  	[tilespmem:s9+$0x9330] =	vst.add.f32.msk $0xffff, v7  }
0x5ff: {  	[tilespmem:s9+$0x9350] =	vst.add.f32.msk $0xffff, v8  }
0x600: {  	[tilespmem:s9+$0x9360] =	vst.add.f32.msk $0xffff, v9  }
0x601: {  	[tilespmem:s9+$0x9370] =	vst.add.f32.msk $0xffff, v10  }
0x602: {  	[tilespmem:s9+$0x9700] =	vst.add.f32.msk $0xffff, v11  }
0x603: {  	[tilespmem:s9+$0x9710] =	vst.add.f32.msk $0xffff, v12  }
0x604: {  	[tilespmem:s9+$0x9720] =	vst.add.f32.msk $0xffff, v13  }
0x605: {  	[tilespmem:s9+$0x9730] =	vst.add.f32.msk $0xffff, v14  }
0x606: {  	[tilespmem:s9+$0x9740] =	vst.add.f32.msk $0xffff, v15  }
0x607: {  	[tilespmem:s9+$0x9750] =	vst.add.f32.msk $0xffff, v16  }
0x608: {  	[tilespmem:s9+$0x9760] =	vst.add.f32.msk $0xffff, v17  }
0x609: {  	[tilespmem:s9+$0x9770] =	vst.add.f32.msk $0xffff, v18  }
0x60a: {  	[tilespmem:s9+$0x9B00] =	vst.add.f32.msk $0xffff, v19  }
0x60b: {  	[tilespmem:s9+$0x9B10] =	vst.add.f32.msk $0xffff, v20  }
0x60c: {  	[tilespmem:s9+$0x9B20] =	vst.add.f32.msk $0xffff, v21  }
0x60d: {  	[tilespmem:s9+$0x9B30] =	vst.add.f32.msk $0xffff, v22  }
0x60e: {  	[tilespmem:s9+$0x9B40] =	vst.add.f32.msk $0xffff, v23  }
0x60f: {  	[tilespmem:s9+$0x9B50] =	vst.add.f32.msk $0xffff, v24  }
0x610: {  	[tilespmem:s9+$0x9B60] =	vst.add.f32.msk $0xffff, v25  }
0x611: {  	[tilespmem:s9+$0x9B70] =	vst.add.f32.msk $0xffff, v26  }
0x612: {  	[tilespmem:s9+$0x9F00] =	vst.add.f32.msk $0xffff, v27  }
0x613: {  	[tilespmem:s9+$0x9F10] =	vst.add.f32.msk $0xffff, v28  }
0x614: {  	[tilespmem:s9+$0x9F20] =	vst.add.f32.msk $0xffff, v29  }
0x615: {  	[tilespmem:s9+$0x9F30] =	vst.add.f32.msk $0xffff, v30  }
0x616: {  	[tilespmem:s9+$0x9F40] =	vst.add.f32.msk $0xffff, v31  }
0x617: {  	[tilespmem:s9+$0x9F50] =	vst.add.f32.msk $0xffff, v32  }
0x618: {  	[tilespmem:s9+$0x9F60] =	vst.add.f32.msk $0xffff, v33  }
0x619: {  	[tilespmem:s9+$0x9F70] =	vst.add.f32.msk $0xffff, v34  }
0x61a: {  	[tilespmem:s9+$0xA300] =	vst.add.f32.msk $0xffff, v35  }
0x61b: {  	[tilespmem:s9+$0xA310] =	vst.add.f32.msk $0xffff, v36  }
0x61c: {  	[tilespmem:s9+$0xA320] =	vst.add.f32.msk $0xffff, v37  }
0x61d: {  	[tilespmem:s9+$0xA330] =	vst.add.f32.msk $0xffff, v38  }
0x61e: {  	[tilespmem:s9+$0xA340] =	vst.add.f32.msk $0xffff, v39  }
0x61f: {  	[tilespmem:s9+$0xA350] =	vst.add.f32.msk $0xffff, v40  }
0x620: {  	[tilespmem:s9+$0xA360] =	vst.add.f32.msk $0xffff, v41  }
0x621: {  	[tilespmem:s9+$0xA370] =	vst.add.f32.msk $0xffff, v42  }
0x622: {  	[tilespmem:s9+$0xA700] =	vst.add.f32.msk $0xffff, v43  }
0x623: {  	[tilespmem:s9+$0xA710] =	vst.add.f32.msk $0xffff, v44  }
0x624: {  	[tilespmem:s9+$0xA720] =	vst.add.f32.msk $0xffff, v45  }
0x625: {  	[tilespmem:s9+$0xA730] =	vst.add.f32.msk $0xffff, v46  }
0x626: {  	[tilespmem:s9+$0xA740] =	vst.add.f32.msk $0xffff, v47  }
0x627: {  	[tilespmem:s9+$0xA750] =	vst.add.f32.msk $0xffff, v48  }
0x628: {  	[tilespmem:s9+$0xA760] =	vst.add.f32.msk $0xffff, v49  }
0x629: {  	s10 =	rddreg [dreg:$0x1c];
	s5 =	simm.s32 $0x9300;
	s15 =	simm.s32 $0xA;
	[tilespmem:s9+$0x9340] =	vst.add.f32.msk $0xffff, v3  }
0x62a: {  	[hbm4b:s10+s1] =	stream.linear.scatter [tilespmem:s5], [sflag:$0xA], $0x3000, $0x38;
	[tilespmem:$0x15300] =	vst v63  }
0x62b: {  	_ =	swait.ge [sflag:s15], $0x3000  }
0x62c: {  	[sflag:s15] =	ssyncset.done $0x0  }
0x62d: {  	[sflag:s15] =	ssyncadd.s32 $0xFFFFD000  }
0x62e: {  	v3 =	vld [tilespmem:$0x90];
	_ =	sdelay $0x4  }
0x62f: {  	v57 =	vshrl.u32 v3, $0x3  }
0x630: {  	v4 =	vmul.u32 $0x30, v57  }
0x631: {  	v3 =	vand.u32 $0x7, v3  }
0x632: {  	v3 =	vor.u32 v3, v4  }
0x633: {  	v4 =	vperm.xlane v3, v0;
	_ =	sdelay $0x1  }
0x634: {  	v4 =	vadd.s32 v1, v4;
	_ =	sdelay $0x3  }
0x635: {  	v3 =	vperm.xlane v3, v2  }
0x636: {  	[tilespmem:s5], [sflag:$0x4] =	stream.indirect_vreg.gather [hbm4b:s3+s1], $0x80, v4, vm0, $0xb8;
	[tilespmem:$0x15300] =	vst v63  }
0x637: {  	s4 =	simm.s32 $0x9B00;
	v3 =	vadd.s32 v1, v3  }
0x638: {  	[tilespmem:s4], [sflag:$0x4] =	stream.indirect_vreg.gather [hbm4b:s11+s1], $0x80, v4, vm0, $0xb8;
	[tilespmem:$0x15300] =	vst v63  }
0x639: {  	s8 =	simm.s32 $0xA300  }
0x63a: {  	[tilespmem:s8], [sflag:$0x4] =	stream.indirect_vreg.gather [hbm4b:s12+s1], $0x80, v4, vm0, $0xb8;
	[tilespmem:$0x15300] =	vst v63  }
0x63b: {  	s9 =	simm.s32 $0xAB00  }
0x63c: {  	[tilespmem:s9], [sflag:$0x4] =	stream.indirect_vreg.gather [hbm4b:s3+s1], $0x80, v3, vm0, $0xb8;
	[tilespmem:$0x15300] =	vst v63  }
0x63d: {  	s10 =	simm.s32 $0xB300  }
0x63e: {  	[tilespmem:s10], [sflag:$0x4] =	stream.indirect_vreg.gather [hbm4b:s11+s1], $0x80, v3, vm0, $0xb8;
	[tilespmem:$0x15300] =	vst v63  }
0x63f: {  	s17 =	simm.s32 $0xBB00;
	s14 =	simm.s32 $0x5  }
0x640: {  	[tilespmem:s17], [sflag:$0x4] =	stream.indirect_vreg.gather [hbm4b:s12+s1], $0x80, v3, vm0, $0xb8;
	[tilespmem:$0x15300] =	vst v63  }
0x641: {  	_ =	swait.ge [sflag:s14], $0x3000  }
0x642: {  	s19 =	simm.s32 $0xC300;
	[sflag:s14] =	ssyncset.done $0x0  }
0x643: {  	s6 =	simm.s32 $0xB;
	s13 =	rddreg [dreg:$0x1d];
	[sflag:s14] =	ssyncadd.s32 $0xFFFFD000  }
0x644: {  	[hbm4b:s13+s1] =	stream.linear.scatter [tilespmem:s19], [sflag:$0xB], $0x3000, $0x38;
	[tilespmem:$0x15300] =	vst v63  }
0x645: {  	_ =	swait.ge [sflag:s6], $0x3000  }
0x646: {  	[sflag:s6] =	ssyncset.done $0x0  }
0x647: {  	[sflag:s6] =	ssyncadd.s32 $0xFFFFD000  }
0x648: {  	v3 =	vld [tilespmem:$0xA0];
	_ =	sdelay $0x4  }
0x649: {  	v58 =	vshrl.u32 v3, $0x3  }
0x64a: {  	v4 =	vmul.u32 $0x30, v58  }
0x64b: {  	v3 =	vand.u32 $0x7, v3  }
0x64c: {  	v3 =	vor.u32 v3, v4  }
0x64d: {  	v4 =	vperm.xlane v3, v0;
	_ =	sdelay $0x1  }
0x64e: {  	v4 =	vadd.s32 v1, v4;
	_ =	sdelay $0x3  }
0x64f: {  	v3 =	vperm.xlane v3, v2  }
0x650: {  	[tilespmem:s19], [sflag:$0x5] =	stream.indirect_vreg.gather [hbm4b:s3+s1], $0x80, v4, vm0, $0xb8;
	[tilespmem:$0x15300] =	vst v63  }
0x651: {  	s16 =	simm.s32 $0xCB00;
	v3 =	vadd.s32 v1, v3  }
0x652: {  	[tilespmem:s16], [sflag:$0x5] =	stream.indirect_vreg.gather [hbm4b:s11+s1], $0x80, v4, vm0, $0xb8;
	[tilespmem:$0x15300] =	vst v63  }
0x653: {  	s22 =	simm.s32 $0xD300  }
0x654: {  	[tilespmem:s22], [sflag:$0x5] =	stream.indirect_vreg.gather [hbm4b:s12+s1], $0x80, v4, vm0, $0xb8;
	[tilespmem:$0x15300] =	vst v63  }
0x655: {  	s23 =	simm.s32 $0xDB00  }
0x656: {  	[tilespmem:s23], [sflag:$0x5] =	stream.indirect_vreg.gather [hbm4b:s3+s1], $0x80, v3, vm0, $0xb8;
	[tilespmem:$0x15300] =	vst v63  }
0x657: {  	s25 =	simm.s32 $0xE300  }
0x658: {  	[tilespmem:s25], [sflag:$0x5] =	stream.indirect_vreg.gather [hbm4b:s11+s1], $0x80, v3, vm0, $0xb8;
	[tilespmem:$0x15300] =	vst v63  }
0x659: {  	s26 =	simm.s32 $0xEB00;
	s23 =	simm.s32 $0x6  }
0x65a: {  	[tilespmem:s26], [sflag:$0x5] =	stream.indirect_vreg.gather [hbm4b:s12+s1], $0x80, v3, vm0, $0xb8;
	[tilespmem:$0x15300] =	vst v63  }
0x65b: {  	_ =	swait.ge [sflag:s23], $0x3000  }
0x65c: {  	s13 =	simm.s32 $0xF300;
	[sflag:s23] =	ssyncset.done $0x0  }
0x65d: {  	s22 =	simm.s32 $0xC;
	s2 =	rddreg [dreg:$0x1e];
	[sflag:s23] =	ssyncadd.s32 $0xFFFFD000  }
0x65e: {  	[hbm4b:s2+s1] =	stream.linear.scatter [tilespmem:s13], [sflag:$0xC], $0x3000, $0x38;
	[tilespmem:$0x15300] =	vst v63  }
0x65f: {  	_ =	swait.ge [sflag:s22], $0x3000  }
0x660: {  	[sflag:s22] =	ssyncset.done $0x0  }
0x661: {  	[sflag:s22] =	ssyncadd.s32 $0xFFFFD000  }
0x662: {  	v3 =	vld [tilespmem:$0xB0];
	_ =	sdelay $0x4  }
0x663: {  	v59 =	vshrl.u32 v3, $0x3  }
0x664: {  	v4 =	vmul.u32 $0x30, v59  }
0x665: {  	v3 =	vand.u32 $0x7, v3  }
0x666: {  	v3 =	vor.u32 v3, v4  }
0x667: {  	v4 =	vperm.xlane v3, v0;
	_ =	sdelay $0x1  }
0x668: {  	v4 =	vadd.s32 v1, v4;
	_ =	sdelay $0x3  }
0x669: {  	v3 =	vperm.xlane v3, v2  }
0x66a: {  	[tilespmem:s13], [sflag:$0x6] =	stream.indirect_vreg.gather [hbm4b:s3+s1], $0x80, v4, vm0, $0xb8;
	[tilespmem:$0x15300] =	vst v63  }
0x66b: {  	s16 =	simm.s32 $0xFB00;
	v3 =	vadd.s32 v1, v3  }
0x66c: {  	[tilespmem:s16], [sflag:$0x6] =	stream.indirect_vreg.gather [hbm4b:s11+s1], $0x80, v4, vm0, $0xb8;
	[tilespmem:$0x15300] =	vst v63  }
0x66d: {  	s25 =	simm.s32 $0x10300  }
0x66e: {  	[tilespmem:s25], [sflag:$0x6] =	stream.indirect_vreg.gather [hbm4b:s12+s1], $0x80, v4, vm0, $0xb8;
	[tilespmem:$0x15300] =	vst v63  }
0x66f: {  	s26 =	simm.s32 $0x10B00  }
0x670: {  	[tilespmem:s26], [sflag:$0x6] =	stream.indirect_vreg.gather [hbm4b:s3+s1], $0x80, v3, vm0, $0xb8;
	[tilespmem:$0x15300] =	vst v63  }
0x671: {  	s2 =	simm.s32 $0x11300  }
0x672: {  	[tilespmem:s2], [sflag:$0x6] =	stream.indirect_vreg.gather [hbm4b:s11+s1], $0x80, v3, vm0, $0xb8;
	[tilespmem:$0x15300] =	vst v63  }
0x673: {  	s31 =	simm.s32 $0x1;
	s16 =	simm.s32 $0x11B00  }
0x674: {  	[tilespmem:s16], [sflag:$0x6] =	stream.indirect_vreg.gather [hbm4b:s12+s1], $0x80, v3, vm0, $0xb8;
	[tilespmem:$0x15300] =	vst v63  }
0x675: {  	_ =	swait.ge [sflag:s31], $0x3000  }
0x676: {  	s26 =	simm.s32 $0x300;
	[sflag:s31] =	ssyncset.done $0x0  }
0x677: {  	s16 =	simm.s32 $0x7;
	s25 =	rddreg [dreg:$0x1f];
	[sflag:s31] =	ssyncadd.s32 $0xFFFFD000  }
0x678: {  	[hbm4b:s25+s1] =	stream.linear.scatter [tilespmem:s26], [sflag:$0x7], $0x3000, $0x38;
	[tilespmem:$0x15300] =	vst v63  }
0x679: {  	_ =	swait.ge [sflag:s16], $0x3000  }
0x67a: {  	[sflag:s16] =	ssyncset.done $0x0  }
0x67b: {  	[sflag:s16] =	ssyncadd.s32 $0xFFFFD000  }
0x67c: {  	v3 =	vld [tilespmem:$0xC0];
	_ =	sdelay $0x4  }
0x67d: {  	v60 =	vshrl.u32 v3, $0x3  }
0x67e: {  	v4 =	vmul.u32 $0x30, v60  }
0x67f: {  	v3 =	vand.u32 $0x7, v3  }
0x680: {  	v3 =	vor.u32 v3, v4  }
0x681: {  	v4 =	vperm.xlane v3, v0;
	_ =	sdelay $0x1  }
0x682: {  	v4 =	vadd.s32 v1, v4;
	_ =	sdelay $0x3  }
0x683: {  	v3 =	vperm.xlane v3, v2  }
0x684: {  	[tilespmem:s26], [sflag:$0x1] =	stream.indirect_vreg.gather [hbm4b:s3+s1], $0x80, v4, vm0, $0xb8;
	[tilespmem:$0x15300] =	vst v63  }
0x685: {  	s2 =	simm.s32 $0xB00;
	v3 =	vadd.s32 v1, v3  }
0x686: {  	[tilespmem:s2], [sflag:$0x1] =	stream.indirect_vreg.gather [hbm4b:s11+s1], $0x80, v4, vm0, $0xb8;
	[tilespmem:$0x15300] =	vst v63  }
0x687: {  	s25 =	simm.s32 $0x1300  }
0x688: {  	[tilespmem:s25], [sflag:$0x1] =	stream.indirect_vreg.gather [hbm4b:s12+s1], $0x80, v4, vm0, $0xb8;
	[tilespmem:$0x15300] =	vst v63  }
0x689: {  	s26 =	simm.s32 $0x1B00  }
0x68a: {  	[tilespmem:s26], [sflag:$0x1] =	stream.indirect_vreg.gather [hbm4b:s3+s1], $0x80, v3, vm0, $0xb8;
	[tilespmem:$0x15300] =	vst v63  }
0x68b: {  	_ = 	snop  }
0x68c: {  	[tilespmem:s20], [sflag:$0x1] =	stream.indirect_vreg.gather [hbm4b:s11+s1], $0x80, v3, vm0, $0xb8;
	[tilespmem:$0x15300] =	vst v63  }
0x68d: {  	s28 =	simm.s32 $0x2B00;
	s20 =	simm.s32 $0x2  }
0x68e: {  	[tilespmem:s28], [sflag:$0x1] =	stream.indirect_vreg.gather [hbm4b:s12+s1], $0x80, v3, vm0, $0xb8;
	[tilespmem:$0x15300] =	vst v63  }
0x68f: {  	_ =	swait.ge [sflag:s20], $0x3000  }
0x690: {  	s0 =	sld [smem:$0x7F2]  }
0x691: {  	[sflag:s20] =	ssyncset.done $0x0  }
0x692: {  	[sflag:s20] =	ssyncadd.s32 $0xFFFFD000  }
0x693: {  	[hbm4b:s0+s1] =	stream.linear.scatter [tilespmem:s21], [sflag:$0x8], $0x3000, $0x38;
	[tilespmem:$0x15300] =	vst v63  }
0x694: {  	s21 =	simm.s32 $0x8  }
0x695: {  	_ =	swait.ge [sflag:s21], $0x3000  }
0x696: {  	[sflag:s21] =	ssyncset.done $0x0  }
0x697: {  	[sflag:s21] =	ssyncadd.s32 $0xFFFFD000  }
0x698: {  	v3 =	vld [tilespmem:$0xD0];
	_ =	sdelay $0x4  }
0x699: {  	v61 =	vshrl.u32 v3, $0x3  }
0x69a: {  	v4 =	vmul.u32 $0x30, v61  }
0x69b: {  	v3 =	vand.u32 $0x7, v3  }
0x69c: {  	v3 =	vor.u32 v3, v4  }
0x69d: {  	v4 =	vperm.xlane v3, v0;
	_ =	sdelay $0x1  }
0x69e: {  	v4 =	vadd.s32 v1, v4;
	_ =	sdelay $0x3  }
0x69f: {  	s0 =	simm.s32 $0x3300;
	v3 =	vperm.xlane v3, v2  }
0x6a0: {  	[tilespmem:s0], [sflag:$0x2] =	stream.indirect_vreg.gather [hbm4b:s3+s1], $0x80, v4, vm0, $0xb8;
	[tilespmem:$0x15300] =	vst v63  }
0x6a1: {  	v3 =	vadd.s32 v1, v3  }
0x6a2: {  	[tilespmem:s29], [sflag:$0x2] =	stream.indirect_vreg.gather [hbm4b:s11+s1], $0x80, v4, vm0, $0xb8;
	[tilespmem:$0x15300] =	vst v63  }
0x6a3: {  	_ = 	snop  }
0x6a4: {  	[tilespmem:s7], [sflag:$0x2] =	stream.indirect_vreg.gather [hbm4b:s12+s1], $0x80, v4, vm0, $0xb8;
	[tilespmem:$0x15300] =	vst v63  }
0x6a5: {  	s7 =	simm.s32 $0x4B00  }
0x6a6: {  	[tilespmem:s7], [sflag:$0x2] =	stream.indirect_vreg.gather [hbm4b:s3+s1], $0x80, v3, vm0, $0xb8;
	[tilespmem:$0x15300] =	vst v63  }
0x6a7: {  	_ = 	snop  }
0x6a8: {  	[tilespmem:s30], [sflag:$0x2] =	stream.indirect_vreg.gather [hbm4b:s11+s1], $0x80, v3, vm0, $0xb8;
	[tilespmem:$0x15300] =	vst v63  }
0x6a9: {  	s7 =	simm.s32 $0x5B00  }
0x6aa: {  	[tilespmem:s7], [sflag:$0x2] =	stream.indirect_vreg.gather [hbm4b:s12+s1], $0x80, v3, vm0, $0xb8;
	[tilespmem:$0x15300] =	vst v63  }
0x6ab: {  	s7 =	simm.s32 $0x3  }
0x6ac: {  	_ =	swait.ge [sflag:s7], $0x3000  }
0x6ad: {  	s30 =	sld [smem:$0x7F3]  }
0x6ae: {  	[sflag:s7] =	ssyncset.done $0x0  }
0x6af: {  	[sflag:s7] =	ssyncadd.s32 $0xFFFFD000  }
0x6b0: {  	[hbm4b:s30+s1] =	stream.linear.scatter [tilespmem:s18], [sflag:$0x9], $0x3000, $0x38;
	[tilespmem:$0x15300] =	vst v63  }
0x6b1: {  	s18 =	simm.s32 $0x9  }
0x6b2: {  	_ =	swait.ge [sflag:s18], $0x3000  }
0x6b3: {  	[sflag:s18] =	ssyncset.done $0x0  }
0x6b4: {  	[sflag:s18] =	ssyncadd.s32 $0xFFFFD000  }
0x6b5: {  	v3 =	vld [tilespmem:$0xE0];
	_ =	sdelay $0x4  }
0x6b6: {  	v62 =	vshrl.u32 v3, $0x3  }
0x6b7: {  	v4 =	vmul.u32 $0x30, v62  }
0x6b8: {  	v3 =	vand.u32 $0x7, v3  }
0x6b9: {  	v3 =	vor.u32 v3, v4  }
0x6ba: {  	v4 =	vperm.xlane v3, v0;
	_ =	sdelay $0x1  }
0x6bb: {  	v4 =	vadd.s32 v1, v4;
	_ =	sdelay $0x3  }
0x6bc: {  	s30 =	simm.s32 $0x6300;
	v3 =	vperm.xlane v3, v2  }
0x6bd: {  	[tilespmem:s30], [sflag:$0x3] =	stream.indirect_vreg.gather [hbm4b:s3+s1], $0x80, v4, vm0, $0xb8;
	[tilespmem:$0x15300] =	vst v63  }
0x6be: {  	s0 =	simm.s32 $0x6B00;
	v3 =	vadd.s32 v1, v3  }
0x6bf: {  	[tilespmem:s0], [sflag:$0x3] =	stream.indirect_vreg.gather [hbm4b:s11+s1], $0x80, v4, vm0, $0xb8;
	[tilespmem:$0x15300] =	vst v63  }
0x6c0: {  	_ = 	snop  }
0x6c1: {  	[tilespmem:s24], [sflag:$0x3] =	stream.indirect_vreg.gather [hbm4b:s12+s1], $0x80, v4, vm0, $0xb8;
	[tilespmem:$0x15300] =	vst v63  }
0x6c2: {  	s24 =	simm.s32 $0x7B00  }
0x6c3: {  	[tilespmem:s24], [sflag:$0x3] =	stream.indirect_vreg.gather [hbm4b:s3+s1], $0x80, v3, vm0, $0xb8;
	[tilespmem:$0x15300] =	vst v63  }
0x6c4: {  	s24 =	simm.s32 $0x8300  }
0x6c5: {  	[tilespmem:s24], [sflag:$0x3] =	stream.indirect_vreg.gather [hbm4b:s11+s1], $0x80, v3, vm0, $0xb8;
	[tilespmem:$0x15300] =	vst v63  }
0x6c6: {  	s29 =	simm.s32 $0x8B00;
	s24 =	simm.s32 $0x4  }
0x6c7: {  	[tilespmem:s29], [sflag:$0x3] =	stream.indirect_vreg.gather [hbm4b:s12+s1], $0x80, v3, vm0, $0xb8;
	[tilespmem:$0x15300] =	vst v63  }
0x6c8: {  	_ =	swait.ge [sflag:s24], $0x3000  }
0x6c9: {  	s0 =	sld [smem:$0x7F4]  }
0x6ca: {  	[sflag:s24] =	ssyncset.done $0x0  }
0x6cb: {  	[sflag:s24] =	ssyncadd.s32 $0xFFFFD000  }
0x6cc: {  	[hbm4b:s0+s1] =	stream.linear.scatter [tilespmem:s5], [sflag:$0xA], $0x3000, $0x38;
	[tilespmem:$0x15300] =	vst v63  }
0x6cd: {  	_ =	swait.ge [sflag:s15], $0x3000  }
0x6ce: {  	[sflag:s15] =	ssyncset.done $0x0  }
0x6cf: {  	[sflag:s15] =	ssyncadd.s32 $0xFFFFD000  }
0x6d0: {  	v3 =	vld [tilespmem:$0xF0];
	_ =	sdelay $0x4  }
0x6d1: {  	v63 =	vshrl.u32 v3, $0x3  }
0x6d2: {  	v4 =	vmul.u32 $0x30, v63  }
0x6d3: {  	v3 =	vand.u32 $0x7, v3  }
0x6d4: {  	v3 =	vor.u32 v3, v4  }
0x6d5: {  	v4 =	vperm.xlane v3, v0;
	_ =	sdelay $0x1  }
0x6d6: {  	v4 =	vadd.s32 v1, v4;
	_ =	sdelay $0x3  }
0x6d7: {  	v3 =	vperm.xlane v3, v2  }
0x6d8: {  	[tilespmem:s5], [sflag:$0x4] =	stream.indirect_vreg.gather [hbm4b:s3+s1], $0x80, v4, vm0, $0xb8;
	[tilespmem:$0x15300] =	vst v63  }
0x6d9: {  	v3 =	vadd.s32 v1, v3  }
0x6da: {  	[tilespmem:s4], [sflag:$0x4] =	stream.indirect_vreg.gather [hbm4b:s11+s1], $0x80, v4, vm0, $0xb8;
	[tilespmem:$0x15300] =	vst v63  }
0x6db: {  	_ = 	snop  }
0x6dc: {  	[tilespmem:s8], [sflag:$0x4] =	stream.indirect_vreg.gather [hbm4b:s12+s1], $0x80, v4, vm0, $0xb8;
	[tilespmem:$0x15300] =	vst v63  }
0x6dd: {  	_ = 	snop  }
0x6de: {  	[tilespmem:s9], [sflag:$0x4] =	stream.indirect_vreg.gather [hbm4b:s3+s1], $0x80, v3, vm0, $0xb8;
	[tilespmem:$0x15300] =	vst v63  }
0x6df: {  	_ = 	snop  }
0x6e0: {  	[tilespmem:s10], [sflag:$0x4] =	stream.indirect_vreg.gather [hbm4b:s11+s1], $0x80, v3, vm0, $0xb8;
	[tilespmem:$0x15300] =	vst v63  }
0x6e1: {  	_ = 	snop  }
0x6e2: {  	[tilespmem:s17], [sflag:$0x4] =	stream.indirect_vreg.gather [hbm4b:s12+s1], $0x80, v3, vm0, $0xb8;
	[tilespmem:$0x15300] =	vst v63  }
0x6e3: {  	_ =	swait.ge [sflag:s14], $0x3000  }
0x6e4: {  	s0 =	sld [smem:$0x7F5]  }
0x6e5: {  	[sflag:s14] =	ssyncset.done $0x0  }
0x6e6: {  	[sflag:s14] =	ssyncadd.s32 $0xFFFFD000  }
0x6e7: {  	[hbm4b:s0+s1] =	stream.linear.scatter [tilespmem:s19], [sflag:$0xB], $0x3000, $0x38;
	[tilespmem:$0x15300] =	vst v63  }
0x6e8: {  	_ =	swait.ge [sflag:s23], $0x3000  }
0x6e9: {  	[sflag:s23] =	ssyncset.done $0x0  }
0x6ea: {  	[sflag:s23] =	ssyncadd.s32 $0xFFFFD000;
	s23 =	sld [smem:$0x7F6];
	_ =	sdelay $0x2  }
0x6eb: {  	[hbm4b:s23+s1] =	stream.linear.scatter [tilespmem:s13], [sflag:$0xC], $0x3000, $0x38;
	[tilespmem:$0x15300] =	vst v63  }
0x6ec: {  	_ =	swait.ge [sflag:s31], $0x3000  }
0x6ed: {  	s23 =	sld [smem:$0x7F7]  }
0x6ee: {  	[sflag:s31] =	ssyncset.done $0x0  }
0x6ef: {  	s14 =	simm.s32 $0x300;
	[sflag:s31] =	ssyncadd.s32 $0xFFFFD000  }
0x6f0: {  	[hbm4b:s23+s1] =	stream.linear.scatter [tilespmem:s14], [sflag:$0x7], $0x3000, $0x38;
	[tilespmem:$0x15300] =	vst v63  }
0x6f1: {  	_ =	swait.ge [sflag:s20], $0x3000  }
0x6f2: {  	s0 =	sld [smem:$0x7F8]  }
0x6f3: {  	[sflag:s20] =	ssyncset.done $0x0  }
0x6f4: {  	s23 =	simm.s32 $0x3300;
	[sflag:s20] =	ssyncadd.s32 $0xFFFFD000  }
0x6f5: {  	[hbm4b:s0+s1] =	stream.linear.scatter [tilespmem:s23], [sflag:$0x8], $0x3000, $0x38;
	[tilespmem:$0x15300] =	vst v63  }
0x6f6: {  	_ =	swait.ge [sflag:s7], $0x3000  }
0x6f7: {  	[sflag:s7] =	ssyncset.done $0x0  }
0x6f8: {  	[sflag:s7] =	ssyncadd.s32 $0xFFFFD000;
	s7 =	sld [smem:$0x7F9];
	_ =	sdelay $0x2  }
0x6f9: {  	[hbm4b:s7+s1] =	stream.linear.scatter [tilespmem:s30], [sflag:$0x9], $0x3000, $0x38;
	[tilespmem:$0x15300] =	vst v63  }
0x6fa: {  	_ =	swait.ge [sflag:s24], $0x3000  }
0x6fb: {  	s23 =	sld [smem:$0x7FA]  }
0x6fc: {  	[sflag:s24] =	ssyncset.done $0x0  }
0x6fd: {  	[sflag:s24] =	ssyncadd.s32 $0xFFFFD000  }
0x6fe: {  	[hbm4b:s23+s1] =	stream.linear.scatter [tilespmem:s5], [sflag:$0xA], $0x3000, $0x38;
	[tilespmem:$0x15300] =	vst v63  }
0x6ff: {  	_ =	swait.ge [sflag:s15], $0x3000  }
0x700: {  	[sflag:s15] =	ssyncset.done $0x0  }
0x701: {  	[sflag:s15] =	ssyncadd.s32 $0xFFFFD000  }
0x702: {  	_ =	swait.ge [sflag:s18], $0x3000  }
0x703: {  	[sflag:s18] =	ssyncset.done $0x0  }
0x704: {  	[sflag:s18] =	ssyncadd.s32 $0xFFFFD000  }
0x705: {  	_ =	swait.ge [sflag:s21], $0x3000  }
0x706: {  	[sflag:s21] =	ssyncset.done $0x0  }
0x707: {  	[sflag:s21] =	ssyncadd.s32 $0xFFFFD000  }
0x708: {  	_ =	swait.ge [sflag:s16], $0x3000  }
0x709: {  	[sflag:s16] =	ssyncset.done $0x0  }
0x70a: {  	[sflag:s16] =	ssyncadd.s32 $0xFFFFD000  }
0x70b: {  	_ =	swait.ge [sflag:s22], $0x3000  }
0x70c: {  	[sflag:s22] =	ssyncset.done $0x0  }
0x70d: {  	[sflag:s22] =	ssyncadd.s32 $0xFFFFD000  }
0x70e: {  	_ =	swait.ge [sflag:s6], $0x3000  }
0x70f: {  	s24 =	sld [smem:$0x7F1]  }
0x710: {  	s30 =	sld [smem:$0x7FB];
	_ =	sdelay $0x1  }
0x711: {  	s7 =	sadd.s32 $0x1, s24  }
0x712: {  	p0 =	sne.s32 s7, s30  }
.Ltmp4:
0x713: {  	_ = 	snop;
	(pc) =	sbr.rel @p0 .LBB2_1-.Ltmp4, $4  }
0x714: {  	_ = 	snop  }
0x715: {  	s20 =	simm.s32 $0xDB00  }
0x716: {  	s15 =	simm.s32 $0xD300;
	s21 =	simm.s32 $0xE300;
	[sflag:s6] =	ssyncset.done $0x0  }
0x717: {  	s22 =	simm.s32 $0xEB00;
	[sflag:s6] =	ssyncadd.s32 $0xFFFFD000;
	s6 =	simm.s32 $0xCB00  }
0x718: {  	_ =	sfence.sel $0x180000  }
0x719: {  	[bflag:$0x0] =	sbarrier.arrive $0xFFFF  }
0x71a: {  	_ =	strace $0x90000047  }
0x71b: {  	s0 =	stileid.u32;
	[bflag:$0x2] =	sbarrier.arrive $0xFFFF  }
0x71c: {  	p0 =	sne.s32 s0, $0x0;
	s0 =	rddreg [dreg:$0x4]  }
0x71d: {  	s0 =	sadd.s32 @!p0 $0x100000, s0  }
0x71e: {  	[sflag:s0] =	ssyncadd.tile.s32 @!p0 $0x1;
	_ =	shalt  }
.Lfunc_end2:
_tile_overlayer_lowered:
.L_overlay_start_2:
0x71f: {  	(tag) =	ssettag $0x2  }
0x720: {  	s0 =	rddreg [dreg:$0x0];
	s2 =	stileid.u32  }
0x721: {  	s1 =	rddreg [dreg:$0x1];
	p0 =	sne.s32 s2, $0x0  }
0x722: {  	s3 =	rddreg [dreg:$0x2];
	[bflag:$0x3] =	sbarrier.arrive $0xFFFF;
	s2 =	simm.s32 @!p0 $0x1C0E  }
0x723: {  	[timem:s3], [sflag:s2] =	dma.local @!p0 [hbm:s0], s1  }
0x724: {  	s0 =	simm.s32 @!p0 $0xE  }
0x725: {  	_ =	swait.ge @!p0 [sflag:s0], s1  }
0x726: {  	s1 =	ssub.s32 @!p0 $0x0, s1;
	[sflag:s0] =	ssyncset.done @!p0 $0x0  }
0x727: {  	[sflag:s0] =	ssyncadd.s32 @!p0 s1  }
0x728: {  	[bflag:$0x3] =	sbarrier.arrive $0xFFFF  }
0x729: {  	_ =	shalt  }

</sc_bundles>
